<compile_context>
chip_gen: v7x
topology: tpu7x:2x2x1
jax: 0.10.2.dev20260603
libtpu: 0.0.44.dev20260713+nightly
codegen_flags: <defaults>
</compile_context>

<pallas_src>
import jax
import jax.numpy as jnp
from jax import lax
from jax.experimental import pallas as pl
from jax.experimental.pallas import tpu as pltpu
from jax.experimental.pallas import tpu_sc as plsc

B, C, H, W = 32, 256, 64, 64
HW = H * W
N = 20000
L = 16
NW = 32
NCHUNK = N // L
CPW = (NCHUNK + NW - 1) // NW
NB = C // L

_DNUMS = lax.GatherDimensionNumbers(
    offset_dims=(), collapsed_slice_dims=(0,), start_index_map=(0,))


def _lane_gather(vec, idx):
    return lax.gather(vec, idx[:, None], _DNUMS, (1,),
                      mode=lax.GatherScatterMode.PROMISE_IN_BOUNDS)


def _floor_i32(x):
    t = x.astype(jnp.int32)
    return jnp.where(t.astype(jnp.float32) > x, t - 1, t)


def _tc_maxpool_body(t_ref, mp_ref):
    x = t_ref[...]
    r = lax.broadcasted_iota(jnp.int32, (HW, C), 0)
    xl = jnp.concatenate([x[:1], x[:-1]], axis=0)
    xl = jnp.where(jnp.bitwise_and(r, W - 1) == 0, x, xl)
    xr = jnp.concatenate([x[1:], x[-1:]], axis=0)
    xr = jnp.where(jnp.bitwise_and(r, W - 1) == W - 1, x, xr)
    m = jnp.maximum(jnp.maximum(xl, x), xr)
    yu = jnp.concatenate([m[:W], m[:-W]], axis=0)
    yu = jnp.where(r < W, m, yu)
    yd = jnp.concatenate([m[W:], m[-W:]], axis=0)
    yd = jnp.where(r >= HW - W, m, yd)
    mp_ref[...] = jnp.maximum(jnp.maximum(yu, m), yd)


def _sc_body(tab, mpt, dyt, dxt, bids, inds, out,
             bid_v, ind_v, dy_v, dx_v, w_v, idx3_v,
             cen_v, mp_v, cor_v, o1_v,
             sem_i, sem_o, sem_b0, sem_b1, sem_c0, sem_c1, sem_w):
    wid = lax.axis_index("s") * 2 + lax.axis_index("c")
    sem_b = (sem_b0, sem_b1)
    sem_c = (sem_c0, sem_c1)

    def fire_chunk(q):
        bid = bid_v[q]
        ind = ind_v[q]
        rows_c = bid * HW + ind
        pltpu.async_copy(dyt.at[rows_c], dy_v.at[q], sem_o)
        pltpu.async_copy(dxt.at[rows_c], dx_v.at[q], sem_o)
        pltpu.async_copy(tab.at[rows_c], cen_v.at[q], sem_b[q])
        pltpu.async_copy(mpt.at[rows_c], mp_v.at[q], sem_b[q])

    def corner_stage(q):
        pltpu.make_async_copy(
            dyt.at[pl.ds(0, L)], dy_v.at[q], sem_o).wait()
        pltpu.make_async_copy(
            dxt.at[pl.ds(0, L)], dx_v.at[q], sem_o).wait()
        ind = ind_v[q]
        brow = bid_v[q] * HW
        cy = lax.shift_right_logical(ind, 6)
        cx = jnp.bitwise_and(ind, 63)
        y = cy.astype(jnp.float32) + dy_v[q]
        x = cx.astype(jnp.float32) + dx_v[q]
        x0 = _floor_i32(x)
        y0 = _floor_i32(y)
        x1 = x0 + 1
        y1 = y0 + 1
        wx1 = x - x0.astype(jnp.float32)
        wx0 = 1.0 - wx1
        wy1 = y - y0.astype(jnp.float32)
        wy0 = 1.0 - wy1
        corners = ((y0, x0, wy0 * wx0), (y0, x1, wy0 * wx1),
                   (y1, x0, wy1 * wx0), (y1, x1, wy1 * wx1))
        for k, (yi, xi, wk) in enumerate(corners):
            valid = ((xi >= 0) & (xi <= W - 1)
                     & (yi >= 0) & (yi <= H - 1))
            xc = jnp.minimum(jnp.maximum(xi, 0), W - 1)
            yc = jnp.minimum(jnp.maximum(yi, 0), H - 1)
            idx3_v[q, pl.ds(k * L, L)] = brow + yc * W + xc
            w_v[q, k] = jnp.where(valid, wk, 0.0)
        pltpu.async_copy(tab.at[idx3_v.at[q]], cor_v.at[q], sem_c[q])

    def half(t, p):
        ci = wid + NW * t
        nxt = ci + NW
        q = 1 - p

        @pl.when(ci < NCHUNK)
        def _():
            base = pl.multiple_of(ci * L, L)

            @pl.when(t > 0)
            def _():
                pltpu.make_async_copy(
                    cen_v.at[p], out.at[0, pl.ds(base, L)], sem_w).wait()
                pltpu.make_async_copy(
                    o1_v.at[p], out.at[1, pl.ds(base, L)], sem_w).wait()
                pltpu.make_async_copy(
                    mp_v.at[p], out.at[2, pl.ds(base, L)], sem_w).wait()

            @pl.when(nxt < NCHUNK)
            def _():
                pltpu.make_async_copy(
                    bids.at[pl.ds(0, L)], bid_v.at[q], sem_i).wait()
                pltpu.make_async_copy(
                    inds.at[pl.ds(0, L)], ind_v.at[q], sem_i).wait()
                fire_chunk(q)

            @pl.when(nxt + NW < NCHUNK)
            def _():
                nbase = pl.multiple_of((nxt + NW) * L, L)
                pltpu.async_copy(bids.at[pl.ds(nbase, L)],
                                 bid_v.at[p], sem_i)
                pltpu.async_copy(inds.at[pl.ds(nbase, L)],
                                 ind_v.at[p], sem_i)

            pltpu.make_async_copy(
                tab.at[pl.ds(0, L)], cen_v.at[p], sem_b[p]).wait()
            pltpu.make_async_copy(
                mpt.at[pl.ds(0, L)], mp_v.at[p], sem_b[p]).wait()
            pltpu.async_copy(cen_v.at[p], out.at[0, pl.ds(base, L)], sem_w)
            pltpu.async_copy(mp_v.at[p], out.at[2, pl.ds(base, L)], sem_w)

            @pl.when(nxt < NCHUNK)
            def _():
                corner_stage(q)

            pltpu.make_async_copy(
                tab.at[pl.ds(0, 4 * L)], cor_v.at[p], sem_c[p]).wait()

            def bil_body(d, _):
                d_idx = jnp.broadcast_to(d, (L,))
                wb = [_lane_gather(w_v[p, k], d_idx) for k in range(4)]
                for j in range(NB):
                    sl = pl.ds(j * L, L)
                    acc = wb[0] * cor_v[p, d, sl]
                    acc = acc + wb[1] * cor_v[p, L + d, sl]
                    acc = acc + wb[2] * cor_v[p, 2 * L + d, sl]
                    acc = acc + wb[3] * cor_v[p, 3 * L + d, sl]
                    o1_v[p, d, sl] = acc
                return _

            lax.fori_loop(0, L, bil_body, None)
            pltpu.async_copy(o1_v.at[p], out.at[1, pl.ds(base, L)], sem_w)

    base0 = pl.multiple_of(wid * L, L)
    pltpu.async_copy(bids.at[pl.ds(base0, L)], bid_v.at[0], sem_i).wait()
    pltpu.async_copy(inds.at[pl.ds(base0, L)], ind_v.at[0], sem_i).wait()
    fire_chunk(0)

    @pl.when(wid + NW < NCHUNK)
    def _():
        base1 = pl.multiple_of((wid + NW) * L, L)
        pltpu.async_copy(bids.at[pl.ds(base1, L)], bid_v.at[1], sem_i)
        pltpu.async_copy(inds.at[pl.ds(base1, L)], ind_v.at[1], sem_i)

    corner_stage(0)

    def pair_body(u, _):
        half(2 * u, 0)
        half(2 * u + 1, 1)
        return _

    lax.fori_loop(0, CPW // 2, pair_body, None)

    pltpu.make_async_copy(cen_v.at[0], out.at[0, pl.ds(0, L)], sem_w).wait()
    pltpu.make_async_copy(o1_v.at[0], out.at[1, pl.ds(0, L)], sem_w).wait()
    pltpu.make_async_copy(mp_v.at[0], out.at[2, pl.ds(0, L)], sem_w).wait()


@jax.jit
def kernel(params_maps, offset_maps, batch_ids, flat_inds):
    tab = jnp.transpose(params_maps, (0, 2, 3, 1)).reshape(B * HW, C)
    mpt = pl.pallas_call(
        _tc_maxpool_body,
        grid=(B,),
        in_specs=[pl.BlockSpec((HW, C), lambda b: (b, 0))],
        out_specs=pl.BlockSpec((HW, C), lambda b: (b, 0)),
        out_shape=jax.ShapeDtypeStruct((B * HW, C), jnp.float32),
    )(tab)
    dyt = offset_maps[:, 0, :, :].reshape(B * HW)
    dxt = offset_maps[:, 1, :, :].reshape(B * HW)

    mesh = plsc.VectorSubcoreMesh(core_axis_name="c", subcore_axis_name="s")
    f = pl.kernel(
        _sc_body,
        mesh=mesh,
        out_type=jax.ShapeDtypeStruct((3, N, C), jnp.float32),
        scratch_types=[
            pltpu.VMEM((2, L), jnp.int32),
            pltpu.VMEM((2, L), jnp.int32),
            pltpu.VMEM((2, L), jnp.float32),
            pltpu.VMEM((2, L), jnp.float32),
            pltpu.VMEM((2, 4, L), jnp.float32),
            pltpu.VMEM((2, 4 * L), jnp.int32),
            pltpu.VMEM((2, L, C), jnp.float32),
            pltpu.VMEM((2, L, C), jnp.float32),
            pltpu.VMEM((2, 4 * L, C), jnp.float32),
            pltpu.VMEM((2, L, C), jnp.float32),
            pltpu.SemaphoreType.DMA,
            pltpu.SemaphoreType.DMA,
            pltpu.SemaphoreType.DMA,
            pltpu.SemaphoreType.DMA,
            pltpu.SemaphoreType.DMA,
            pltpu.SemaphoreType.DMA,
            pltpu.SemaphoreType.DMA,
        ],
    )
    return f(tab, mpt, dyt, dxt, batch_ids, flat_inds)

# --- scband reference (transcript-rebuilt; emitter-appended) ---
"""Pipeline reference for scband-result-parser-43645457662371 (READ-ONLY COPY).

The authoritative reference and input builder live on the scoring server;
editing this copy changes nothing except your own understanding.
"""

import jax, jax.numpy as jnp
import numpy as np

B, C, H, W = 32, 256, 64, 64
N = 20000


def _gather_flat(maps, batch_ids, flat_inds):
    # maps: [B, C, H, W] -> view as [B, H*W, C], gather per-detection rows
    Bc, Cc, Hc, Wc = maps.shape
    mf = maps.reshape(Bc, Cc, Hc * Wc).transpose(0, 2, 1)
    return mf[batch_ids, flat_inds]


def _bilinear_sample(maps, batch_ids, y, x):
    # Faithful to F.grid_sample(mode='bilinear', align_corners=True, padding_mode='zeros')
    # after the coord normalization in parameter_sampling_with_offset, which round-trips
    # back to raw pixel coords (y, x).
    Bc, Cc, Hc, Wc = maps.shape
    x0 = jnp.floor(x)
    y0 = jnp.floor(y)
    x1 = x0 + 1.0
    y1 = y0 + 1.0
    wx1 = x - x0
    wx0 = 1.0 - wx1
    wy1 = y - y0
    wy0 = 1.0 - wy1

    def pix(yi, xi):
        valid = (xi >= 0) & (xi <= Wc - 1) & (yi >= 0) & (yi <= Hc - 1)
        xi_c = jnp.clip(xi, 0, Wc - 1).astype(jnp.int32)
        yi_c = jnp.clip(yi, 0, Hc - 1).astype(jnp.int32)
        vals = maps[batch_ids, :, yi_c, xi_c]  # [N, C]
        return vals * valid[:, None].astype(maps.dtype)

    out = (pix(y0, x0) * (wy0 * wx0)[:, None]
           + pix(y0, x1) * (wy0 * wx1)[:, None]
           + pix(y1, x0) * (wy1 * wx0)[:, None]
           + pix(y1, x1) * (wy1 * wx1)[:, None])
    return out


def setup_inputs(seed: int = 0):
    key = jax.random.key(seed)
    k1, k2, k3, k4 = jax.random.split(key, 4)
    params_maps = jax.random.normal(k1, (B, C, H, W), dtype=jnp.float32)
    offset_maps = jax.random.normal(k2, (B, 2, H, W), dtype=jnp.float32)
    batch_ids = jax.random.randint(k3, (N,), 0, B, dtype=jnp.int32)
    flat_inds = jax.random.randint(k4, (N,), 0, H * W, dtype=jnp.int32)
    return {"params_maps": params_maps, "offset_maps": offset_maps,
            "batch_ids": batch_ids, "flat_inds": flat_inds}


def reference(params_maps, offset_maps, batch_ids, flat_inds):
    Hc, Wc = params_maps.shape[2], params_maps.shape[3]
    # 1) parameter_sampling: flat gather of params at detected centers
    params_pred = _gather_flat(params_maps, batch_ids, flat_inds)
    # 2) offset sampling + sub-pixel bilinear resample (parameter_sampling_with_offset)
    offset = _gather_flat(offset_maps, batch_ids, flat_inds)  # [N, 2] (dy, dx)
    y = (flat_inds // Wc).astype(jnp.float32) + offset[:, 0]
    x = (flat_inds % Wc).astype(jnp.float32) + offset[:, 1]
    params_pred_offset = _bilinear_sample(params_maps, batch_ids, y, x)
    # 3) parameter_block_sampling over 3x3 neighborhood + max_pool1d over kernel dim
    cy = flat_inds // Wc
    cx = flat_inds % Wc
    blocks = []
    for dy in (-1, 0, 1):
        for dx in (-1, 0, 1):
            ny = jnp.clip(cy + dy, 0, Hc - 1)
            nx = jnp.clip(cx + dx, 0, Wc - 1)
            blocks.append(_gather_flat(params_maps, batch_ids, ny * Wc + nx))
    block = jnp.stack(blocks, axis=1)  # [N, 9, C]
    params_pred_max = jnp.max(block, axis=1)  # [N, C]
    return jnp.stack([params_pred, params_pred_offset, params_pred_max], axis=0)

if __name__ == "__main__":
    import jax
    _d = setup_inputs()
    print(jax.jit(kernel)(*tuple(_d.values())))

</pallas_src>

<mosaic_0001>
#map = affine_map<(d0, d1) -> (0, 0)>
#map1 = affine_map<(d0, d1) -> (0)>
#map2 = affine_map<(d0, d1) -> (0, 0, 0)>
module attributes {stable_mosaic.version = 14 : i64} {
  func.func @_sc_body(%arg0: i32, %arg1: i32, %arg2: memref<131072x256xf32, #tpu.memory_space<hbm>>, %arg3: memref<131072x256xf32, #tpu.memory_space<hbm>>, %arg4: memref<131072xf32, #tpu.memory_space<hbm>>, %arg5: memref<131072xf32, #tpu.memory_space<hbm>>, %arg6: memref<20000xi32, #tpu.memory_space<hbm>>, %arg7: memref<20000xi32, #tpu.memory_space<hbm>>, %arg8: memref<3x20000x256xf32, #tpu.memory_space<hbm>>, %arg9: memref<2x16xi32, #tpu.memory_space<vmem>>, %arg10: memref<2x16xi32, #tpu.memory_space<vmem>>, %arg11: memref<2x16xf32, #tpu.memory_space<vmem>>, %arg12: memref<2x16xf32, #tpu.memory_space<vmem>>, %arg13: memref<2x4x16xf32, #tpu.memory_space<vmem>>, %arg14: memref<2x64xi32, #tpu.memory_space<vmem>>, %arg15: memref<2x16x256xf32, #tpu.memory_space<vmem>>, %arg16: memref<2x16x256xf32, #tpu.memory_space<vmem>>, %arg17: memref<2x64x256xf32, #tpu.memory_space<vmem>>, %arg18: memref<2x16x256xf32, #tpu.memory_space<vmem>>, %arg19: memref<!tpu.dma_semaphore, #tpu.memory_space<semaphore_mem>>, %arg20: memref<!tpu.dma_semaphore, #tpu.memory_space<semaphore_mem>>, %arg21: memref<!tpu.dma_semaphore, #tpu.memory_space<semaphore_mem>>, %arg22: memref<!tpu.dma_semaphore, #tpu.memory_space<semaphore_mem>>, %arg23: memref<!tpu.dma_semaphore, #tpu.memory_space<semaphore_mem>>, %arg24: memref<!tpu.dma_semaphore, #tpu.memory_space<semaphore_mem>>, %arg25: memref<!tpu.dma_semaphore, #tpu.memory_space<semaphore_mem>>) attributes {dimension_semantics = [#tpu.dimension_semantics<core_parallel>, #tpu.dimension_semantics<subcore_parallel>], iteration_bounds = array<i64: 2, 16>, scalar_prefetch = 0 : i64, scratch_operands = 17 : i64, tpu.core_type = #tpu.core_type<sc_vector_subcore>, window_params = [{transform_indices = #map}, {transform_indices = #map}, {transform_indices = #map1}, {transform_indices = #map1}, {transform_indices = #map1}, {transform_indices = #map1}, {transform_indices = #map2}]} {
    %mul3A = arith.constant 2 : i32
    %mul3A_0 = arith.muli %arg1, %mul3A : i32
    %add3A = arith.addi %mul3A_0, %arg0 : i32
    %mul3A_1 = arith.constant 16 : i32
    %mul3A_2 = arith.muli %add3A, %mul3A_1 : i32
    %multiple_of3A = tpu.assume_multiple %mul3A_2, 16 : i32
    %dma_start3A = arith.constant 0 : i32
    %dma_start3A_3 = arith.constant 0 : i32
    %dma_start3A_4 = tpu.memref_slice %arg9[%dma_start3A, %dma_start3A_3] : memref<2x16xi32, #tpu.memory_space<vmem>> -> memref<1x16xi32, #tpu.memory_space<vmem>>
    %dma_start3A_5 = tpu.memref_squeeze %dma_start3A_4 : memref<1x16xi32, #tpu.memory_space<vmem>> -> memref<16xi32, #tpu.memory_space<vmem>>
    %dma_start3A_6 = tpu.memref_slice %arg6[%multiple_of3A] : memref<20000xi32, #tpu.memory_space<hbm>> -> memref<16xi32, #tpu.memory_space<hbm>>
    %dma_start3A_7 = arith.constant 0 : i32
    %dma_start3A_8 = tpu.memref_slice %arg9[%dma_start3A, %dma_start3A_7] : memref<2x16xi32, #tpu.memory_space<vmem>> -> memref<1x16xi32, #tpu.memory_space<vmem>>
    %dma_start3A_9 = tpu.memref_squeeze %dma_start3A_8 : memref<1x16xi32, #tpu.memory_space<vmem>> -> memref<16xi32, #tpu.memory_space<vmem>>
    %dma_start3A_10 = tpu.memref_slice %arg6[%multiple_of3A] : memref<20000xi32, #tpu.memory_space<hbm>> -> memref<16xi32, #tpu.memory_space<hbm>>
    tpu.enqueue_dma source(%dma_start3A_10 : memref<16xi32, #tpu.memory_space<hbm>>) target(%dma_start3A_9 : memref<16xi32, #tpu.memory_space<vmem>>) target_semaphore(%arg19 : memref<!tpu.dma_semaphore, #tpu.memory_space<semaphore_mem>>)
    %dma_wait3A = arith.constant 0 : i32
    %dma_wait3A_11 = arith.constant 0 : i32
    %dma_wait3A_12 = tpu.memref_slice %arg9[%dma_wait3A, %dma_wait3A_11] : memref<2x16xi32, #tpu.memory_space<vmem>> -> memref<1x16xi32, #tpu.memory_space<vmem>>
    %dma_wait3A_13 = tpu.memref_squeeze %dma_wait3A_12 : memref<1x16xi32, #tpu.memory_space<vmem>> -> memref<16xi32, #tpu.memory_space<vmem>>
    %dma_wait3A_14 = tpu.memref_slice %arg6[%multiple_of3A] : memref<20000xi32, #tpu.memory_space<hbm>> -> memref<16xi32, #tpu.memory_space<hbm>>
    %dma_wait3A_15 = arith.constant 0 : i32
    %dma_wait3A_16 = tpu.memref_slice %arg9[%dma_wait3A, %dma_wait3A_15] : memref<2x16xi32, #tpu.memory_space<vmem>> -> memref<1x16xi32, #tpu.memory_space<vmem>>
    %dma_wait3A_17 = tpu.memref_squeeze %dma_wait3A_16 : memref<1x16xi32, #tpu.memory_space<vmem>> -> memref<16xi32, #tpu.memory_space<vmem>>
    %dma_wait3A_18 = tpu.memref_slice %arg6[%multiple_of3A] : memref<20000xi32, #tpu.memory_space<hbm>> -> memref<16xi32, #tpu.memory_space<hbm>>
    tpu.wait_dma2 semaphore(%arg19 : memref<!tpu.dma_semaphore, #tpu.memory_space<semaphore_mem>>) src(%dma_wait3A_18 : memref<16xi32, #tpu.memory_space<hbm>>) dst(%dma_wait3A_17 : memref<16xi32, #tpu.memory_space<vmem>>)
    %dma_start3A_19 = arith.constant 0 : i32
    %dma_start3A_20 = arith.constant 0 : i32
    %dma_start3A_21 = tpu.memref_slice %arg10[%dma_start3A_19, %dma_start3A_20] : memref<2x16xi32, #tpu.memory_space<vmem>> -> memref<1x16xi32, #tpu.memory_space<vmem>>
    %dma_start3A_22 = tpu.memref_squeeze %dma_start3A_21 : memref<1x16xi32, #tpu.memory_space<vmem>> -> memref<16xi32, #tpu.memory_space<vmem>>
    %dma_start3A_23 = tpu.memref_slice %arg7[%multiple_of3A] : memref<20000xi32, #tpu.memory_space<hbm>> -> memref<16xi32, #tpu.memory_space<hbm>>
    %dma_start3A_24 = arith.constant 0 : i32
    %dma_start3A_25 = tpu.memref_slice %arg10[%dma_start3A_19, %dma_start3A_24] : memref<2x16xi32, #tpu.memory_space<vmem>> -> memref<1x16xi32, #tpu.memory_space<vmem>>
    %dma_start3A_26 = tpu.memref_squeeze %dma_start3A_25 : memref<1x16xi32, #tpu.memory_space<vmem>> -> memref<16xi32, #tpu.memory_space<vmem>>
    %dma_start3A_27 = tpu.memref_slice %arg7[%multiple_of3A] : memref<20000xi32, #tpu.memory_space<hbm>> -> memref<16xi32, #tpu.memory_space<hbm>>
    tpu.enqueue_dma source(%dma_start3A_27 : memref<16xi32, #tpu.memory_space<hbm>>) target(%dma_start3A_26 : memref<16xi32, #tpu.memory_space<vmem>>) target_semaphore(%arg19 : memref<!tpu.dma_semaphore, #tpu.memory_space<semaphore_mem>>)
    %dma_wait3A_28 = arith.constant 0 : i32
    %dma_wait3A_29 = arith.constant 0 : i32
    %dma_wait3A_30 = tpu.memref_slice %arg10[%dma_wait3A_28, %dma_wait3A_29] : memref<2x16xi32, #tpu.memory_space<vmem>> -> memref<1x16xi32, #tpu.memory_space<vmem>>
    %dma_wait3A_31 = tpu.memref_squeeze %dma_wait3A_30 : memref<1x16xi32, #tpu.memory_space<vmem>> -> memref<16xi32, #tpu.memory_space<vmem>>
    %dma_wait3A_32 = tpu.memref_slice %arg7[%multiple_of3A] : memref<20000xi32, #tpu.memory_space<hbm>> -> memref<16xi32, #tpu.memory_space<hbm>>
    %dma_wait3A_33 = arith.constant 0 : i32
    %dma_wait3A_34 = tpu.memref_slice %arg10[%dma_wait3A_28, %dma_wait3A_33] : memref<2x16xi32, #tpu.memory_space<vmem>> -> memref<1x16xi32, #tpu.memory_space<vmem>>
    %dma_wait3A_35 = tpu.memref_squeeze %dma_wait3A_34 : memref<1x16xi32, #tpu.memory_space<vmem>> -> memref<16xi32, #tpu.memory_space<vmem>>
    %dma_wait3A_36 = tpu.memref_slice %arg7[%multiple_of3A] : memref<20000xi32, #tpu.memory_space<hbm>> -> memref<16xi32, #tpu.memory_space<hbm>>
    tpu.wait_dma2 semaphore(%arg19 : memref<!tpu.dma_semaphore, #tpu.memory_space<semaphore_mem>>) src(%dma_wait3A_36 : memref<16xi32, #tpu.memory_space<hbm>>) dst(%dma_wait3A_35 : memref<16xi32, #tpu.memory_space<vmem>>)
    %get3A = arith.constant 0 : i32
    %get3A_37 = arith.index_cast %get3A : i32 to index
    %get3A_38 = arith.constant 0 : index
    %get3A_39 = tpu.vector_load %arg9[%get3A_37, %get3A_38] {strides = array<i32>} : memref<2x16xi32, #tpu.memory_space<vmem>>, vector<1x16xi32>,
    %get3A_40 = vector.shape_cast %get3A_39 : vector<1x16xi32> to vector<16xi32>
    %get3A_41 = arith.constant 0 : i32
    %get3A_42 = arith.index_cast %get3A_41 : i32 to index
    %get3A_43 = arith.constant 0 : index
    %get3A_44 = tpu.vector_load %arg10[%get3A_42, %get3A_43] {strides = array<i32>} : memref<2x16xi32, #tpu.memory_space<vmem>>, vector<1x16xi32>,
    %get3A_45 = vector.shape_cast %get3A_44 : vector<1x16xi32> to vector<16xi32>
    %mul3A_46 = arith.constant 4096 : i32
    %mul3A_47 = vector.broadcast %mul3A_46 : i32 to vector<16xi32>
    %mul3A_48 = arith.muli %get3A_40, %mul3A_47 : vector<16xi32>
    %add3A_49 = arith.addi %mul3A_48, %get3A_45 : vector<16xi32>
    %dma_start3A_50 = arith.constant 0 : i32
    %dma_start3A_51 = arith.constant 0 : i32
    %dma_start3A_52 = tpu.memref_slice %arg11[%dma_start3A_50, %dma_start3A_51] : memref<2x16xf32, #tpu.memory_space<vmem>> -> memref<1x16xf32, #tpu.memory_space<vmem>>
    %dma_start3A_53 = tpu.memref_squeeze %dma_start3A_52 : memref<1x16xf32, #tpu.memory_space<vmem>> -> memref<16xf32, #tpu.memory_space<vmem>>
    %dma_start3A_54 = arith.constant 0 : i32
    %dma_start3A_55 = tpu.memref_slice %arg4[%dma_start3A_54] : memref<131072xf32, #tpu.memory_space<hbm>> -> memref<131072xf32, #tpu.memory_space<hbm>>
    tpu.enqueue_indirect_dma source(%dma_start3A_55 : memref<131072xf32, #tpu.memory_space<hbm>>) target(%dma_start3A_53 : memref<16xf32, #tpu.memory_space<vmem>>) offsets(%add3A_49 : vector<16xi32>) semaphore(%arg20 : memref<!tpu.dma_semaphore, #tpu.memory_space<semaphore_mem>>)
    %dma_start3A_56 = arith.constant 0 : i32
    %dma_start3A_57 = arith.constant 0 : i32
    %dma_start3A_58 = tpu.memref_slice %arg12[%dma_start3A_56, %dma_start3A_57] : memref<2x16xf32, #tpu.memory_space<vmem>> -> memref<1x16xf32, #tpu.memory_space<vmem>>
    %dma_start3A_59 = tpu.memref_squeeze %dma_start3A_58 : memref<1x16xf32, #tpu.memory_space<vmem>> -> memref<16xf32, #tpu.memory_space<vmem>>
    %dma_start3A_60 = arith.constant 0 : i32
    %dma_start3A_61 = tpu.memref_slice %arg5[%dma_start3A_60] : memref<131072xf32, #tpu.memory_space<hbm>> -> memref<131072xf32, #tpu.memory_space<hbm>>
    tpu.enqueue_indirect_dma source(%dma_start3A_61 : memref<131072xf32, #tpu.memory_space<hbm>>) target(%dma_start3A_59 : memref<16xf32, #tpu.memory_space<vmem>>) offsets(%add3A_49 : vector<16xi32>) semaphore(%arg20 : memref<!tpu.dma_semaphore, #tpu.memory_space<semaphore_mem>>)
    %dma_start3A_62 = arith.constant 0 : i32
    %dma_start3A_63 = arith.constant 0 : i32
    %dma_start3A_64 = arith.constant 0 : i32
    %dma_start3A_65 = tpu.memref_slice %arg15[%dma_start3A_62, %dma_start3A_63, %dma_start3A_64] : memref<2x16x256xf32, #tpu.memory_space<vmem>> -> memref<1x16x256xf32, #tpu.memory_space<vmem>>
    %dma_start3A_66 = tpu.memref_squeeze %dma_start3A_65 : memref<1x16x256xf32, #tpu.memory_space<vmem>> -> memref<16x256xf32, #tpu.memory_space<vmem>>
    %dma_start3A_67 = arith.constant 0 : i32
    %dma_start3A_68 = arith.constant 0 : i32
    %dma_start3A_69 = tpu.memref_slice %arg2[%dma_start3A_67, %dma_start3A_68] : memref<131072x256xf32, #tpu.memory_space<hbm>> -> memref<131072x256xf32, #tpu.memory_space<hbm>>
    tpu.enqueue_indirect_dma source(%dma_start3A_69 : memref<131072x256xf32, #tpu.memory_space<hbm>>) target(%dma_start3A_66 : memref<16x256xf32, #tpu.memory_space<vmem>>) offsets(%add3A_49 : vector<16xi32>) semaphore(%arg21 : memref<!tpu.dma_semaphore, #tpu.memory_space<semaphore_mem>>)
    %dma_start3A_70 = arith.constant 0 : i32
    %dma_start3A_71 = arith.constant 0 : i32
    %dma_start3A_72 = arith.constant 0 : i32
    %dma_start3A_73 = tpu.memref_slice %arg16[%dma_start3A_70, %dma_start3A_71, %dma_start3A_72] : memref<2x16x256xf32, #tpu.memory_space<vmem>> -> memref<1x16x256xf32, #tpu.memory_space<vmem>>
    %dma_start3A_74 = tpu.memref_squeeze %dma_start3A_73 : memref<1x16x256xf32, #tpu.memory_space<vmem>> -> memref<16x256xf32, #tpu.memory_space<vmem>>
    %dma_start3A_75 = arith.constant 0 : i32
    %dma_start3A_76 = arith.constant 0 : i32
    %dma_start3A_77 = tpu.memref_slice %arg3[%dma_start3A_75, %dma_start3A_76] : memref<131072x256xf32, #tpu.memory_space<hbm>> -> memref<131072x256xf32, #tpu.memory_space<hbm>>
    tpu.enqueue_indirect_dma source(%dma_start3A_77 : memref<131072x256xf32, #tpu.memory_space<hbm>>) target(%dma_start3A_74 : memref<16x256xf32, #tpu.memory_space<vmem>>) offsets(%add3A_49 : vector<16xi32>) semaphore(%arg21 : memref<!tpu.dma_semaphore, #tpu.memory_space<semaphore_mem>>)
    %add3A_78 = arith.constant 32 : i32
    %add3A_79 = arith.addi %add3A, %add3A_78 : i32
    %lt3A = arith.constant 1250 : i32
    %lt3A_80 = arith.cmpi slt, %add3A_79, %lt3A : i32
    %convert_element_type3A = arith.extui %lt3A_80 : i1 to i32
    %cond3A = arith.constant 0 : i32
    %cond3A_81 = arith.cmpi ne, %convert_element_type3A, %cond3A : i32
    scf.if %cond3A_81 {
      %add3A_425 = arith.constant 32 : i32
      %add3A_426 = arith.addi %add3A, %add3A_425 : i32
      %mul3A_427 = arith.constant 16 : i32
      %mul3A_428 = arith.muli %add3A_426, %mul3A_427 : i32
      %multiple_of3A_429 = tpu.assume_multiple %mul3A_428, 16 : i32
      %dma_start3A_430 = arith.constant 1 : i32
      %dma_start3A_431 = arith.constant 0 : i32
      %dma_start3A_432 = tpu.memref_slice %arg9[%dma_start3A_430, %dma_start3A_431] : memref<2x16xi32, #tpu.memory_space<vmem>> -> memref<1x16xi32, #tpu.memory_space<vmem>>
      %dma_start3A_433 = tpu.memref_squeeze %dma_start3A_432 : memref<1x16xi32, #tpu.memory_space<vmem>> -> memref<16xi32, #tpu.memory_space<vmem>>
      %dma_start3A_434 = tpu.memref_slice %arg6[%multiple_of3A_429] : memref<20000xi32, #tpu.memory_space<hbm>> -> memref<16xi32, #tpu.memory_space<hbm>>
      %dma_start3A_435 = arith.constant 0 : i32
      %dma_start3A_436 = tpu.memref_slice %arg9[%dma_start3A_430, %dma_start3A_435] : memref<2x16xi32, #tpu.memory_space<vmem>> -> memref<1x16xi32, #tpu.memory_space<vmem>>
      %dma_start3A_437 = tpu.memref_squeeze %dma_start3A_436 : memref<1x16xi32, #tpu.memory_space<vmem>> -> memref<16xi32, #tpu.memory_space<vmem>>
      %dma_start3A_438 = tpu.memref_slice %arg6[%multiple_of3A_429] : memref<20000xi32, #tpu.memory_space<hbm>> -> memref<16xi32, #tpu.memory_space<hbm>>
      tpu.enqueue_dma source(%dma_start3A_438 : memref<16xi32, #tpu.memory_space<hbm>>) target(%dma_start3A_437 : memref<16xi32, #tpu.memory_space<vmem>>) target_semaphore(%arg19 : memref<!tpu.dma_semaphore, #tpu.memory_space<semaphore_mem>>)
      %dma_start3A_439 = arith.constant 1 : i32
      %dma_start3A_440 = arith.constant 0 : i32
      %dma_start3A_441 = tpu.memref_slice %arg10[%dma_start3A_439, %dma_start3A_440] : memref<2x16xi32, #tpu.memory_space<vmem>> -> memref<1x16xi32, #tpu.memory_space<vmem>>
      %dma_start3A_442 = tpu.memref_squeeze %dma_start3A_441 : memref<1x16xi32, #tpu.memory_space<vmem>> -> memref<16xi32, #tpu.memory_space<vmem>>
      %dma_start3A_443 = tpu.memref_slice %arg7[%multiple_of3A_429] : memref<20000xi32, #tpu.memory_space<hbm>> -> memref<16xi32, #tpu.memory_space<hbm>>
      %dma_start3A_444 = arith.constant 0 : i32
      %dma_start3A_445 = tpu.memref_slice %arg10[%dma_start3A_439, %dma_start3A_444] : memref<2x16xi32, #tpu.memory_space<vmem>> -> memref<1x16xi32, #tpu.memory_space<vmem>>
      %dma_start3A_446 = tpu.memref_squeeze %dma_start3A_445 : memref<1x16xi32, #tpu.memory_space<vmem>> -> memref<16xi32, #tpu.memory_space<vmem>>
      %dma_start3A_447 = tpu.memref_slice %arg7[%multiple_of3A_429] : memref<20000xi32, #tpu.memory_space<hbm>> -> memref<16xi32, #tpu.memory_space<hbm>>
      tpu.enqueue_dma source(%dma_start3A_447 : memref<16xi32, #tpu.memory_space<hbm>>) target(%dma_start3A_446 : memref<16xi32, #tpu.memory_space<vmem>>) target_semaphore(%arg19 : memref<!tpu.dma_semaphore, #tpu.memory_space<semaphore_mem>>)
    } else {
    }
    %dma_wait3A_82 = arith.constant 0 : i32
    %dma_wait3A_83 = arith.constant 0 : i32
    %dma_wait3A_84 = tpu.memref_slice %arg11[%dma_wait3A_82, %dma_wait3A_83] : memref<2x16xf32, #tpu.memory_space<vmem>> -> memref<1x16xf32, #tpu.memory_space<vmem>>
    %dma_wait3A_85 = tpu.memref_squeeze %dma_wait3A_84 : memref<1x16xf32, #tpu.memory_space<vmem>> -> memref<16xf32, #tpu.memory_space<vmem>>
    %dma_wait3A_86 = arith.constant 0 : i32
    %dma_wait3A_87 = tpu.memref_slice %arg4[%dma_wait3A_86] : memref<131072xf32, #tpu.memory_space<hbm>> -> memref<16xf32, #tpu.memory_space<hbm>>
    %dma_wait3A_88 = arith.constant 0 : i32
    %dma_wait3A_89 = tpu.memref_slice %arg11[%dma_wait3A_82, %dma_wait3A_88] : memref<2x16xf32, #tpu.memory_space<vmem>> -> memref<1x16xf32, #tpu.memory_space<vmem>>
    %dma_wait3A_90 = tpu.memref_squeeze %dma_wait3A_89 : memref<1x16xf32, #tpu.memory_space<vmem>> -> memref<16xf32, #tpu.memory_space<vmem>>
    %dma_wait3A_91 = arith.constant 0 : i32
    %dma_wait3A_92 = tpu.memref_slice %arg4[%dma_wait3A_91] : memref<131072xf32, #tpu.memory_space<hbm>> -> memref<16xf32, #tpu.memory_space<hbm>>
    tpu.wait_dma2 semaphore(%arg20 : memref<!tpu.dma_semaphore, #tpu.memory_space<semaphore_mem>>) src(%dma_wait3A_92 : memref<16xf32, #tpu.memory_space<hbm>>) dst(%dma_wait3A_90 : memref<16xf32, #tpu.memory_space<vmem>>)
    %dma_wait3A_93 = arith.constant 0 : i32
    %dma_wait3A_94 = arith.constant 0 : i32
    %dma_wait3A_95 = tpu.memref_slice %arg12[%dma_wait3A_93, %dma_wait3A_94] : memref<2x16xf32, #tpu.memory_space<vmem>> -> memref<1x16xf32, #tpu.memory_space<vmem>>
    %dma_wait3A_96 = tpu.memref_squeeze %dma_wait3A_95 : memref<1x16xf32, #tpu.memory_space<vmem>> -> memref<16xf32, #tpu.memory_space<vmem>>
    %dma_wait3A_97 = arith.constant 0 : i32
    %dma_wait3A_98 = tpu.memref_slice %arg5[%dma_wait3A_97] : memref<131072xf32, #tpu.memory_space<hbm>> -> memref<16xf32, #tpu.memory_space<hbm>>
    %dma_wait3A_99 = arith.constant 0 : i32
    %dma_wait3A_100 = tpu.memref_slice %arg12[%dma_wait3A_93, %dma_wait3A_99] : memref<2x16xf32, #tpu.memory_space<vmem>> -> memref<1x16xf32, #tpu.memory_space<vmem>>
    %dma_wait3A_101 = tpu.memref_squeeze %dma_wait3A_100 : memref<1x16xf32, #tpu.memory_space<vmem>> -> memref<16xf32, #tpu.memory_space<vmem>>
    %dma_wait3A_102 = arith.constant 0 : i32
    %dma_wait3A_103 = tpu.memref_slice %arg5[%dma_wait3A_102] : memref<131072xf32, #tpu.memory_space<hbm>> -> memref<16xf32, #tpu.memory_space<hbm>>
    tpu.wait_dma2 semaphore(%arg20 : memref<!tpu.dma_semaphore, #tpu.memory_space<semaphore_mem>>) src(%dma_wait3A_103 : memref<16xf32, #tpu.memory_space<hbm>>) dst(%dma_wait3A_101 : memref<16xf32, #tpu.memory_space<vmem>>)
    %get3A_104 = arith.constant 0 : i32
    %get3A_105 = arith.index_cast %get3A_104 : i32 to index
    %get3A_106 = arith.constant 0 : index
    %get3A_107 = tpu.vector_load %arg10[%get3A_105, %get3A_106] {strides = array<i32>} : memref<2x16xi32, #tpu.memory_space<vmem>>, vector<1x16xi32>,
    %get3A_108 = vector.shape_cast %get3A_107 : vector<1x16xi32> to vector<16xi32>
    %get3A_109 = arith.constant 0 : i32
    %get3A_110 = arith.index_cast %get3A_109 : i32 to index
    %get3A_111 = arith.constant 0 : index
    %get3A_112 = tpu.vector_load %arg9[%get3A_110, %get3A_111] {strides = array<i32>} : memref<2x16xi32, #tpu.memory_space<vmem>>, vector<1x16xi32>,
    %get3A_113 = vector.shape_cast %get3A_112 : vector<1x16xi32> to vector<16xi32>
    %mul3A_114 = arith.constant 4096 : i32
    %mul3A_115 = vector.broadcast %mul3A_114 : i32 to vector<16xi32>
    %mul3A_116 = arith.muli %get3A_113, %mul3A_115 : vector<16xi32>
    %shift_right_logical3A = arith.constant 6 : i32
    %shift_right_logical3A_117 = vector.broadcast %shift_right_logical3A : i32 to vector<16xi32>
    %shift_right_logical3A_118 = arith.shrui %get3A_108, %shift_right_logical3A_117 : vector<16xi32>
    %and3A = arith.constant 63 : i32
    %and3A_119 = vector.broadcast %and3A : i32 to vector<16xi32>
    %and3A_120 = arith.andi %get3A_108, %and3A_119 : vector<16xi32>
    %convert_element_type3A_121 = arith.sitofp %shift_right_logical3A_118 : vector<16xi32> to vector<16xf32>
    %get3A_122 = arith.constant 0 : i32
    %get3A_123 = arith.index_cast %get3A_122 : i32 to index
    %get3A_124 = arith.constant 0 : index
    %get3A_125 = tpu.vector_load %arg11[%get3A_123, %get3A_124] {strides = array<i32>} : memref<2x16xf32, #tpu.memory_space<vmem>>, vector<1x16xf32>,
    %get3A_126 = vector.shape_cast %get3A_125 : vector<1x16xf32> to vector<16xf32>
    %add3A_127 = arith.addf %convert_element_type3A_121, %get3A_126 : vector<16xf32>
    %convert_element_type3A_128 = arith.sitofp %and3A_120 : vector<16xi32> to vector<16xf32>
    %get3A_129 = arith.constant 0 : i32
    %get3A_130 = arith.index_cast %get3A_129 : i32 to index
    %get3A_131 = arith.constant 0 : index
    %get3A_132 = tpu.vector_load %arg12[%get3A_130, %get3A_131] {strides = array<i32>} : memref<2x16xf32, #tpu.memory_space<vmem>>, vector<1x16xf32>,
    %get3A_133 = vector.shape_cast %get3A_132 : vector<1x16xf32> to vector<16xf32>
    %add3A_134 = arith.addf %convert_element_type3A_128, %get3A_133 : vector<16xf32>
    %convert_element_type3A_135 = arith.fptosi %add3A_134 : vector<16xf32> to vector<16xi32>
    %convert_element_type3A_136 = arith.sitofp %convert_element_type3A_135 : vector<16xi32> to vector<16xf32>
    %gt3A = arith.cmpf ogt, %convert_element_type3A_136, %add3A_134 : vector<16xf32>
    %sub3A = arith.constant 1 : i32
    %sub3A_137 = vector.broadcast %sub3A : i32 to vector<16xi32>
    %sub3A_138 = arith.subi %convert_element_type3A_135, %sub3A_137 : vector<16xi32>
    %select_n3A = arith.select %gt3A, %sub3A_138, %convert_element_type3A_135 : vector<16xi1>, vector<16xi32>
    %convert_element_type3A_139 = arith.fptosi %add3A_127 : vector<16xf32> to vector<16xi32>
    %convert_element_type3A_140 = arith.sitofp %convert_element_type3A_139 : vector<16xi32> to vector<16xf32>
    %gt3A_141 = arith.cmpf ogt, %convert_element_type3A_140, %add3A_127 : vector<16xf32>
    %sub3A_142 = arith.constant 1 : i32
    %sub3A_143 = vector.broadcast %sub3A_142 : i32 to vector<16xi32>
    %sub3A_144 = arith.subi %convert_element_type3A_139, %sub3A_143 : vector<16xi32>
    %select_n3A_145 = arith.select %gt3A_141, %sub3A_144, %convert_element_type3A_139 : vector<16xi1>, vector<16xi32>
    %add3A_146 = arith.constant 1 : i32
    %add3A_147 = vector.broadcast %add3A_146 : i32 to vector<16xi32>
    %add3A_148 = arith.addi %select_n3A, %add3A_147 : vector<16xi32>
    %add3A_149 = arith.constant 1 : i32
    %add3A_150 = vector.broadcast %add3A_149 : i32 to vector<16xi32>
    %add3A_151 = arith.addi %select_n3A_145, %add3A_150 : vector<16xi32>
    %convert_element_type3A_152 = arith.sitofp %select_n3A : vector<16xi32> to vector<16xf32>
    %sub3A_153 = arith.subf %add3A_134, %convert_element_type3A_152 : vector<16xf32>
    %sub3A_154 = arith.constant 1.000000e+00 : f32
    %sub3A_155 = vector.broadcast %sub3A_154 : f32 to vector<16xf32>
    %sub3A_156 = arith.subf %sub3A_155, %sub3A_153 : vector<16xf32>
    %convert_element_type3A_157 = arith.sitofp %select_n3A_145 : vector<16xi32> to vector<16xf32>
    %sub3A_158 = arith.subf %add3A_127, %convert_element_type3A_157 : vector<16xf32>
    %sub3A_159 = arith.constant 1.000000e+00 : f32
    %sub3A_160 = vector.broadcast %sub3A_159 : f32 to vector<16xf32>
    %sub3A_161 = arith.subf %sub3A_160, %sub3A_158 : vector<16xf32>
    %mul3A_162 = arith.mulf %sub3A_161, %sub3A_156 : vector<16xf32>
    %mul3A_163 = arith.mulf %sub3A_161, %sub3A_153 : vector<16xf32>
    %mul3A_164 = arith.mulf %sub3A_158, %sub3A_156 : vector<16xf32>
    %mul3A_165 = arith.mulf %sub3A_158, %sub3A_153 : vector<16xf32>
    %ge3A = arith.constant 0 : i32
    %ge3A_166 = vector.broadcast %ge3A : i32 to vector<16xi32>
    %ge3A_167 = arith.cmpi sge, %select_n3A, %ge3A_166 : vector<16xi32>
    %le3A = arith.constant 63 : i32
    %le3A_168 = vector.broadcast %le3A : i32 to vector<16xi32>
    %le3A_169 = arith.cmpi sle, %select_n3A, %le3A_168 : vector<16xi32>
    %and3A_170 = arith.andi %ge3A_167, %le3A_169 : vector<16xi1>
    %ge3A_171 = arith.constant 0 : i32
    %ge3A_172 = vector.broadcast %ge3A_171 : i32 to vector<16xi32>
    %ge3A_173 = arith.cmpi sge, %select_n3A_145, %ge3A_172 : vector<16xi32>
    %and3A_174 = arith.andi %and3A_170, %ge3A_173 : vector<16xi1>
    %le3A_175 = arith.constant 63 : i32
    %le3A_176 = vector.broadcast %le3A_175 : i32 to vector<16xi32>
    %le3A_177 = arith.cmpi sle, %select_n3A_145, %le3A_176 : vector<16xi32>
    %and3A_178 = arith.andi %and3A_174, %le3A_177 : vector<16xi1>
    %max3A = arith.constant 0 : i32
    %max3A_179 = vector.broadcast %max3A : i32 to vector<16xi32>
    %max3A_180 = arith.maxsi %select_n3A, %max3A_179 : vector<16xi32>
    %min3A = arith.constant 63 : i32
    %min3A_181 = vector.broadcast %min3A : i32 to vector<16xi32>
    %min3A_182 = arith.minsi %max3A_180, %min3A_181 : vector<16xi32>
    %max3A_183 = arith.constant 0 : i32
    %max3A_184 = vector.broadcast %max3A_183 : i32 to vector<16xi32>
    %max3A_185 = arith.maxsi %select_n3A_145, %max3A_184 : vector<16xi32>
    %min3A_186 = arith.constant 63 : i32
    %min3A_187 = vector.broadcast %min3A_186 : i32 to vector<16xi32>
    %min3A_188 = arith.minsi %max3A_185, %min3A_187 : vector<16xi32>
    %mul3A_189 = arith.constant 64 : i32
    %mul3A_190 = vector.broadcast %mul3A_189 : i32 to vector<16xi32>
    %mul3A_191 = arith.muli %min3A_188, %mul3A_190 : vector<16xi32>
    %add3A_192 = arith.addi %mul3A_116, %mul3A_191 : vector<16xi32>
    %add3A_193 = arith.addi %add3A_192, %min3A_182 : vector<16xi32>
    %swap3A = arith.constant 0 : i32
    %swap3A_194 = arith.index_cast %swap3A : i32 to index
    %swap3A_195 = arith.constant 0 : index
    %swap3A_196 = tpu.vector_load %arg14[%swap3A_194, %swap3A_195] {strides = array<i32>} : memref<2x64xi32, #tpu.memory_space<vmem>>, vector<1x16xi32>,
    %swap3A_197 = vector.shape_cast %swap3A_196 : vector<1x16xi32> to vector<16xi32>
    %swap3A_198 = vector.shape_cast %add3A_193 : vector<16xi32> to vector<1x16xi32>
    tpu.vector_store %arg14[%swap3A_194, %swap3A_195], %swap3A_198 {strides = array<i32>} : memref<2x64xi32, #tpu.memory_space<vmem>>, vector<1x16xi32>,
    %jit3A = arith.constant 0.000000e+00 : f32
    %broadcast_in_dim3A = vector.broadcast %jit3A : f32 to vector<16xf32>
    %select_n3A_199 = arith.select %and3A_178, %mul3A_162, %broadcast_in_dim3A : vector<16xi1>, vector<16xf32>
    %swap3A_200 = arith.constant 0 : i32
    %swap3A_201 = arith.constant 0 : i32
    %swap3A_202 = arith.index_cast %swap3A_200 : i32 to index
    %swap3A_203 = arith.index_cast %swap3A_201 : i32 to index
    %swap3A_204 = arith.constant 0 : index
    %swap3A_205 = tpu.vector_load %arg13[%swap3A_202, %swap3A_203, %swap3A_204] {strides = array<i32>} : memref<2x4x16xf32, #tpu.memory_space<vmem>>, vector<1x1x16xf32>,
    %swap3A_206 = vector.shape_cast %swap3A_205 : vector<1x1x16xf32> to vector<16xf32>
    %swap3A_207 = vector.shape_cast %select_n3A_199 : vector<16xf32> to vector<1x1x16xf32>
    tpu.vector_store %arg13[%swap3A_202, %swap3A_203, %swap3A_204], %swap3A_207 {strides = array<i32>} : memref<2x4x16xf32, #tpu.memory_space<vmem>>, vector<1x1x16xf32>,
    %ge3A_208 = arith.constant 0 : i32
    %ge3A_209 = vector.broadcast %ge3A_208 : i32 to vector<16xi32>
    %ge3A_210 = arith.cmpi sge, %add3A_148, %ge3A_209 : vector<16xi32>
    %le3A_211 = arith.constant 63 : i32
    %le3A_212 = vector.broadcast %le3A_211 : i32 to vector<16xi32>
    %le3A_213 = arith.cmpi sle, %add3A_148, %le3A_212 : vector<16xi32>
    %and3A_214 = arith.andi %ge3A_210, %le3A_213 : vector<16xi1>
    %ge3A_215 = arith.constant 0 : i32
    %ge3A_216 = vector.broadcast %ge3A_215 : i32 to vector<16xi32>
    %ge3A_217 = arith.cmpi sge, %select_n3A_145, %ge3A_216 : vector<16xi32>
    %and3A_218 = arith.andi %and3A_214, %ge3A_217 : vector<16xi1>
    %le3A_219 = arith.constant 63 : i32
    %le3A_220 = vector.broadcast %le3A_219 : i32 to vector<16xi32>
    %le3A_221 = arith.cmpi sle, %select_n3A_145, %le3A_220 : vector<16xi32>
    %and3A_222 = arith.andi %and3A_218, %le3A_221 : vector<16xi1>
    %max3A_223 = arith.constant 0 : i32
    %max3A_224 = vector.broadcast %max3A_223 : i32 to vector<16xi32>
    %max3A_225 = arith.maxsi %add3A_148, %max3A_224 : vector<16xi32>
    %min3A_226 = arith.constant 63 : i32
    %min3A_227 = vector.broadcast %min3A_226 : i32 to vector<16xi32>
    %min3A_228 = arith.minsi %max3A_225, %min3A_227 : vector<16xi32>
    %max3A_229 = arith.constant 0 : i32
    %max3A_230 = vector.broadcast %max3A_229 : i32 to vector<16xi32>
    %max3A_231 = arith.maxsi %select_n3A_145, %max3A_230 : vector<16xi32>
    %min3A_232 = arith.constant 63 : i32
    %min3A_233 = vector.broadcast %min3A_232 : i32 to vector<16xi32>
    %min3A_234 = arith.minsi %max3A_231, %min3A_233 : vector<16xi32>
    %mul3A_235 = arith.constant 64 : i32
    %mul3A_236 = vector.broadcast %mul3A_235 : i32 to vector<16xi32>
    %mul3A_237 = arith.muli %min3A_234, %mul3A_236 : vector<16xi32>
    %add3A_238 = arith.addi %mul3A_116, %mul3A_237 : vector<16xi32>
    %add3A_239 = arith.addi %add3A_238, %min3A_228 : vector<16xi32>
    %swap3A_240 = arith.constant 0 : i32
    %swap3A_241 = arith.index_cast %swap3A_240 : i32 to index
    %swap3A_242 = arith.constant 16 : index
    %swap3A_243 = tpu.vector_load %arg14[%swap3A_241, %swap3A_242] {strides = array<i32>} : memref<2x64xi32, #tpu.memory_space<vmem>>, vector<1x16xi32>,
    %swap3A_244 = vector.shape_cast %swap3A_243 : vector<1x16xi32> to vector<16xi32>
    %swap3A_245 = vector.shape_cast %add3A_239 : vector<16xi32> to vector<1x16xi32>
    tpu.vector_store %arg14[%swap3A_241, %swap3A_242], %swap3A_245 {strides = array<i32>} : memref<2x64xi32, #tpu.memory_space<vmem>>, vector<1x16xi32>,
    %jit3A_246 = arith.constant 0.000000e+00 : f32
    %broadcast_in_dim3A_247 = vector.broadcast %jit3A_246 : f32 to vector<16xf32>
    %select_n3A_248 = arith.select %and3A_222, %mul3A_163, %broadcast_in_dim3A_247 : vector<16xi1>, vector<16xf32>
    %swap3A_249 = arith.constant 0 : i32
    %swap3A_250 = arith.constant 1 : i32
    %swap3A_251 = arith.index_cast %swap3A_249 : i32 to index
    %swap3A_252 = arith.index_cast %swap3A_250 : i32 to index
    %swap3A_253 = arith.constant 0 : index
    %swap3A_254 = tpu.vector_load %arg13[%swap3A_251, %swap3A_252, %swap3A_253] {strides = array<i32>} : memref<2x4x16xf32, #tpu.memory_space<vmem>>, vector<1x1x16xf32>,
    %swap3A_255 = vector.shape_cast %swap3A_254 : vector<1x1x16xf32> to vector<16xf32>
    %swap3A_256 = vector.shape_cast %select_n3A_248 : vector<16xf32> to vector<1x1x16xf32>
    tpu.vector_store %arg13[%swap3A_251, %swap3A_252, %swap3A_253], %swap3A_256 {strides = array<i32>} : memref<2x4x16xf32, #tpu.memory_space<vmem>>, vector<1x1x16xf32>,
    %ge3A_257 = arith.constant 0 : i32
    %ge3A_258 = vector.broadcast %ge3A_257 : i32 to vector<16xi32>
    %ge3A_259 = arith.cmpi sge, %select_n3A, %ge3A_258 : vector<16xi32>
    %le3A_260 = arith.constant 63 : i32
    %le3A_261 = vector.broadcast %le3A_260 : i32 to vector<16xi32>
    %le3A_262 = arith.cmpi sle, %select_n3A, %le3A_261 : vector<16xi32>
    %and3A_263 = arith.andi %ge3A_259, %le3A_262 : vector<16xi1>
    %ge3A_264 = arith.constant 0 : i32
    %ge3A_265 = vector.broadcast %ge3A_264 : i32 to vector<16xi32>
    %ge3A_266 = arith.cmpi sge, %add3A_151, %ge3A_265 : vector<16xi32>
    %and3A_267 = arith.andi %and3A_263, %ge3A_266 : vector<16xi1>
    %le3A_268 = arith.constant 63 : i32
    %le3A_269 = vector.broadcast %le3A_268 : i32 to vector<16xi32>
    %le3A_270 = arith.cmpi sle, %add3A_151, %le3A_269 : vector<16xi32>
    %and3A_271 = arith.andi %and3A_267, %le3A_270 : vector<16xi1>
    %max3A_272 = arith.constant 0 : i32
    %max3A_273 = vector.broadcast %max3A_272 : i32 to vector<16xi32>
    %max3A_274 = arith.maxsi %select_n3A, %max3A_273 : vector<16xi32>
    %min3A_275 = arith.constant 63 : i32
    %min3A_276 = vector.broadcast %min3A_275 : i32 to vector<16xi32>
    %min3A_277 = arith.minsi %max3A_274, %min3A_276 : vector<16xi32>
    %max3A_278 = arith.constant 0 : i32
    %max3A_279 = vector.broadcast %max3A_278 : i32 to vector<16xi32>
    %max3A_280 = arith.maxsi %add3A_151, %max3A_279 : vector<16xi32>
    %min3A_281 = arith.constant 63 : i32
    %min3A_282 = vector.broadcast %min3A_281 : i32 to vector<16xi32>
    %min3A_283 = arith.minsi %max3A_280, %min3A_282 : vector<16xi32>
    %mul3A_284 = arith.constant 64 : i32
    %mul3A_285 = vector.broadcast %mul3A_284 : i32 to vector<16xi32>
    %mul3A_286 = arith.muli %min3A_283, %mul3A_285 : vector<16xi32>
    %add3A_287 = arith.addi %mul3A_116, %mul3A_286 : vector<16xi32>
    %add3A_288 = arith.addi %add3A_287, %min3A_277 : vector<16xi32>
    %swap3A_289 = arith.constant 0 : i32
    %swap3A_290 = arith.index_cast %swap3A_289 : i32 to index
    %swap3A_291 = arith.constant 32 : index
    %swap3A_292 = tpu.vector_load %arg14[%swap3A_290, %swap3A_291] {strides = array<i32>} : memref<2x64xi32, #tpu.memory_space<vmem>>, vector<1x16xi32>,
    %swap3A_293 = vector.shape_cast %swap3A_292 : vector<1x16xi32> to vector<16xi32>
    %swap3A_294 = vector.shape_cast %add3A_288 : vector<16xi32> to vector<1x16xi32>
    tpu.vector_store %arg14[%swap3A_290, %swap3A_291], %swap3A_294 {strides = array<i32>} : memref<2x64xi32, #tpu.memory_space<vmem>>, vector<1x16xi32>,
    %jit3A_295 = arith.constant 0.000000e+00 : f32
    %broadcast_in_dim3A_296 = vector.broadcast %jit3A_295 : f32 to vector<16xf32>
    %select_n3A_297 = arith.select %and3A_271, %mul3A_164, %broadcast_in_dim3A_296 : vector<16xi1>, vector<16xf32>
    %swap3A_298 = arith.constant 0 : i32
    %swap3A_299 = arith.constant 2 : i32
    %swap3A_300 = arith.index_cast %swap3A_298 : i32 to index
    %swap3A_301 = arith.index_cast %swap3A_299 : i32 to index
    %swap3A_302 = arith.constant 0 : index
    %swap3A_303 = tpu.vector_load %arg13[%swap3A_300, %swap3A_301, %swap3A_302] {strides = array<i32>} : memref<2x4x16xf32, #tpu.memory_space<vmem>>, vector<1x1x16xf32>,
    %swap3A_304 = vector.shape_cast %swap3A_303 : vector<1x1x16xf32> to vector<16xf32>
    %swap3A_305 = vector.shape_cast %select_n3A_297 : vector<16xf32> to vector<1x1x16xf32>
    tpu.vector_store %arg13[%swap3A_300, %swap3A_301, %swap3A_302], %swap3A_305 {strides = array<i32>} : memref<2x4x16xf32, #tpu.memory_space<vmem>>, vector<1x1x16xf32>,
    %ge3A_306 = arith.constant 0 : i32
    %ge3A_307 = vector.broadcast %ge3A_306 : i32 to vector<16xi32>
    %ge3A_308 = arith.cmpi sge, %add3A_148, %ge3A_307 : vector<16xi32>
    %le3A_309 = arith.constant 63 : i32
    %le3A_310 = vector.broadcast %le3A_309 : i32 to vector<16xi32>
    %le3A_311 = arith.cmpi sle, %add3A_148, %le3A_310 : vector<16xi32>
    %and3A_312 = arith.andi %ge3A_308, %le3A_311 : vector<16xi1>
    %ge3A_313 = arith.constant 0 : i32
    %ge3A_314 = vector.broadcast %ge3A_313 : i32 to vector<16xi32>
    %ge3A_315 = arith.cmpi sge, %add3A_151, %ge3A_314 : vector<16xi32>
    %and3A_316 = arith.andi %and3A_312, %ge3A_315 : vector<16xi1>
    %le3A_317 = arith.constant 63 : i32
    %le3A_318 = vector.broadcast %le3A_317 : i32 to vector<16xi32>
    %le3A_319 = arith.cmpi sle, %add3A_151, %le3A_318 : vector<16xi32>
    %and3A_320 = arith.andi %and3A_316, %le3A_319 : vector<16xi1>
    %max3A_321 = arith.constant 0 : i32
    %max3A_322 = vector.broadcast %max3A_321 : i32 to vector<16xi32>
    %max3A_323 = arith.maxsi %add3A_148, %max3A_322 : vector<16xi32>
    %min3A_324 = arith.constant 63 : i32
    %min3A_325 = vector.broadcast %min3A_324 : i32 to vector<16xi32>
    %min3A_326 = arith.minsi %max3A_323, %min3A_325 : vector<16xi32>
    %max3A_327 = arith.constant 0 : i32
    %max3A_328 = vector.broadcast %max3A_327 : i32 to vector<16xi32>
    %max3A_329 = arith.maxsi %add3A_151, %max3A_328 : vector<16xi32>
    %min3A_330 = arith.constant 63 : i32
    %min3A_331 = vector.broadcast %min3A_330 : i32 to vector<16xi32>
    %min3A_332 = arith.minsi %max3A_329, %min3A_331 : vector<16xi32>
    %mul3A_333 = arith.constant 64 : i32
    %mul3A_334 = vector.broadcast %mul3A_333 : i32 to vector<16xi32>
    %mul3A_335 = arith.muli %min3A_332, %mul3A_334 : vector<16xi32>
    %add3A_336 = arith.addi %mul3A_116, %mul3A_335 : vector<16xi32>
    %add3A_337 = arith.addi %add3A_336, %min3A_326 : vector<16xi32>
    %swap3A_338 = arith.constant 0 : i32
    %swap3A_339 = arith.index_cast %swap3A_338 : i32 to index
    %swap3A_340 = arith.constant 48 : index
    %swap3A_341 = tpu.vector_load %arg14[%swap3A_339, %swap3A_340] {strides = array<i32>} : memref<2x64xi32, #tpu.memory_space<vmem>>, vector<1x16xi32>,
    %swap3A_342 = vector.shape_cast %swap3A_341 : vector<1x16xi32> to vector<16xi32>
    %swap3A_343 = vector.shape_cast %add3A_337 : vector<16xi32> to vector<1x16xi32>
    tpu.vector_store %arg14[%swap3A_339, %swap3A_340], %swap3A_343 {strides = array<i32>} : memref<2x64xi32, #tpu.memory_space<vmem>>, vector<1x16xi32>,
    %jit3A_344 = arith.constant 0.000000e+00 : f32
    %broadcast_in_dim3A_345 = vector.broadcast %jit3A_344 : f32 to vector<16xf32>
    %select_n3A_346 = arith.select %and3A_320, %mul3A_165, %broadcast_in_dim3A_345 : vector<16xi1>, vector<16xf32>
    %swap3A_347 = arith.constant 0 : i32
    %swap3A_348 = arith.constant 3 : i32
    %swap3A_349 = arith.index_cast %swap3A_347 : i32 to index
    %swap3A_350 = arith.index_cast %swap3A_348 : i32 to index
    %swap3A_351 = arith.constant 0 : index
    %swap3A_352 = tpu.vector_load %arg13[%swap3A_349, %swap3A_350, %swap3A_351] {strides = array<i32>} : memref<2x4x16xf32, #tpu.memory_space<vmem>>, vector<1x1x16xf32>,
    %swap3A_353 = vector.shape_cast %swap3A_352 : vector<1x1x16xf32> to vector<16xf32>
    %swap3A_354 = vector.shape_cast %select_n3A_346 : vector<16xf32> to vector<1x1x16xf32>
    tpu.vector_store %arg13[%swap3A_349, %swap3A_350, %swap3A_351], %swap3A_354 {strides = array<i32>} : memref<2x4x16xf32, #tpu.memory_space<vmem>>, vector<1x1x16xf32>,
    %dma_start3A_355 = arith.constant 0 : i32
    %dma_start3A_356 = arith.constant 0 : i32
    %dma_start3A_357 = arith.constant 0 : i32
    %dma_start3A_358 = arith.constant 0 : i32
    %dma_start3A_359 = tpu.memref_slice %arg17[%dma_start3A_356, %dma_start3A_357, %dma_start3A_358] : memref<2x64x256xf32, #tpu.memory_space<vmem>> -> memref<1x64x256xf32, #tpu.memory_space<vmem>>
    %dma_start3A_360 = tpu.memref_squeeze %dma_start3A_359 : memref<1x64x256xf32, #tpu.memory_space<vmem>> -> memref<64x256xf32, #tpu.memory_space<vmem>>
    %dma_start3A_361 = arith.constant 0 : i32
    %dma_start3A_362 = tpu.memref_slice %arg14[%dma_start3A_355, %dma_start3A_361] : memref<2x64xi32, #tpu.memory_space<vmem>> -> memref<1x64xi32, #tpu.memory_space<vmem>>
    %dma_start3A_363 = tpu.memref_squeeze %dma_start3A_362 : memref<1x64xi32, #tpu.memory_space<vmem>> -> memref<64xi32, #tpu.memory_space<vmem>>
    %dma_start3A_364 = arith.constant 0 : i32
    %dma_start3A_365 = arith.constant 0 : i32
    %dma_start3A_366 = tpu.memref_slice %arg2[%dma_start3A_364, %dma_start3A_365] : memref<131072x256xf32, #tpu.memory_space<hbm>> -> memref<131072x256xf32, #tpu.memory_space<hbm>>
    tpu.enqueue_indirect_dma source(%dma_start3A_366 : memref<131072x256xf32, #tpu.memory_space<hbm>>) target(%dma_start3A_360 : memref<64x256xf32, #tpu.memory_space<vmem>>) offsets(%dma_start3A_363 : memref<64xi32, #tpu.memory_space<vmem>>) semaphore(%arg23 : memref<!tpu.dma_semaphore, #tpu.memory_space<semaphore_mem>>)
    %scan3A = arith.constant 0 : i32
    %scan3A_367 = arith.constant 20 : i32
    %scan3A_368 = arith.addi %scan3A, %scan3A_367 : i32
    %scan3A_369 = arith.constant 1 : i32
    scf.for %scan3A_425 = %scan3A to %scan3A_368 step %scan3A_369  : i32 {
      %mul3A_426 = arith.constant 2 : i32
      %mul3A_427 = arith.muli %mul3A_426, %scan3A_425 : i32
      %mul3A_428 = arith.constant 32 : i32
      %mul3A_429 = arith.muli %mul3A_428, %mul3A_427 : i32
      %add3A_430 = arith.addi %add3A, %mul3A_429 : i32
      %add3A_431 = arith.constant 32 : i32
      %add3A_432 = arith.addi %add3A_430, %add3A_431 : i32
      %lt3A_433 = arith.constant 1250 : i32
      %lt3A_434 = arith.cmpi slt, %add3A_430, %lt3A_433 : i32
      %convert_element_type3A_435 = arith.extui %lt3A_434 : i1 to i32
      %cond3A_436 = arith.constant 0 : i32
      %cond3A_437 = arith.cmpi ne, %convert_element_type3A_435, %cond3A_436 : i32
      scf.if %cond3A_437 {
        %mul3A_452 = arith.constant 16 : i32
        %mul3A_453 = arith.muli %add3A_430, %mul3A_452 : i32
        %multiple_of3A_454 = tpu.assume_multiple %mul3A_453, 16 : i32
        %gt3A_455 = arith.constant 0 : i32
        %gt3A_456 = arith.cmpi sgt, %mul3A_427, %gt3A_455 : i32
        %convert_element_type3A_457 = arith.extui %gt3A_456 : i1 to i32
        %cond3A_458 = arith.constant 0 : i32
        %cond3A_459 = arith.cmpi ne, %convert_element_type3A_457, %cond3A_458 : i32
        scf.if %cond3A_459 {
          %dma_wait3A_575 = arith.constant 0 : i32
          %dma_wait3A_576 = arith.constant 0 : i32
          %dma_wait3A_577 = arith.constant 0 : i32
          %dma_wait3A_578 = arith.constant 0 : i32
          %dma_wait3A_579 = tpu.memref_slice %arg15[%dma_wait3A_575, %dma_wait3A_577, %dma_wait3A_578] : memref<2x16x256xf32, #tpu.memory_space<vmem>> -> memref<1x16x256xf32, #tpu.memory_space<vmem>>
          %dma_wait3A_580 = tpu.memref_squeeze %dma_wait3A_579 : memref<1x16x256xf32, #tpu.memory_space<vmem>> -> memref<16x256xf32, #tpu.memory_space<vmem>>
          %dma_wait3A_581 = arith.constant 0 : i32
          %dma_wait3A_582 = tpu.memref_slice %arg8[%dma_wait3A_576, %multiple_of3A_454, %dma_wait3A_581] : memref<3x20000x256xf32, #tpu.memory_space<hbm>> -> memref<1x16x256xf32, #tpu.memory_space<hbm>>
          %dma_wait3A_583 = tpu.memref_squeeze %dma_wait3A_582 : memref<1x16x256xf32, #tpu.memory_space<hbm>> -> memref<16x256xf32, #tpu.memory_space<hbm>>
          %dma_wait3A_584 = arith.constant 0 : i32
          %dma_wait3A_585 = tpu.memref_slice %arg8[%dma_wait3A_576, %multiple_of3A_454, %dma_wait3A_584] : memref<3x20000x256xf32, #tpu.memory_space<hbm>> -> memref<1x16x256xf32, #tpu.memory_space<hbm>>
          %dma_wait3A_586 = tpu.memref_squeeze %dma_wait3A_585 : memref<1x16x256xf32, #tpu.memory_space<hbm>> -> memref<16x256xf32, #tpu.memory_space<hbm>>
          %dma_wait3A_587 = arith.constant 0 : i32
          %dma_wait3A_588 = arith.constant 0 : i32
          %dma_wait3A_589 = tpu.memref_slice %arg15[%dma_wait3A_575, %dma_wait3A_587, %dma_wait3A_588] : memref<2x16x256xf32, #tpu.memory_space<vmem>> -> memref<1x16x256xf32, #tpu.memory_space<vmem>>
          %dma_wait3A_590 = tpu.memref_squeeze %dma_wait3A_589 : memref<1x16x256xf32, #tpu.memory_space<vmem>> -> memref<16x256xf32, #tpu.memory_space<vmem>>
          tpu.wait_dma2 semaphore(%arg25 : memref<!tpu.dma_semaphore, #tpu.memory_space<semaphore_mem>>) src(%dma_wait3A_590 : memref<16x256xf32, #tpu.memory_space<vmem>>) dst(%dma_wait3A_586 : memref<16x256xf32, #tpu.memory_space<hbm>>)
          %dma_wait3A_591 = arith.constant 0 : i32
          %dma_wait3A_592 = arith.constant 1 : i32
          %dma_wait3A_593 = arith.constant 0 : i32
          %dma_wait3A_594 = arith.constant 0 : i32
          %dma_wait3A_595 = tpu.memref_slice %arg18[%dma_wait3A_591, %dma_wait3A_593, %dma_wait3A_594] : memref<2x16x256xf32, #tpu.memory_space<vmem>> -> memref<1x16x256xf32, #tpu.memory_space<vmem>>
          %dma_wait3A_596 = tpu.memref_squeeze %dma_wait3A_595 : memref<1x16x256xf32, #tpu.memory_space<vmem>> -> memref<16x256xf32, #tpu.memory_space<vmem>>
          %dma_wait3A_597 = arith.constant 0 : i32
          %dma_wait3A_598 = tpu.memref_slice %arg8[%dma_wait3A_592, %multiple_of3A_454, %dma_wait3A_597] : memref<3x20000x256xf32, #tpu.memory_space<hbm>> -> memref<1x16x256xf32, #tpu.memory_space<hbm>>
          %dma_wait3A_599 = tpu.memref_squeeze %dma_wait3A_598 : memref<1x16x256xf32, #tpu.memory_space<hbm>> -> memref<16x256xf32, #tpu.memory_space<hbm>>
          %dma_wait3A_600 = arith.constant 0 : i32
          %dma_wait3A_601 = tpu.memref_slice %arg8[%dma_wait3A_592, %multiple_of3A_454, %dma_wait3A_600] : memref<3x20000x256xf32, #tpu.memory_space<hbm>> -> memref<1x16x256xf32, #tpu.memory_space<hbm>>
          %dma_wait3A_602 = tpu.memref_squeeze %dma_wait3A_601 : memref<1x16x256xf32, #tpu.memory_space<hbm>> -> memref<16x256xf32, #tpu.memory_space<hbm>>
          %dma_wait3A_603 = arith.constant 0 : i32
          %dma_wait3A_604 = arith.constant 0 : i32
          %dma_wait3A_605 = tpu.memref_slice %arg18[%dma_wait3A_591, %dma_wait3A_603, %dma_wait3A_604] : memref<2x16x256xf32, #tpu.memory_space<vmem>> -> memref<1x16x256xf32, #tpu.memory_space<vmem>>
          %dma_wait3A_606 = tpu.memref_squeeze %dma_wait3A_605 : memref<1x16x256xf32, #tpu.memory_space<vmem>> -> memref<16x256xf32, #tpu.memory_space<vmem>>
          tpu.wait_dma2 semaphore(%arg25 : memref<!tpu.dma_semaphore, #tpu.memory_space<semaphore_mem>>) src(%dma_wait3A_606 : memref<16x256xf32, #tpu.memory_space<vmem>>) dst(%dma_wait3A_602 : memref<16x256xf32, #tpu.memory_space<hbm>>)
          %dma_wait3A_607 = arith.constant 0 : i32
          %dma_wait3A_608 = arith.constant 2 : i32
          %dma_wait3A_609 = arith.constant 0 : i32
          %dma_wait3A_610 = arith.constant 0 : i32
          %dma_wait3A_611 = tpu.memref_slice %arg16[%dma_wait3A_607, %dma_wait3A_609, %dma_wait3A_610] : memref<2x16x256xf32, #tpu.memory_space<vmem>> -> memref<1x16x256xf32, #tpu.memory_space<vmem>>
          %dma_wait3A_612 = tpu.memref_squeeze %dma_wait3A_611 : memref<1x16x256xf32, #tpu.memory_space<vmem>> -> memref<16x256xf32, #tpu.memory_space<vmem>>
          %dma_wait3A_613 = arith.constant 0 : i32
          %dma_wait3A_614 = tpu.memref_slice %arg8[%dma_wait3A_608, %multiple_of3A_454, %dma_wait3A_613] : memref<3x20000x256xf32, #tpu.memory_space<hbm>> -> memref<1x16x256xf32, #tpu.memory_space<hbm>>
          %dma_wait3A_615 = tpu.memref_squeeze %dma_wait3A_614 : memref<1x16x256xf32, #tpu.memory_space<hbm>> -> memref<16x256xf32, #tpu.memory_space<hbm>>
          %dma_wait3A_616 = arith.constant 0 : i32
          %dma_wait3A_617 = tpu.memref_slice %arg8[%dma_wait3A_608, %multiple_of3A_454, %dma_wait3A_616] : memref<3x20000x256xf32, #tpu.memory_space<hbm>> -> memref<1x16x256xf32, #tpu.memory_space<hbm>>
          %dma_wait3A_618 = tpu.memref_squeeze %dma_wait3A_617 : memref<1x16x256xf32, #tpu.memory_space<hbm>> -> memref<16x256xf32, #tpu.memory_space<hbm>>
          %dma_wait3A_619 = arith.constant 0 : i32
          %dma_wait3A_620 = arith.constant 0 : i32
          %dma_wait3A_621 = tpu.memref_slice %arg16[%dma_wait3A_607, %dma_wait3A_619, %dma_wait3A_620] : memref<2x16x256xf32, #tpu.memory_space<vmem>> -> memref<1x16x256xf32, #tpu.memory_space<vmem>>
          %dma_wait3A_622 = tpu.memref_squeeze %dma_wait3A_621 : memref<1x16x256xf32, #tpu.memory_space<vmem>> -> memref<16x256xf32, #tpu.memory_space<vmem>>
          tpu.wait_dma2 semaphore(%arg25 : memref<!tpu.dma_semaphore, #tpu.memory_space<semaphore_mem>>) src(%dma_wait3A_622 : memref<16x256xf32, #tpu.memory_space<vmem>>) dst(%dma_wait3A_618 : memref<16x256xf32, #tpu.memory_space<hbm>>)
        } else {
        }
        %lt3A_460 = arith.constant 1250 : i32
        %lt3A_461 = arith.cmpi slt, %add3A_432, %lt3A_460 : i32
        %convert_element_type3A_462 = arith.extui %lt3A_461 : i1 to i32
        %cond3A_463 = arith.constant 0 : i32
        %cond3A_464 = arith.cmpi ne, %convert_element_type3A_462, %cond3A_463 : i32
        scf.if %cond3A_464 {
          %dma_wait3A_575 = arith.constant 1 : i32
          %dma_wait3A_576 = arith.constant 0 : i32
          %dma_wait3A_577 = tpu.memref_slice %arg9[%dma_wait3A_575, %dma_wait3A_576] : memref<2x16xi32, #tpu.memory_space<vmem>> -> memref<1x16xi32, #tpu.memory_space<vmem>>
          %dma_wait3A_578 = tpu.memref_squeeze %dma_wait3A_577 : memref<1x16xi32, #tpu.memory_space<vmem>> -> memref<16xi32, #tpu.memory_space<vmem>>
          %dma_wait3A_579 = arith.constant 0 : i32
          %dma_wait3A_580 = tpu.memref_slice %arg6[%dma_wait3A_579] : memref<20000xi32, #tpu.memory_space<hbm>> -> memref<16xi32, #tpu.memory_space<hbm>>
          %dma_wait3A_581 = arith.constant 0 : i32
          %dma_wait3A_582 = tpu.memref_slice %arg9[%dma_wait3A_575, %dma_wait3A_581] : memref<2x16xi32, #tpu.memory_space<vmem>> -> memref<1x16xi32, #tpu.memory_space<vmem>>
          %dma_wait3A_583 = tpu.memref_squeeze %dma_wait3A_582 : memref<1x16xi32, #tpu.memory_space<vmem>> -> memref<16xi32, #tpu.memory_space<vmem>>
          %dma_wait3A_584 = arith.constant 0 : i32
          %dma_wait3A_585 = tpu.memref_slice %arg6[%dma_wait3A_584] : memref<20000xi32, #tpu.memory_space<hbm>> -> memref<16xi32, #tpu.memory_space<hbm>>
          tpu.wait_dma2 semaphore(%arg19 : memref<!tpu.dma_semaphore, #tpu.memory_space<semaphore_mem>>) src(%dma_wait3A_585 : memref<16xi32, #tpu.memory_space<hbm>>) dst(%dma_wait3A_583 : memref<16xi32, #tpu.memory_space<vmem>>)
          %dma_wait3A_586 = arith.constant 1 : i32
          %dma_wait3A_587 = arith.constant 0 : i32
          %dma_wait3A_588 = tpu.memref_slice %arg10[%dma_wait3A_586, %dma_wait3A_587] : memref<2x16xi32, #tpu.memory_space<vmem>> -> memref<1x16xi32, #tpu.memory_space<vmem>>
          %dma_wait3A_589 = tpu.memref_squeeze %dma_wait3A_588 : memref<1x16xi32, #tpu.memory_space<vmem>> -> memref<16xi32, #tpu.memory_space<vmem>>
          %dma_wait3A_590 = arith.constant 0 : i32
          %dma_wait3A_591 = tpu.memref_slice %arg7[%dma_wait3A_590] : memref<20000xi32, #tpu.memory_space<hbm>> -> memref<16xi32, #tpu.memory_space<hbm>>
          %dma_wait3A_592 = arith.constant 0 : i32
          %dma_wait3A_593 = tpu.memref_slice %arg10[%dma_wait3A_586, %dma_wait3A_592] : memref<2x16xi32, #tpu.memory_space<vmem>> -> memref<1x16xi32, #tpu.memory_space<vmem>>
          %dma_wait3A_594 = tpu.memref_squeeze %dma_wait3A_593 : memref<1x16xi32, #tpu.memory_space<vmem>> -> memref<16xi32, #tpu.memory_space<vmem>>
          %dma_wait3A_595 = arith.constant 0 : i32
          %dma_wait3A_596 = tpu.memref_slice %arg7[%dma_wait3A_595] : memref<20000xi32, #tpu.memory_space<hbm>> -> memref<16xi32, #tpu.memory_space<hbm>>
          tpu.wait_dma2 semaphore(%arg19 : memref<!tpu.dma_semaphore, #tpu.memory_space<semaphore_mem>>) src(%dma_wait3A_596 : memref<16xi32, #tpu.memory_space<hbm>>) dst(%dma_wait3A_594 : memref<16xi32, #tpu.memory_space<vmem>>)
          %get3A_597 = arith.constant 1 : i32
          %get3A_598 = arith.index_cast %get3A_597 : i32 to index
          %get3A_599 = arith.constant 0 : index
          %get3A_600 = tpu.vector_load %arg9[%get3A_598, %get3A_599] {strides = array<i32>} : memref<2x16xi32, #tpu.memory_space<vmem>>, vector<1x16xi32>,
          %get3A_601 = vector.shape_cast %get3A_600 : vector<1x16xi32> to vector<16xi32>
          %get3A_602 = arith.constant 1 : i32
          %get3A_603 = arith.index_cast %get3A_602 : i32 to index
          %get3A_604 = arith.constant 0 : index
          %get3A_605 = tpu.vector_load %arg10[%get3A_603, %get3A_604] {strides = array<i32>} : memref<2x16xi32, #tpu.memory_space<vmem>>, vector<1x16xi32>,
          %get3A_606 = vector.shape_cast %get3A_605 : vector<1x16xi32> to vector<16xi32>
          %mul3A_607 = arith.constant 4096 : i32
          %mul3A_608 = vector.broadcast %mul3A_607 : i32 to vector<16xi32>
          %mul3A_609 = arith.muli %get3A_601, %mul3A_608 : vector<16xi32>
          %add3A_610 = arith.addi %mul3A_609, %get3A_606 : vector<16xi32>
          %dma_start3A_611 = arith.constant 1 : i32
          %dma_start3A_612 = arith.constant 0 : i32
          %dma_start3A_613 = tpu.memref_slice %arg11[%dma_start3A_611, %dma_start3A_612] : memref<2x16xf32, #tpu.memory_space<vmem>> -> memref<1x16xf32, #tpu.memory_space<vmem>>
          %dma_start3A_614 = tpu.memref_squeeze %dma_start3A_613 : memref<1x16xf32, #tpu.memory_space<vmem>> -> memref<16xf32, #tpu.memory_space<vmem>>
          %dma_start3A_615 = arith.constant 0 : i32
          %dma_start3A_616 = tpu.memref_slice %arg4[%dma_start3A_615] : memref<131072xf32, #tpu.memory_space<hbm>> -> memref<131072xf32, #tpu.memory_space<hbm>>
          tpu.enqueue_indirect_dma source(%dma_start3A_616 : memref<131072xf32, #tpu.memory_space<hbm>>) target(%dma_start3A_614 : memref<16xf32, #tpu.memory_space<vmem>>) offsets(%add3A_610 : vector<16xi32>) semaphore(%arg20 : memref<!tpu.dma_semaphore, #tpu.memory_space<semaphore_mem>>)
          %dma_start3A_617 = arith.constant 1 : i32
          %dma_start3A_618 = arith.constant 0 : i32
          %dma_start3A_619 = tpu.memref_slice %arg12[%dma_start3A_617, %dma_start3A_618] : memref<2x16xf32, #tpu.memory_space<vmem>> -> memref<1x16xf32, #tpu.memory_space<vmem>>
          %dma_start3A_620 = tpu.memref_squeeze %dma_start3A_619 : memref<1x16xf32, #tpu.memory_space<vmem>> -> memref<16xf32, #tpu.memory_space<vmem>>
          %dma_start3A_621 = arith.constant 0 : i32
          %dma_start3A_622 = tpu.memref_slice %arg5[%dma_start3A_621] : memref<131072xf32, #tpu.memory_space<hbm>> -> memref<131072xf32, #tpu.memory_space<hbm>>
          tpu.enqueue_indirect_dma source(%dma_start3A_622 : memref<131072xf32, #tpu.memory_space<hbm>>) target(%dma_start3A_620 : memref<16xf32, #tpu.memory_space<vmem>>) offsets(%add3A_610 : vector<16xi32>) semaphore(%arg20 : memref<!tpu.dma_semaphore, #tpu.memory_space<semaphore_mem>>)
          %dma_start3A_623 = arith.constant 1 : i32
          %dma_start3A_624 = arith.constant 0 : i32
          %dma_start3A_625 = arith.constant 0 : i32
          %dma_start3A_626 = tpu.memref_slice %arg15[%dma_start3A_623, %dma_start3A_624, %dma_start3A_625] : memref<2x16x256xf32, #tpu.memory_space<vmem>> -> memref<1x16x256xf32, #tpu.memory_space<vmem>>
          %dma_start3A_627 = tpu.memref_squeeze %dma_start3A_626 : memref<1x16x256xf32, #tpu.memory_space<vmem>> -> memref<16x256xf32, #tpu.memory_space<vmem>>
          %dma_start3A_628 = arith.constant 0 : i32
          %dma_start3A_629 = arith.constant 0 : i32
          %dma_start3A_630 = tpu.memref_slice %arg2[%dma_start3A_628, %dma_start3A_629] : memref<131072x256xf32, #tpu.memory_space<hbm>> -> memref<131072x256xf32, #tpu.memory_space<hbm>>
          tpu.enqueue_indirect_dma source(%dma_start3A_630 : memref<131072x256xf32, #tpu.memory_space<hbm>>) target(%dma_start3A_627 : memref<16x256xf32, #tpu.memory_space<vmem>>) offsets(%add3A_610 : vector<16xi32>) semaphore(%arg22 : memref<!tpu.dma_semaphore, #tpu.memory_space<semaphore_mem>>)
          %dma_start3A_631 = arith.constant 1 : i32
          %dma_start3A_632 = arith.constant 0 : i32
          %dma_start3A_633 = arith.constant 0 : i32
          %dma_start3A_634 = tpu.memref_slice %arg16[%dma_start3A_631, %dma_start3A_632, %dma_start3A_633] : memref<2x16x256xf32, #tpu.memory_space<vmem>> -> memref<1x16x256xf32, #tpu.memory_space<vmem>>
          %dma_start3A_635 = tpu.memref_squeeze %dma_start3A_634 : memref<1x16x256xf32, #tpu.memory_space<vmem>> -> memref<16x256xf32, #tpu.memory_space<vmem>>
          %dma_start3A_636 = arith.constant 0 : i32
          %dma_start3A_637 = arith.constant 0 : i32
          %dma_start3A_638 = tpu.memref_slice %arg3[%dma_start3A_636, %dma_start3A_637] : memref<131072x256xf32, #tpu.memory_space<hbm>> -> memref<131072x256xf32, #tpu.memory_space<hbm>>
          tpu.enqueue_indirect_dma source(%dma_start3A_638 : memref<131072x256xf32, #tpu.memory_space<hbm>>) target(%dma_start3A_635 : memref<16x256xf32, #tpu.memory_space<vmem>>) offsets(%add3A_610 : vector<16xi32>) semaphore(%arg22 : memref<!tpu.dma_semaphore, #tpu.memory_space<semaphore_mem>>)
        } else {
        }
        %add3A_465 = arith.constant 32 : i32
        %add3A_466 = arith.addi %add3A_432, %add3A_465 : i32
        %lt3A_467 = arith.constant 1250 : i32
        %lt3A_468 = arith.cmpi slt, %add3A_466, %lt3A_467 : i32
        %convert_element_type3A_469 = arith.extui %lt3A_468 : i1 to i32
        %cond3A_470 = arith.constant 0 : i32
        %cond3A_471 = arith.cmpi ne, %convert_element_type3A_469, %cond3A_470 : i32
        scf.if %cond3A_471 {
          %add3A_575 = arith.constant 32 : i32
          %add3A_576 = arith.addi %add3A_432, %add3A_575 : i32
          %mul3A_577 = arith.constant 16 : i32
          %mul3A_578 = arith.muli %add3A_576, %mul3A_577 : i32
          %multiple_of3A_579 = tpu.assume_multiple %mul3A_578, 16 : i32
          %dma_start3A_580 = arith.constant 0 : i32
          %dma_start3A_581 = arith.constant 0 : i32
          %dma_start3A_582 = tpu.memref_slice %arg9[%dma_start3A_580, %dma_start3A_581] : memref<2x16xi32, #tpu.memory_space<vmem>> -> memref<1x16xi32, #tpu.memory_space<vmem>>
          %dma_start3A_583 = tpu.memref_squeeze %dma_start3A_582 : memref<1x16xi32, #tpu.memory_space<vmem>> -> memref<16xi32, #tpu.memory_space<vmem>>
          %dma_start3A_584 = tpu.memref_slice %arg6[%multiple_of3A_579] : memref<20000xi32, #tpu.memory_space<hbm>> -> memref<16xi32, #tpu.memory_space<hbm>>
          %dma_start3A_585 = arith.constant 0 : i32
          %dma_start3A_586 = tpu.memref_slice %arg9[%dma_start3A_580, %dma_start3A_585] : memref<2x16xi32, #tpu.memory_space<vmem>> -> memref<1x16xi32, #tpu.memory_space<vmem>>
          %dma_start3A_587 = tpu.memref_squeeze %dma_start3A_586 : memref<1x16xi32, #tpu.memory_space<vmem>> -> memref<16xi32, #tpu.memory_space<vmem>>
          %dma_start3A_588 = tpu.memref_slice %arg6[%multiple_of3A_579] : memref<20000xi32, #tpu.memory_space<hbm>> -> memref<16xi32, #tpu.memory_space<hbm>>
          tpu.enqueue_dma source(%dma_start3A_588 : memref<16xi32, #tpu.memory_space<hbm>>) target(%dma_start3A_587 : memref<16xi32, #tpu.memory_space<vmem>>) target_semaphore(%arg19 : memref<!tpu.dma_semaphore, #tpu.memory_space<semaphore_mem>>)
          %dma_start3A_589 = arith.constant 0 : i32
          %dma_start3A_590 = arith.constant 0 : i32
          %dma_start3A_591 = tpu.memref_slice %arg10[%dma_start3A_589, %dma_start3A_590] : memref<2x16xi32, #tpu.memory_space<vmem>> -> memref<1x16xi32, #tpu.memory_space<vmem>>
          %dma_start3A_592 = tpu.memref_squeeze %dma_start3A_591 : memref<1x16xi32, #tpu.memory_space<vmem>> -> memref<16xi32, #tpu.memory_space<vmem>>
          %dma_start3A_593 = tpu.memref_slice %arg7[%multiple_of3A_579] : memref<20000xi32, #tpu.memory_space<hbm>> -> memref<16xi32, #tpu.memory_space<hbm>>
          %dma_start3A_594 = arith.constant 0 : i32
          %dma_start3A_595 = tpu.memref_slice %arg10[%dma_start3A_589, %dma_start3A_594] : memref<2x16xi32, #tpu.memory_space<vmem>> -> memref<1x16xi32, #tpu.memory_space<vmem>>
          %dma_start3A_596 = tpu.memref_squeeze %dma_start3A_595 : memref<1x16xi32, #tpu.memory_space<vmem>> -> memref<16xi32, #tpu.memory_space<vmem>>
          %dma_start3A_597 = tpu.memref_slice %arg7[%multiple_of3A_579] : memref<20000xi32, #tpu.memory_space<hbm>> -> memref<16xi32, #tpu.memory_space<hbm>>
          tpu.enqueue_dma source(%dma_start3A_597 : memref<16xi32, #tpu.memory_space<hbm>>) target(%dma_start3A_596 : memref<16xi32, #tpu.memory_space<vmem>>) target_semaphore(%arg19 : memref<!tpu.dma_semaphore, #tpu.memory_space<semaphore_mem>>)
        } else {
        }
        %dma_wait3A_472 = arith.constant 0 : i32
        %dma_wait3A_473 = arith.constant 0 : i32
        %dma_wait3A_474 = arith.constant 0 : i32
        %dma_wait3A_475 = tpu.memref_slice %arg15[%dma_wait3A_472, %dma_wait3A_473, %dma_wait3A_474] : memref<2x16x256xf32, #tpu.memory_space<vmem>> -> memref<1x16x256xf32, #tpu.memory_space<vmem>>
        %dma_wait3A_476 = tpu.memref_squeeze %dma_wait3A_475 : memref<1x16x256xf32, #tpu.memory_space<vmem>> -> memref<16x256xf32, #tpu.memory_space<vmem>>
        %dma_wait3A_477 = arith.constant 0 : i32
        %dma_wait3A_478 = arith.constant 0 : i32
        %dma_wait3A_479 = tpu.memref_slice %arg2[%dma_wait3A_477, %dma_wait3A_478] : memref<131072x256xf32, #tpu.memory_space<hbm>> -> memref<16x256xf32, #tpu.memory_space<hbm>>
        %dma_wait3A_480 = arith.constant 0 : i32
        %dma_wait3A_481 = arith.constant 0 : i32
        %dma_wait3A_482 = tpu.memref_slice %arg15[%dma_wait3A_472, %dma_wait3A_480, %dma_wait3A_481] : memref<2x16x256xf32, #tpu.memory_space<vmem>> -> memref<1x16x256xf32, #tpu.memory_space<vmem>>
        %dma_wait3A_483 = tpu.memref_squeeze %dma_wait3A_482 : memref<1x16x256xf32, #tpu.memory_space<vmem>> -> memref<16x256xf32, #tpu.memory_space<vmem>>
        %dma_wait3A_484 = arith.constant 0 : i32
        %dma_wait3A_485 = arith.constant 0 : i32
        %dma_wait3A_486 = tpu.memref_slice %arg2[%dma_wait3A_484, %dma_wait3A_485] : memref<131072x256xf32, #tpu.memory_space<hbm>> -> memref<16x256xf32, #tpu.memory_space<hbm>>
        tpu.wait_dma2 semaphore(%arg21 : memref<!tpu.dma_semaphore, #tpu.memory_space<semaphore_mem>>) src(%dma_wait3A_486 : memref<16x256xf32, #tpu.memory_space<hbm>>) dst(%dma_wait3A_483 : memref<16x256xf32, #tpu.memory_space<vmem>>)
        %dma_wait3A_487 = arith.constant 0 : i32
        %dma_wait3A_488 = arith.constant 0 : i32
        %dma_wait3A_489 = arith.constant 0 : i32
        %dma_wait3A_490 = tpu.memref_slice %arg16[%dma_wait3A_487, %dma_wait3A_488, %dma_wait3A_489] : memref<2x16x256xf32, #tpu.memory_space<vmem>> -> memref<1x16x256xf32, #tpu.memory_space<vmem>>
        %dma_wait3A_491 = tpu.memref_squeeze %dma_wait3A_490 : memref<1x16x256xf32, #tpu.memory_space<vmem>> -> memref<16x256xf32, #tpu.memory_space<vmem>>
        %dma_wait3A_492 = arith.constant 0 : i32
        %dma_wait3A_493 = arith.constant 0 : i32
        %dma_wait3A_494 = tpu.memref_slice %arg3[%dma_wait3A_492, %dma_wait3A_493] : memref<131072x256xf32, #tpu.memory_space<hbm>> -> memref<16x256xf32, #tpu.memory_space<hbm>>
        %dma_wait3A_495 = arith.constant 0 : i32
        %dma_wait3A_496 = arith.constant 0 : i32
        %dma_wait3A_497 = tpu.memref_slice %arg16[%dma_wait3A_487, %dma_wait3A_495, %dma_wait3A_496] : memref<2x16x256xf32, #tpu.memory_space<vmem>> -> memref<1x16x256xf32, #tpu.memory_space<vmem>>
        %dma_wait3A_498 = tpu.memref_squeeze %dma_wait3A_497 : memref<1x16x256xf32, #tpu.memory_space<vmem>> -> memref<16x256xf32, #tpu.memory_space<vmem>>
        %dma_wait3A_499 = arith.constant 0 : i32
        %dma_wait3A_500 = arith.constant 0 : i32
        %dma_wait3A_501 = tpu.memref_slice %arg3[%dma_wait3A_499, %dma_wait3A_500] : memref<131072x256xf32, #tpu.memory_space<hbm>> -> memref<16x256xf32, #tpu.memory_space<hbm>>
        tpu.wait_dma2 semaphore(%arg21 : memref<!tpu.dma_semaphore, #tpu.memory_space<semaphore_mem>>) src(%dma_wait3A_501 : memref<16x256xf32, #tpu.memory_space<hbm>>) dst(%dma_wait3A_498 : memref<16x256xf32, #tpu.memory_space<vmem>>)
        %dma_start3A_502 = arith.constant 0 : i32
        %dma_start3A_503 = arith.constant 0 : i32
        %dma_start3A_504 = arith.constant 0 : i32
        %dma_start3A_505 = arith.constant 0 : i32
        %dma_start3A_506 = tpu.memref_slice %arg15[%dma_start3A_502, %dma_start3A_504, %dma_start3A_505] : memref<2x16x256xf32, #tpu.memory_space<vmem>> -> memref<1x16x256xf32, #tpu.memory_space<vmem>>
        %dma_start3A_507 = tpu.memref_squeeze %dma_start3A_506 : memref<1x16x256xf32, #tpu.memory_space<vmem>> -> memref<16x256xf32, #tpu.memory_space<vmem>>
        %dma_start3A_508 = arith.constant 0 : i32
        %dma_start3A_509 = tpu.memref_slice %arg8[%dma_start3A_503, %multiple_of3A_454, %dma_start3A_508] : memref<3x20000x256xf32, #tpu.memory_space<hbm>> -> memref<1x16x256xf32, #tpu.memory_space<hbm>>
        %dma_start3A_510 = tpu.memref_squeeze %dma_start3A_509 : memref<1x16x256xf32, #tpu.memory_space<hbm>> -> memref<16x256xf32, #tpu.memory_space<hbm>>
        %dma_start3A_511 = arith.constant 0 : i32
        %dma_start3A_512 = tpu.memref_slice %arg8[%dma_start3A_503, %multiple_of3A_454, %dma_start3A_511] : memref<3x20000x256xf32, #tpu.memory_space<hbm>> -> memref<1x16x256xf32, #tpu.memory_space<hbm>>
        %dma_start3A_513 = tpu.memref_squeeze %dma_start3A_512 : memref<1x16x256xf32, #tpu.memory_space<hbm>> -> memref<16x256xf32, #tpu.memory_space<hbm>>
        %dma_start3A_514 = arith.constant 0 : i32
        %dma_start3A_515 = arith.constant 0 : i32
        %dma_start3A_516 = tpu.memref_slice %arg15[%dma_start3A_502, %dma_start3A_514, %dma_start3A_515] : memref<2x16x256xf32, #tpu.memory_space<vmem>> -> memref<1x16x256xf32, #tpu.memory_space<vmem>>
        %dma_start3A_517 = tpu.memref_squeeze %dma_start3A_516 : memref<1x16x256xf32, #tpu.memory_space<vmem>> -> memref<16x256xf32, #tpu.memory_space<vmem>>
        tpu.enqueue_dma source(%dma_start3A_517 : memref<16x256xf32, #tpu.memory_space<vmem>>) target(%dma_start3A_513 : memref<16x256xf32, #tpu.memory_space<hbm>>) target_semaphore(%arg25 : memref<!tpu.dma_semaphore, #tpu.memory_space<semaphore_mem>>)
        %dma_start3A_518 = arith.constant 0 : i32
        %dma_start3A_519 = arith.constant 2 : i32
        %dma_start3A_520 = arith.constant 0 : i32
        %dma_start3A_521 = arith.constant 0 : i32
        %dma_start3A_522 = tpu.memref_slice %arg16[%dma_start3A_518, %dma_start3A_520, %dma_start3A_521] : memref<2x16x256xf32, #tpu.memory_space<vmem>> -> memref<1x16x256xf32, #tpu.memory_space<vmem>>
        %dma_start3A_523 = tpu.memref_squeeze %dma_start3A_522 : memref<1x16x256xf32, #tpu.memory_space<vmem>> -> memref<16x256xf32, #tpu.memory_space<vmem>>
        %dma_start3A_524 = arith.constant 0 : i32
        %dma_start3A_525 = tpu.memref_slice %arg8[%dma_start3A_519, %multiple_of3A_454, %dma_start3A_524] : memref<3x20000x256xf32, #tpu.memory_space<hbm>> -> memref<1x16x256xf32, #tpu.memory_space<hbm>>
        %dma_start3A_526 = tpu.memref_squeeze %dma_start3A_525 : memref<1x16x256xf32, #tpu.memory_space<hbm>> -> memref<16x256xf32, #tpu.memory_space<hbm>>
        %dma_start3A_527 = arith.constant 0 : i32
        %dma_start3A_528 = tpu.memref_slice %arg8[%dma_start3A_519, %multiple_of3A_454, %dma_start3A_527] : memref<3x20000x256xf32, #tpu.memory_space<hbm>> -> memref<1x16x256xf32, #tpu.memory_space<hbm>>
        %dma_start3A_529 = tpu.memref_squeeze %dma_start3A_528 : memref<1x16x256xf32, #tpu.memory_space<hbm>> -> memref<16x256xf32, #tpu.memory_space<hbm>>
        %dma_start3A_530 = arith.constant 0 : i32
        %dma_start3A_531 = arith.constant 0 : i32
        %dma_start3A_532 = tpu.memref_slice %arg16[%dma_start3A_518, %dma_start3A_530, %dma_start3A_531] : memref<2x16x256xf32, #tpu.memory_space<vmem>> -> memref<1x16x256xf32, #tpu.memory_space<vmem>>
        %dma_start3A_533 = tpu.memref_squeeze %dma_start3A_532 : memref<1x16x256xf32, #tpu.memory_space<vmem>> -> memref<16x256xf32, #tpu.memory_space<vmem>>
        tpu.enqueue_dma source(%dma_start3A_533 : memref<16x256xf32, #tpu.memory_space<vmem>>) target(%dma_start3A_529 : memref<16x256xf32, #tpu.memory_space<hbm>>) target_semaphore(%arg25 : memref<!tpu.dma_semaphore, #tpu.memory_space<semaphore_mem>>)
        %lt3A_534 = arith.constant 1250 : i32
        %lt3A_535 = arith.cmpi slt, %add3A_432, %lt3A_534 : i32
        %convert_element_type3A_536 = arith.extui %lt3A_535 : i1 to i32
        %cond3A_537 = arith.constant 0 : i32
        %cond3A_538 = arith.cmpi ne, %convert_element_type3A_536, %cond3A_537 : i32
        scf.if %cond3A_538 {
          %dma_wait3A_575 = arith.constant 1 : i32
          %dma_wait3A_576 = arith.constant 0 : i32
          %dma_wait3A_577 = tpu.memref_slice %arg11[%dma_wait3A_575, %dma_wait3A_576] : memref<2x16xf32, #tpu.memory_space<vmem>> -> memref<1x16xf32, #tpu.memory_space<vmem>>
          %dma_wait3A_578 = tpu.memref_squeeze %dma_wait3A_577 : memref<1x16xf32, #tpu.memory_space<vmem>> -> memref<16xf32, #tpu.memory_space<vmem>>
          %dma_wait3A_579 = arith.constant 0 : i32
          %dma_wait3A_580 = tpu.memref_slice %arg4[%dma_wait3A_579] : memref<131072xf32, #tpu.memory_space<hbm>> -> memref<16xf32, #tpu.memory_space<hbm>>
          %dma_wait3A_581 = arith.constant 0 : i32
          %dma_wait3A_582 = tpu.memref_slice %arg11[%dma_wait3A_575, %dma_wait3A_581] : memref<2x16xf32, #tpu.memory_space<vmem>> -> memref<1x16xf32, #tpu.memory_space<vmem>>
          %dma_wait3A_583 = tpu.memref_squeeze %dma_wait3A_582 : memref<1x16xf32, #tpu.memory_space<vmem>> -> memref<16xf32, #tpu.memory_space<vmem>>
          %dma_wait3A_584 = arith.constant 0 : i32
          %dma_wait3A_585 = tpu.memref_slice %arg4[%dma_wait3A_584] : memref<131072xf32, #tpu.memory_space<hbm>> -> memref<16xf32, #tpu.memory_space<hbm>>
          tpu.wait_dma2 semaphore(%arg20 : memref<!tpu.dma_semaphore, #tpu.memory_space<semaphore_mem>>) src(%dma_wait3A_585 : memref<16xf32, #tpu.memory_space<hbm>>) dst(%dma_wait3A_583 : memref<16xf32, #tpu.memory_space<vmem>>)
          %dma_wait3A_586 = arith.constant 1 : i32
          %dma_wait3A_587 = arith.constant 0 : i32
          %dma_wait3A_588 = tpu.memref_slice %arg12[%dma_wait3A_586, %dma_wait3A_587] : memref<2x16xf32, #tpu.memory_space<vmem>> -> memref<1x16xf32, #tpu.memory_space<vmem>>
          %dma_wait3A_589 = tpu.memref_squeeze %dma_wait3A_588 : memref<1x16xf32, #tpu.memory_space<vmem>> -> memref<16xf32, #tpu.memory_space<vmem>>
          %dma_wait3A_590 = arith.constant 0 : i32
          %dma_wait3A_591 = tpu.memref_slice %arg5[%dma_wait3A_590] : memref<131072xf32, #tpu.memory_space<hbm>> -> memref<16xf32, #tpu.memory_space<hbm>>
          %dma_wait3A_592 = arith.constant 0 : i32
          %dma_wait3A_593 = tpu.memref_slice %arg12[%dma_wait3A_586, %dma_wait3A_592] : memref<2x16xf32, #tpu.memory_space<vmem>> -> memref<1x16xf32, #tpu.memory_space<vmem>>
          %dma_wait3A_594 = tpu.memref_squeeze %dma_wait3A_593 : memref<1x16xf32, #tpu.memory_space<vmem>> -> memref<16xf32, #tpu.memory_space<vmem>>
          %dma_wait3A_595 = arith.constant 0 : i32
          %dma_wait3A_596 = tpu.memref_slice %arg5[%dma_wait3A_595] : memref<131072xf32, #tpu.memory_space<hbm>> -> memref<16xf32, #tpu.memory_space<hbm>>
          tpu.wait_dma2 semaphore(%arg20 : memref<!tpu.dma_semaphore, #tpu.memory_space<semaphore_mem>>) src(%dma_wait3A_596 : memref<16xf32, #tpu.memory_space<hbm>>) dst(%dma_wait3A_594 : memref<16xf32, #tpu.memory_space<vmem>>)
          %get3A_597 = arith.constant 1 : i32
          %get3A_598 = arith.index_cast %get3A_597 : i32 to index
          %get3A_599 = arith.constant 0 : index
          %get3A_600 = tpu.vector_load %arg10[%get3A_598, %get3A_599] {strides = array<i32>} : memref<2x16xi32, #tpu.memory_space<vmem>>, vector<1x16xi32>,
          %get3A_601 = vector.shape_cast %get3A_600 : vector<1x16xi32> to vector<16xi32>
          %get3A_602 = arith.constant 1 : i32
          %get3A_603 = arith.index_cast %get3A_602 : i32 to index
          %get3A_604 = arith.constant 0 : index
          %get3A_605 = tpu.vector_load %arg9[%get3A_603, %get3A_604] {strides = array<i32>} : memref<2x16xi32, #tpu.memory_space<vmem>>, vector<1x16xi32>,
          %get3A_606 = vector.shape_cast %get3A_605 : vector<1x16xi32> to vector<16xi32>
          %mul3A_607 = arith.constant 4096 : i32
          %mul3A_608 = vector.broadcast %mul3A_607 : i32 to vector<16xi32>
          %mul3A_609 = arith.muli %get3A_606, %mul3A_608 : vector<16xi32>
          %shift_right_logical3A_610 = arith.constant 6 : i32
          %shift_right_logical3A_611 = vector.broadcast %shift_right_logical3A_610 : i32 to vector<16xi32>
          %shift_right_logical3A_612 = arith.shrui %get3A_601, %shift_right_logical3A_611 : vector<16xi32>
          %and3A_613 = arith.constant 63 : i32
          %and3A_614 = vector.broadcast %and3A_613 : i32 to vector<16xi32>
          %and3A_615 = arith.andi %get3A_601, %and3A_614 : vector<16xi32>
          %convert_element_type3A_616 = arith.sitofp %shift_right_logical3A_612 : vector<16xi32> to vector<16xf32>
          %get3A_617 = arith.constant 1 : i32
          %get3A_618 = arith.index_cast %get3A_617 : i32 to index
          %get3A_619 = arith.constant 0 : index
          %get3A_620 = tpu.vector_load %arg11[%get3A_618, %get3A_619] {strides = array<i32>} : memref<2x16xf32, #tpu.memory_space<vmem>>, vector<1x16xf32>,
          %get3A_621 = vector.shape_cast %get3A_620 : vector<1x16xf32> to vector<16xf32>
          %add3A_622 = arith.addf %convert_element_type3A_616, %get3A_621 : vector<16xf32>
          %convert_element_type3A_623 = arith.sitofp %and3A_615 : vector<16xi32> to vector<16xf32>
          %get3A_624 = arith.constant 1 : i32
          %get3A_625 = arith.index_cast %get3A_624 : i32 to index
          %get3A_626 = arith.constant 0 : index
          %get3A_627 = tpu.vector_load %arg12[%get3A_625, %get3A_626] {strides = array<i32>} : memref<2x16xf32, #tpu.memory_space<vmem>>, vector<1x16xf32>,
          %get3A_628 = vector.shape_cast %get3A_627 : vector<1x16xf32> to vector<16xf32>
          %add3A_629 = arith.addf %convert_element_type3A_623, %get3A_628 : vector<16xf32>
          %convert_element_type3A_630 = arith.fptosi %add3A_629 : vector<16xf32> to vector<16xi32>
          %convert_element_type3A_631 = arith.sitofp %convert_element_type3A_630 : vector<16xi32> to vector<16xf32>
          %gt3A_632 = arith.cmpf ogt, %convert_element_type3A_631, %add3A_629 : vector<16xf32>
          %sub3A_633 = arith.constant 1 : i32
          %sub3A_634 = vector.broadcast %sub3A_633 : i32 to vector<16xi32>
          %sub3A_635 = arith.subi %convert_element_type3A_630, %sub3A_634 : vector<16xi32>
          %select_n3A_636 = arith.select %gt3A_632, %sub3A_635, %convert_element_type3A_630 : vector<16xi1>, vector<16xi32>
          %convert_element_type3A_637 = arith.fptosi %add3A_622 : vector<16xf32> to vector<16xi32>
          %convert_element_type3A_638 = arith.sitofp %convert_element_type3A_637 : vector<16xi32> to vector<16xf32>
          %gt3A_639 = arith.cmpf ogt, %convert_element_type3A_638, %add3A_622 : vector<16xf32>
          %sub3A_640 = arith.constant 1 : i32
          %sub3A_641 = vector.broadcast %sub3A_640 : i32 to vector<16xi32>
          %sub3A_642 = arith.subi %convert_element_type3A_637, %sub3A_641 : vector<16xi32>
          %select_n3A_643 = arith.select %gt3A_639, %sub3A_642, %convert_element_type3A_637 : vector<16xi1>, vector<16xi32>
          %add3A_644 = arith.constant 1 : i32
          %add3A_645 = vector.broadcast %add3A_644 : i32 to vector<16xi32>
          %add3A_646 = arith.addi %select_n3A_636, %add3A_645 : vector<16xi32>
          %add3A_647 = arith.constant 1 : i32
          %add3A_648 = vector.broadcast %add3A_647 : i32 to vector<16xi32>
          %add3A_649 = arith.addi %select_n3A_643, %add3A_648 : vector<16xi32>
          %convert_element_type3A_650 = arith.sitofp %select_n3A_636 : vector<16xi32> to vector<16xf32>
          %sub3A_651 = arith.subf %add3A_629, %convert_element_type3A_650 : vector<16xf32>
          %sub3A_652 = arith.constant 1.000000e+00 : f32
          %sub3A_653 = vector.broadcast %sub3A_652 : f32 to vector<16xf32>
          %sub3A_654 = arith.subf %sub3A_653, %sub3A_651 : vector<16xf32>
          %convert_element_type3A_655 = arith.sitofp %select_n3A_643 : vector<16xi32> to vector<16xf32>
          %sub3A_656 = arith.subf %add3A_622, %convert_element_type3A_655 : vector<16xf32>
          %sub3A_657 = arith.constant 1.000000e+00 : f32
          %sub3A_658 = vector.broadcast %sub3A_657 : f32 to vector<16xf32>
          %sub3A_659 = arith.subf %sub3A_658, %sub3A_656 : vector<16xf32>
          %mul3A_660 = arith.mulf %sub3A_659, %sub3A_654 : vector<16xf32>
          %mul3A_661 = arith.mulf %sub3A_659, %sub3A_651 : vector<16xf32>
          %mul3A_662 = arith.mulf %sub3A_656, %sub3A_654 : vector<16xf32>
          %mul3A_663 = arith.mulf %sub3A_656, %sub3A_651 : vector<16xf32>
          %ge3A_664 = arith.constant 0 : i32
          %ge3A_665 = vector.broadcast %ge3A_664 : i32 to vector<16xi32>
          %ge3A_666 = arith.cmpi sge, %select_n3A_636, %ge3A_665 : vector<16xi32>
          %le3A_667 = arith.constant 63 : i32
          %le3A_668 = vector.broadcast %le3A_667 : i32 to vector<16xi32>
          %le3A_669 = arith.cmpi sle, %select_n3A_636, %le3A_668 : vector<16xi32>
          %and3A_670 = arith.andi %ge3A_666, %le3A_669 : vector<16xi1>
          %ge3A_671 = arith.constant 0 : i32
          %ge3A_672 = vector.broadcast %ge3A_671 : i32 to vector<16xi32>
          %ge3A_673 = arith.cmpi sge, %select_n3A_643, %ge3A_672 : vector<16xi32>
          %and3A_674 = arith.andi %and3A_670, %ge3A_673 : vector<16xi1>
          %le3A_675 = arith.constant 63 : i32
          %le3A_676 = vector.broadcast %le3A_675 : i32 to vector<16xi32>
          %le3A_677 = arith.cmpi sle, %select_n3A_643, %le3A_676 : vector<16xi32>
          %and3A_678 = arith.andi %and3A_674, %le3A_677 : vector<16xi1>
          %max3A_679 = arith.constant 0 : i32
          %max3A_680 = vector.broadcast %max3A_679 : i32 to vector<16xi32>
          %max3A_681 = arith.maxsi %select_n3A_636, %max3A_680 : vector<16xi32>
          %min3A_682 = arith.constant 63 : i32
          %min3A_683 = vector.broadcast %min3A_682 : i32 to vector<16xi32>
          %min3A_684 = arith.minsi %max3A_681, %min3A_683 : vector<16xi32>
          %max3A_685 = arith.constant 0 : i32
          %max3A_686 = vector.broadcast %max3A_685 : i32 to vector<16xi32>
          %max3A_687 = arith.maxsi %select_n3A_643, %max3A_686 : vector<16xi32>
          %min3A_688 = arith.constant 63 : i32
          %min3A_689 = vector.broadcast %min3A_688 : i32 to vector<16xi32>
          %min3A_690 = arith.minsi %max3A_687, %min3A_689 : vector<16xi32>
          %mul3A_691 = arith.constant 64 : i32
          %mul3A_692 = vector.broadcast %mul3A_691 : i32 to vector<16xi32>
          %mul3A_693 = arith.muli %min3A_690, %mul3A_692 : vector<16xi32>
          %add3A_694 = arith.addi %mul3A_609, %mul3A_693 : vector<16xi32>
          %add3A_695 = arith.addi %add3A_694, %min3A_684 : vector<16xi32>
          %swap3A_696 = arith.constant 1 : i32
          %swap3A_697 = arith.index_cast %swap3A_696 : i32 to index
          %swap3A_698 = arith.constant 0 : index
          %swap3A_699 = tpu.vector_load %arg14[%swap3A_697, %swap3A_698] {strides = array<i32>} : memref<2x64xi32, #tpu.memory_space<vmem>>, vector<1x16xi32>,
          %swap3A_700 = vector.shape_cast %swap3A_699 : vector<1x16xi32> to vector<16xi32>
          %swap3A_701 = vector.shape_cast %add3A_695 : vector<16xi32> to vector<1x16xi32>
          tpu.vector_store %arg14[%swap3A_697, %swap3A_698], %swap3A_701 {strides = array<i32>} : memref<2x64xi32, #tpu.memory_space<vmem>>, vector<1x16xi32>,
          %jit3A_702 = arith.constant 0.000000e+00 : f32
          %broadcast_in_dim3A_703 = vector.broadcast %jit3A_702 : f32 to vector<16xf32>
          %select_n3A_704 = arith.select %and3A_678, %mul3A_660, %broadcast_in_dim3A_703 : vector<16xi1>, vector<16xf32>
          %swap3A_705 = arith.constant 1 : i32
          %swap3A_706 = arith.constant 0 : i32
          %swap3A_707 = arith.index_cast %swap3A_705 : i32 to index
          %swap3A_708 = arith.index_cast %swap3A_706 : i32 to index
          %swap3A_709 = arith.constant 0 : index
          %swap3A_710 = tpu.vector_load %arg13[%swap3A_707, %swap3A_708, %swap3A_709] {strides = array<i32>} : memref<2x4x16xf32, #tpu.memory_space<vmem>>, vector<1x1x16xf32>,
          %swap3A_711 = vector.shape_cast %swap3A_710 : vector<1x1x16xf32> to vector<16xf32>
          %swap3A_712 = vector.shape_cast %select_n3A_704 : vector<16xf32> to vector<1x1x16xf32>
          tpu.vector_store %arg13[%swap3A_707, %swap3A_708, %swap3A_709], %swap3A_712 {strides = array<i32>} : memref<2x4x16xf32, #tpu.memory_space<vmem>>, vector<1x1x16xf32>,
          %ge3A_713 = arith.constant 0 : i32
          %ge3A_714 = vector.broadcast %ge3A_713 : i32 to vector<16xi32>
          %ge3A_715 = arith.cmpi sge, %add3A_646, %ge3A_714 : vector<16xi32>
          %le3A_716 = arith.constant 63 : i32
          %le3A_717 = vector.broadcast %le3A_716 : i32 to vector<16xi32>
          %le3A_718 = arith.cmpi sle, %add3A_646, %le3A_717 : vector<16xi32>
          %and3A_719 = arith.andi %ge3A_715, %le3A_718 : vector<16xi1>
          %ge3A_720 = arith.constant 0 : i32
          %ge3A_721 = vector.broadcast %ge3A_720 : i32 to vector<16xi32>
          %ge3A_722 = arith.cmpi sge, %select_n3A_643, %ge3A_721 : vector<16xi32>
          %and3A_723 = arith.andi %and3A_719, %ge3A_722 : vector<16xi1>
          %le3A_724 = arith.constant 63 : i32
          %le3A_725 = vector.broadcast %le3A_724 : i32 to vector<16xi32>
          %le3A_726 = arith.cmpi sle, %select_n3A_643, %le3A_725 : vector<16xi32>
          %and3A_727 = arith.andi %and3A_723, %le3A_726 : vector<16xi1>
          %max3A_728 = arith.constant 0 : i32
          %max3A_729 = vector.broadcast %max3A_728 : i32 to vector<16xi32>
          %max3A_730 = arith.maxsi %add3A_646, %max3A_729 : vector<16xi32>
          %min3A_731 = arith.constant 63 : i32
          %min3A_732 = vector.broadcast %min3A_731 : i32 to vector<16xi32>
          %min3A_733 = arith.minsi %max3A_730, %min3A_732 : vector<16xi32>
          %max3A_734 = arith.constant 0 : i32
          %max3A_735 = vector.broadcast %max3A_734 : i32 to vector<16xi32>
          %max3A_736 = arith.maxsi %select_n3A_643, %max3A_735 : vector<16xi32>
          %min3A_737 = arith.constant 63 : i32
          %min3A_738 = vector.broadcast %min3A_737 : i32 to vector<16xi32>
          %min3A_739 = arith.minsi %max3A_736, %min3A_738 : vector<16xi32>
          %mul3A_740 = arith.constant 64 : i32
          %mul3A_741 = vector.broadcast %mul3A_740 : i32 to vector<16xi32>
          %mul3A_742 = arith.muli %min3A_739, %mul3A_741 : vector<16xi32>
          %add3A_743 = arith.addi %mul3A_609, %mul3A_742 : vector<16xi32>
          %add3A_744 = arith.addi %add3A_743, %min3A_733 : vector<16xi32>
          %swap3A_745 = arith.constant 1 : i32
          %swap3A_746 = arith.index_cast %swap3A_745 : i32 to index
          %swap3A_747 = arith.constant 16 : index
          %swap3A_748 = tpu.vector_load %arg14[%swap3A_746, %swap3A_747] {strides = array<i32>} : memref<2x64xi32, #tpu.memory_space<vmem>>, vector<1x16xi32>,
          %swap3A_749 = vector.shape_cast %swap3A_748 : vector<1x16xi32> to vector<16xi32>
          %swap3A_750 = vector.shape_cast %add3A_744 : vector<16xi32> to vector<1x16xi32>
          tpu.vector_store %arg14[%swap3A_746, %swap3A_747], %swap3A_750 {strides = array<i32>} : memref<2x64xi32, #tpu.memory_space<vmem>>, vector<1x16xi32>,
          %jit3A_751 = arith.constant 0.000000e+00 : f32
          %broadcast_in_dim3A_752 = vector.broadcast %jit3A_751 : f32 to vector<16xf32>
          %select_n3A_753 = arith.select %and3A_727, %mul3A_661, %broadcast_in_dim3A_752 : vector<16xi1>, vector<16xf32>
          %swap3A_754 = arith.constant 1 : i32
          %swap3A_755 = arith.constant 1 : i32
          %swap3A_756 = arith.index_cast %swap3A_754 : i32 to index
          %swap3A_757 = arith.index_cast %swap3A_755 : i32 to index
          %swap3A_758 = arith.constant 0 : index
          %swap3A_759 = tpu.vector_load %arg13[%swap3A_756, %swap3A_757, %swap3A_758] {strides = array<i32>} : memref<2x4x16xf32, #tpu.memory_space<vmem>>, vector<1x1x16xf32>,
          %swap3A_760 = vector.shape_cast %swap3A_759 : vector<1x1x16xf32> to vector<16xf32>
          %swap3A_761 = vector.shape_cast %select_n3A_753 : vector<16xf32> to vector<1x1x16xf32>
          tpu.vector_store %arg13[%swap3A_756, %swap3A_757, %swap3A_758], %swap3A_761 {strides = array<i32>} : memref<2x4x16xf32, #tpu.memory_space<vmem>>, vector<1x1x16xf32>,
          %ge3A_762 = arith.constant 0 : i32
          %ge3A_763 = vector.broadcast %ge3A_762 : i32 to vector<16xi32>
          %ge3A_764 = arith.cmpi sge, %select_n3A_636, %ge3A_763 : vector<16xi32>
          %le3A_765 = arith.constant 63 : i32
          %le3A_766 = vector.broadcast %le3A_765 : i32 to vector<16xi32>
          %le3A_767 = arith.cmpi sle, %select_n3A_636, %le3A_766 : vector<16xi32>
          %and3A_768 = arith.andi %ge3A_764, %le3A_767 : vector<16xi1>
          %ge3A_769 = arith.constant 0 : i32
          %ge3A_770 = vector.broadcast %ge3A_769 : i32 to vector<16xi32>
          %ge3A_771 = arith.cmpi sge, %add3A_649, %ge3A_770 : vector<16xi32>
          %and3A_772 = arith.andi %and3A_768, %ge3A_771 : vector<16xi1>
          %le3A_773 = arith.constant 63 : i32
          %le3A_774 = vector.broadcast %le3A_773 : i32 to vector<16xi32>
          %le3A_775 = arith.cmpi sle, %add3A_649, %le3A_774 : vector<16xi32>
          %and3A_776 = arith.andi %and3A_772, %le3A_775 : vector<16xi1>
          %max3A_777 = arith.constant 0 : i32
          %max3A_778 = vector.broadcast %max3A_777 : i32 to vector<16xi32>
          %max3A_779 = arith.maxsi %select_n3A_636, %max3A_778 : vector<16xi32>
          %min3A_780 = arith.constant 63 : i32
          %min3A_781 = vector.broadcast %min3A_780 : i32 to vector<16xi32>
          %min3A_782 = arith.minsi %max3A_779, %min3A_781 : vector<16xi32>
          %max3A_783 = arith.constant 0 : i32
          %max3A_784 = vector.broadcast %max3A_783 : i32 to vector<16xi32>
          %max3A_785 = arith.maxsi %add3A_649, %max3A_784 : vector<16xi32>
          %min3A_786 = arith.constant 63 : i32
          %min3A_787 = vector.broadcast %min3A_786 : i32 to vector<16xi32>
          %min3A_788 = arith.minsi %max3A_785, %min3A_787 : vector<16xi32>
          %mul3A_789 = arith.constant 64 : i32
          %mul3A_790 = vector.broadcast %mul3A_789 : i32 to vector<16xi32>
          %mul3A_791 = arith.muli %min3A_788, %mul3A_790 : vector<16xi32>
          %add3A_792 = arith.addi %mul3A_609, %mul3A_791 : vector<16xi32>
          %add3A_793 = arith.addi %add3A_792, %min3A_782 : vector<16xi32>
          %swap3A_794 = arith.constant 1 : i32
          %swap3A_795 = arith.index_cast %swap3A_794 : i32 to index
          %swap3A_796 = arith.constant 32 : index
          %swap3A_797 = tpu.vector_load %arg14[%swap3A_795, %swap3A_796] {strides = array<i32>} : memref<2x64xi32, #tpu.memory_space<vmem>>, vector<1x16xi32>,
          %swap3A_798 = vector.shape_cast %swap3A_797 : vector<1x16xi32> to vector<16xi32>
          %swap3A_799 = vector.shape_cast %add3A_793 : vector<16xi32> to vector<1x16xi32>
          tpu.vector_store %arg14[%swap3A_795, %swap3A_796], %swap3A_799 {strides = array<i32>} : memref<2x64xi32, #tpu.memory_space<vmem>>, vector<1x16xi32>,
          %jit3A_800 = arith.constant 0.000000e+00 : f32
          %broadcast_in_dim3A_801 = vector.broadcast %jit3A_800 : f32 to vector<16xf32>
          %select_n3A_802 = arith.select %and3A_776, %mul3A_662, %broadcast_in_dim3A_801 : vector<16xi1>, vector<16xf32>
          %swap3A_803 = arith.constant 1 : i32
          %swap3A_804 = arith.constant 2 : i32
          %swap3A_805 = arith.index_cast %swap3A_803 : i32 to index
          %swap3A_806 = arith.index_cast %swap3A_804 : i32 to index
          %swap3A_807 = arith.constant 0 : index
          %swap3A_808 = tpu.vector_load %arg13[%swap3A_805, %swap3A_806, %swap3A_807] {strides = array<i32>} : memref<2x4x16xf32, #tpu.memory_space<vmem>>, vector<1x1x16xf32>,
          %swap3A_809 = vector.shape_cast %swap3A_808 : vector<1x1x16xf32> to vector<16xf32>
          %swap3A_810 = vector.shape_cast %select_n3A_802 : vector<16xf32> to vector<1x1x16xf32>
          tpu.vector_store %arg13[%swap3A_805, %swap3A_806, %swap3A_807], %swap3A_810 {strides = array<i32>} : memref<2x4x16xf32, #tpu.memory_space<vmem>>, vector<1x1x16xf32>,
          %ge3A_811 = arith.constant 0 : i32
          %ge3A_812 = vector.broadcast %ge3A_811 : i32 to vector<16xi32>
          %ge3A_813 = arith.cmpi sge, %add3A_646, %ge3A_812 : vector<16xi32>
          %le3A_814 = arith.constant 63 : i32
          %le3A_815 = vector.broadcast %le3A_814 : i32 to vector<16xi32>
          %le3A_816 = arith.cmpi sle, %add3A_646, %le3A_815 : vector<16xi32>
          %and3A_817 = arith.andi %ge3A_813, %le3A_816 : vector<16xi1>
          %ge3A_818 = arith.constant 0 : i32
          %ge3A_819 = vector.broadcast %ge3A_818 : i32 to vector<16xi32>
          %ge3A_820 = arith.cmpi sge, %add3A_649, %ge3A_819 : vector<16xi32>
          %and3A_821 = arith.andi %and3A_817, %ge3A_820 : vector<16xi1>
          %le3A_822 = arith.constant 63 : i32
          %le3A_823 = vector.broadcast %le3A_822 : i32 to vector<16xi32>
          %le3A_824 = arith.cmpi sle, %add3A_649, %le3A_823 : vector<16xi32>
          %and3A_825 = arith.andi %and3A_821, %le3A_824 : vector<16xi1>
          %max3A_826 = arith.constant 0 : i32
          %max3A_827 = vector.broadcast %max3A_826 : i32 to vector<16xi32>
          %max3A_828 = arith.maxsi %add3A_646, %max3A_827 : vector<16xi32>
          %min3A_829 = arith.constant 63 : i32
          %min3A_830 = vector.broadcast %min3A_829 : i32 to vector<16xi32>
          %min3A_831 = arith.minsi %max3A_828, %min3A_830 : vector<16xi32>
          %max3A_832 = arith.constant 0 : i32
          %max3A_833 = vector.broadcast %max3A_832 : i32 to vector<16xi32>
          %max3A_834 = arith.maxsi %add3A_649, %max3A_833 : vector<16xi32>
          %min3A_835 = arith.constant 63 : i32
          %min3A_836 = vector.broadcast %min3A_835 : i32 to vector<16xi32>
          %min3A_837 = arith.minsi %max3A_834, %min3A_836 : vector<16xi32>
          %mul3A_838 = arith.constant 64 : i32
          %mul3A_839 = vector.broadcast %mul3A_838 : i32 to vector<16xi32>
          %mul3A_840 = arith.muli %min3A_837, %mul3A_839 : vector<16xi32>
          %add3A_841 = arith.addi %mul3A_609, %mul3A_840 : vector<16xi32>
          %add3A_842 = arith.addi %add3A_841, %min3A_831 : vector<16xi32>
          %swap3A_843 = arith.constant 1 : i32
          %swap3A_844 = arith.index_cast %swap3A_843 : i32 to index
          %swap3A_845 = arith.constant 48 : index
          %swap3A_846 = tpu.vector_load %arg14[%swap3A_844, %swap3A_845] {strides = array<i32>} : memref<2x64xi32, #tpu.memory_space<vmem>>, vector<1x16xi32>,
          %swap3A_847 = vector.shape_cast %swap3A_846 : vector<1x16xi32> to vector<16xi32>
          %swap3A_848 = vector.shape_cast %add3A_842 : vector<16xi32> to vector<1x16xi32>
          tpu.vector_store %arg14[%swap3A_844, %swap3A_845], %swap3A_848 {strides = array<i32>} : memref<2x64xi32, #tpu.memory_space<vmem>>, vector<1x16xi32>,
          %jit3A_849 = arith.constant 0.000000e+00 : f32
          %broadcast_in_dim3A_850 = vector.broadcast %jit3A_849 : f32 to vector<16xf32>
          %select_n3A_851 = arith.select %and3A_825, %mul3A_663, %broadcast_in_dim3A_850 : vector<16xi1>, vector<16xf32>
          %swap3A_852 = arith.constant 1 : i32
          %swap3A_853 = arith.constant 3 : i32
          %swap3A_854 = arith.index_cast %swap3A_852 : i32 to index
          %swap3A_855 = arith.index_cast %swap3A_853 : i32 to index
          %swap3A_856 = arith.constant 0 : index
          %swap3A_857 = tpu.vector_load %arg13[%swap3A_854, %swap3A_855, %swap3A_856] {strides = array<i32>} : memref<2x4x16xf32, #tpu.memory_space<vmem>>, vector<1x1x16xf32>,
          %swap3A_858 = vector.shape_cast %swap3A_857 : vector<1x1x16xf32> to vector<16xf32>
          %swap3A_859 = vector.shape_cast %select_n3A_851 : vector<16xf32> to vector<1x1x16xf32>
          tpu.vector_store %arg13[%swap3A_854, %swap3A_855, %swap3A_856], %swap3A_859 {strides = array<i32>} : memref<2x4x16xf32, #tpu.memory_space<vmem>>, vector<1x1x16xf32>,
          %dma_start3A_860 = arith.constant 1 : i32
          %dma_start3A_861 = arith.constant 1 : i32
          %dma_start3A_862 = arith.constant 0 : i32
          %dma_start3A_863 = arith.constant 0 : i32
          %dma_start3A_864 = tpu.memref_slice %arg17[%dma_start3A_861, %dma_start3A_862, %dma_start3A_863] : memref<2x64x256xf32, #tpu.memory_space<vmem>> -> memref<1x64x256xf32, #tpu.memory_space<vmem>>
          %dma_start3A_865 = tpu.memref_squeeze %dma_start3A_864 : memref<1x64x256xf32, #tpu.memory_space<vmem>> -> memref<64x256xf32, #tpu.memory_space<vmem>>
          %dma_start3A_866 = arith.constant 0 : i32
          %dma_start3A_867 = tpu.memref_slice %arg14[%dma_start3A_860, %dma_start3A_866] : memref<2x64xi32, #tpu.memory_space<vmem>> -> memref<1x64xi32, #tpu.memory_space<vmem>>
          %dma_start3A_868 = tpu.memref_squeeze %dma_start3A_867 : memref<1x64xi32, #tpu.memory_space<vmem>> -> memref<64xi32, #tpu.memory_space<vmem>>
          %dma_start3A_869 = arith.constant 0 : i32
          %dma_start3A_870 = arith.constant 0 : i32
          %dma_start3A_871 = tpu.memref_slice %arg2[%dma_start3A_869, %dma_start3A_870] : memref<131072x256xf32, #tpu.memory_space<hbm>> -> memref<131072x256xf32, #tpu.memory_space<hbm>>
          tpu.enqueue_indirect_dma source(%dma_start3A_871 : memref<131072x256xf32, #tpu.memory_space<hbm>>) target(%dma_start3A_865 : memref<64x256xf32, #tpu.memory_space<vmem>>) offsets(%dma_start3A_868 : memref<64xi32, #tpu.memory_space<vmem>>) semaphore(%arg24 : memref<!tpu.dma_semaphore, #tpu.memory_space<semaphore_mem>>)
        } else {
        }
        %dma_wait3A_539 = arith.constant 0 : i32
        %dma_wait3A_540 = arith.constant 0 : i32
        %dma_wait3A_541 = arith.constant 0 : i32
        %dma_wait3A_542 = tpu.memref_slice %arg17[%dma_wait3A_539, %dma_wait3A_540, %dma_wait3A_541] : memref<2x64x256xf32, #tpu.memory_space<vmem>> -> memref<1x64x256xf32, #tpu.memory_space<vmem>>
        %dma_wait3A_543 = tpu.memref_squeeze %dma_wait3A_542 : memref<1x64x256xf32, #tpu.memory_space<vmem>> -> memref<64x256xf32, #tpu.memory_space<vmem>>
        %dma_wait3A_544 = arith.constant 0 : i32
        %dma_wait3A_545 = arith.constant 0 : i32
        %dma_wait3A_546 = tpu.memref_slice %arg2[%dma_wait3A_544, %dma_wait3A_545] : memref<131072x256xf32, #tpu.memory_space<hbm>> -> memref<64x256xf32, #tpu.memory_space<hbm>>
        %dma_wait3A_547 = arith.constant 0 : i32
        %dma_wait3A_548 = arith.constant 0 : i32
        %dma_wait3A_549 = tpu.memref_slice %arg17[%dma_wait3A_539, %dma_wait3A_547, %dma_wait3A_548] : memref<2x64x256xf32, #tpu.memory_space<vmem>> -> memref<1x64x256xf32, #tpu.memory_space<vmem>>
        %dma_wait3A_550 = tpu.memref_squeeze %dma_wait3A_549 : memref<1x64x256xf32, #tpu.memory_space<vmem>> -> memref<64x256xf32, #tpu.memory_space<vmem>>
        %dma_wait3A_551 = arith.constant 0 : i32
        %dma_wait3A_552 = arith.constant 0 : i32
        %dma_wait3A_553 = tpu.memref_slice %arg2[%dma_wait3A_551, %dma_wait3A_552] : memref<131072x256xf32, #tpu.memory_space<hbm>> -> memref<64x256xf32, #tpu.memory_space<hbm>>
        tpu.wait_dma2 semaphore(%arg23 : memref<!tpu.dma_semaphore, #tpu.memory_space<semaphore_mem>>) src(%dma_wait3A_553 : memref<64x256xf32, #tpu.memory_space<hbm>>) dst(%dma_wait3A_550 : memref<64x256xf32, #tpu.memory_space<vmem>>)
        %scan3A_554 = arith.constant 0 : i32
        %scan3A_555 = arith.constant 16 : i32
        %scan3A_556 = arith.addi %scan3A_554, %scan3A_555 : i32
        %scan3A_557 = arith.constant 1 : i32
        scf.for %scan3A_575 = %scan3A_554 to %scan3A_556 step %scan3A_557  : i32 {
          %broadcast_in_dim3A_576 = vector.broadcast %scan3A_575 : i32 to vector<16xi32>
          %get3A_577 = arith.constant 0 : i32
          %get3A_578 = arith.constant 0 : i32
          %get3A_579 = arith.index_cast %get3A_577 : i32 to index
          %get3A_580 = arith.index_cast %get3A_578 : i32 to index
          %get3A_581 = arith.constant 0 : index
          %get3A_582 = tpu.vector_load %arg13[%get3A_579, %get3A_580, %get3A_581] {strides = array<i32>} : memref<2x4x16xf32, #tpu.memory_space<vmem>>, vector<1x1x16xf32>,
          %get3A_583 = vector.shape_cast %get3A_582 : vector<1x1x16xf32> to vector<16xf32>
          %broadcast_in_dim3A_584 = vector.shape_cast %broadcast_in_dim3A_576 : vector<16xi32> to vector<16x1xi32>
          %gather3A = vector.shape_cast %broadcast_in_dim3A_584 : vector<16x1xi32> to vector<16xi32>
          %gather3A_585 = tpu.dynamic_gather %get3A_583[%gather3A] in [0] : vector<16xf32>, vector<16xi32> -> vector<16xf32>
          %get3A_586 = arith.constant 0 : i32
          %get3A_587 = arith.constant 1 : i32
          %get3A_588 = arith.index_cast %get3A_586 : i32 to index
          %get3A_589 = arith.index_cast %get3A_587 : i32 to index
          %get3A_590 = arith.constant 0 : index
          %get3A_591 = tpu.vector_load %arg13[%get3A_588, %get3A_589, %get3A_590] {strides = array<i32>} : memref<2x4x16xf32, #tpu.memory_space<vmem>>, vector<1x1x16xf32>,
          %get3A_592 = vector.shape_cast %get3A_591 : vector<1x1x16xf32> to vector<16xf32>
          %broadcast_in_dim3A_593 = vector.shape_cast %broadcast_in_dim3A_576 : vector<16xi32> to vector<16x1xi32>
          %gather3A_594 = vector.shape_cast %broadcast_in_dim3A_593 : vector<16x1xi32> to vector<16xi32>
          %gather3A_595 = tpu.dynamic_gather %get3A_592[%gather3A_594] in [0] : vector<16xf32>, vector<16xi32> -> vector<16xf32>
          %get3A_596 = arith.constant 0 : i32
          %get3A_597 = arith.constant 2 : i32
          %get3A_598 = arith.index_cast %get3A_596 : i32 to index
          %get3A_599 = arith.index_cast %get3A_597 : i32 to index
          %get3A_600 = arith.constant 0 : index
          %get3A_601 = tpu.vector_load %arg13[%get3A_598, %get3A_599, %get3A_600] {strides = array<i32>} : memref<2x4x16xf32, #tpu.memory_space<vmem>>, vector<1x1x16xf32>,
          %get3A_602 = vector.shape_cast %get3A_601 : vector<1x1x16xf32> to vector<16xf32>
          %broadcast_in_dim3A_603 = vector.shape_cast %broadcast_in_dim3A_576 : vector<16xi32> to vector<16x1xi32>
          %gather3A_604 = vector.shape_cast %broadcast_in_dim3A_603 : vector<16x1xi32> to vector<16xi32>
          %gather3A_605 = tpu.dynamic_gather %get3A_602[%gather3A_604] in [0] : vector<16xf32>, vector<16xi32> -> vector<16xf32>
          %get3A_606 = arith.constant 0 : i32
          %get3A_607 = arith.constant 3 : i32
          %get3A_608 = arith.index_cast %get3A_606 : i32 to index
          %get3A_609 = arith.index_cast %get3A_607 : i32 to index
          %get3A_610 = arith.constant 0 : index
          %get3A_611 = tpu.vector_load %arg13[%get3A_608, %get3A_609, %get3A_610] {strides = array<i32>} : memref<2x4x16xf32, #tpu.memory_space<vmem>>, vector<1x1x16xf32>,
          %get3A_612 = vector.shape_cast %get3A_611 : vector<1x1x16xf32> to vector<16xf32>
          %broadcast_in_dim3A_613 = vector.shape_cast %broadcast_in_dim3A_576 : vector<16xi32> to vector<16x1xi32>
          %gather3A_614 = vector.shape_cast %broadcast_in_dim3A_613 : vector<16x1xi32> to vector<16xi32>
          %gather3A_615 = tpu.dynamic_gather %get3A_612[%gather3A_614] in [0] : vector<16xf32>, vector<16xi32> -> vector<16xf32>
          %get3A_616 = arith.constant 0 : i32
          %get3A_617 = arith.index_cast %get3A_616 : i32 to index
          %get3A_618 = arith.index_cast %scan3A_575 : i32 to index
          %get3A_619 = arith.constant 0 : index
          %get3A_620 = tpu.vector_load %arg17[%get3A_617, %get3A_618, %get3A_619] {strides = array<i32>} : memref<2x64x256xf32, #tpu.memory_space<vmem>>, vector<1x1x16xf32>,
          %get3A_621 = vector.shape_cast %get3A_620 : vector<1x1x16xf32> to vector<16xf32>
          %mul3A_622 = arith.mulf %gather3A_585, %get3A_621 : vector<16xf32>
          %add3A_623 = arith.constant 16 : i32
          %add3A_624 = arith.addi %add3A_623, %scan3A_575 : i32
          %get3A_625 = arith.constant 0 : i32
          %get3A_626 = arith.index_cast %get3A_625 : i32 to index
          %get3A_627 = arith.index_cast %add3A_624 : i32 to index
          %get3A_628 = arith.constant 0 : index
          %get3A_629 = tpu.vector_load %arg17[%get3A_626, %get3A_627, %get3A_628] {strides = array<i32>} : memref<2x64x256xf32, #tpu.memory_space<vmem>>, vector<1x1x16xf32>,
          %get3A_630 = vector.shape_cast %get3A_629 : vector<1x1x16xf32> to vector<16xf32>
          %mul3A_631 = arith.mulf %gather3A_595, %get3A_630 : vector<16xf32>
          %add3A_632 = arith.addf %mul3A_622, %mul3A_631 : vector<16xf32>
          %add3A_633 = arith.constant 32 : i32
          %add3A_634 = arith.addi %add3A_633, %scan3A_575 : i32
          %get3A_635 = arith.constant 0 : i32
          %get3A_636 = arith.index_cast %get3A_635 : i32 to index
          %get3A_637 = arith.index_cast %add3A_634 : i32 to index
          %get3A_638 = arith.constant 0 : index
          %get3A_639 = tpu.vector_load %arg17[%get3A_636, %get3A_637, %get3A_638] {strides = array<i32>} : memref<2x64x256xf32, #tpu.memory_space<vmem>>, vector<1x1x16xf32>,
          %get3A_640 = vector.shape_cast %get3A_639 : vector<1x1x16xf32> to vector<16xf32>
          %mul3A_641 = arith.mulf %gather3A_605, %get3A_640 : vector<16xf32>
          %add3A_642 = arith.addf %add3A_632, %mul3A_641 : vector<16xf32>
          %add3A_643 = arith.constant 48 : i32
          %add3A_644 = arith.addi %add3A_643, %scan3A_575 : i32
          %get3A_645 = arith.constant 0 : i32
          %get3A_646 = arith.index_cast %get3A_645 : i32 to index
          %get3A_647 = arith.index_cast %add3A_644 : i32 to index
          %get3A_648 = arith.constant 0 : index
          %get3A_649 = tpu.vector_load %arg17[%get3A_646, %get3A_647, %get3A_648] {strides = array<i32>} : memref<2x64x256xf32, #tpu.memory_space<vmem>>, vector<1x1x16xf32>,
          %get3A_650 = vector.shape_cast %get3A_649 : vector<1x1x16xf32> to vector<16xf32>
          %mul3A_651 = arith.mulf %gather3A_615, %get3A_650 : vector<16xf32>
          %add3A_652 = arith.addf %add3A_642, %mul3A_651 : vector<16xf32>
          %swap3A_653 = arith.constant 0 : i32
          %swap3A_654 = arith.index_cast %swap3A_653 : i32 to index
          %swap3A_655 = arith.index_cast %scan3A_575 : i32 to index
          %swap3A_656 = arith.constant 0 : index
          %swap3A_657 = tpu.vector_load %arg18[%swap3A_654, %swap3A_655, %swap3A_656] {strides = array<i32>} : memref<2x16x256xf32, #tpu.memory_space<vmem>>, vector<1x1x16xf32>,
          %swap3A_658 = vector.shape_cast %swap3A_657 : vector<1x1x16xf32> to vector<16xf32>
          %swap3A_659 = vector.shape_cast %add3A_652 : vector<16xf32> to vector<1x1x16xf32>
          tpu.vector_store %arg18[%swap3A_654, %swap3A_655, %swap3A_656], %swap3A_659 {strides = array<i32>} : memref<2x16x256xf32, #tpu.memory_space<vmem>>, vector<1x1x16xf32>,
          %get3A_660 = arith.constant 0 : i32
          %get3A_661 = arith.index_cast %get3A_660 : i32 to index
          %get3A_662 = arith.index_cast %scan3A_575 : i32 to index
          %get3A_663 = arith.constant 16 : index
          %get3A_664 = tpu.vector_load %arg17[%get3A_661, %get3A_662, %get3A_663] {strides = array<i32>} : memref<2x64x256xf32, #tpu.memory_space<vmem>>, vector<1x1x16xf32>,
          %get3A_665 = vector.shape_cast %get3A_664 : vector<1x1x16xf32> to vector<16xf32>
          %mul3A_666 = arith.mulf %gather3A_585, %get3A_665 : vector<16xf32>
          %add3A_667 = arith.constant 16 : i32
          %add3A_668 = arith.addi %add3A_667, %scan3A_575 : i32
          %get3A_669 = arith.constant 0 : i32
          %get3A_670 = arith.index_cast %get3A_669 : i32 to index
          %get3A_671 = arith.index_cast %add3A_668 : i32 to index
          %get3A_672 = arith.constant 16 : index
          %get3A_673 = tpu.vector_load %arg17[%get3A_670, %get3A_671, %get3A_672] {strides = array<i32>} : memref<2x64x256xf32, #tpu.memory_space<vmem>>, vector<1x1x16xf32>,
          %get3A_674 = vector.shape_cast %get3A_673 : vector<1x1x16xf32> to vector<16xf32>
          %mul3A_675 = arith.mulf %gather3A_595, %get3A_674 : vector<16xf32>
          %add3A_676 = arith.addf %mul3A_666, %mul3A_675 : vector<16xf32>
          %add3A_677 = arith.constant 32 : i32
          %add3A_678 = arith.addi %add3A_677, %scan3A_575 : i32
          %get3A_679 = arith.constant 0 : i32
          %get3A_680 = arith.index_cast %get3A_679 : i32 to index
          %get3A_681 = arith.index_cast %add3A_678 : i32 to index
          %get3A_682 = arith.constant 16 : index
          %get3A_683 = tpu.vector_load %arg17[%get3A_680, %get3A_681, %get3A_682] {strides = array<i32>} : memref<2x64x256xf32, #tpu.memory_space<vmem>>, vector<1x1x16xf32>,
          %get3A_684 = vector.shape_cast %get3A_683 : vector<1x1x16xf32> to vector<16xf32>
          %mul3A_685 = arith.mulf %gather3A_605, %get3A_684 : vector<16xf32>
          %add3A_686 = arith.addf %add3A_676, %mul3A_685 : vector<16xf32>
          %add3A_687 = arith.constant 48 : i32
          %add3A_688 = arith.addi %add3A_687, %scan3A_575 : i32
          %get3A_689 = arith.constant 0 : i32
          %get3A_690 = arith.index_cast %get3A_689 : i32 to index
          %get3A_691 = arith.index_cast %add3A_688 : i32 to index
          %get3A_692 = arith.constant 16 : index
          %get3A_693 = tpu.vector_load %arg17[%get3A_690, %get3A_691, %get3A_692] {strides = array<i32>} : memref<2x64x256xf32, #tpu.memory_space<vmem>>, vector<1x1x16xf32>,
          %get3A_694 = vector.shape_cast %get3A_693 : vector<1x1x16xf32> to vector<16xf32>
          %mul3A_695 = arith.mulf %gather3A_615, %get3A_694 : vector<16xf32>
          %add3A_696 = arith.addf %add3A_686, %mul3A_695 : vector<16xf32>
          %swap3A_697 = arith.constant 0 : i32
          %swap3A_698 = arith.index_cast %swap3A_697 : i32 to index
          %swap3A_699 = arith.index_cast %scan3A_575 : i32 to index
          %swap3A_700 = arith.constant 16 : index
          %swap3A_701 = tpu.vector_load %arg18[%swap3A_698, %swap3A_699, %swap3A_700] {strides = array<i32>} : memref<2x16x256xf32, #tpu.memory_space<vmem>>, vector<1x1x16xf32>,
          %swap3A_702 = vector.shape_cast %swap3A_701 : vector<1x1x16xf32> to vector<16xf32>
          %swap3A_703 = vector.shape_cast %add3A_696 : vector<16xf32> to vector<1x1x16xf32>
          tpu.vector_store %arg18[%swap3A_698, %swap3A_699, %swap3A_700], %swap3A_703 {strides = array<i32>} : memref<2x16x256xf32, #tpu.memory_space<vmem>>, vector<1x1x16xf32>,
          %get3A_704 = arith.constant 0 : i32
          %get3A_705 = arith.index_cast %get3A_704 : i32 to index
          %get3A_706 = arith.index_cast %scan3A_575 : i32 to index
          %get3A_707 = arith.constant 32 : index
          %get3A_708 = tpu.vector_load %arg17[%get3A_705, %get3A_706, %get3A_707] {strides = array<i32>} : memref<2x64x256xf32, #tpu.memory_space<vmem>>, vector<1x1x16xf32>,
          %get3A_709 = vector.shape_cast %get3A_708 : vector<1x1x16xf32> to vector<16xf32>
          %mul3A_710 = arith.mulf %gather3A_585, %get3A_709 : vector<16xf32>
          %add3A_711 = arith.constant 16 : i32
          %add3A_712 = arith.addi %add3A_711, %scan3A_575 : i32
          %get3A_713 = arith.constant 0 : i32
          %get3A_714 = arith.index_cast %get3A_713 : i32 to index
          %get3A_715 = arith.index_cast %add3A_712 : i32 to index
          %get3A_716 = arith.constant 32 : index
          %get3A_717 = tpu.vector_load %arg17[%get3A_714, %get3A_715, %get3A_716] {strides = array<i32>} : memref<2x64x256xf32, #tpu.memory_space<vmem>>, vector<1x1x16xf32>,
          %get3A_718 = vector.shape_cast %get3A_717 : vector<1x1x16xf32> to vector<16xf32>
          %mul3A_719 = arith.mulf %gather3A_595, %get3A_718 : vector<16xf32>
          %add3A_720 = arith.addf %mul3A_710, %mul3A_719 : vector<16xf32>
          %add3A_721 = arith.constant 32 : i32
          %add3A_722 = arith.addi %add3A_721, %scan3A_575 : i32
          %get3A_723 = arith.constant 0 : i32
          %get3A_724 = arith.index_cast %get3A_723 : i32 to index
          %get3A_725 = arith.index_cast %add3A_722 : i32 to index
          %get3A_726 = arith.constant 32 : index
          %get3A_727 = tpu.vector_load %arg17[%get3A_724, %get3A_725, %get3A_726] {strides = array<i32>} : memref<2x64x256xf32, #tpu.memory_space<vmem>>, vector<1x1x16xf32>,
          %get3A_728 = vector.shape_cast %get3A_727 : vector<1x1x16xf32> to vector<16xf32>
          %mul3A_729 = arith.mulf %gather3A_605, %get3A_728 : vector<16xf32>
          %add3A_730 = arith.addf %add3A_720, %mul3A_729 : vector<16xf32>
          %add3A_731 = arith.constant 48 : i32
          %add3A_732 = arith.addi %add3A_731, %scan3A_575 : i32
          %get3A_733 = arith.constant 0 : i32
          %get3A_734 = arith.index_cast %get3A_733 : i32 to index
          %get3A_735 = arith.index_cast %add3A_732 : i32 to index
          %get3A_736 = arith.constant 32 : index
          %get3A_737 = tpu.vector_load %arg17[%get3A_734, %get3A_735, %get3A_736] {strides = array<i32>} : memref<2x64x256xf32, #tpu.memory_space<vmem>>, vector<1x1x16xf32>,
          %get3A_738 = vector.shape_cast %get3A_737 : vector<1x1x16xf32> to vector<16xf32>
          %mul3A_739 = arith.mulf %gather3A_615, %get3A_738 : vector<16xf32>
          %add3A_740 = arith.addf %add3A_730, %mul3A_739 : vector<16xf32>
          %swap3A_741 = arith.constant 0 : i32
          %swap3A_742 = arith.index_cast %swap3A_741 : i32 to index
          %swap3A_743 = arith.index_cast %scan3A_575 : i32 to index
          %swap3A_744 = arith.constant 32 : index
          %swap3A_745 = tpu.vector_load %arg18[%swap3A_742, %swap3A_743, %swap3A_744] {strides = array<i32>} : memref<2x16x256xf32, #tpu.memory_space<vmem>>, vector<1x1x16xf32>,
          %swap3A_746 = vector.shape_cast %swap3A_745 : vector<1x1x16xf32> to vector<16xf32>
          %swap3A_747 = vector.shape_cast %add3A_740 : vector<16xf32> to vector<1x1x16xf32>
          tpu.vector_store %arg18[%swap3A_742, %swap3A_743, %swap3A_744], %swap3A_747 {strides = array<i32>} : memref<2x16x256xf32, #tpu.memory_space<vmem>>, vector<1x1x16xf32>,
          %get3A_748 = arith.constant 0 : i32
          %get3A_749 = arith.index_cast %get3A_748 : i32 to index
          %get3A_750 = arith.index_cast %scan3A_575 : i32 to index
          %get3A_751 = arith.constant 48 : index
          %get3A_752 = tpu.vector_load %arg17[%get3A_749, %get3A_750, %get3A_751] {strides = array<i32>} : memref<2x64x256xf32, #tpu.memory_space<vmem>>, vector<1x1x16xf32>,
          %get3A_753 = vector.shape_cast %get3A_752 : vector<1x1x16xf32> to vector<16xf32>
          %mul3A_754 = arith.mulf %gather3A_585, %get3A_753 : vector<16xf32>
          %add3A_755 = arith.constant 16 : i32
          %add3A_756 = arith.addi %add3A_755, %scan3A_575 : i32
          %get3A_757 = arith.constant 0 : i32
          %get3A_758 = arith.index_cast %get3A_757 : i32 to index
          %get3A_759 = arith.index_cast %add3A_756 : i32 to index
          %get3A_760 = arith.constant 48 : index
          %get3A_761 = tpu.vector_load %arg17[%get3A_758, %get3A_759, %get3A_760] {strides = array<i32>} : memref<2x64x256xf32, #tpu.memory_space<vmem>>, vector<1x1x16xf32>,
          %get3A_762 = vector.shape_cast %get3A_761 : vector<1x1x16xf32> to vector<16xf32>
          %mul3A_763 = arith.mulf %gather3A_595, %get3A_762 : vector<16xf32>
          %add3A_764 = arith.addf %mul3A_754, %mul3A_763 : vector<16xf32>
          %add3A_765 = arith.constant 32 : i32
          %add3A_766 = arith.addi %add3A_765, %scan3A_575 : i32
          %get3A_767 = arith.constant 0 : i32
          %get3A_768 = arith.index_cast %get3A_767 : i32 to index
          %get3A_769 = arith.index_cast %add3A_766 : i32 to index
          %get3A_770 = arith.constant 48 : index
          %get3A_771 = tpu.vector_load %arg17[%get3A_768, %get3A_769, %get3A_770] {strides = array<i32>} : memref<2x64x256xf32, #tpu.memory_space<vmem>>, vector<1x1x16xf32>,
          %get3A_772 = vector.shape_cast %get3A_771 : vector<1x1x16xf32> to vector<16xf32>
          %mul3A_773 = arith.mulf %gather3A_605, %get3A_772 : vector<16xf32>
          %add3A_774 = arith.addf %add3A_764, %mul3A_773 : vector<16xf32>
          %add3A_775 = arith.constant 48 : i32
          %add3A_776 = arith.addi %add3A_775, %scan3A_575 : i32
          %get3A_777 = arith.constant 0 : i32
          %get3A_778 = arith.index_cast %get3A_777 : i32 to index
          %get3A_779 = arith.index_cast %add3A_776 : i32 to index
          %get3A_780 = arith.constant 48 : index
          %get3A_781 = tpu.vector_load %arg17[%get3A_778, %get3A_779, %get3A_780] {strides = array<i32>} : memref<2x64x256xf32, #tpu.memory_space<vmem>>, vector<1x1x16xf32>,
          %get3A_782 = vector.shape_cast %get3A_781 : vector<1x1x16xf32> to vector<16xf32>
          %mul3A_783 = arith.mulf %gather3A_615, %get3A_782 : vector<16xf32>
          %add3A_784 = arith.addf %add3A_774, %mul3A_783 : vector<16xf32>
          %swap3A_785 = arith.constant 0 : i32
          %swap3A_786 = arith.index_cast %swap3A_785 : i32 to index
          %swap3A_787 = arith.index_cast %scan3A_575 : i32 to index
          %swap3A_788 = arith.constant 48 : index
          %swap3A_789 = tpu.vector_load %arg18[%swap3A_786, %swap3A_787, %swap3A_788] {strides = array<i32>} : memref<2x16x256xf32, #tpu.memory_space<vmem>>, vector<1x1x16xf32>,
          %swap3A_790 = vector.shape_cast %swap3A_789 : vector<1x1x16xf32> to vector<16xf32>
          %swap3A_791 = vector.shape_cast %add3A_784 : vector<16xf32> to vector<1x1x16xf32>
          tpu.vector_store %arg18[%swap3A_786, %swap3A_787, %swap3A_788], %swap3A_791 {strides = array<i32>} : memref<2x16x256xf32, #tpu.memory_space<vmem>>, vector<1x1x16xf32>,
          %get3A_792 = arith.constant 0 : i32
          %get3A_793 = arith.index_cast %get3A_792 : i32 to index
          %get3A_794 = arith.index_cast %scan3A_575 : i32 to index
          %get3A_795 = arith.constant 64 : index
          %get3A_796 = tpu.vector_load %arg17[%get3A_793, %get3A_794, %get3A_795] {strides = array<i32>} : memref<2x64x256xf32, #tpu.memory_space<vmem>>, vector<1x1x16xf32>,
          %get3A_797 = vector.shape_cast %get3A_796 : vector<1x1x16xf32> to vector<16xf32>
          %mul3A_798 = arith.mulf %gather3A_585, %get3A_797 : vector<16xf32>
          %add3A_799 = arith.constant 16 : i32
          %add3A_800 = arith.addi %add3A_799, %scan3A_575 : i32
          %get3A_801 = arith.constant 0 : i32
          %get3A_802 = arith.index_cast %get3A_801 : i32 to index
          %get3A_803 = arith.index_cast %add3A_800 : i32 to index
          %get3A_804 = arith.constant 64 : index
          %get3A_805 = tpu.vector_load %arg17[%get3A_802, %get3A_803, %get3A_804] {strides = array<i32>} : memref<2x64x256xf32, #tpu.memory_space<vmem>>, vector<1x1x16xf32>,
          %get3A_806 = vector.shape_cast %get3A_805 : vector<1x1x16xf32> to vector<16xf32>
          %mul3A_807 = arith.mulf %gather3A_595, %get3A_806 : vector<16xf32>
          %add3A_808 = arith.addf %mul3A_798, %mul3A_807 : vector<16xf32>
          %add3A_809 = arith.constant 32 : i32
          %add3A_810 = arith.addi %add3A_809, %scan3A_575 : i32
          %get3A_811 = arith.constant 0 : i32
          %get3A_812 = arith.index_cast %get3A_811 : i32 to index
          %get3A_813 = arith.index_cast %add3A_810 : i32 to index
          %get3A_814 = arith.constant 64 : index
          %get3A_815 = tpu.vector_load %arg17[%get3A_812, %get3A_813, %get3A_814] {strides = array<i32>} : memref<2x64x256xf32, #tpu.memory_space<vmem>>, vector<1x1x16xf32>,
          %get3A_816 = vector.shape_cast %get3A_815 : vector<1x1x16xf32> to vector<16xf32>
          %mul3A_817 = arith.mulf %gather3A_605, %get3A_816 : vector<16xf32>
          %add3A_818 = arith.addf %add3A_808, %mul3A_817 : vector<16xf32>
          %add3A_819 = arith.constant 48 : i32
          %add3A_820 = arith.addi %add3A_819, %scan3A_575 : i32
          %get3A_821 = arith.constant 0 : i32
          %get3A_822 = arith.index_cast %get3A_821 : i32 to index
          %get3A_823 = arith.index_cast %add3A_820 : i32 to index
          %get3A_824 = arith.constant 64 : index
          %get3A_825 = tpu.vector_load %arg17[%get3A_822, %get3A_823, %get3A_824] {strides = array<i32>} : memref<2x64x256xf32, #tpu.memory_space<vmem>>, vector<1x1x16xf32>,
          %get3A_826 = vector.shape_cast %get3A_825 : vector<1x1x16xf32> to vector<16xf32>
          %mul3A_827 = arith.mulf %gather3A_615, %get3A_826 : vector<16xf32>
          %add3A_828 = arith.addf %add3A_818, %mul3A_827 : vector<16xf32>
          %swap3A_829 = arith.constant 0 : i32
          %swap3A_830 = arith.index_cast %swap3A_829 : i32 to index
          %swap3A_831 = arith.index_cast %scan3A_575 : i32 to index
          %swap3A_832 = arith.constant 64 : index
          %swap3A_833 = tpu.vector_load %arg18[%swap3A_830, %swap3A_831, %swap3A_832] {strides = array<i32>} : memref<2x16x256xf32, #tpu.memory_space<vmem>>, vector<1x1x16xf32>,
          %swap3A_834 = vector.shape_cast %swap3A_833 : vector<1x1x16xf32> to vector<16xf32>
          %swap3A_835 = vector.shape_cast %add3A_828 : vector<16xf32> to vector<1x1x16xf32>
          tpu.vector_store %arg18[%swap3A_830, %swap3A_831, %swap3A_832], %swap3A_835 {strides = array<i32>} : memref<2x16x256xf32, #tpu.memory_space<vmem>>, vector<1x1x16xf32>,
          %get3A_836 = arith.constant 0 : i32
          %get3A_837 = arith.index_cast %get3A_836 : i32 to index
          %get3A_838 = arith.index_cast %scan3A_575 : i32 to index
          %get3A_839 = arith.constant 80 : index
          %get3A_840 = tpu.vector_load %arg17[%get3A_837, %get3A_838, %get3A_839] {strides = array<i32>} : memref<2x64x256xf32, #tpu.memory_space<vmem>>, vector<1x1x16xf32>,
          %get3A_841 = vector.shape_cast %get3A_840 : vector<1x1x16xf32> to vector<16xf32>
          %mul3A_842 = arith.mulf %gather3A_585, %get3A_841 : vector<16xf32>
          %add3A_843 = arith.constant 16 : i32
          %add3A_844 = arith.addi %add3A_843, %scan3A_575 : i32
          %get3A_845 = arith.constant 0 : i32
          %get3A_846 = arith.index_cast %get3A_845 : i32 to index
          %get3A_847 = arith.index_cast %add3A_844 : i32 to index
          %get3A_848 = arith.constant 80 : index
          %get3A_849 = tpu.vector_load %arg17[%get3A_846, %get3A_847, %get3A_848] {strides = array<i32>} : memref<2x64x256xf32, #tpu.memory_space<vmem>>, vector<1x1x16xf32>,
          %get3A_850 = vector.shape_cast %get3A_849 : vector<1x1x16xf32> to vector<16xf32>
          %mul3A_851 = arith.mulf %gather3A_595, %get3A_850 : vector<16xf32>
          %add3A_852 = arith.addf %mul3A_842, %mul3A_851 : vector<16xf32>
          %add3A_853 = arith.constant 32 : i32
          %add3A_854 = arith.addi %add3A_853, %scan3A_575 : i32
          %get3A_855 = arith.constant 0 : i32
          %get3A_856 = arith.index_cast %get3A_855 : i32 to index
          %get3A_857 = arith.index_cast %add3A_854 : i32 to index
          %get3A_858 = arith.constant 80 : index
          %get3A_859 = tpu.vector_load %arg17[%get3A_856, %get3A_857, %get3A_858] {strides = array<i32>} : memref<2x64x256xf32, #tpu.memory_space<vmem>>, vector<1x1x16xf32>,
          %get3A_860 = vector.shape_cast %get3A_859 : vector<1x1x16xf32> to vector<16xf32>
          %mul3A_861 = arith.mulf %gather3A_605, %get3A_860 : vector<16xf32>
          %add3A_862 = arith.addf %add3A_852, %mul3A_861 : vector<16xf32>
          %add3A_863 = arith.constant 48 : i32
          %add3A_864 = arith.addi %add3A_863, %scan3A_575 : i32
          %get3A_865 = arith.constant 0 : i32
          %get3A_866 = arith.index_cast %get3A_865 : i32 to index
          %get3A_867 = arith.index_cast %add3A_864 : i32 to index
          %get3A_868 = arith.constant 80 : index
          %get3A_869 = tpu.vector_load %arg17[%get3A_866, %get3A_867, %get3A_868] {strides = array<i32>} : memref<2x64x256xf32, #tpu.memory_space<vmem>>, vector<1x1x16xf32>,
          %get3A_870 = vector.shape_cast %get3A_869 : vector<1x1x16xf32> to vector<16xf32>
          %mul3A_871 = arith.mulf %gather3A_615, %get3A_870 : vector<16xf32>
          %add3A_872 = arith.addf %add3A_862, %mul3A_871 : vector<16xf32>
          %swap3A_873 = arith.constant 0 : i32
          %swap3A_874 = arith.index_cast %swap3A_873 : i32 to index
          %swap3A_875 = arith.index_cast %scan3A_575 : i32 to index
          %swap3A_876 = arith.constant 80 : index
          %swap3A_877 = tpu.vector_load %arg18[%swap3A_874, %swap3A_875, %swap3A_876] {strides = array<i32>} : memref<2x16x256xf32, #tpu.memory_space<vmem>>, vector<1x1x16xf32>,
          %swap3A_878 = vector.shape_cast %swap3A_877 : vector<1x1x16xf32> to vector<16xf32>
          %swap3A_879 = vector.shape_cast %add3A_872 : vector<16xf32> to vector<1x1x16xf32>
          tpu.vector_store %arg18[%swap3A_874, %swap3A_875, %swap3A_876], %swap3A_879 {strides = array<i32>} : memref<2x16x256xf32, #tpu.memory_space<vmem>>, vector<1x1x16xf32>,
          %get3A_880 = arith.constant 0 : i32
          %get3A_881 = arith.index_cast %get3A_880 : i32 to index
          %get3A_882 = arith.index_cast %scan3A_575 : i32 to index
          %get3A_883 = arith.constant 96 : index
          %get3A_884 = tpu.vector_load %arg17[%get3A_881, %get3A_882, %get3A_883] {strides = array<i32>} : memref<2x64x256xf32, #tpu.memory_space<vmem>>, vector<1x1x16xf32>,
          %get3A_885 = vector.shape_cast %get3A_884 : vector<1x1x16xf32> to vector<16xf32>
          %mul3A_886 = arith.mulf %gather3A_585, %get3A_885 : vector<16xf32>
          %add3A_887 = arith.constant 16 : i32
          %add3A_888 = arith.addi %add3A_887, %scan3A_575 : i32
          %get3A_889 = arith.constant 0 : i32
          %get3A_890 = arith.index_cast %get3A_889 : i32 to index
          %get3A_891 = arith.index_cast %add3A_888 : i32 to index
          %get3A_892 = arith.constant 96 : index
          %get3A_893 = tpu.vector_load %arg17[%get3A_890, %get3A_891, %get3A_892] {strides = array<i32>} : memref<2x64x256xf32, #tpu.memory_space<vmem>>, vector<1x1x16xf32>,
          %get3A_894 = vector.shape_cast %get3A_893 : vector<1x1x16xf32> to vector<16xf32>
          %mul3A_895 = arith.mulf %gather3A_595, %get3A_894 : vector<16xf32>
          %add3A_896 = arith.addf %mul3A_886, %mul3A_895 : vector<16xf32>
          %add3A_897 = arith.constant 32 : i32
          %add3A_898 = arith.addi %add3A_897, %scan3A_575 : i32
          %get3A_899 = arith.constant 0 : i32
          %get3A_900 = arith.index_cast %get3A_899 : i32 to index
          %get3A_901 = arith.index_cast %add3A_898 : i32 to index
          %get3A_902 = arith.constant 96 : index
          %get3A_903 = tpu.vector_load %arg17[%get3A_900, %get3A_901, %get3A_902] {strides = array<i32>} : memref<2x64x256xf32, #tpu.memory_space<vmem>>, vector<1x1x16xf32>,
          %get3A_904 = vector.shape_cast %get3A_903 : vector<1x1x16xf32> to vector<16xf32>
          %mul3A_905 = arith.mulf %gather3A_605, %get3A_904 : vector<16xf32>
          %add3A_906 = arith.addf %add3A_896, %mul3A_905 : vector<16xf32>
          %add3A_907 = arith.constant 48 : i32
          %add3A_908 = arith.addi %add3A_907, %scan3A_575 : i32
          %get3A_909 = arith.constant 0 : i32
          %get3A_910 = arith.index_cast %get3A_909 : i32 to index
          %get3A_911 = arith.index_cast %add3A_908 : i32 to index
          %get3A_912 = arith.constant 96 : index
          %get3A_913 = tpu.vector_load %arg17[%get3A_910, %get3A_911, %get3A_912] {strides = array<i32>} : memref<2x64x256xf32, #tpu.memory_space<vmem>>, vector<1x1x16xf32>,
          %get3A_914 = vector.shape_cast %get3A_913 : vector<1x1x16xf32> to vector<16xf32>
          %mul3A_915 = arith.mulf %gather3A_615, %get3A_914 : vector<16xf32>
          %add3A_916 = arith.addf %add3A_906, %mul3A_915 : vector<16xf32>
          %swap3A_917 = arith.constant 0 : i32
          %swap3A_918 = arith.index_cast %swap3A_917 : i32 to index
          %swap3A_919 = arith.index_cast %scan3A_575 : i32 to index
          %swap3A_920 = arith.constant 96 : index
          %swap3A_921 = tpu.vector_load %arg18[%swap3A_918, %swap3A_919, %swap3A_920] {strides = array<i32>} : memref<2x16x256xf32, #tpu.memory_space<vmem>>, vector<1x1x16xf32>,
          %swap3A_922 = vector.shape_cast %swap3A_921 : vector<1x1x16xf32> to vector<16xf32>
          %swap3A_923 = vector.shape_cast %add3A_916 : vector<16xf32> to vector<1x1x16xf32>
          tpu.vector_store %arg18[%swap3A_918, %swap3A_919, %swap3A_920], %swap3A_923 {strides = array<i32>} : memref<2x16x256xf32, #tpu.memory_space<vmem>>, vector<1x1x16xf32>,
          %get3A_924 = arith.constant 0 : i32
          %get3A_925 = arith.index_cast %get3A_924 : i32 to index
          %get3A_926 = arith.index_cast %scan3A_575 : i32 to index
          %get3A_927 = arith.constant 112 : index
          %get3A_928 = tpu.vector_load %arg17[%get3A_925, %get3A_926, %get3A_927] {strides = array<i32>} : memref<2x64x256xf32, #tpu.memory_space<vmem>>, vector<1x1x16xf32>,
          %get3A_929 = vector.shape_cast %get3A_928 : vector<1x1x16xf32> to vector<16xf32>
          %mul3A_930 = arith.mulf %gather3A_585, %get3A_929 : vector<16xf32>
          %add3A_931 = arith.constant 16 : i32
          %add3A_932 = arith.addi %add3A_931, %scan3A_575 : i32
          %get3A_933 = arith.constant 0 : i32
          %get3A_934 = arith.index_cast %get3A_933 : i32 to index
          %get3A_935 = arith.index_cast %add3A_932 : i32 to index
          %get3A_936 = arith.constant 112 : index
          %get3A_937 = tpu.vector_load %arg17[%get3A_934, %get3A_935, %get3A_936] {strides = array<i32>} : memref<2x64x256xf32, #tpu.memory_space<vmem>>, vector<1x1x16xf32>,
          %get3A_938 = vector.shape_cast %get3A_937 : vector<1x1x16xf32> to vector<16xf32>
          %mul3A_939 = arith.mulf %gather3A_595, %get3A_938 : vector<16xf32>
          %add3A_940 = arith.addf %mul3A_930, %mul3A_939 : vector<16xf32>
          %add3A_941 = arith.constant 32 : i32
          %add3A_942 = arith.addi %add3A_941, %scan3A_575 : i32
          %get3A_943 = arith.constant 0 : i32
          %get3A_944 = arith.index_cast %get3A_943 : i32 to index
          %get3A_945 = arith.index_cast %add3A_942 : i32 to index
          %get3A_946 = arith.constant 112 : index
          %get3A_947 = tpu.vector_load %arg17[%get3A_944, %get3A_945, %get3A_946] {strides = array<i32>} : memref<2x64x256xf32, #tpu.memory_space<vmem>>, vector<1x1x16xf32>,
          %get3A_948 = vector.shape_cast %get3A_947 : vector<1x1x16xf32> to vector<16xf32>
          %mul3A_949 = arith.mulf %gather3A_605, %get3A_948 : vector<16xf32>
          %add3A_950 = arith.addf %add3A_940, %mul3A_949 : vector<16xf32>
          %add3A_951 = arith.constant 48 : i32
          %add3A_952 = arith.addi %add3A_951, %scan3A_575 : i32
          %get3A_953 = arith.constant 0 : i32
          %get3A_954 = arith.index_cast %get3A_953 : i32 to index
          %get3A_955 = arith.index_cast %add3A_952 : i32 to index
          %get3A_956 = arith.constant 112 : index
          %get3A_957 = tpu.vector_load %arg17[%get3A_954, %get3A_955, %get3A_956] {strides = array<i32>} : memref<2x64x256xf32, #tpu.memory_space<vmem>>, vector<1x1x16xf32>,
          %get3A_958 = vector.shape_cast %get3A_957 : vector<1x1x16xf32> to vector<16xf32>
          %mul3A_959 = arith.mulf %gather3A_615, %get3A_958 : vector<16xf32>
          %add3A_960 = arith.addf %add3A_950, %mul3A_959 : vector<16xf32>
          %swap3A_961 = arith.constant 0 : i32
          %swap3A_962 = arith.index_cast %swap3A_961 : i32 to index
          %swap3A_963 = arith.index_cast %scan3A_575 : i32 to index
          %swap3A_964 = arith.constant 112 : index
          %swap3A_965 = tpu.vector_load %arg18[%swap3A_962, %swap3A_963, %swap3A_964] {strides = array<i32>} : memref<2x16x256xf32, #tpu.memory_space<vmem>>, vector<1x1x16xf32>,
          %swap3A_966 = vector.shape_cast %swap3A_965 : vector<1x1x16xf32> to vector<16xf32>
          %swap3A_967 = vector.shape_cast %add3A_960 : vector<16xf32> to vector<1x1x16xf32>
          tpu.vector_store %arg18[%swap3A_962, %swap3A_963, %swap3A_964], %swap3A_967 {strides = array<i32>} : memref<2x16x256xf32, #tpu.memory_space<vmem>>, vector<1x1x16xf32>,
          %get3A_968 = arith.constant 0 : i32
          %get3A_969 = arith.index_cast %get3A_968 : i32 to index
          %get3A_970 = arith.index_cast %scan3A_575 : i32 to index
          %get3A_971 = arith.constant 128 : index
          %get3A_972 = tpu.vector_load %arg17[%get3A_969, %get3A_970, %get3A_971] {strides = array<i32>} : memref<2x64x256xf32, #tpu.memory_space<vmem>>, vector<1x1x16xf32>,
          %get3A_973 = vector.shape_cast %get3A_972 : vector<1x1x16xf32> to vector<16xf32>
          %mul3A_974 = arith.mulf %gather3A_585, %get3A_973 : vector<16xf32>
          %add3A_975 = arith.constant 16 : i32
          %add3A_976 = arith.addi %add3A_975, %scan3A_575 : i32
          %get3A_977 = arith.constant 0 : i32
          %get3A_978 = arith.index_cast %get3A_977 : i32 to index
          %get3A_979 = arith.index_cast %add3A_976 : i32 to index
          %get3A_980 = arith.constant 128 : index
          %get3A_981 = tpu.vector_load %arg17[%get3A_978, %get3A_979, %get3A_980] {strides = array<i32>} : memref<2x64x256xf32, #tpu.memory_space<vmem>>, vector<1x1x16xf32>,
          %get3A_982 = vector.shape_cast %get3A_981 : vector<1x1x16xf32> to vector<16xf32>
          %mul3A_983 = arith.mulf %gather3A_595, %get3A_982 : vector<16xf32>
          %add3A_984 = arith.addf %mul3A_974, %mul3A_983 : vector<16xf32>
          %add3A_985 = arith.constant 32 : i32
          %add3A_986 = arith.addi %add3A_985, %scan3A_575 : i32
          %get3A_987 = arith.constant 0 : i32
          %get3A_988 = arith.index_cast %get3A_987 : i32 to index
          %get3A_989 = arith.index_cast %add3A_986 : i32 to index
          %get3A_990 = arith.constant 128 : index
          %get3A_991 = tpu.vector_load %arg17[%get3A_988, %get3A_989, %get3A_990] {strides = array<i32>} : memref<2x64x256xf32, #tpu.memory_space<vmem>>, vector<1x1x16xf32>,
          %get3A_992 = vector.shape_cast %get3A_991 : vector<1x1x16xf32> to vector<16xf32>
          %mul3A_993 = arith.mulf %gather3A_605, %get3A_992 : vector<16xf32>
          %add3A_994 = arith.addf %add3A_984, %mul3A_993 : vector<16xf32>
          %add3A_995 = arith.constant 48 : i32
          %add3A_996 = arith.addi %add3A_995, %scan3A_575 : i32
          %get3A_997 = arith.constant 0 : i32
          %get3A_998 = arith.index_cast %get3A_997 : i32 to index
          %get3A_999 = arith.index_cast %add3A_996 : i32 to index
          %get3A_1000 = arith.constant 128 : index
          %get3A_1001 = tpu.vector_load %arg17[%get3A_998, %get3A_999, %get3A_1000] {strides = array<i32>} : memref<2x64x256xf32, #tpu.memory_space<vmem>>, vector<1x1x16xf32>,
          %get3A_1002 = vector.shape_cast %get3A_1001 : vector<1x1x16xf32> to vector<16xf32>
          %mul3A_1003 = arith.mulf %gather3A_615, %get3A_1002 : vector<16xf32>
          %add3A_1004 = arith.addf %add3A_994, %mul3A_1003 : vector<16xf32>
          %swap3A_1005 = arith.constant 0 : i32
          %swap3A_1006 = arith.index_cast %swap3A_1005 : i32 to index
          %swap3A_1007 = arith.index_cast %scan3A_575 : i32 to index
          %swap3A_1008 = arith.constant 128 : index
          %swap3A_1009 = tpu.vector_load %arg18[%swap3A_1006, %swap3A_1007, %swap3A_1008] {strides = array<i32>} : memref<2x16x256xf32, #tpu.memory_space<vmem>>, vector<1x1x16xf32>,
          %swap3A_1010 = vector.shape_cast %swap3A_1009 : vector<1x1x16xf32> to vector<16xf32>
          %swap3A_1011 = vector.shape_cast %add3A_1004 : vector<16xf32> to vector<1x1x16xf32>
          tpu.vector_store %arg18[%swap3A_1006, %swap3A_1007, %swap3A_1008], %swap3A_1011 {strides = array<i32>} : memref<2x16x256xf32, #tpu.memory_space<vmem>>, vector<1x1x16xf32>,
          %get3A_1012 = arith.constant 0 : i32
          %get3A_1013 = arith.index_cast %get3A_1012 : i32 to index
          %get3A_1014 = arith.index_cast %scan3A_575 : i32 to index
          %get3A_1015 = arith.constant 144 : index
          %get3A_1016 = tpu.vector_load %arg17[%get3A_1013, %get3A_1014, %get3A_1015] {strides = array<i32>} : memref<2x64x256xf32, #tpu.memory_space<vmem>>, vector<1x1x16xf32>,
          %get3A_1017 = vector.shape_cast %get3A_1016 : vector<1x1x16xf32> to vector<16xf32>
          %mul3A_1018 = arith.mulf %gather3A_585, %get3A_1017 : vector<16xf32>
          %add3A_1019 = arith.constant 16 : i32
          %add3A_1020 = arith.addi %add3A_1019, %scan3A_575 : i32
          %get3A_1021 = arith.constant 0 : i32
          %get3A_1022 = arith.index_cast %get3A_1021 : i32 to index
          %get3A_1023 = arith.index_cast %add3A_1020 : i32 to index
          %get3A_1024 = arith.constant 144 : index
          %get3A_1025 = tpu.vector_load %arg17[%get3A_1022, %get3A_1023, %get3A_1024] {strides = array<i32>} : memref<2x64x256xf32, #tpu.memory_space<vmem>>, vector<1x1x16xf32>,
          %get3A_1026 = vector.shape_cast %get3A_1025 : vector<1x1x16xf32> to vector<16xf32>
          %mul3A_1027 = arith.mulf %gather3A_595, %get3A_1026 : vector<16xf32>
          %add3A_1028 = arith.addf %mul3A_1018, %mul3A_1027 : vector<16xf32>
          %add3A_1029 = arith.constant 32 : i32
          %add3A_1030 = arith.addi %add3A_1029, %scan3A_575 : i32
          %get3A_1031 = arith.constant 0 : i32
          %get3A_1032 = arith.index_cast %get3A_1031 : i32 to index
          %get3A_1033 = arith.index_cast %add3A_1030 : i32 to index
          %get3A_1034 = arith.constant 144 : index
          %get3A_1035 = tpu.vector_load %arg17[%get3A_1032, %get3A_1033, %get3A_1034] {strides = array<i32>} : memref<2x64x256xf32, #tpu.memory_space<vmem>>, vector<1x1x16xf32>,
          %get3A_1036 = vector.shape_cast %get3A_1035 : vector<1x1x16xf32> to vector<16xf32>
          %mul3A_1037 = arith.mulf %gather3A_605, %get3A_1036 : vector<16xf32>
          %add3A_1038 = arith.addf %add3A_1028, %mul3A_1037 : vector<16xf32>
          %add3A_1039 = arith.constant 48 : i32
          %add3A_1040 = arith.addi %add3A_1039, %scan3A_575 : i32
          %get3A_1041 = arith.constant 0 : i32
          %get3A_1042 = arith.index_cast %get3A_1041 : i32 to index
          %get3A_1043 = arith.index_cast %add3A_1040 : i32 to index
          %get3A_1044 = arith.constant 144 : index
          %get3A_1045 = tpu.vector_load %arg17[%get3A_1042, %get3A_1043, %get3A_1044] {strides = array<i32>} : memref<2x64x256xf32, #tpu.memory_space<vmem>>, vector<1x1x16xf32>,
          %get3A_1046 = vector.shape_cast %get3A_1045 : vector<1x1x16xf32> to vector<16xf32>
          %mul3A_1047 = arith.mulf %gather3A_615, %get3A_1046 : vector<16xf32>
          %add3A_1048 = arith.addf %add3A_1038, %mul3A_1047 : vector<16xf32>
          %swap3A_1049 = arith.constant 0 : i32
          %swap3A_1050 = arith.index_cast %swap3A_1049 : i32 to index
          %swap3A_1051 = arith.index_cast %scan3A_575 : i32 to index
          %swap3A_1052 = arith.constant 144 : index
          %swap3A_1053 = tpu.vector_load %arg18[%swap3A_1050, %swap3A_1051, %swap3A_1052] {strides = array<i32>} : memref<2x16x256xf32, #tpu.memory_space<vmem>>, vector<1x1x16xf32>,
          %swap3A_1054 = vector.shape_cast %swap3A_1053 : vector<1x1x16xf32> to vector<16xf32>
          %swap3A_1055 = vector.shape_cast %add3A_1048 : vector<16xf32> to vector<1x1x16xf32>
          tpu.vector_store %arg18[%swap3A_1050, %swap3A_1051, %swap3A_1052], %swap3A_1055 {strides = array<i32>} : memref<2x16x256xf32, #tpu.memory_space<vmem>>, vector<1x1x16xf32>,
          %get3A_1056 = arith.constant 0 : i32
          %get3A_1057 = arith.index_cast %get3A_1056 : i32 to index
          %get3A_1058 = arith.index_cast %scan3A_575 : i32 to index
          %get3A_1059 = arith.constant 160 : index
          %get3A_1060 = tpu.vector_load %arg17[%get3A_1057, %get3A_1058, %get3A_1059] {strides = array<i32>} : memref<2x64x256xf32, #tpu.memory_space<vmem>>, vector<1x1x16xf32>,
          %get3A_1061 = vector.shape_cast %get3A_1060 : vector<1x1x16xf32> to vector<16xf32>
          %mul3A_1062 = arith.mulf %gather3A_585, %get3A_1061 : vector<16xf32>
          %add3A_1063 = arith.constant 16 : i32
          %add3A_1064 = arith.addi %add3A_1063, %scan3A_575 : i32
          %get3A_1065 = arith.constant 0 : i32
          %get3A_1066 = arith.index_cast %get3A_1065 : i32 to index
          %get3A_1067 = arith.index_cast %add3A_1064 : i32 to index
          %get3A_1068 = arith.constant 160 : index
          %get3A_1069 = tpu.vector_load %arg17[%get3A_1066, %get3A_1067, %get3A_1068] {strides = array<i32>} : memref<2x64x256xf32, #tpu.memory_space<vmem>>, vector<1x1x16xf32>,
          %get3A_1070 = vector.shape_cast %get3A_1069 : vector<1x1x16xf32> to vector<16xf32>
          %mul3A_1071 = arith.mulf %gather3A_595, %get3A_1070 : vector<16xf32>
          %add3A_1072 = arith.addf %mul3A_1062, %mul3A_1071 : vector<16xf32>
          %add3A_1073 = arith.constant 32 : i32
          %add3A_1074 = arith.addi %add3A_1073, %scan3A_575 : i32
          %get3A_1075 = arith.constant 0 : i32
          %get3A_1076 = arith.index_cast %get3A_1075 : i32 to index
          %get3A_1077 = arith.index_cast %add3A_1074 : i32 to index
          %get3A_1078 = arith.constant 160 : index
          %get3A_1079 = tpu.vector_load %arg17[%get3A_1076, %get3A_1077, %get3A_1078] {strides = array<i32>} : memref<2x64x256xf32, #tpu.memory_space<vmem>>, vector<1x1x16xf32>,
          %get3A_1080 = vector.shape_cast %get3A_1079 : vector<1x1x16xf32> to vector<16xf32>
          %mul3A_1081 = arith.mulf %gather3A_605, %get3A_1080 : vector<16xf32>
          %add3A_1082 = arith.addf %add3A_1072, %mul3A_1081 : vector<16xf32>
          %add3A_1083 = arith.constant 48 : i32
          %add3A_1084 = arith.addi %add3A_1083, %scan3A_575 : i32
          %get3A_1085 = arith.constant 0 : i32
          %get3A_1086 = arith.index_cast %get3A_1085 : i32 to index
          %get3A_1087 = arith.index_cast %add3A_1084 : i32 to index
          %get3A_1088 = arith.constant 160 : index
          %get3A_1089 = tpu.vector_load %arg17[%get3A_1086, %get3A_1087, %get3A_1088] {strides = array<i32>} : memref<2x64x256xf32, #tpu.memory_space<vmem>>, vector<1x1x16xf32>,
          %get3A_1090 = vector.shape_cast %get3A_1089 : vector<1x1x16xf32> to vector<16xf32>
          %mul3A_1091 = arith.mulf %gather3A_615, %get3A_1090 : vector<16xf32>
          %add3A_1092 = arith.addf %add3A_1082, %mul3A_1091 : vector<16xf32>
          %swap3A_1093 = arith.constant 0 : i32
          %swap3A_1094 = arith.index_cast %swap3A_1093 : i32 to index
          %swap3A_1095 = arith.index_cast %scan3A_575 : i32 to index
          %swap3A_1096 = arith.constant 160 : index
          %swap3A_1097 = tpu.vector_load %arg18[%swap3A_1094, %swap3A_1095, %swap3A_1096] {strides = array<i32>} : memref<2x16x256xf32, #tpu.memory_space<vmem>>, vector<1x1x16xf32>,
          %swap3A_1098 = vector.shape_cast %swap3A_1097 : vector<1x1x16xf32> to vector<16xf32>
          %swap3A_1099 = vector.shape_cast %add3A_1092 : vector<16xf32> to vector<1x1x16xf32>
          tpu.vector_store %arg18[%swap3A_1094, %swap3A_1095, %swap3A_1096], %swap3A_1099 {strides = array<i32>} : memref<2x16x256xf32, #tpu.memory_space<vmem>>, vector<1x1x16xf32>,
          %get3A_1100 = arith.constant 0 : i32
          %get3A_1101 = arith.index_cast %get3A_1100 : i32 to index
          %get3A_1102 = arith.index_cast %scan3A_575 : i32 to index
          %get3A_1103 = arith.constant 176 : index
          %get3A_1104 = tpu.vector_load %arg17[%get3A_1101, %get3A_1102, %get3A_1103] {strides = array<i32>} : memref<2x64x256xf32, #tpu.memory_space<vmem>>, vector<1x1x16xf32>,
          %get3A_1105 = vector.shape_cast %get3A_1104 : vector<1x1x16xf32> to vector<16xf32>
          %mul3A_1106 = arith.mulf %gather3A_585, %get3A_1105 : vector<16xf32>
          %add3A_1107 = arith.constant 16 : i32
          %add3A_1108 = arith.addi %add3A_1107, %scan3A_575 : i32
          %get3A_1109 = arith.constant 0 : i32
          %get3A_1110 = arith.index_cast %get3A_1109 : i32 to index
          %get3A_1111 = arith.index_cast %add3A_1108 : i32 to index
          %get3A_1112 = arith.constant 176 : index
          %get3A_1113 = tpu.vector_load %arg17[%get3A_1110, %get3A_1111, %get3A_1112] {strides = array<i32>} : memref<2x64x256xf32, #tpu.memory_space<vmem>>, vector<1x1x16xf32>,
          %get3A_1114 = vector.shape_cast %get3A_1113 : vector<1x1x16xf32> to vector<16xf32>
          %mul3A_1115 = arith.mulf %gather3A_595, %get3A_1114 : vector<16xf32>
          %add3A_1116 = arith.addf %mul3A_1106, %mul3A_1115 : vector<16xf32>
          %add3A_1117 = arith.constant 32 : i32
          %add3A_1118 = arith.addi %add3A_1117, %scan3A_575 : i32
          %get3A_1119 = arith.constant 0 : i32
          %get3A_1120 = arith.index_cast %get3A_1119 : i32 to index
          %get3A_1121 = arith.index_cast %add3A_1118 : i32 to index
          %get3A_1122 = arith.constant 176 : index
          %get3A_1123 = tpu.vector_load %arg17[%get3A_1120, %get3A_1121, %get3A_1122] {strides = array<i32>} : memref<2x64x256xf32, #tpu.memory_space<vmem>>, vector<1x1x16xf32>,
          %get3A_1124 = vector.shape_cast %get3A_1123 : vector<1x1x16xf32> to vector<16xf32>
          %mul3A_1125 = arith.mulf %gather3A_605, %get3A_1124 : vector<16xf32>
          %add3A_1126 = arith.addf %add3A_1116, %mul3A_1125 : vector<16xf32>
          %add3A_1127 = arith.constant 48 : i32
          %add3A_1128 = arith.addi %add3A_1127, %scan3A_575 : i32
          %get3A_1129 = arith.constant 0 : i32
          %get3A_1130 = arith.index_cast %get3A_1129 : i32 to index
          %get3A_1131 = arith.index_cast %add3A_1128 : i32 to index
          %get3A_1132 = arith.constant 176 : index
          %get3A_1133 = tpu.vector_load %arg17[%get3A_1130, %get3A_1131, %get3A_1132] {strides = array<i32>} : memref<2x64x256xf32, #tpu.memory_space<vmem>>, vector<1x1x16xf32>,
          %get3A_1134 = vector.shape_cast %get3A_1133 : vector<1x1x16xf32> to vector<16xf32>
          %mul3A_1135 = arith.mulf %gather3A_615, %get3A_1134 : vector<16xf32>
          %add3A_1136 = arith.addf %add3A_1126, %mul3A_1135 : vector<16xf32>
          %swap3A_1137 = arith.constant 0 : i32
          %swap3A_1138 = arith.index_cast %swap3A_1137 : i32 to index
          %swap3A_1139 = arith.index_cast %scan3A_575 : i32 to index
          %swap3A_1140 = arith.constant 176 : index
          %swap3A_1141 = tpu.vector_load %arg18[%swap3A_1138, %swap3A_1139, %swap3A_1140] {strides = array<i32>} : memref<2x16x256xf32, #tpu.memory_space<vmem>>, vector<1x1x16xf32>,
          %swap3A_1142 = vector.shape_cast %swap3A_1141 : vector<1x1x16xf32> to vector<16xf32>
          %swap3A_1143 = vector.shape_cast %add3A_1136 : vector<16xf32> to vector<1x1x16xf32>
          tpu.vector_store %arg18[%swap3A_1138, %swap3A_1139, %swap3A_1140], %swap3A_1143 {strides = array<i32>} : memref<2x16x256xf32, #tpu.memory_space<vmem>>, vector<1x1x16xf32>,
          %get3A_1144 = arith.constant 0 : i32
          %get3A_1145 = arith.index_cast %get3A_1144 : i32 to index
          %get3A_1146 = arith.index_cast %scan3A_575 : i32 to index
          %get3A_1147 = arith.constant 192 : index
          %get3A_1148 = tpu.vector_load %arg17[%get3A_1145, %get3A_1146, %get3A_1147] {strides = array<i32>} : memref<2x64x256xf32, #tpu.memory_space<vmem>>, vector<1x1x16xf32>,
          %get3A_1149 = vector.shape_cast %get3A_1148 : vector<1x1x16xf32> to vector<16xf32>
          %mul3A_1150 = arith.mulf %gather3A_585, %get3A_1149 : vector<16xf32>
          %add3A_1151 = arith.constant 16 : i32
          %add3A_1152 = arith.addi %add3A_1151, %scan3A_575 : i32
          %get3A_1153 = arith.constant 0 : i32
          %get3A_1154 = arith.index_cast %get3A_1153 : i32 to index
          %get3A_1155 = arith.index_cast %add3A_1152 : i32 to index
          %get3A_1156 = arith.constant 192 : index
          %get3A_1157 = tpu.vector_load %arg17[%get3A_1154, %get3A_1155, %get3A_1156] {strides = array<i32>} : memref<2x64x256xf32, #tpu.memory_space<vmem>>, vector<1x1x16xf32>,
          %get3A_1158 = vector.shape_cast %get3A_1157 : vector<1x1x16xf32> to vector<16xf32>
          %mul3A_1159 = arith.mulf %gather3A_595, %get3A_1158 : vector<16xf32>
          %add3A_1160 = arith.addf %mul3A_1150, %mul3A_1159 : vector<16xf32>
          %add3A_1161 = arith.constant 32 : i32
          %add3A_1162 = arith.addi %add3A_1161, %scan3A_575 : i32
          %get3A_1163 = arith.constant 0 : i32
          %get3A_1164 = arith.index_cast %get3A_1163 : i32 to index
          %get3A_1165 = arith.index_cast %add3A_1162 : i32 to index
          %get3A_1166 = arith.constant 192 : index
          %get3A_1167 = tpu.vector_load %arg17[%get3A_1164, %get3A_1165, %get3A_1166] {strides = array<i32>} : memref<2x64x256xf32, #tpu.memory_space<vmem>>, vector<1x1x16xf32>,
          %get3A_1168 = vector.shape_cast %get3A_1167 : vector<1x1x16xf32> to vector<16xf32>
          %mul3A_1169 = arith.mulf %gather3A_605, %get3A_1168 : vector<16xf32>
          %add3A_1170 = arith.addf %add3A_1160, %mul3A_1169 : vector<16xf32>
          %add3A_1171 = arith.constant 48 : i32
          %add3A_1172 = arith.addi %add3A_1171, %scan3A_575 : i32
          %get3A_1173 = arith.constant 0 : i32
          %get3A_1174 = arith.index_cast %get3A_1173 : i32 to index
          %get3A_1175 = arith.index_cast %add3A_1172 : i32 to index
          %get3A_1176 = arith.constant 192 : index
          %get3A_1177 = tpu.vector_load %arg17[%get3A_1174, %get3A_1175, %get3A_1176] {strides = array<i32>} : memref<2x64x256xf32, #tpu.memory_space<vmem>>, vector<1x1x16xf32>,
          %get3A_1178 = vector.shape_cast %get3A_1177 : vector<1x1x16xf32> to vector<16xf32>
          %mul3A_1179 = arith.mulf %gather3A_615, %get3A_1178 : vector<16xf32>
          %add3A_1180 = arith.addf %add3A_1170, %mul3A_1179 : vector<16xf32>
          %swap3A_1181 = arith.constant 0 : i32
          %swap3A_1182 = arith.index_cast %swap3A_1181 : i32 to index
          %swap3A_1183 = arith.index_cast %scan3A_575 : i32 to index
          %swap3A_1184 = arith.constant 192 : index
          %swap3A_1185 = tpu.vector_load %arg18[%swap3A_1182, %swap3A_1183, %swap3A_1184] {strides = array<i32>} : memref<2x16x256xf32, #tpu.memory_space<vmem>>, vector<1x1x16xf32>,
          %swap3A_1186 = vector.shape_cast %swap3A_1185 : vector<1x1x16xf32> to vector<16xf32>
          %swap3A_1187 = vector.shape_cast %add3A_1180 : vector<16xf32> to vector<1x1x16xf32>
          tpu.vector_store %arg18[%swap3A_1182, %swap3A_1183, %swap3A_1184], %swap3A_1187 {strides = array<i32>} : memref<2x16x256xf32, #tpu.memory_space<vmem>>, vector<1x1x16xf32>,
          %get3A_1188 = arith.constant 0 : i32
          %get3A_1189 = arith.index_cast %get3A_1188 : i32 to index
          %get3A_1190 = arith.index_cast %scan3A_575 : i32 to index
          %get3A_1191 = arith.constant 208 : index
          %get3A_1192 = tpu.vector_load %arg17[%get3A_1189, %get3A_1190, %get3A_1191] {strides = array<i32>} : memref<2x64x256xf32, #tpu.memory_space<vmem>>, vector<1x1x16xf32>,
          %get3A_1193 = vector.shape_cast %get3A_1192 : vector<1x1x16xf32> to vector<16xf32>
          %mul3A_1194 = arith.mulf %gather3A_585, %get3A_1193 : vector<16xf32>
          %add3A_1195 = arith.constant 16 : i32
          %add3A_1196 = arith.addi %add3A_1195, %scan3A_575 : i32
          %get3A_1197 = arith.constant 0 : i32
          %get3A_1198 = arith.index_cast %get3A_1197 : i32 to index
          %get3A_1199 = arith.index_cast %add3A_1196 : i32 to index
          %get3A_1200 = arith.constant 208 : index
          %get3A_1201 = tpu.vector_load %arg17[%get3A_1198, %get3A_1199, %get3A_1200] {strides = array<i32>} : memref<2x64x256xf32, #tpu.memory_space<vmem>>, vector<1x1x16xf32>,
          %get3A_1202 = vector.shape_cast %get3A_1201 : vector<1x1x16xf32> to vector<16xf32>
          %mul3A_1203 = arith.mulf %gather3A_595, %get3A_1202 : vector<16xf32>
          %add3A_1204 = arith.addf %mul3A_1194, %mul3A_1203 : vector<16xf32>
          %add3A_1205 = arith.constant 32 : i32
          %add3A_1206 = arith.addi %add3A_1205, %scan3A_575 : i32
          %get3A_1207 = arith.constant 0 : i32
          %get3A_1208 = arith.index_cast %get3A_1207 : i32 to index
          %get3A_1209 = arith.index_cast %add3A_1206 : i32 to index
          %get3A_1210 = arith.constant 208 : index
          %get3A_1211 = tpu.vector_load %arg17[%get3A_1208, %get3A_1209, %get3A_1210] {strides = array<i32>} : memref<2x64x256xf32, #tpu.memory_space<vmem>>, vector<1x1x16xf32>,
          %get3A_1212 = vector.shape_cast %get3A_1211 : vector<1x1x16xf32> to vector<16xf32>
          %mul3A_1213 = arith.mulf %gather3A_605, %get3A_1212 : vector<16xf32>
          %add3A_1214 = arith.addf %add3A_1204, %mul3A_1213 : vector<16xf32>
          %add3A_1215 = arith.constant 48 : i32
          %add3A_1216 = arith.addi %add3A_1215, %scan3A_575 : i32
          %get3A_1217 = arith.constant 0 : i32
          %get3A_1218 = arith.index_cast %get3A_1217 : i32 to index
          %get3A_1219 = arith.index_cast %add3A_1216 : i32 to index
          %get3A_1220 = arith.constant 208 : index
          %get3A_1221 = tpu.vector_load %arg17[%get3A_1218, %get3A_1219, %get3A_1220] {strides = array<i32>} : memref<2x64x256xf32, #tpu.memory_space<vmem>>, vector<1x1x16xf32>,
          %get3A_1222 = vector.shape_cast %get3A_1221 : vector<1x1x16xf32> to vector<16xf32>
          %mul3A_1223 = arith.mulf %gather3A_615, %get3A_1222 : vector<16xf32>
          %add3A_1224 = arith.addf %add3A_1214, %mul3A_1223 : vector<16xf32>
          %swap3A_1225 = arith.constant 0 : i32
          %swap3A_1226 = arith.index_cast %swap3A_1225 : i32 to index
          %swap3A_1227 = arith.index_cast %scan3A_575 : i32 to index
          %swap3A_1228 = arith.constant 208 : index
          %swap3A_1229 = tpu.vector_load %arg18[%swap3A_1226, %swap3A_1227, %swap3A_1228] {strides = array<i32>} : memref<2x16x256xf32, #tpu.memory_space<vmem>>, vector<1x1x16xf32>,
          %swap3A_1230 = vector.shape_cast %swap3A_1229 : vector<1x1x16xf32> to vector<16xf32>
          %swap3A_1231 = vector.shape_cast %add3A_1224 : vector<16xf32> to vector<1x1x16xf32>
          tpu.vector_store %arg18[%swap3A_1226, %swap3A_1227, %swap3A_1228], %swap3A_1231 {strides = array<i32>} : memref<2x16x256xf32, #tpu.memory_space<vmem>>, vector<1x1x16xf32>,
          %get3A_1232 = arith.constant 0 : i32
          %get3A_1233 = arith.index_cast %get3A_1232 : i32 to index
          %get3A_1234 = arith.index_cast %scan3A_575 : i32 to index
          %get3A_1235 = arith.constant 224 : index
          %get3A_1236 = tpu.vector_load %arg17[%get3A_1233, %get3A_1234, %get3A_1235] {strides = array<i32>} : memref<2x64x256xf32, #tpu.memory_space<vmem>>, vector<1x1x16xf32>,
          %get3A_1237 = vector.shape_cast %get3A_1236 : vector<1x1x16xf32> to vector<16xf32>
          %mul3A_1238 = arith.mulf %gather3A_585, %get3A_1237 : vector<16xf32>
          %add3A_1239 = arith.constant 16 : i32
          %add3A_1240 = arith.addi %add3A_1239, %scan3A_575 : i32
          %get3A_1241 = arith.constant 0 : i32
          %get3A_1242 = arith.index_cast %get3A_1241 : i32 to index
          %get3A_1243 = arith.index_cast %add3A_1240 : i32 to index
          %get3A_1244 = arith.constant 224 : index
          %get3A_1245 = tpu.vector_load %arg17[%get3A_1242, %get3A_1243, %get3A_1244] {strides = array<i32>} : memref<2x64x256xf32, #tpu.memory_space<vmem>>, vector<1x1x16xf32>,
          %get3A_1246 = vector.shape_cast %get3A_1245 : vector<1x1x16xf32> to vector<16xf32>
          %mul3A_1247 = arith.mulf %gather3A_595, %get3A_1246 : vector<16xf32>
          %add3A_1248 = arith.addf %mul3A_1238, %mul3A_1247 : vector<16xf32>
          %add3A_1249 = arith.constant 32 : i32
          %add3A_1250 = arith.addi %add3A_1249, %scan3A_575 : i32
          %get3A_1251 = arith.constant 0 : i32
          %get3A_1252 = arith.index_cast %get3A_1251 : i32 to index
          %get3A_1253 = arith.index_cast %add3A_1250 : i32 to index
          %get3A_1254 = arith.constant 224 : index
          %get3A_1255 = tpu.vector_load %arg17[%get3A_1252, %get3A_1253, %get3A_1254] {strides = array<i32>} : memref<2x64x256xf32, #tpu.memory_space<vmem>>, vector<1x1x16xf32>,
          %get3A_1256 = vector.shape_cast %get3A_1255 : vector<1x1x16xf32> to vector<16xf32>
          %mul3A_1257 = arith.mulf %gather3A_605, %get3A_1256 : vector<16xf32>
          %add3A_1258 = arith.addf %add3A_1248, %mul3A_1257 : vector<16xf32>
          %add3A_1259 = arith.constant 48 : i32
          %add3A_1260 = arith.addi %add3A_1259, %scan3A_575 : i32
          %get3A_1261 = arith.constant 0 : i32
          %get3A_1262 = arith.index_cast %get3A_1261 : i32 to index
          %get3A_1263 = arith.index_cast %add3A_1260 : i32 to index
          %get3A_1264 = arith.constant 224 : index
          %get3A_1265 = tpu.vector_load %arg17[%get3A_1262, %get3A_1263, %get3A_1264] {strides = array<i32>} : memref<2x64x256xf32, #tpu.memory_space<vmem>>, vector<1x1x16xf32>,
          %get3A_1266 = vector.shape_cast %get3A_1265 : vector<1x1x16xf32> to vector<16xf32>
          %mul3A_1267 = arith.mulf %gather3A_615, %get3A_1266 : vector<16xf32>
          %add3A_1268 = arith.addf %add3A_1258, %mul3A_1267 : vector<16xf32>
          %swap3A_1269 = arith.constant 0 : i32
          %swap3A_1270 = arith.index_cast %swap3A_1269 : i32 to index
          %swap3A_1271 = arith.index_cast %scan3A_575 : i32 to index
          %swap3A_1272 = arith.constant 224 : index
          %swap3A_1273 = tpu.vector_load %arg18[%swap3A_1270, %swap3A_1271, %swap3A_1272] {strides = array<i32>} : memref<2x16x256xf32, #tpu.memory_space<vmem>>, vector<1x1x16xf32>,
          %swap3A_1274 = vector.shape_cast %swap3A_1273 : vector<1x1x16xf32> to vector<16xf32>
          %swap3A_1275 = vector.shape_cast %add3A_1268 : vector<16xf32> to vector<1x1x16xf32>
          tpu.vector_store %arg18[%swap3A_1270, %swap3A_1271, %swap3A_1272], %swap3A_1275 {strides = array<i32>} : memref<2x16x256xf32, #tpu.memory_space<vmem>>, vector<1x1x16xf32>,
          %get3A_1276 = arith.constant 0 : i32
          %get3A_1277 = arith.index_cast %get3A_1276 : i32 to index
          %get3A_1278 = arith.index_cast %scan3A_575 : i32 to index
          %get3A_1279 = arith.constant 240 : index
          %get3A_1280 = tpu.vector_load %arg17[%get3A_1277, %get3A_1278, %get3A_1279] {strides = array<i32>} : memref<2x64x256xf32, #tpu.memory_space<vmem>>, vector<1x1x16xf32>,
          %get3A_1281 = vector.shape_cast %get3A_1280 : vector<1x1x16xf32> to vector<16xf32>
          %mul3A_1282 = arith.mulf %gather3A_585, %get3A_1281 : vector<16xf32>
          %add3A_1283 = arith.constant 16 : i32
          %add3A_1284 = arith.addi %add3A_1283, %scan3A_575 : i32
          %get3A_1285 = arith.constant 0 : i32
          %get3A_1286 = arith.index_cast %get3A_1285 : i32 to index
          %get3A_1287 = arith.index_cast %add3A_1284 : i32 to index
          %get3A_1288 = arith.constant 240 : index
          %get3A_1289 = tpu.vector_load %arg17[%get3A_1286, %get3A_1287, %get3A_1288] {strides = array<i32>} : memref<2x64x256xf32, #tpu.memory_space<vmem>>, vector<1x1x16xf32>,
          %get3A_1290 = vector.shape_cast %get3A_1289 : vector<1x1x16xf32> to vector<16xf32>
          %mul3A_1291 = arith.mulf %gather3A_595, %get3A_1290 : vector<16xf32>
          %add3A_1292 = arith.addf %mul3A_1282, %mul3A_1291 : vector<16xf32>
          %add3A_1293 = arith.constant 32 : i32
          %add3A_1294 = arith.addi %add3A_1293, %scan3A_575 : i32
          %get3A_1295 = arith.constant 0 : i32
          %get3A_1296 = arith.index_cast %get3A_1295 : i32 to index
          %get3A_1297 = arith.index_cast %add3A_1294 : i32 to index
          %get3A_1298 = arith.constant 240 : index
          %get3A_1299 = tpu.vector_load %arg17[%get3A_1296, %get3A_1297, %get3A_1298] {strides = array<i32>} : memref<2x64x256xf32, #tpu.memory_space<vmem>>, vector<1x1x16xf32>,
          %get3A_1300 = vector.shape_cast %get3A_1299 : vector<1x1x16xf32> to vector<16xf32>
          %mul3A_1301 = arith.mulf %gather3A_605, %get3A_1300 : vector<16xf32>
          %add3A_1302 = arith.addf %add3A_1292, %mul3A_1301 : vector<16xf32>
          %add3A_1303 = arith.constant 48 : i32
          %add3A_1304 = arith.addi %add3A_1303, %scan3A_575 : i32
          %get3A_1305 = arith.constant 0 : i32
          %get3A_1306 = arith.index_cast %get3A_1305 : i32 to index
          %get3A_1307 = arith.index_cast %add3A_1304 : i32 to index
          %get3A_1308 = arith.constant 240 : index
          %get3A_1309 = tpu.vector_load %arg17[%get3A_1306, %get3A_1307, %get3A_1308] {strides = array<i32>} : memref<2x64x256xf32, #tpu.memory_space<vmem>>, vector<1x1x16xf32>,
          %get3A_1310 = vector.shape_cast %get3A_1309 : vector<1x1x16xf32> to vector<16xf32>
          %mul3A_1311 = arith.mulf %gather3A_615, %get3A_1310 : vector<16xf32>
          %add3A_1312 = arith.addf %add3A_1302, %mul3A_1311 : vector<16xf32>
          %swap3A_1313 = arith.constant 0 : i32
          %swap3A_1314 = arith.index_cast %swap3A_1313 : i32 to index
          %swap3A_1315 = arith.index_cast %scan3A_575 : i32 to index
          %swap3A_1316 = arith.constant 240 : index
          %swap3A_1317 = tpu.vector_load %arg18[%swap3A_1314, %swap3A_1315, %swap3A_1316] {strides = array<i32>} : memref<2x16x256xf32, #tpu.memory_space<vmem>>, vector<1x1x16xf32>,
          %swap3A_1318 = vector.shape_cast %swap3A_1317 : vector<1x1x16xf32> to vector<16xf32>
          %swap3A_1319 = vector.shape_cast %add3A_1312 : vector<16xf32> to vector<1x1x16xf32>
          tpu.vector_store %arg18[%swap3A_1314, %swap3A_1315, %swap3A_1316], %swap3A_1319 {strides = array<i32>} : memref<2x16x256xf32, #tpu.memory_space<vmem>>, vector<1x1x16xf32>,
        }
        %scan3A_558 = arith.constant 16 : i32
        %dma_start3A_559 = arith.constant 0 : i32
        %dma_start3A_560 = arith.constant 1 : i32
        %dma_start3A_561 = arith.constant 0 : i32
        %dma_start3A_562 = arith.constant 0 : i32
        %dma_start3A_563 = tpu.memref_slice %arg18[%dma_start3A_559, %dma_start3A_561, %dma_start3A_562] : memref<2x16x256xf32, #tpu.memory_space<vmem>> -> memref<1x16x256xf32, #tpu.memory_space<vmem>>
        %dma_start3A_564 = tpu.memref_squeeze %dma_start3A_563 : memref<1x16x256xf32, #tpu.memory_space<vmem>> -> memref<16x256xf32, #tpu.memory_space<vmem>>
        %dma_start3A_565 = arith.constant 0 : i32
        %dma_start3A_566 = tpu.memref_slice %arg8[%dma_start3A_560, %multiple_of3A_454, %dma_start3A_565] : memref<3x20000x256xf32, #tpu.memory_space<hbm>> -> memref<1x16x256xf32, #tpu.memory_space<hbm>>
        %dma_start3A_567 = tpu.memref_squeeze %dma_start3A_566 : memref<1x16x256xf32, #tpu.memory_space<hbm>> -> memref<16x256xf32, #tpu.memory_space<hbm>>
        %dma_start3A_568 = arith.constant 0 : i32
        %dma_start3A_569 = tpu.memref_slice %arg8[%dma_start3A_560, %multiple_of3A_454, %dma_start3A_568] : memref<3x20000x256xf32, #tpu.memory_space<hbm>> -> memref<1x16x256xf32, #tpu.memory_space<hbm>>
        %dma_start3A_570 = tpu.memref_squeeze %dma_start3A_569 : memref<1x16x256xf32, #tpu.memory_space<hbm>> -> memref<16x256xf32, #tpu.memory_space<hbm>>
        %dma_start3A_571 = arith.constant 0 : i32
        %dma_start3A_572 = arith.constant 0 : i32
        %dma_start3A_573 = tpu.memref_slice %arg18[%dma_start3A_559, %dma_start3A_571, %dma_start3A_572] : memref<2x16x256xf32, #tpu.memory_space<vmem>> -> memref<1x16x256xf32, #tpu.memory_space<vmem>>
        %dma_start3A_574 = tpu.memref_squeeze %dma_start3A_573 : memref<1x16x256xf32, #tpu.memory_space<vmem>> -> memref<16x256xf32, #tpu.memory_space<vmem>>
        tpu.enqueue_dma source(%dma_start3A_574 : memref<16x256xf32, #tpu.memory_space<vmem>>) target(%dma_start3A_570 : memref<16x256xf32, #tpu.memory_space<hbm>>) target_semaphore(%arg25 : memref<!tpu.dma_semaphore, #tpu.memory_space<semaphore_mem>>)
      } else {
      }
      %mul3A_438 = arith.constant 2 : i32
      %mul3A_439 = arith.muli %mul3A_438, %scan3A_425 : i32
      %add3A_440 = arith.constant 1 : i32
      %add3A_441 = arith.addi %mul3A_439, %add3A_440 : i32
      %mul3A_442 = arith.constant 32 : i32
      %mul3A_443 = arith.muli %mul3A_442, %add3A_441 : i32
      %add3A_444 = arith.addi %add3A, %mul3A_443 : i32
      %add3A_445 = arith.constant 32 : i32
      %add3A_446 = arith.addi %add3A_444, %add3A_445 : i32
      %lt3A_447 = arith.constant 1250 : i32
      %lt3A_448 = arith.cmpi slt, %add3A_444, %lt3A_447 : i32
      %convert_element_type3A_449 = arith.extui %lt3A_448 : i1 to i32
      %cond3A_450 = arith.constant 0 : i32
      %cond3A_451 = arith.cmpi ne, %convert_element_type3A_449, %cond3A_450 : i32
      scf.if %cond3A_451 {
        %mul3A_452 = arith.constant 16 : i32
        %mul3A_453 = arith.muli %add3A_444, %mul3A_452 : i32
        %multiple_of3A_454 = tpu.assume_multiple %mul3A_453, 16 : i32
        %gt3A_455 = arith.constant 0 : i32
        %gt3A_456 = arith.cmpi sgt, %add3A_441, %gt3A_455 : i32
        %convert_element_type3A_457 = arith.extui %gt3A_456 : i1 to i32
        %cond3A_458 = arith.constant 0 : i32
        %cond3A_459 = arith.cmpi ne, %convert_element_type3A_457, %cond3A_458 : i32
        scf.if %cond3A_459 {
          %dma_wait3A_575 = arith.constant 1 : i32
          %dma_wait3A_576 = arith.constant 0 : i32
          %dma_wait3A_577 = arith.constant 0 : i32
          %dma_wait3A_578 = arith.constant 0 : i32
          %dma_wait3A_579 = tpu.memref_slice %arg15[%dma_wait3A_575, %dma_wait3A_577, %dma_wait3A_578] : memref<2x16x256xf32, #tpu.memory_space<vmem>> -> memref<1x16x256xf32, #tpu.memory_space<vmem>>
          %dma_wait3A_580 = tpu.memref_squeeze %dma_wait3A_579 : memref<1x16x256xf32, #tpu.memory_space<vmem>> -> memref<16x256xf32, #tpu.memory_space<vmem>>
          %dma_wait3A_581 = arith.constant 0 : i32
          %dma_wait3A_582 = tpu.memref_slice %arg8[%dma_wait3A_576, %multiple_of3A_454, %dma_wait3A_581] : memref<3x20000x256xf32, #tpu.memory_space<hbm>> -> memref<1x16x256xf32, #tpu.memory_space<hbm>>
          %dma_wait3A_583 = tpu.memref_squeeze %dma_wait3A_582 : memref<1x16x256xf32, #tpu.memory_space<hbm>> -> memref<16x256xf32, #tpu.memory_space<hbm>>
          %dma_wait3A_584 = arith.constant 0 : i32
          %dma_wait3A_585 = tpu.memref_slice %arg8[%dma_wait3A_576, %multiple_of3A_454, %dma_wait3A_584] : memref<3x20000x256xf32, #tpu.memory_space<hbm>> -> memref<1x16x256xf32, #tpu.memory_space<hbm>>
          %dma_wait3A_586 = tpu.memref_squeeze %dma_wait3A_585 : memref<1x16x256xf32, #tpu.memory_space<hbm>> -> memref<16x256xf32, #tpu.memory_space<hbm>>
          %dma_wait3A_587 = arith.constant 0 : i32
          %dma_wait3A_588 = arith.constant 0 : i32
          %dma_wait3A_589 = tpu.memref_slice %arg15[%dma_wait3A_575, %dma_wait3A_587, %dma_wait3A_588] : memref<2x16x256xf32, #tpu.memory_space<vmem>> -> memref<1x16x256xf32, #tpu.memory_space<vmem>>
          %dma_wait3A_590 = tpu.memref_squeeze %dma_wait3A_589 : memref<1x16x256xf32, #tpu.memory_space<vmem>> -> memref<16x256xf32, #tpu.memory_space<vmem>>
          tpu.wait_dma2 semaphore(%arg25 : memref<!tpu.dma_semaphore, #tpu.memory_space<semaphore_mem>>) src(%dma_wait3A_590 : memref<16x256xf32, #tpu.memory_space<vmem>>) dst(%dma_wait3A_586 : memref<16x256xf32, #tpu.memory_space<hbm>>)
          %dma_wait3A_591 = arith.constant 1 : i32
          %dma_wait3A_592 = arith.constant 1 : i32
          %dma_wait3A_593 = arith.constant 0 : i32
          %dma_wait3A_594 = arith.constant 0 : i32
          %dma_wait3A_595 = tpu.memref_slice %arg18[%dma_wait3A_591, %dma_wait3A_593, %dma_wait3A_594] : memref<2x16x256xf32, #tpu.memory_space<vmem>> -> memref<1x16x256xf32, #tpu.memory_space<vmem>>
          %dma_wait3A_596 = tpu.memref_squeeze %dma_wait3A_595 : memref<1x16x256xf32, #tpu.memory_space<vmem>> -> memref<16x256xf32, #tpu.memory_space<vmem>>
          %dma_wait3A_597 = arith.constant 0 : i32
          %dma_wait3A_598 = tpu.memref_slice %arg8[%dma_wait3A_592, %multiple_of3A_454, %dma_wait3A_597] : memref<3x20000x256xf32, #tpu.memory_space<hbm>> -> memref<1x16x256xf32, #tpu.memory_space<hbm>>
          %dma_wait3A_599 = tpu.memref_squeeze %dma_wait3A_598 : memref<1x16x256xf32, #tpu.memory_space<hbm>> -> memref<16x256xf32, #tpu.memory_space<hbm>>
          %dma_wait3A_600 = arith.constant 0 : i32
          %dma_wait3A_601 = tpu.memref_slice %arg8[%dma_wait3A_592, %multiple_of3A_454, %dma_wait3A_600] : memref<3x20000x256xf32, #tpu.memory_space<hbm>> -> memref<1x16x256xf32, #tpu.memory_space<hbm>>
          %dma_wait3A_602 = tpu.memref_squeeze %dma_wait3A_601 : memref<1x16x256xf32, #tpu.memory_space<hbm>> -> memref<16x256xf32, #tpu.memory_space<hbm>>
          %dma_wait3A_603 = arith.constant 0 : i32
          %dma_wait3A_604 = arith.constant 0 : i32
          %dma_wait3A_605 = tpu.memref_slice %arg18[%dma_wait3A_591, %dma_wait3A_603, %dma_wait3A_604] : memref<2x16x256xf32, #tpu.memory_space<vmem>> -> memref<1x16x256xf32, #tpu.memory_space<vmem>>
          %dma_wait3A_606 = tpu.memref_squeeze %dma_wait3A_605 : memref<1x16x256xf32, #tpu.memory_space<vmem>> -> memref<16x256xf32, #tpu.memory_space<vmem>>
          tpu.wait_dma2 semaphore(%arg25 : memref<!tpu.dma_semaphore, #tpu.memory_space<semaphore_mem>>) src(%dma_wait3A_606 : memref<16x256xf32, #tpu.memory_space<vmem>>) dst(%dma_wait3A_602 : memref<16x256xf32, #tpu.memory_space<hbm>>)
          %dma_wait3A_607 = arith.constant 1 : i32
          %dma_wait3A_608 = arith.constant 2 : i32
          %dma_wait3A_609 = arith.constant 0 : i32
          %dma_wait3A_610 = arith.constant 0 : i32
          %dma_wait3A_611 = tpu.memref_slice %arg16[%dma_wait3A_607, %dma_wait3A_609, %dma_wait3A_610] : memref<2x16x256xf32, #tpu.memory_space<vmem>> -> memref<1x16x256xf32, #tpu.memory_space<vmem>>
          %dma_wait3A_612 = tpu.memref_squeeze %dma_wait3A_611 : memref<1x16x256xf32, #tpu.memory_space<vmem>> -> memref<16x256xf32, #tpu.memory_space<vmem>>
          %dma_wait3A_613 = arith.constant 0 : i32
          %dma_wait3A_614 = tpu.memref_slice %arg8[%dma_wait3A_608, %multiple_of3A_454, %dma_wait3A_613] : memref<3x20000x256xf32, #tpu.memory_space<hbm>> -> memref<1x16x256xf32, #tpu.memory_space<hbm>>
          %dma_wait3A_615 = tpu.memref_squeeze %dma_wait3A_614 : memref<1x16x256xf32, #tpu.memory_space<hbm>> -> memref<16x256xf32, #tpu.memory_space<hbm>>
          %dma_wait3A_616 = arith.constant 0 : i32
          %dma_wait3A_617 = tpu.memref_slice %arg8[%dma_wait3A_608, %multiple_of3A_454, %dma_wait3A_616] : memref<3x20000x256xf32, #tpu.memory_space<hbm>> -> memref<1x16x256xf32, #tpu.memory_space<hbm>>
          %dma_wait3A_618 = tpu.memref_squeeze %dma_wait3A_617 : memref<1x16x256xf32, #tpu.memory_space<hbm>> -> memref<16x256xf32, #tpu.memory_space<hbm>>
          %dma_wait3A_619 = arith.constant 0 : i32
          %dma_wait3A_620 = arith.constant 0 : i32
          %dma_wait3A_621 = tpu.memref_slice %arg16[%dma_wait3A_607, %dma_wait3A_619, %dma_wait3A_620] : memref<2x16x256xf32, #tpu.memory_space<vmem>> -> memref<1x16x256xf32, #tpu.memory_space<vmem>>
          %dma_wait3A_622 = tpu.memref_squeeze %dma_wait3A_621 : memref<1x16x256xf32, #tpu.memory_space<vmem>> -> memref<16x256xf32, #tpu.memory_space<vmem>>
          tpu.wait_dma2 semaphore(%arg25 : memref<!tpu.dma_semaphore, #tpu.memory_space<semaphore_mem>>) src(%dma_wait3A_622 : memref<16x256xf32, #tpu.memory_space<vmem>>) dst(%dma_wait3A_618 : memref<16x256xf32, #tpu.memory_space<hbm>>)
        } else {
        }
        %lt3A_460 = arith.constant 1250 : i32
        %lt3A_461 = arith.cmpi slt, %add3A_446, %lt3A_460 : i32
        %convert_element_type3A_462 = arith.extui %lt3A_461 : i1 to i32
        %cond3A_463 = arith.constant 0 : i32
        %cond3A_464 = arith.cmpi ne, %convert_element_type3A_462, %cond3A_463 : i32
        scf.if %cond3A_464 {
          %dma_wait3A_575 = arith.constant 0 : i32
          %dma_wait3A_576 = arith.constant 0 : i32
          %dma_wait3A_577 = tpu.memref_slice %arg9[%dma_wait3A_575, %dma_wait3A_576] : memref<2x16xi32, #tpu.memory_space<vmem>> -> memref<1x16xi32, #tpu.memory_space<vmem>>
          %dma_wait3A_578 = tpu.memref_squeeze %dma_wait3A_577 : memref<1x16xi32, #tpu.memory_space<vmem>> -> memref<16xi32, #tpu.memory_space<vmem>>
          %dma_wait3A_579 = arith.constant 0 : i32
          %dma_wait3A_580 = tpu.memref_slice %arg6[%dma_wait3A_579] : memref<20000xi32, #tpu.memory_space<hbm>> -> memref<16xi32, #tpu.memory_space<hbm>>
          %dma_wait3A_581 = arith.constant 0 : i32
          %dma_wait3A_582 = tpu.memref_slice %arg9[%dma_wait3A_575, %dma_wait3A_581] : memref<2x16xi32, #tpu.memory_space<vmem>> -> memref<1x16xi32, #tpu.memory_space<vmem>>
          %dma_wait3A_583 = tpu.memref_squeeze %dma_wait3A_582 : memref<1x16xi32, #tpu.memory_space<vmem>> -> memref<16xi32, #tpu.memory_space<vmem>>
          %dma_wait3A_584 = arith.constant 0 : i32
          %dma_wait3A_585 = tpu.memref_slice %arg6[%dma_wait3A_584] : memref<20000xi32, #tpu.memory_space<hbm>> -> memref<16xi32, #tpu.memory_space<hbm>>
          tpu.wait_dma2 semaphore(%arg19 : memref<!tpu.dma_semaphore, #tpu.memory_space<semaphore_mem>>) src(%dma_wait3A_585 : memref<16xi32, #tpu.memory_space<hbm>>) dst(%dma_wait3A_583 : memref<16xi32, #tpu.memory_space<vmem>>)
          %dma_wait3A_586 = arith.constant 0 : i32
          %dma_wait3A_587 = arith.constant 0 : i32
          %dma_wait3A_588 = tpu.memref_slice %arg10[%dma_wait3A_586, %dma_wait3A_587] : memref<2x16xi32, #tpu.memory_space<vmem>> -> memref<1x16xi32, #tpu.memory_space<vmem>>
          %dma_wait3A_589 = tpu.memref_squeeze %dma_wait3A_588 : memref<1x16xi32, #tpu.memory_space<vmem>> -> memref<16xi32, #tpu.memory_space<vmem>>
          %dma_wait3A_590 = arith.constant 0 : i32
          %dma_wait3A_591 = tpu.memref_slice %arg7[%dma_wait3A_590] : memref<20000xi32, #tpu.memory_space<hbm>> -> memref<16xi32, #tpu.memory_space<hbm>>
          %dma_wait3A_592 = arith.constant 0 : i32
          %dma_wait3A_593 = tpu.memref_slice %arg10[%dma_wait3A_586, %dma_wait3A_592] : memref<2x16xi32, #tpu.memory_space<vmem>> -> memref<1x16xi32, #tpu.memory_space<vmem>>
          %dma_wait3A_594 = tpu.memref_squeeze %dma_wait3A_593 : memref<1x16xi32, #tpu.memory_space<vmem>> -> memref<16xi32, #tpu.memory_space<vmem>>
          %dma_wait3A_595 = arith.constant 0 : i32
          %dma_wait3A_596 = tpu.memref_slice %arg7[%dma_wait3A_595] : memref<20000xi32, #tpu.memory_space<hbm>> -> memref<16xi32, #tpu.memory_space<hbm>>
          tpu.wait_dma2 semaphore(%arg19 : memref<!tpu.dma_semaphore, #tpu.memory_space<semaphore_mem>>) src(%dma_wait3A_596 : memref<16xi32, #tpu.memory_space<hbm>>) dst(%dma_wait3A_594 : memref<16xi32, #tpu.memory_space<vmem>>)
          %get3A_597 = arith.constant 0 : i32
          %get3A_598 = arith.index_cast %get3A_597 : i32 to index
          %get3A_599 = arith.constant 0 : index
          %get3A_600 = tpu.vector_load %arg9[%get3A_598, %get3A_599] {strides = array<i32>} : memref<2x16xi32, #tpu.memory_space<vmem>>, vector<1x16xi32>,
          %get3A_601 = vector.shape_cast %get3A_600 : vector<1x16xi32> to vector<16xi32>
          %get3A_602 = arith.constant 0 : i32
          %get3A_603 = arith.index_cast %get3A_602 : i32 to index
          %get3A_604 = arith.constant 0 : index
          %get3A_605 = tpu.vector_load %arg10[%get3A_603, %get3A_604] {strides = array<i32>} : memref<2x16xi32, #tpu.memory_space<vmem>>, vector<1x16xi32>,
          %get3A_606 = vector.shape_cast %get3A_605 : vector<1x16xi32> to vector<16xi32>
          %mul3A_607 = arith.constant 4096 : i32
          %mul3A_608 = vector.broadcast %mul3A_607 : i32 to vector<16xi32>
          %mul3A_609 = arith.muli %get3A_601, %mul3A_608 : vector<16xi32>
          %add3A_610 = arith.addi %mul3A_609, %get3A_606 : vector<16xi32>
          %dma_start3A_611 = arith.constant 0 : i32
          %dma_start3A_612 = arith.constant 0 : i32
          %dma_start3A_613 = tpu.memref_slice %arg11[%dma_start3A_611, %dma_start3A_612] : memref<2x16xf32, #tpu.memory_space<vmem>> -> memref<1x16xf32, #tpu.memory_space<vmem>>
          %dma_start3A_614 = tpu.memref_squeeze %dma_start3A_613 : memref<1x16xf32, #tpu.memory_space<vmem>> -> memref<16xf32, #tpu.memory_space<vmem>>
          %dma_start3A_615 = arith.constant 0 : i32
          %dma_start3A_616 = tpu.memref_slice %arg4[%dma_start3A_615] : memref<131072xf32, #tpu.memory_space<hbm>> -> memref<131072xf32, #tpu.memory_space<hbm>>
          tpu.enqueue_indirect_dma source(%dma_start3A_616 : memref<131072xf32, #tpu.memory_space<hbm>>) target(%dma_start3A_614 : memref<16xf32, #tpu.memory_space<vmem>>) offsets(%add3A_610 : vector<16xi32>) semaphore(%arg20 : memref<!tpu.dma_semaphore, #tpu.memory_space<semaphore_mem>>)
          %dma_start3A_617 = arith.constant 0 : i32
          %dma_start3A_618 = arith.constant 0 : i32
          %dma_start3A_619 = tpu.memref_slice %arg12[%dma_start3A_617, %dma_start3A_618] : memref<2x16xf32, #tpu.memory_space<vmem>> -> memref<1x16xf32, #tpu.memory_space<vmem>>
          %dma_start3A_620 = tpu.memref_squeeze %dma_start3A_619 : memref<1x16xf32, #tpu.memory_space<vmem>> -> memref<16xf32, #tpu.memory_space<vmem>>
          %dma_start3A_621 = arith.constant 0 : i32
          %dma_start3A_622 = tpu.memref_slice %arg5[%dma_start3A_621] : memref<131072xf32, #tpu.memory_space<hbm>> -> memref<131072xf32, #tpu.memory_space<hbm>>
          tpu.enqueue_indirect_dma source(%dma_start3A_622 : memref<131072xf32, #tpu.memory_space<hbm>>) target(%dma_start3A_620 : memref<16xf32, #tpu.memory_space<vmem>>) offsets(%add3A_610 : vector<16xi32>) semaphore(%arg20 : memref<!tpu.dma_semaphore, #tpu.memory_space<semaphore_mem>>)
          %dma_start3A_623 = arith.constant 0 : i32
          %dma_start3A_624 = arith.constant 0 : i32
          %dma_start3A_625 = arith.constant 0 : i32
          %dma_start3A_626 = tpu.memref_slice %arg15[%dma_start3A_623, %dma_start3A_624, %dma_start3A_625] : memref<2x16x256xf32, #tpu.memory_space<vmem>> -> memref<1x16x256xf32, #tpu.memory_space<vmem>>
          %dma_start3A_627 = tpu.memref_squeeze %dma_start3A_626 : memref<1x16x256xf32, #tpu.memory_space<vmem>> -> memref<16x256xf32, #tpu.memory_space<vmem>>
          %dma_start3A_628 = arith.constant 0 : i32
          %dma_start3A_629 = arith.constant 0 : i32
          %dma_start3A_630 = tpu.memref_slice %arg2[%dma_start3A_628, %dma_start3A_629] : memref<131072x256xf32, #tpu.memory_space<hbm>> -> memref<131072x256xf32, #tpu.memory_space<hbm>>
          tpu.enqueue_indirect_dma source(%dma_start3A_630 : memref<131072x256xf32, #tpu.memory_space<hbm>>) target(%dma_start3A_627 : memref<16x256xf32, #tpu.memory_space<vmem>>) offsets(%add3A_610 : vector<16xi32>) semaphore(%arg21 : memref<!tpu.dma_semaphore, #tpu.memory_space<semaphore_mem>>)
          %dma_start3A_631 = arith.constant 0 : i32
          %dma_start3A_632 = arith.constant 0 : i32
          %dma_start3A_633 = arith.constant 0 : i32
          %dma_start3A_634 = tpu.memref_slice %arg16[%dma_start3A_631, %dma_start3A_632, %dma_start3A_633] : memref<2x16x256xf32, #tpu.memory_space<vmem>> -> memref<1x16x256xf32, #tpu.memory_space<vmem>>
          %dma_start3A_635 = tpu.memref_squeeze %dma_start3A_634 : memref<1x16x256xf32, #tpu.memory_space<vmem>> -> memref<16x256xf32, #tpu.memory_space<vmem>>
          %dma_start3A_636 = arith.constant 0 : i32
          %dma_start3A_637 = arith.constant 0 : i32
          %dma_start3A_638 = tpu.memref_slice %arg3[%dma_start3A_636, %dma_start3A_637] : memref<131072x256xf32, #tpu.memory_space<hbm>> -> memref<131072x256xf32, #tpu.memory_space<hbm>>
          tpu.enqueue_indirect_dma source(%dma_start3A_638 : memref<131072x256xf32, #tpu.memory_space<hbm>>) target(%dma_start3A_635 : memref<16x256xf32, #tpu.memory_space<vmem>>) offsets(%add3A_610 : vector<16xi32>) semaphore(%arg21 : memref<!tpu.dma_semaphore, #tpu.memory_space<semaphore_mem>>)
        } else {
        }
        %add3A_465 = arith.constant 32 : i32
        %add3A_466 = arith.addi %add3A_446, %add3A_465 : i32
        %lt3A_467 = arith.constant 1250 : i32
        %lt3A_468 = arith.cmpi slt, %add3A_466, %lt3A_467 : i32
        %convert_element_type3A_469 = arith.extui %lt3A_468 : i1 to i32
        %cond3A_470 = arith.constant 0 : i32
        %cond3A_471 = arith.cmpi ne, %convert_element_type3A_469, %cond3A_470 : i32
        scf.if %cond3A_471 {
          %add3A_575 = arith.constant 32 : i32
          %add3A_576 = arith.addi %add3A_446, %add3A_575 : i32
          %mul3A_577 = arith.constant 16 : i32
          %mul3A_578 = arith.muli %add3A_576, %mul3A_577 : i32
          %multiple_of3A_579 = tpu.assume_multiple %mul3A_578, 16 : i32
          %dma_start3A_580 = arith.constant 1 : i32
          %dma_start3A_581 = arith.constant 0 : i32
          %dma_start3A_582 = tpu.memref_slice %arg9[%dma_start3A_580, %dma_start3A_581] : memref<2x16xi32, #tpu.memory_space<vmem>> -> memref<1x16xi32, #tpu.memory_space<vmem>>
          %dma_start3A_583 = tpu.memref_squeeze %dma_start3A_582 : memref<1x16xi32, #tpu.memory_space<vmem>> -> memref<16xi32, #tpu.memory_space<vmem>>
          %dma_start3A_584 = tpu.memref_slice %arg6[%multiple_of3A_579] : memref<20000xi32, #tpu.memory_space<hbm>> -> memref<16xi32, #tpu.memory_space<hbm>>
          %dma_start3A_585 = arith.constant 0 : i32
          %dma_start3A_586 = tpu.memref_slice %arg9[%dma_start3A_580, %dma_start3A_585] : memref<2x16xi32, #tpu.memory_space<vmem>> -> memref<1x16xi32, #tpu.memory_space<vmem>>
          %dma_start3A_587 = tpu.memref_squeeze %dma_start3A_586 : memref<1x16xi32, #tpu.memory_space<vmem>> -> memref<16xi32, #tpu.memory_space<vmem>>
          %dma_start3A_588 = tpu.memref_slice %arg6[%multiple_of3A_579] : memref<20000xi32, #tpu.memory_space<hbm>> -> memref<16xi32, #tpu.memory_space<hbm>>
          tpu.enqueue_dma source(%dma_start3A_588 : memref<16xi32, #tpu.memory_space<hbm>>) target(%dma_start3A_587 : memref<16xi32, #tpu.memory_space<vmem>>) target_semaphore(%arg19 : memref<!tpu.dma_semaphore, #tpu.memory_space<semaphore_mem>>)
          %dma_start3A_589 = arith.constant 1 : i32
          %dma_start3A_590 = arith.constant 0 : i32
          %dma_start3A_591 = tpu.memref_slice %arg10[%dma_start3A_589, %dma_start3A_590] : memref<2x16xi32, #tpu.memory_space<vmem>> -> memref<1x16xi32, #tpu.memory_space<vmem>>
          %dma_start3A_592 = tpu.memref_squeeze %dma_start3A_591 : memref<1x16xi32, #tpu.memory_space<vmem>> -> memref<16xi32, #tpu.memory_space<vmem>>
          %dma_start3A_593 = tpu.memref_slice %arg7[%multiple_of3A_579] : memref<20000xi32, #tpu.memory_space<hbm>> -> memref<16xi32, #tpu.memory_space<hbm>>
          %dma_start3A_594 = arith.constant 0 : i32
          %dma_start3A_595 = tpu.memref_slice %arg10[%dma_start3A_589, %dma_start3A_594] : memref<2x16xi32, #tpu.memory_space<vmem>> -> memref<1x16xi32, #tpu.memory_space<vmem>>
          %dma_start3A_596 = tpu.memref_squeeze %dma_start3A_595 : memref<1x16xi32, #tpu.memory_space<vmem>> -> memref<16xi32, #tpu.memory_space<vmem>>
          %dma_start3A_597 = tpu.memref_slice %arg7[%multiple_of3A_579] : memref<20000xi32, #tpu.memory_space<hbm>> -> memref<16xi32, #tpu.memory_space<hbm>>
          tpu.enqueue_dma source(%dma_start3A_597 : memref<16xi32, #tpu.memory_space<hbm>>) target(%dma_start3A_596 : memref<16xi32, #tpu.memory_space<vmem>>) target_semaphore(%arg19 : memref<!tpu.dma_semaphore, #tpu.memory_space<semaphore_mem>>)
        } else {
        }
        %dma_wait3A_472 = arith.constant 1 : i32
        %dma_wait3A_473 = arith.constant 0 : i32
        %dma_wait3A_474 = arith.constant 0 : i32
        %dma_wait3A_475 = tpu.memref_slice %arg15[%dma_wait3A_472, %dma_wait3A_473, %dma_wait3A_474] : memref<2x16x256xf32, #tpu.memory_space<vmem>> -> memref<1x16x256xf32, #tpu.memory_space<vmem>>
        %dma_wait3A_476 = tpu.memref_squeeze %dma_wait3A_475 : memref<1x16x256xf32, #tpu.memory_space<vmem>> -> memref<16x256xf32, #tpu.memory_space<vmem>>
        %dma_wait3A_477 = arith.constant 0 : i32
        %dma_wait3A_478 = arith.constant 0 : i32
        %dma_wait3A_479 = tpu.memref_slice %arg2[%dma_wait3A_477, %dma_wait3A_478] : memref<131072x256xf32, #tpu.memory_space<hbm>> -> memref<16x256xf32, #tpu.memory_space<hbm>>
        %dma_wait3A_480 = arith.constant 0 : i32
        %dma_wait3A_481 = arith.constant 0 : i32
        %dma_wait3A_482 = tpu.memref_slice %arg15[%dma_wait3A_472, %dma_wait3A_480, %dma_wait3A_481] : memref<2x16x256xf32, #tpu.memory_space<vmem>> -> memref<1x16x256xf32, #tpu.memory_space<vmem>>
        %dma_wait3A_483 = tpu.memref_squeeze %dma_wait3A_482 : memref<1x16x256xf32, #tpu.memory_space<vmem>> -> memref<16x256xf32, #tpu.memory_space<vmem>>
        %dma_wait3A_484 = arith.constant 0 : i32
        %dma_wait3A_485 = arith.constant 0 : i32
        %dma_wait3A_486 = tpu.memref_slice %arg2[%dma_wait3A_484, %dma_wait3A_485] : memref<131072x256xf32, #tpu.memory_space<hbm>> -> memref<16x256xf32, #tpu.memory_space<hbm>>
        tpu.wait_dma2 semaphore(%arg22 : memref<!tpu.dma_semaphore, #tpu.memory_space<semaphore_mem>>) src(%dma_wait3A_486 : memref<16x256xf32, #tpu.memory_space<hbm>>) dst(%dma_wait3A_483 : memref<16x256xf32, #tpu.memory_space<vmem>>)
        %dma_wait3A_487 = arith.constant 1 : i32
        %dma_wait3A_488 = arith.constant 0 : i32
        %dma_wait3A_489 = arith.constant 0 : i32
        %dma_wait3A_490 = tpu.memref_slice %arg16[%dma_wait3A_487, %dma_wait3A_488, %dma_wait3A_489] : memref<2x16x256xf32, #tpu.memory_space<vmem>> -> memref<1x16x256xf32, #tpu.memory_space<vmem>>
        %dma_wait3A_491 = tpu.memref_squeeze %dma_wait3A_490 : memref<1x16x256xf32, #tpu.memory_space<vmem>> -> memref<16x256xf32, #tpu.memory_space<vmem>>
        %dma_wait3A_492 = arith.constant 0 : i32
        %dma_wait3A_493 = arith.constant 0 : i32
        %dma_wait3A_494 = tpu.memref_slice %arg3[%dma_wait3A_492, %dma_wait3A_493] : memref<131072x256xf32, #tpu.memory_space<hbm>> -> memref<16x256xf32, #tpu.memory_space<hbm>>
        %dma_wait3A_495 = arith.constant 0 : i32
        %dma_wait3A_496 = arith.constant 0 : i32
        %dma_wait3A_497 = tpu.memref_slice %arg16[%dma_wait3A_487, %dma_wait3A_495, %dma_wait3A_496] : memref<2x16x256xf32, #tpu.memory_space<vmem>> -> memref<1x16x256xf32, #tpu.memory_space<vmem>>
        %dma_wait3A_498 = tpu.memref_squeeze %dma_wait3A_497 : memref<1x16x256xf32, #tpu.memory_space<vmem>> -> memref<16x256xf32, #tpu.memory_space<vmem>>
        %dma_wait3A_499 = arith.constant 0 : i32
        %dma_wait3A_500 = arith.constant 0 : i32
        %dma_wait3A_501 = tpu.memref_slice %arg3[%dma_wait3A_499, %dma_wait3A_500] : memref<131072x256xf32, #tpu.memory_space<hbm>> -> memref<16x256xf32, #tpu.memory_space<hbm>>
        tpu.wait_dma2 semaphore(%arg22 : memref<!tpu.dma_semaphore, #tpu.memory_space<semaphore_mem>>) src(%dma_wait3A_501 : memref<16x256xf32, #tpu.memory_space<hbm>>) dst(%dma_wait3A_498 : memref<16x256xf32, #tpu.memory_space<vmem>>)
        %dma_start3A_502 = arith.constant 1 : i32
        %dma_start3A_503 = arith.constant 0 : i32
        %dma_start3A_504 = arith.constant 0 : i32
        %dma_start3A_505 = arith.constant 0 : i32
        %dma_start3A_506 = tpu.memref_slice %arg15[%dma_start3A_502, %dma_start3A_504, %dma_start3A_505] : memref<2x16x256xf32, #tpu.memory_space<vmem>> -> memref<1x16x256xf32, #tpu.memory_space<vmem>>
        %dma_start3A_507 = tpu.memref_squeeze %dma_start3A_506 : memref<1x16x256xf32, #tpu.memory_space<vmem>> -> memref<16x256xf32, #tpu.memory_space<vmem>>
        %dma_start3A_508 = arith.constant 0 : i32
        %dma_start3A_509 = tpu.memref_slice %arg8[%dma_start3A_503, %multiple_of3A_454, %dma_start3A_508] : memref<3x20000x256xf32, #tpu.memory_space<hbm>> -> memref<1x16x256xf32, #tpu.memory_space<hbm>>
        %dma_start3A_510 = tpu.memref_squeeze %dma_start3A_509 : memref<1x16x256xf32, #tpu.memory_space<hbm>> -> memref<16x256xf32, #tpu.memory_space<hbm>>
        %dma_start3A_511 = arith.constant 0 : i32
        %dma_start3A_512 = tpu.memref_slice %arg8[%dma_start3A_503, %multiple_of3A_454, %dma_start3A_511] : memref<3x20000x256xf32, #tpu.memory_space<hbm>> -> memref<1x16x256xf32, #tpu.memory_space<hbm>>
        %dma_start3A_513 = tpu.memref_squeeze %dma_start3A_512 : memref<1x16x256xf32, #tpu.memory_space<hbm>> -> memref<16x256xf32, #tpu.memory_space<hbm>>
        %dma_start3A_514 = arith.constant 0 : i32
        %dma_start3A_515 = arith.constant 0 : i32
        %dma_start3A_516 = tpu.memref_slice %arg15[%dma_start3A_502, %dma_start3A_514, %dma_start3A_515] : memref<2x16x256xf32, #tpu.memory_space<vmem>> -> memref<1x16x256xf32, #tpu.memory_space<vmem>>
        %dma_start3A_517 = tpu.memref_squeeze %dma_start3A_516 : memref<1x16x256xf32, #tpu.memory_space<vmem>> -> memref<16x256xf32, #tpu.memory_space<vmem>>
        tpu.enqueue_dma source(%dma_start3A_517 : memref<16x256xf32, #tpu.memory_space<vmem>>) target(%dma_start3A_513 : memref<16x256xf32, #tpu.memory_space<hbm>>) target_semaphore(%arg25 : memref<!tpu.dma_semaphore, #tpu.memory_space<semaphore_mem>>)
        %dma_start3A_518 = arith.constant 1 : i32
        %dma_start3A_519 = arith.constant 2 : i32
        %dma_start3A_520 = arith.constant 0 : i32
        %dma_start3A_521 = arith.constant 0 : i32
        %dma_start3A_522 = tpu.memref_slice %arg16[%dma_start3A_518, %dma_start3A_520, %dma_start3A_521] : memref<2x16x256xf32, #tpu.memory_space<vmem>> -> memref<1x16x256xf32, #tpu.memory_space<vmem>>
        %dma_start3A_523 = tpu.memref_squeeze %dma_start3A_522 : memref<1x16x256xf32, #tpu.memory_space<vmem>> -> memref<16x256xf32, #tpu.memory_space<vmem>>
        %dma_start3A_524 = arith.constant 0 : i32
        %dma_start3A_525 = tpu.memref_slice %arg8[%dma_start3A_519, %multiple_of3A_454, %dma_start3A_524] : memref<3x20000x256xf32, #tpu.memory_space<hbm>> -> memref<1x16x256xf32, #tpu.memory_space<hbm>>
        %dma_start3A_526 = tpu.memref_squeeze %dma_start3A_525 : memref<1x16x256xf32, #tpu.memory_space<hbm>> -> memref<16x256xf32, #tpu.memory_space<hbm>>
        %dma_start3A_527 = arith.constant 0 : i32
        %dma_start3A_528 = tpu.memref_slice %arg8[%dma_start3A_519, %multiple_of3A_454, %dma_start3A_527] : memref<3x20000x256xf32, #tpu.memory_space<hbm>> -> memref<1x16x256xf32, #tpu.memory_space<hbm>>
        %dma_start3A_529 = tpu.memref_squeeze %dma_start3A_528 : memref<1x16x256xf32, #tpu.memory_space<hbm>> -> memref<16x256xf32, #tpu.memory_space<hbm>>
        %dma_start3A_530 = arith.constant 0 : i32
        %dma_start3A_531 = arith.constant 0 : i32
        %dma_start3A_532 = tpu.memref_slice %arg16[%dma_start3A_518, %dma_start3A_530, %dma_start3A_531] : memref<2x16x256xf32, #tpu.memory_space<vmem>> -> memref<1x16x256xf32, #tpu.memory_space<vmem>>
        %dma_start3A_533 = tpu.memref_squeeze %dma_start3A_532 : memref<1x16x256xf32, #tpu.memory_space<vmem>> -> memref<16x256xf32, #tpu.memory_space<vmem>>
        tpu.enqueue_dma source(%dma_start3A_533 : memref<16x256xf32, #tpu.memory_space<vmem>>) target(%dma_start3A_529 : memref<16x256xf32, #tpu.memory_space<hbm>>) target_semaphore(%arg25 : memref<!tpu.dma_semaphore, #tpu.memory_space<semaphore_mem>>)
        %lt3A_534 = arith.constant 1250 : i32
        %lt3A_535 = arith.cmpi slt, %add3A_446, %lt3A_534 : i32
        %convert_element_type3A_536 = arith.extui %lt3A_535 : i1 to i32
        %cond3A_537 = arith.constant 0 : i32
        %cond3A_538 = arith.cmpi ne, %convert_element_type3A_536, %cond3A_537 : i32
        scf.if %cond3A_538 {
          %dma_wait3A_575 = arith.constant 0 : i32
          %dma_wait3A_576 = arith.constant 0 : i32
          %dma_wait3A_577 = tpu.memref_slice %arg11[%dma_wait3A_575, %dma_wait3A_576] : memref<2x16xf32, #tpu.memory_space<vmem>> -> memref<1x16xf32, #tpu.memory_space<vmem>>
          %dma_wait3A_578 = tpu.memref_squeeze %dma_wait3A_577 : memref<1x16xf32, #tpu.memory_space<vmem>> -> memref<16xf32, #tpu.memory_space<vmem>>
          %dma_wait3A_579 = arith.constant 0 : i32
          %dma_wait3A_580 = tpu.memref_slice %arg4[%dma_wait3A_579] : memref<131072xf32, #tpu.memory_space<hbm>> -> memref<16xf32, #tpu.memory_space<hbm>>
          %dma_wait3A_581 = arith.constant 0 : i32
          %dma_wait3A_582 = tpu.memref_slice %arg11[%dma_wait3A_575, %dma_wait3A_581] : memref<2x16xf32, #tpu.memory_space<vmem>> -> memref<1x16xf32, #tpu.memory_space<vmem>>
          %dma_wait3A_583 = tpu.memref_squeeze %dma_wait3A_582 : memref<1x16xf32, #tpu.memory_space<vmem>> -> memref<16xf32, #tpu.memory_space<vmem>>
          %dma_wait3A_584 = arith.constant 0 : i32
          %dma_wait3A_585 = tpu.memref_slice %arg4[%dma_wait3A_584] : memref<131072xf32, #tpu.memory_space<hbm>> -> memref<16xf32, #tpu.memory_space<hbm>>
          tpu.wait_dma2 semaphore(%arg20 : memref<!tpu.dma_semaphore, #tpu.memory_space<semaphore_mem>>) src(%dma_wait3A_585 : memref<16xf32, #tpu.memory_space<hbm>>) dst(%dma_wait3A_583 : memref<16xf32, #tpu.memory_space<vmem>>)
          %dma_wait3A_586 = arith.constant 0 : i32
          %dma_wait3A_587 = arith.constant 0 : i32
          %dma_wait3A_588 = tpu.memref_slice %arg12[%dma_wait3A_586, %dma_wait3A_587] : memref<2x16xf32, #tpu.memory_space<vmem>> -> memref<1x16xf32, #tpu.memory_space<vmem>>
          %dma_wait3A_589 = tpu.memref_squeeze %dma_wait3A_588 : memref<1x16xf32, #tpu.memory_space<vmem>> -> memref<16xf32, #tpu.memory_space<vmem>>
          %dma_wait3A_590 = arith.constant 0 : i32
          %dma_wait3A_591 = tpu.memref_slice %arg5[%dma_wait3A_590] : memref<131072xf32, #tpu.memory_space<hbm>> -> memref<16xf32, #tpu.memory_space<hbm>>
          %dma_wait3A_592 = arith.constant 0 : i32
          %dma_wait3A_593 = tpu.memref_slice %arg12[%dma_wait3A_586, %dma_wait3A_592] : memref<2x16xf32, #tpu.memory_space<vmem>> -> memref<1x16xf32, #tpu.memory_space<vmem>>
          %dma_wait3A_594 = tpu.memref_squeeze %dma_wait3A_593 : memref<1x16xf32, #tpu.memory_space<vmem>> -> memref<16xf32, #tpu.memory_space<vmem>>
          %dma_wait3A_595 = arith.constant 0 : i32
          %dma_wait3A_596 = tpu.memref_slice %arg5[%dma_wait3A_595] : memref<131072xf32, #tpu.memory_space<hbm>> -> memref<16xf32, #tpu.memory_space<hbm>>
          tpu.wait_dma2 semaphore(%arg20 : memref<!tpu.dma_semaphore, #tpu.memory_space<semaphore_mem>>) src(%dma_wait3A_596 : memref<16xf32, #tpu.memory_space<hbm>>) dst(%dma_wait3A_594 : memref<16xf32, #tpu.memory_space<vmem>>)
          %get3A_597 = arith.constant 0 : i32
          %get3A_598 = arith.index_cast %get3A_597 : i32 to index
          %get3A_599 = arith.constant 0 : index
          %get3A_600 = tpu.vector_load %arg10[%get3A_598, %get3A_599] {strides = array<i32>} : memref<2x16xi32, #tpu.memory_space<vmem>>, vector<1x16xi32>,
          %get3A_601 = vector.shape_cast %get3A_600 : vector<1x16xi32> to vector<16xi32>
          %get3A_602 = arith.constant 0 : i32
          %get3A_603 = arith.index_cast %get3A_602 : i32 to index
          %get3A_604 = arith.constant 0 : index
          %get3A_605 = tpu.vector_load %arg9[%get3A_603, %get3A_604] {strides = array<i32>} : memref<2x16xi32, #tpu.memory_space<vmem>>, vector<1x16xi32>,
          %get3A_606 = vector.shape_cast %get3A_605 : vector<1x16xi32> to vector<16xi32>
          %mul3A_607 = arith.constant 4096 : i32
          %mul3A_608 = vector.broadcast %mul3A_607 : i32 to vector<16xi32>
          %mul3A_609 = arith.muli %get3A_606, %mul3A_608 : vector<16xi32>
          %shift_right_logical3A_610 = arith.constant 6 : i32
          %shift_right_logical3A_611 = vector.broadcast %shift_right_logical3A_610 : i32 to vector<16xi32>
          %shift_right_logical3A_612 = arith.shrui %get3A_601, %shift_right_logical3A_611 : vector<16xi32>
          %and3A_613 = arith.constant 63 : i32
          %and3A_614 = vector.broadcast %and3A_613 : i32 to vector<16xi32>
          %and3A_615 = arith.andi %get3A_601, %and3A_614 : vector<16xi32>
          %convert_element_type3A_616 = arith.sitofp %shift_right_logical3A_612 : vector<16xi32> to vector<16xf32>
          %get3A_617 = arith.constant 0 : i32
          %get3A_618 = arith.index_cast %get3A_617 : i32 to index
          %get3A_619 = arith.constant 0 : index
          %get3A_620 = tpu.vector_load %arg11[%get3A_618, %get3A_619] {strides = array<i32>} : memref<2x16xf32, #tpu.memory_space<vmem>>, vector<1x16xf32>,
          %get3A_621 = vector.shape_cast %get3A_620 : vector<1x16xf32> to vector<16xf32>
          %add3A_622 = arith.addf %convert_element_type3A_616, %get3A_621 : vector<16xf32>
          %convert_element_type3A_623 = arith.sitofp %and3A_615 : vector<16xi32> to vector<16xf32>
          %get3A_624 = arith.constant 0 : i32
          %get3A_625 = arith.index_cast %get3A_624 : i32 to index
          %get3A_626 = arith.constant 0 : index
          %get3A_627 = tpu.vector_load %arg12[%get3A_625, %get3A_626] {strides = array<i32>} : memref<2x16xf32, #tpu.memory_space<vmem>>, vector<1x16xf32>,
          %get3A_628 = vector.shape_cast %get3A_627 : vector<1x16xf32> to vector<16xf32>
          %add3A_629 = arith.addf %convert_element_type3A_623, %get3A_628 : vector<16xf32>
          %convert_element_type3A_630 = arith.fptosi %add3A_629 : vector<16xf32> to vector<16xi32>
          %convert_element_type3A_631 = arith.sitofp %convert_element_type3A_630 : vector<16xi32> to vector<16xf32>
          %gt3A_632 = arith.cmpf ogt, %convert_element_type3A_631, %add3A_629 : vector<16xf32>
          %sub3A_633 = arith.constant 1 : i32
          %sub3A_634 = vector.broadcast %sub3A_633 : i32 to vector<16xi32>
          %sub3A_635 = arith.subi %convert_element_type3A_630, %sub3A_634 : vector<16xi32>
          %select_n3A_636 = arith.select %gt3A_632, %sub3A_635, %convert_element_type3A_630 : vector<16xi1>, vector<16xi32>
          %convert_element_type3A_637 = arith.fptosi %add3A_622 : vector<16xf32> to vector<16xi32>
          %convert_element_type3A_638 = arith.sitofp %convert_element_type3A_637 : vector<16xi32> to vector<16xf32>
          %gt3A_639 = arith.cmpf ogt, %convert_element_type3A_638, %add3A_622 : vector<16xf32>
          %sub3A_640 = arith.constant 1 : i32
          %sub3A_641 = vector.broadcast %sub3A_640 : i32 to vector<16xi32>
          %sub3A_642 = arith.subi %convert_element_type3A_637, %sub3A_641 : vector<16xi32>
          %select_n3A_643 = arith.select %gt3A_639, %sub3A_642, %convert_element_type3A_637 : vector<16xi1>, vector<16xi32>
          %add3A_644 = arith.constant 1 : i32
          %add3A_645 = vector.broadcast %add3A_644 : i32 to vector<16xi32>
          %add3A_646 = arith.addi %select_n3A_636, %add3A_645 : vector<16xi32>
          %add3A_647 = arith.constant 1 : i32
          %add3A_648 = vector.broadcast %add3A_647 : i32 to vector<16xi32>
          %add3A_649 = arith.addi %select_n3A_643, %add3A_648 : vector<16xi32>
          %convert_element_type3A_650 = arith.sitofp %select_n3A_636 : vector<16xi32> to vector<16xf32>
          %sub3A_651 = arith.subf %add3A_629, %convert_element_type3A_650 : vector<16xf32>
          %sub3A_652 = arith.constant 1.000000e+00 : f32
          %sub3A_653 = vector.broadcast %sub3A_652 : f32 to vector<16xf32>
          %sub3A_654 = arith.subf %sub3A_653, %sub3A_651 : vector<16xf32>
          %convert_element_type3A_655 = arith.sitofp %select_n3A_643 : vector<16xi32> to vector<16xf32>
          %sub3A_656 = arith.subf %add3A_622, %convert_element_type3A_655 : vector<16xf32>
          %sub3A_657 = arith.constant 1.000000e+00 : f32
          %sub3A_658 = vector.broadcast %sub3A_657 : f32 to vector<16xf32>
          %sub3A_659 = arith.subf %sub3A_658, %sub3A_656 : vector<16xf32>
          %mul3A_660 = arith.mulf %sub3A_659, %sub3A_654 : vector<16xf32>
          %mul3A_661 = arith.mulf %sub3A_659, %sub3A_651 : vector<16xf32>
          %mul3A_662 = arith.mulf %sub3A_656, %sub3A_654 : vector<16xf32>
          %mul3A_663 = arith.mulf %sub3A_656, %sub3A_651 : vector<16xf32>
          %ge3A_664 = arith.constant 0 : i32
          %ge3A_665 = vector.broadcast %ge3A_664 : i32 to vector<16xi32>
          %ge3A_666 = arith.cmpi sge, %select_n3A_636, %ge3A_665 : vector<16xi32>
          %le3A_667 = arith.constant 63 : i32
          %le3A_668 = vector.broadcast %le3A_667 : i32 to vector<16xi32>
          %le3A_669 = arith.cmpi sle, %select_n3A_636, %le3A_668 : vector<16xi32>
          %and3A_670 = arith.andi %ge3A_666, %le3A_669 : vector<16xi1>
          %ge3A_671 = arith.constant 0 : i32
          %ge3A_672 = vector.broadcast %ge3A_671 : i32 to vector<16xi32>
          %ge3A_673 = arith.cmpi sge, %select_n3A_643, %ge3A_672 : vector<16xi32>
          %and3A_674 = arith.andi %and3A_670, %ge3A_673 : vector<16xi1>
          %le3A_675 = arith.constant 63 : i32
          %le3A_676 = vector.broadcast %le3A_675 : i32 to vector<16xi32>
          %le3A_677 = arith.cmpi sle, %select_n3A_643, %le3A_676 : vector<16xi32>
          %and3A_678 = arith.andi %and3A_674, %le3A_677 : vector<16xi1>
          %max3A_679 = arith.constant 0 : i32
          %max3A_680 = vector.broadcast %max3A_679 : i32 to vector<16xi32>
          %max3A_681 = arith.maxsi %select_n3A_636, %max3A_680 : vector<16xi32>
          %min3A_682 = arith.constant 63 : i32
          %min3A_683 = vector.broadcast %min3A_682 : i32 to vector<16xi32>
          %min3A_684 = arith.minsi %max3A_681, %min3A_683 : vector<16xi32>
          %max3A_685 = arith.constant 0 : i32
          %max3A_686 = vector.broadcast %max3A_685 : i32 to vector<16xi32>
          %max3A_687 = arith.maxsi %select_n3A_643, %max3A_686 : vector<16xi32>
          %min3A_688 = arith.constant 63 : i32
          %min3A_689 = vector.broadcast %min3A_688 : i32 to vector<16xi32>
          %min3A_690 = arith.minsi %max3A_687, %min3A_689 : vector<16xi32>
          %mul3A_691 = arith.constant 64 : i32
          %mul3A_692 = vector.broadcast %mul3A_691 : i32 to vector<16xi32>
          %mul3A_693 = arith.muli %min3A_690, %mul3A_692 : vector<16xi32>
          %add3A_694 = arith.addi %mul3A_609, %mul3A_693 : vector<16xi32>
          %add3A_695 = arith.addi %add3A_694, %min3A_684 : vector<16xi32>
          %swap3A_696 = arith.constant 0 : i32
          %swap3A_697 = arith.index_cast %swap3A_696 : i32 to index
          %swap3A_698 = arith.constant 0 : index
          %swap3A_699 = tpu.vector_load %arg14[%swap3A_697, %swap3A_698] {strides = array<i32>} : memref<2x64xi32, #tpu.memory_space<vmem>>, vector<1x16xi32>,
          %swap3A_700 = vector.shape_cast %swap3A_699 : vector<1x16xi32> to vector<16xi32>
          %swap3A_701 = vector.shape_cast %add3A_695 : vector<16xi32> to vector<1x16xi32>
          tpu.vector_store %arg14[%swap3A_697, %swap3A_698], %swap3A_701 {strides = array<i32>} : memref<2x64xi32, #tpu.memory_space<vmem>>, vector<1x16xi32>,
          %jit3A_702 = arith.constant 0.000000e+00 : f32
          %broadcast_in_dim3A_703 = vector.broadcast %jit3A_702 : f32 to vector<16xf32>
          %select_n3A_704 = arith.select %and3A_678, %mul3A_660, %broadcast_in_dim3A_703 : vector<16xi1>, vector<16xf32>
          %swap3A_705 = arith.constant 0 : i32
          %swap3A_706 = arith.constant 0 : i32
          %swap3A_707 = arith.index_cast %swap3A_705 : i32 to index
          %swap3A_708 = arith.index_cast %swap3A_706 : i32 to index
          %swap3A_709 = arith.constant 0 : index
          %swap3A_710 = tpu.vector_load %arg13[%swap3A_707, %swap3A_708, %swap3A_709] {strides = array<i32>} : memref<2x4x16xf32, #tpu.memory_space<vmem>>, vector<1x1x16xf32>,
          %swap3A_711 = vector.shape_cast %swap3A_710 : vector<1x1x16xf32> to vector<16xf32>
          %swap3A_712 = vector.shape_cast %select_n3A_704 : vector<16xf32> to vector<1x1x16xf32>
          tpu.vector_store %arg13[%swap3A_707, %swap3A_708, %swap3A_709], %swap3A_712 {strides = array<i32>} : memref<2x4x16xf32, #tpu.memory_space<vmem>>, vector<1x1x16xf32>,
          %ge3A_713 = arith.constant 0 : i32
          %ge3A_714 = vector.broadcast %ge3A_713 : i32 to vector<16xi32>
          %ge3A_715 = arith.cmpi sge, %add3A_646, %ge3A_714 : vector<16xi32>
          %le3A_716 = arith.constant 63 : i32
          %le3A_717 = vector.broadcast %le3A_716 : i32 to vector<16xi32>
          %le3A_718 = arith.cmpi sle, %add3A_646, %le3A_717 : vector<16xi32>
          %and3A_719 = arith.andi %ge3A_715, %le3A_718 : vector<16xi1>
          %ge3A_720 = arith.constant 0 : i32
          %ge3A_721 = vector.broadcast %ge3A_720 : i32 to vector<16xi32>
          %ge3A_722 = arith.cmpi sge, %select_n3A_643, %ge3A_721 : vector<16xi32>
          %and3A_723 = arith.andi %and3A_719, %ge3A_722 : vector<16xi1>
          %le3A_724 = arith.constant 63 : i32
          %le3A_725 = vector.broadcast %le3A_724 : i32 to vector<16xi32>
          %le3A_726 = arith.cmpi sle, %select_n3A_643, %le3A_725 : vector<16xi32>
          %and3A_727 = arith.andi %and3A_723, %le3A_726 : vector<16xi1>
          %max3A_728 = arith.constant 0 : i32
          %max3A_729 = vector.broadcast %max3A_728 : i32 to vector<16xi32>
          %max3A_730 = arith.maxsi %add3A_646, %max3A_729 : vector<16xi32>
          %min3A_731 = arith.constant 63 : i32
          %min3A_732 = vector.broadcast %min3A_731 : i32 to vector<16xi32>
          %min3A_733 = arith.minsi %max3A_730, %min3A_732 : vector<16xi32>
          %max3A_734 = arith.constant 0 : i32
          %max3A_735 = vector.broadcast %max3A_734 : i32 to vector<16xi32>
          %max3A_736 = arith.maxsi %select_n3A_643, %max3A_735 : vector<16xi32>
          %min3A_737 = arith.constant 63 : i32
          %min3A_738 = vector.broadcast %min3A_737 : i32 to vector<16xi32>
          %min3A_739 = arith.minsi %max3A_736, %min3A_738 : vector<16xi32>
          %mul3A_740 = arith.constant 64 : i32
          %mul3A_741 = vector.broadcast %mul3A_740 : i32 to vector<16xi32>
          %mul3A_742 = arith.muli %min3A_739, %mul3A_741 : vector<16xi32>
          %add3A_743 = arith.addi %mul3A_609, %mul3A_742 : vector<16xi32>
          %add3A_744 = arith.addi %add3A_743, %min3A_733 : vector<16xi32>
          %swap3A_745 = arith.constant 0 : i32
          %swap3A_746 = arith.index_cast %swap3A_745 : i32 to index
          %swap3A_747 = arith.constant 16 : index
          %swap3A_748 = tpu.vector_load %arg14[%swap3A_746, %swap3A_747] {strides = array<i32>} : memref<2x64xi32, #tpu.memory_space<vmem>>, vector<1x16xi32>,
          %swap3A_749 = vector.shape_cast %swap3A_748 : vector<1x16xi32> to vector<16xi32>
          %swap3A_750 = vector.shape_cast %add3A_744 : vector<16xi32> to vector<1x16xi32>
          tpu.vector_store %arg14[%swap3A_746, %swap3A_747], %swap3A_750 {strides = array<i32>} : memref<2x64xi32, #tpu.memory_space<vmem>>, vector<1x16xi32>,
          %jit3A_751 = arith.constant 0.000000e+00 : f32
          %broadcast_in_dim3A_752 = vector.broadcast %jit3A_751 : f32 to vector<16xf32>
          %select_n3A_753 = arith.select %and3A_727, %mul3A_661, %broadcast_in_dim3A_752 : vector<16xi1>, vector<16xf32>
          %swap3A_754 = arith.constant 0 : i32
          %swap3A_755 = arith.constant 1 : i32
          %swap3A_756 = arith.index_cast %swap3A_754 : i32 to index
          %swap3A_757 = arith.index_cast %swap3A_755 : i32 to index
          %swap3A_758 = arith.constant 0 : index
          %swap3A_759 = tpu.vector_load %arg13[%swap3A_756, %swap3A_757, %swap3A_758] {strides = array<i32>} : memref<2x4x16xf32, #tpu.memory_space<vmem>>, vector<1x1x16xf32>,
          %swap3A_760 = vector.shape_cast %swap3A_759 : vector<1x1x16xf32> to vector<16xf32>
          %swap3A_761 = vector.shape_cast %select_n3A_753 : vector<16xf32> to vector<1x1x16xf32>
          tpu.vector_store %arg13[%swap3A_756, %swap3A_757, %swap3A_758], %swap3A_761 {strides = array<i32>} : memref<2x4x16xf32, #tpu.memory_space<vmem>>, vector<1x1x16xf32>,
          %ge3A_762 = arith.constant 0 : i32
          %ge3A_763 = vector.broadcast %ge3A_762 : i32 to vector<16xi32>
          %ge3A_764 = arith.cmpi sge, %select_n3A_636, %ge3A_763 : vector<16xi32>
          %le3A_765 = arith.constant 63 : i32
          %le3A_766 = vector.broadcast %le3A_765 : i32 to vector<16xi32>
          %le3A_767 = arith.cmpi sle, %select_n3A_636, %le3A_766 : vector<16xi32>
          %and3A_768 = arith.andi %ge3A_764, %le3A_767 : vector<16xi1>
          %ge3A_769 = arith.constant 0 : i32
          %ge3A_770 = vector.broadcast %ge3A_769 : i32 to vector<16xi32>
          %ge3A_771 = arith.cmpi sge, %add3A_649, %ge3A_770 : vector<16xi32>
          %and3A_772 = arith.andi %and3A_768, %ge3A_771 : vector<16xi1>
          %le3A_773 = arith.constant 63 : i32
          %le3A_774 = vector.broadcast %le3A_773 : i32 to vector<16xi32>
          %le3A_775 = arith.cmpi sle, %add3A_649, %le3A_774 : vector<16xi32>
          %and3A_776 = arith.andi %and3A_772, %le3A_775 : vector<16xi1>
          %max3A_777 = arith.constant 0 : i32
          %max3A_778 = vector.broadcast %max3A_777 : i32 to vector<16xi32>
          %max3A_779 = arith.maxsi %select_n3A_636, %max3A_778 : vector<16xi32>
          %min3A_780 = arith.constant 63 : i32
          %min3A_781 = vector.broadcast %min3A_780 : i32 to vector<16xi32>
          %min3A_782 = arith.minsi %max3A_779, %min3A_781 : vector<16xi32>
          %max3A_783 = arith.constant 0 : i32
          %max3A_784 = vector.broadcast %max3A_783 : i32 to vector<16xi32>
          %max3A_785 = arith.maxsi %add3A_649, %max3A_784 : vector<16xi32>
          %min3A_786 = arith.constant 63 : i32
          %min3A_787 = vector.broadcast %min3A_786 : i32 to vector<16xi32>
          %min3A_788 = arith.minsi %max3A_785, %min3A_787 : vector<16xi32>
          %mul3A_789 = arith.constant 64 : i32
          %mul3A_790 = vector.broadcast %mul3A_789 : i32 to vector<16xi32>
          %mul3A_791 = arith.muli %min3A_788, %mul3A_790 : vector<16xi32>
          %add3A_792 = arith.addi %mul3A_609, %mul3A_791 : vector<16xi32>
          %add3A_793 = arith.addi %add3A_792, %min3A_782 : vector<16xi32>
          %swap3A_794 = arith.constant 0 : i32
          %swap3A_795 = arith.index_cast %swap3A_794 : i32 to index
          %swap3A_796 = arith.constant 32 : index
          %swap3A_797 = tpu.vector_load %arg14[%swap3A_795, %swap3A_796] {strides = array<i32>} : memref<2x64xi32, #tpu.memory_space<vmem>>, vector<1x16xi32>,
          %swap3A_798 = vector.shape_cast %swap3A_797 : vector<1x16xi32> to vector<16xi32>
          %swap3A_799 = vector.shape_cast %add3A_793 : vector<16xi32> to vector<1x16xi32>
          tpu.vector_store %arg14[%swap3A_795, %swap3A_796], %swap3A_799 {strides = array<i32>} : memref<2x64xi32, #tpu.memory_space<vmem>>, vector<1x16xi32>,
          %jit3A_800 = arith.constant 0.000000e+00 : f32
          %broadcast_in_dim3A_801 = vector.broadcast %jit3A_800 : f32 to vector<16xf32>
          %select_n3A_802 = arith.select %and3A_776, %mul3A_662, %broadcast_in_dim3A_801 : vector<16xi1>, vector<16xf32>
          %swap3A_803 = arith.constant 0 : i32
          %swap3A_804 = arith.constant 2 : i32
          %swap3A_805 = arith.index_cast %swap3A_803 : i32 to index
          %swap3A_806 = arith.index_cast %swap3A_804 : i32 to index
          %swap3A_807 = arith.constant 0 : index
          %swap3A_808 = tpu.vector_load %arg13[%swap3A_805, %swap3A_806, %swap3A_807] {strides = array<i32>} : memref<2x4x16xf32, #tpu.memory_space<vmem>>, vector<1x1x16xf32>,
          %swap3A_809 = vector.shape_cast %swap3A_808 : vector<1x1x16xf32> to vector<16xf32>
          %swap3A_810 = vector.shape_cast %select_n3A_802 : vector<16xf32> to vector<1x1x16xf32>
          tpu.vector_store %arg13[%swap3A_805, %swap3A_806, %swap3A_807], %swap3A_810 {strides = array<i32>} : memref<2x4x16xf32, #tpu.memory_space<vmem>>, vector<1x1x16xf32>,
          %ge3A_811 = arith.constant 0 : i32
          %ge3A_812 = vector.broadcast %ge3A_811 : i32 to vector<16xi32>
          %ge3A_813 = arith.cmpi sge, %add3A_646, %ge3A_812 : vector<16xi32>
          %le3A_814 = arith.constant 63 : i32
          %le3A_815 = vector.broadcast %le3A_814 : i32 to vector<16xi32>
          %le3A_816 = arith.cmpi sle, %add3A_646, %le3A_815 : vector<16xi32>
          %and3A_817 = arith.andi %ge3A_813, %le3A_816 : vector<16xi1>
          %ge3A_818 = arith.constant 0 : i32
          %ge3A_819 = vector.broadcast %ge3A_818 : i32 to vector<16xi32>
          %ge3A_820 = arith.cmpi sge, %add3A_649, %ge3A_819 : vector<16xi32>
          %and3A_821 = arith.andi %and3A_817, %ge3A_820 : vector<16xi1>
          %le3A_822 = arith.constant 63 : i32
          %le3A_823 = vector.broadcast %le3A_822 : i32 to vector<16xi32>
          %le3A_824 = arith.cmpi sle, %add3A_649, %le3A_823 : vector<16xi32>
          %and3A_825 = arith.andi %and3A_821, %le3A_824 : vector<16xi1>
          %max3A_826 = arith.constant 0 : i32
          %max3A_827 = vector.broadcast %max3A_826 : i32 to vector<16xi32>
          %max3A_828 = arith.maxsi %add3A_646, %max3A_827 : vector<16xi32>
          %min3A_829 = arith.constant 63 : i32
          %min3A_830 = vector.broadcast %min3A_829 : i32 to vector<16xi32>
          %min3A_831 = arith.minsi %max3A_828, %min3A_830 : vector<16xi32>
          %max3A_832 = arith.constant 0 : i32
          %max3A_833 = vector.broadcast %max3A_832 : i32 to vector<16xi32>
          %max3A_834 = arith.maxsi %add3A_649, %max3A_833 : vector<16xi32>
          %min3A_835 = arith.constant 63 : i32
          %min3A_836 = vector.broadcast %min3A_835 : i32 to vector<16xi32>
          %min3A_837 = arith.minsi %max3A_834, %min3A_836 : vector<16xi32>
          %mul3A_838 = arith.constant 64 : i32
          %mul3A_839 = vector.broadcast %mul3A_838 : i32 to vector<16xi32>
          %mul3A_840 = arith.muli %min3A_837, %mul3A_839 : vector<16xi32>
          %add3A_841 = arith.addi %mul3A_609, %mul3A_840 : vector<16xi32>
          %add3A_842 = arith.addi %add3A_841, %min3A_831 : vector<16xi32>
          %swap3A_843 = arith.constant 0 : i32
          %swap3A_844 = arith.index_cast %swap3A_843 : i32 to index
          %swap3A_845 = arith.constant 48 : index
          %swap3A_846 = tpu.vector_load %arg14[%swap3A_844, %swap3A_845] {strides = array<i32>} : memref<2x64xi32, #tpu.memory_space<vmem>>, vector<1x16xi32>,
          %swap3A_847 = vector.shape_cast %swap3A_846 : vector<1x16xi32> to vector<16xi32>
          %swap3A_848 = vector.shape_cast %add3A_842 : vector<16xi32> to vector<1x16xi32>
          tpu.vector_store %arg14[%swap3A_844, %swap3A_845], %swap3A_848 {strides = array<i32>} : memref<2x64xi32, #tpu.memory_space<vmem>>, vector<1x16xi32>,
          %jit3A_849 = arith.constant 0.000000e+00 : f32
          %broadcast_in_dim3A_850 = vector.broadcast %jit3A_849 : f32 to vector<16xf32>
          %select_n3A_851 = arith.select %and3A_825, %mul3A_663, %broadcast_in_dim3A_850 : vector<16xi1>, vector<16xf32>
          %swap3A_852 = arith.constant 0 : i32
          %swap3A_853 = arith.constant 3 : i32
          %swap3A_854 = arith.index_cast %swap3A_852 : i32 to index
          %swap3A_855 = arith.index_cast %swap3A_853 : i32 to index
          %swap3A_856 = arith.constant 0 : index
          %swap3A_857 = tpu.vector_load %arg13[%swap3A_854, %swap3A_855, %swap3A_856] {strides = array<i32>} : memref<2x4x16xf32, #tpu.memory_space<vmem>>, vector<1x1x16xf32>,
          %swap3A_858 = vector.shape_cast %swap3A_857 : vector<1x1x16xf32> to vector<16xf32>
          %swap3A_859 = vector.shape_cast %select_n3A_851 : vector<16xf32> to vector<1x1x16xf32>
          tpu.vector_store %arg13[%swap3A_854, %swap3A_855, %swap3A_856], %swap3A_859 {strides = array<i32>} : memref<2x4x16xf32, #tpu.memory_space<vmem>>, vector<1x1x16xf32>,
          %dma_start3A_860 = arith.constant 0 : i32
          %dma_start3A_861 = arith.constant 0 : i32
          %dma_start3A_862 = arith.constant 0 : i32
          %dma_start3A_863 = arith.constant 0 : i32
          %dma_start3A_864 = tpu.memref_slice %arg17[%dma_start3A_861, %dma_start3A_862, %dma_start3A_863] : memref<2x64x256xf32, #tpu.memory_space<vmem>> -> memref<1x64x256xf32, #tpu.memory_space<vmem>>
          %dma_start3A_865 = tpu.memref_squeeze %dma_start3A_864 : memref<1x64x256xf32, #tpu.memory_space<vmem>> -> memref<64x256xf32, #tpu.memory_space<vmem>>
          %dma_start3A_866 = arith.constant 0 : i32
          %dma_start3A_867 = tpu.memref_slice %arg14[%dma_start3A_860, %dma_start3A_866] : memref<2x64xi32, #tpu.memory_space<vmem>> -> memref<1x64xi32, #tpu.memory_space<vmem>>
          %dma_start3A_868 = tpu.memref_squeeze %dma_start3A_867 : memref<1x64xi32, #tpu.memory_space<vmem>> -> memref<64xi32, #tpu.memory_space<vmem>>
          %dma_start3A_869 = arith.constant 0 : i32
          %dma_start3A_870 = arith.constant 0 : i32
          %dma_start3A_871 = tpu.memref_slice %arg2[%dma_start3A_869, %dma_start3A_870] : memref<131072x256xf32, #tpu.memory_space<hbm>> -> memref<131072x256xf32, #tpu.memory_space<hbm>>
          tpu.enqueue_indirect_dma source(%dma_start3A_871 : memref<131072x256xf32, #tpu.memory_space<hbm>>) target(%dma_start3A_865 : memref<64x256xf32, #tpu.memory_space<vmem>>) offsets(%dma_start3A_868 : memref<64xi32, #tpu.memory_space<vmem>>) semaphore(%arg23 : memref<!tpu.dma_semaphore, #tpu.memory_space<semaphore_mem>>)
        } else {
        }
        %dma_wait3A_539 = arith.constant 1 : i32
        %dma_wait3A_540 = arith.constant 0 : i32
        %dma_wait3A_541 = arith.constant 0 : i32
        %dma_wait3A_542 = tpu.memref_slice %arg17[%dma_wait3A_539, %dma_wait3A_540, %dma_wait3A_541] : memref<2x64x256xf32, #tpu.memory_space<vmem>> -> memref<1x64x256xf32, #tpu.memory_space<vmem>>
        %dma_wait3A_543 = tpu.memref_squeeze %dma_wait3A_542 : memref<1x64x256xf32, #tpu.memory_space<vmem>> -> memref<64x256xf32, #tpu.memory_space<vmem>>
        %dma_wait3A_544 = arith.constant 0 : i32
        %dma_wait3A_545 = arith.constant 0 : i32
        %dma_wait3A_546 = tpu.memref_slice %arg2[%dma_wait3A_544, %dma_wait3A_545] : memref<131072x256xf32, #tpu.memory_space<hbm>> -> memref<64x256xf32, #tpu.memory_space<hbm>>
        %dma_wait3A_547 = arith.constant 0 : i32
        %dma_wait3A_548 = arith.constant 0 : i32
        %dma_wait3A_549 = tpu.memref_slice %arg17[%dma_wait3A_539, %dma_wait3A_547, %dma_wait3A_548] : memref<2x64x256xf32, #tpu.memory_space<vmem>> -> memref<1x64x256xf32, #tpu.memory_space<vmem>>
        %dma_wait3A_550 = tpu.memref_squeeze %dma_wait3A_549 : memref<1x64x256xf32, #tpu.memory_space<vmem>> -> memref<64x256xf32, #tpu.memory_space<vmem>>
        %dma_wait3A_551 = arith.constant 0 : i32
        %dma_wait3A_552 = arith.constant 0 : i32
        %dma_wait3A_553 = tpu.memref_slice %arg2[%dma_wait3A_551, %dma_wait3A_552] : memref<131072x256xf32, #tpu.memory_space<hbm>> -> memref<64x256xf32, #tpu.memory_space<hbm>>
        tpu.wait_dma2 semaphore(%arg24 : memref<!tpu.dma_semaphore, #tpu.memory_space<semaphore_mem>>) src(%dma_wait3A_553 : memref<64x256xf32, #tpu.memory_space<hbm>>) dst(%dma_wait3A_550 : memref<64x256xf32, #tpu.memory_space<vmem>>)
        %scan3A_554 = arith.constant 0 : i32
        %scan3A_555 = arith.constant 16 : i32
        %scan3A_556 = arith.addi %scan3A_554, %scan3A_555 : i32
        %scan3A_557 = arith.constant 1 : i32
        scf.for %scan3A_575 = %scan3A_554 to %scan3A_556 step %scan3A_557  : i32 {
          %broadcast_in_dim3A_576 = vector.broadcast %scan3A_575 : i32 to vector<16xi32>
          %get3A_577 = arith.constant 1 : i32
          %get3A_578 = arith.constant 0 : i32
          %get3A_579 = arith.index_cast %get3A_577 : i32 to index
          %get3A_580 = arith.index_cast %get3A_578 : i32 to index
          %get3A_581 = arith.constant 0 : index
          %get3A_582 = tpu.vector_load %arg13[%get3A_579, %get3A_580, %get3A_581] {strides = array<i32>} : memref<2x4x16xf32, #tpu.memory_space<vmem>>, vector<1x1x16xf32>,
          %get3A_583 = vector.shape_cast %get3A_582 : vector<1x1x16xf32> to vector<16xf32>
          %broadcast_in_dim3A_584 = vector.shape_cast %broadcast_in_dim3A_576 : vector<16xi32> to vector<16x1xi32>
          %gather3A = vector.shape_cast %broadcast_in_dim3A_584 : vector<16x1xi32> to vector<16xi32>
          %gather3A_585 = tpu.dynamic_gather %get3A_583[%gather3A] in [0] : vector<16xf32>, vector<16xi32> -> vector<16xf32>
          %get3A_586 = arith.constant 1 : i32
          %get3A_587 = arith.constant 1 : i32
          %get3A_588 = arith.index_cast %get3A_586 : i32 to index
          %get3A_589 = arith.index_cast %get3A_587 : i32 to index
          %get3A_590 = arith.constant 0 : index
          %get3A_591 = tpu.vector_load %arg13[%get3A_588, %get3A_589, %get3A_590] {strides = array<i32>} : memref<2x4x16xf32, #tpu.memory_space<vmem>>, vector<1x1x16xf32>,
          %get3A_592 = vector.shape_cast %get3A_591 : vector<1x1x16xf32> to vector<16xf32>
          %broadcast_in_dim3A_593 = vector.shape_cast %broadcast_in_dim3A_576 : vector<16xi32> to vector<16x1xi32>
          %gather3A_594 = vector.shape_cast %broadcast_in_dim3A_593 : vector<16x1xi32> to vector<16xi32>
          %gather3A_595 = tpu.dynamic_gather %get3A_592[%gather3A_594] in [0] : vector<16xf32>, vector<16xi32> -> vector<16xf32>
          %get3A_596 = arith.constant 1 : i32
          %get3A_597 = arith.constant 2 : i32
          %get3A_598 = arith.index_cast %get3A_596 : i32 to index
          %get3A_599 = arith.index_cast %get3A_597 : i32 to index
          %get3A_600 = arith.constant 0 : index
          %get3A_601 = tpu.vector_load %arg13[%get3A_598, %get3A_599, %get3A_600] {strides = array<i32>} : memref<2x4x16xf32, #tpu.memory_space<vmem>>, vector<1x1x16xf32>,
          %get3A_602 = vector.shape_cast %get3A_601 : vector<1x1x16xf32> to vector<16xf32>
          %broadcast_in_dim3A_603 = vector.shape_cast %broadcast_in_dim3A_576 : vector<16xi32> to vector<16x1xi32>
          %gather3A_604 = vector.shape_cast %broadcast_in_dim3A_603 : vector<16x1xi32> to vector<16xi32>
          %gather3A_605 = tpu.dynamic_gather %get3A_602[%gather3A_604] in [0] : vector<16xf32>, vector<16xi32> -> vector<16xf32>
          %get3A_606 = arith.constant 1 : i32
          %get3A_607 = arith.constant 3 : i32
          %get3A_608 = arith.index_cast %get3A_606 : i32 to index
          %get3A_609 = arith.index_cast %get3A_607 : i32 to index
          %get3A_610 = arith.constant 0 : index
          %get3A_611 = tpu.vector_load %arg13[%get3A_608, %get3A_609, %get3A_610] {strides = array<i32>} : memref<2x4x16xf32, #tpu.memory_space<vmem>>, vector<1x1x16xf32>,
          %get3A_612 = vector.shape_cast %get3A_611 : vector<1x1x16xf32> to vector<16xf32>
          %broadcast_in_dim3A_613 = vector.shape_cast %broadcast_in_dim3A_576 : vector<16xi32> to vector<16x1xi32>
          %gather3A_614 = vector.shape_cast %broadcast_in_dim3A_613 : vector<16x1xi32> to vector<16xi32>
          %gather3A_615 = tpu.dynamic_gather %get3A_612[%gather3A_614] in [0] : vector<16xf32>, vector<16xi32> -> vector<16xf32>
          %get3A_616 = arith.constant 1 : i32
          %get3A_617 = arith.index_cast %get3A_616 : i32 to index
          %get3A_618 = arith.index_cast %scan3A_575 : i32 to index
          %get3A_619 = arith.constant 0 : index
          %get3A_620 = tpu.vector_load %arg17[%get3A_617, %get3A_618, %get3A_619] {strides = array<i32>} : memref<2x64x256xf32, #tpu.memory_space<vmem>>, vector<1x1x16xf32>,
          %get3A_621 = vector.shape_cast %get3A_620 : vector<1x1x16xf32> to vector<16xf32>
          %mul3A_622 = arith.mulf %gather3A_585, %get3A_621 : vector<16xf32>
          %add3A_623 = arith.constant 16 : i32
          %add3A_624 = arith.addi %add3A_623, %scan3A_575 : i32
          %get3A_625 = arith.constant 1 : i32
          %get3A_626 = arith.index_cast %get3A_625 : i32 to index
          %get3A_627 = arith.index_cast %add3A_624 : i32 to index
          %get3A_628 = arith.constant 0 : index
          %get3A_629 = tpu.vector_load %arg17[%get3A_626, %get3A_627, %get3A_628] {strides = array<i32>} : memref<2x64x256xf32, #tpu.memory_space<vmem>>, vector<1x1x16xf32>,
          %get3A_630 = vector.shape_cast %get3A_629 : vector<1x1x16xf32> to vector<16xf32>
          %mul3A_631 = arith.mulf %gather3A_595, %get3A_630 : vector<16xf32>
          %add3A_632 = arith.addf %mul3A_622, %mul3A_631 : vector<16xf32>
          %add3A_633 = arith.constant 32 : i32
          %add3A_634 = arith.addi %add3A_633, %scan3A_575 : i32
          %get3A_635 = arith.constant 1 : i32
          %get3A_636 = arith.index_cast %get3A_635 : i32 to index
          %get3A_637 = arith.index_cast %add3A_634 : i32 to index
          %get3A_638 = arith.constant 0 : index
          %get3A_639 = tpu.vector_load %arg17[%get3A_636, %get3A_637, %get3A_638] {strides = array<i32>} : memref<2x64x256xf32, #tpu.memory_space<vmem>>, vector<1x1x16xf32>,
          %get3A_640 = vector.shape_cast %get3A_639 : vector<1x1x16xf32> to vector<16xf32>
          %mul3A_641 = arith.mulf %gather3A_605, %get3A_640 : vector<16xf32>
          %add3A_642 = arith.addf %add3A_632, %mul3A_641 : vector<16xf32>
          %add3A_643 = arith.constant 48 : i32
          %add3A_644 = arith.addi %add3A_643, %scan3A_575 : i32
          %get3A_645 = arith.constant 1 : i32
          %get3A_646 = arith.index_cast %get3A_645 : i32 to index
          %get3A_647 = arith.index_cast %add3A_644 : i32 to index
          %get3A_648 = arith.constant 0 : index
          %get3A_649 = tpu.vector_load %arg17[%get3A_646, %get3A_647, %get3A_648] {strides = array<i32>} : memref<2x64x256xf32, #tpu.memory_space<vmem>>, vector<1x1x16xf32>,
          %get3A_650 = vector.shape_cast %get3A_649 : vector<1x1x16xf32> to vector<16xf32>
          %mul3A_651 = arith.mulf %gather3A_615, %get3A_650 : vector<16xf32>
          %add3A_652 = arith.addf %add3A_642, %mul3A_651 : vector<16xf32>
          %swap3A_653 = arith.constant 1 : i32
          %swap3A_654 = arith.index_cast %swap3A_653 : i32 to index
          %swap3A_655 = arith.index_cast %scan3A_575 : i32 to index
          %swap3A_656 = arith.constant 0 : index
          %swap3A_657 = tpu.vector_load %arg18[%swap3A_654, %swap3A_655, %swap3A_656] {strides = array<i32>} : memref<2x16x256xf32, #tpu.memory_space<vmem>>, vector<1x1x16xf32>,
          %swap3A_658 = vector.shape_cast %swap3A_657 : vector<1x1x16xf32> to vector<16xf32>
          %swap3A_659 = vector.shape_cast %add3A_652 : vector<16xf32> to vector<1x1x16xf32>
          tpu.vector_store %arg18[%swap3A_654, %swap3A_655, %swap3A_656], %swap3A_659 {strides = array<i32>} : memref<2x16x256xf32, #tpu.memory_space<vmem>>, vector<1x1x16xf32>,
          %get3A_660 = arith.constant 1 : i32
          %get3A_661 = arith.index_cast %get3A_660 : i32 to index
          %get3A_662 = arith.index_cast %scan3A_575 : i32 to index
          %get3A_663 = arith.constant 16 : index
          %get3A_664 = tpu.vector_load %arg17[%get3A_661, %get3A_662, %get3A_663] {strides = array<i32>} : memref<2x64x256xf32, #tpu.memory_space<vmem>>, vector<1x1x16xf32>,
          %get3A_665 = vector.shape_cast %get3A_664 : vector<1x1x16xf32> to vector<16xf32>
          %mul3A_666 = arith.mulf %gather3A_585, %get3A_665 : vector<16xf32>
          %add3A_667 = arith.constant 16 : i32
          %add3A_668 = arith.addi %add3A_667, %scan3A_575 : i32
          %get3A_669 = arith.constant 1 : i32
          %get3A_670 = arith.index_cast %get3A_669 : i32 to index
          %get3A_671 = arith.index_cast %add3A_668 : i32 to index
          %get3A_672 = arith.constant 16 : index
          %get3A_673 = tpu.vector_load %arg17[%get3A_670, %get3A_671, %get3A_672] {strides = array<i32>} : memref<2x64x256xf32, #tpu.memory_space<vmem>>, vector<1x1x16xf32>,
          %get3A_674 = vector.shape_cast %get3A_673 : vector<1x1x16xf32> to vector<16xf32>
          %mul3A_675 = arith.mulf %gather3A_595, %get3A_674 : vector<16xf32>
          %add3A_676 = arith.addf %mul3A_666, %mul3A_675 : vector<16xf32>
          %add3A_677 = arith.constant 32 : i32
          %add3A_678 = arith.addi %add3A_677, %scan3A_575 : i32
          %get3A_679 = arith.constant 1 : i32
          %get3A_680 = arith.index_cast %get3A_679 : i32 to index
          %get3A_681 = arith.index_cast %add3A_678 : i32 to index
          %get3A_682 = arith.constant 16 : index
          %get3A_683 = tpu.vector_load %arg17[%get3A_680, %get3A_681, %get3A_682] {strides = array<i32>} : memref<2x64x256xf32, #tpu.memory_space<vmem>>, vector<1x1x16xf32>,
          %get3A_684 = vector.shape_cast %get3A_683 : vector<1x1x16xf32> to vector<16xf32>
          %mul3A_685 = arith.mulf %gather3A_605, %get3A_684 : vector<16xf32>
          %add3A_686 = arith.addf %add3A_676, %mul3A_685 : vector<16xf32>
          %add3A_687 = arith.constant 48 : i32
          %add3A_688 = arith.addi %add3A_687, %scan3A_575 : i32
          %get3A_689 = arith.constant 1 : i32
          %get3A_690 = arith.index_cast %get3A_689 : i32 to index
          %get3A_691 = arith.index_cast %add3A_688 : i32 to index
          %get3A_692 = arith.constant 16 : index
          %get3A_693 = tpu.vector_load %arg17[%get3A_690, %get3A_691, %get3A_692] {strides = array<i32>} : memref<2x64x256xf32, #tpu.memory_space<vmem>>, vector<1x1x16xf32>,
          %get3A_694 = vector.shape_cast %get3A_693 : vector<1x1x16xf32> to vector<16xf32>
          %mul3A_695 = arith.mulf %gather3A_615, %get3A_694 : vector<16xf32>
          %add3A_696 = arith.addf %add3A_686, %mul3A_695 : vector<16xf32>
          %swap3A_697 = arith.constant 1 : i32
          %swap3A_698 = arith.index_cast %swap3A_697 : i32 to index
          %swap3A_699 = arith.index_cast %scan3A_575 : i32 to index
          %swap3A_700 = arith.constant 16 : index
          %swap3A_701 = tpu.vector_load %arg18[%swap3A_698, %swap3A_699, %swap3A_700] {strides = array<i32>} : memref<2x16x256xf32, #tpu.memory_space<vmem>>, vector<1x1x16xf32>,
          %swap3A_702 = vector.shape_cast %swap3A_701 : vector<1x1x16xf32> to vector<16xf32>
          %swap3A_703 = vector.shape_cast %add3A_696 : vector<16xf32> to vector<1x1x16xf32>
          tpu.vector_store %arg18[%swap3A_698, %swap3A_699, %swap3A_700], %swap3A_703 {strides = array<i32>} : memref<2x16x256xf32, #tpu.memory_space<vmem>>, vector<1x1x16xf32>,
          %get3A_704 = arith.constant 1 : i32
          %get3A_705 = arith.index_cast %get3A_704 : i32 to index
          %get3A_706 = arith.index_cast %scan3A_575 : i32 to index
          %get3A_707 = arith.constant 32 : index
          %get3A_708 = tpu.vector_load %arg17[%get3A_705, %get3A_706, %get3A_707] {strides = array<i32>} : memref<2x64x256xf32, #tpu.memory_space<vmem>>, vector<1x1x16xf32>,
          %get3A_709 = vector.shape_cast %get3A_708 : vector<1x1x16xf32> to vector<16xf32>
          %mul3A_710 = arith.mulf %gather3A_585, %get3A_709 : vector<16xf32>
          %add3A_711 = arith.constant 16 : i32
          %add3A_712 = arith.addi %add3A_711, %scan3A_575 : i32
          %get3A_713 = arith.constant 1 : i32
          %get3A_714 = arith.index_cast %get3A_713 : i32 to index
          %get3A_715 = arith.index_cast %add3A_712 : i32 to index
          %get3A_716 = arith.constant 32 : index
          %get3A_717 = tpu.vector_load %arg17[%get3A_714, %get3A_715, %get3A_716] {strides = array<i32>} : memref<2x64x256xf32, #tpu.memory_space<vmem>>, vector<1x1x16xf32>,
          %get3A_718 = vector.shape_cast %get3A_717 : vector<1x1x16xf32> to vector<16xf32>
          %mul3A_719 = arith.mulf %gather3A_595, %get3A_718 : vector<16xf32>
          %add3A_720 = arith.addf %mul3A_710, %mul3A_719 : vector<16xf32>
          %add3A_721 = arith.constant 32 : i32
          %add3A_722 = arith.addi %add3A_721, %scan3A_575 : i32
          %get3A_723 = arith.constant 1 : i32
          %get3A_724 = arith.index_cast %get3A_723 : i32 to index
          %get3A_725 = arith.index_cast %add3A_722 : i32 to index
          %get3A_726 = arith.constant 32 : index
          %get3A_727 = tpu.vector_load %arg17[%get3A_724, %get3A_725, %get3A_726] {strides = array<i32>} : memref<2x64x256xf32, #tpu.memory_space<vmem>>, vector<1x1x16xf32>,
          %get3A_728 = vector.shape_cast %get3A_727 : vector<1x1x16xf32> to vector<16xf32>
          %mul3A_729 = arith.mulf %gather3A_605, %get3A_728 : vector<16xf32>
          %add3A_730 = arith.addf %add3A_720, %mul3A_729 : vector<16xf32>
          %add3A_731 = arith.constant 48 : i32
          %add3A_732 = arith.addi %add3A_731, %scan3A_575 : i32
          %get3A_733 = arith.constant 1 : i32
          %get3A_734 = arith.index_cast %get3A_733 : i32 to index
          %get3A_735 = arith.index_cast %add3A_732 : i32 to index
          %get3A_736 = arith.constant 32 : index
          %get3A_737 = tpu.vector_load %arg17[%get3A_734, %get3A_735, %get3A_736] {strides = array<i32>} : memref<2x64x256xf32, #tpu.memory_space<vmem>>, vector<1x1x16xf32>,
          %get3A_738 = vector.shape_cast %get3A_737 : vector<1x1x16xf32> to vector<16xf32>
          %mul3A_739 = arith.mulf %gather3A_615, %get3A_738 : vector<16xf32>
          %add3A_740 = arith.addf %add3A_730, %mul3A_739 : vector<16xf32>
          %swap3A_741 = arith.constant 1 : i32
          %swap3A_742 = arith.index_cast %swap3A_741 : i32 to index
          %swap3A_743 = arith.index_cast %scan3A_575 : i32 to index
          %swap3A_744 = arith.constant 32 : index
          %swap3A_745 = tpu.vector_load %arg18[%swap3A_742, %swap3A_743, %swap3A_744] {strides = array<i32>} : memref<2x16x256xf32, #tpu.memory_space<vmem>>, vector<1x1x16xf32>,
          %swap3A_746 = vector.shape_cast %swap3A_745 : vector<1x1x16xf32> to vector<16xf32>
          %swap3A_747 = vector.shape_cast %add3A_740 : vector<16xf32> to vector<1x1x16xf32>
          tpu.vector_store %arg18[%swap3A_742, %swap3A_743, %swap3A_744], %swap3A_747 {strides = array<i32>} : memref<2x16x256xf32, #tpu.memory_space<vmem>>, vector<1x1x16xf32>,
          %get3A_748 = arith.constant 1 : i32
          %get3A_749 = arith.index_cast %get3A_748 : i32 to index
          %get3A_750 = arith.index_cast %scan3A_575 : i32 to index
          %get3A_751 = arith.constant 48 : index
          %get3A_752 = tpu.vector_load %arg17[%get3A_749, %get3A_750, %get3A_751] {strides = array<i32>} : memref<2x64x256xf32, #tpu.memory_space<vmem>>, vector<1x1x16xf32>,
          %get3A_753 = vector.shape_cast %get3A_752 : vector<1x1x16xf32> to vector<16xf32>
          %mul3A_754 = arith.mulf %gather3A_585, %get3A_753 : vector<16xf32>
          %add3A_755 = arith.constant 16 : i32
          %add3A_756 = arith.addi %add3A_755, %scan3A_575 : i32
          %get3A_757 = arith.constant 1 : i32
          %get3A_758 = arith.index_cast %get3A_757 : i32 to index
          %get3A_759 = arith.index_cast %add3A_756 : i32 to index
          %get3A_760 = arith.constant 48 : index
          %get3A_761 = tpu.vector_load %arg17[%get3A_758, %get3A_759, %get3A_760] {strides = array<i32>} : memref<2x64x256xf32, #tpu.memory_space<vmem>>, vector<1x1x16xf32>,
          %get3A_762 = vector.shape_cast %get3A_761 : vector<1x1x16xf32> to vector<16xf32>
          %mul3A_763 = arith.mulf %gather3A_595, %get3A_762 : vector<16xf32>
          %add3A_764 = arith.addf %mul3A_754, %mul3A_763 : vector<16xf32>
          %add3A_765 = arith.constant 32 : i32
          %add3A_766 = arith.addi %add3A_765, %scan3A_575 : i32
          %get3A_767 = arith.constant 1 : i32
          %get3A_768 = arith.index_cast %get3A_767 : i32 to index
          %get3A_769 = arith.index_cast %add3A_766 : i32 to index
          %get3A_770 = arith.constant 48 : index
          %get3A_771 = tpu.vector_load %arg17[%get3A_768, %get3A_769, %get3A_770] {strides = array<i32>} : memref<2x64x256xf32, #tpu.memory_space<vmem>>, vector<1x1x16xf32>,
          %get3A_772 = vector.shape_cast %get3A_771 : vector<1x1x16xf32> to vector<16xf32>
          %mul3A_773 = arith.mulf %gather3A_605, %get3A_772 : vector<16xf32>
          %add3A_774 = arith.addf %add3A_764, %mul3A_773 : vector<16xf32>
          %add3A_775 = arith.constant 48 : i32
          %add3A_776 = arith.addi %add3A_775, %scan3A_575 : i32
          %get3A_777 = arith.constant 1 : i32
          %get3A_778 = arith.index_cast %get3A_777 : i32 to index
          %get3A_779 = arith.index_cast %add3A_776 : i32 to index
          %get3A_780 = arith.constant 48 : index
          %get3A_781 = tpu.vector_load %arg17[%get3A_778, %get3A_779, %get3A_780] {strides = array<i32>} : memref<2x64x256xf32, #tpu.memory_space<vmem>>, vector<1x1x16xf32>,
          %get3A_782 = vector.shape_cast %get3A_781 : vector<1x1x16xf32> to vector<16xf32>
          %mul3A_783 = arith.mulf %gather3A_615, %get3A_782 : vector<16xf32>
          %add3A_784 = arith.addf %add3A_774, %mul3A_783 : vector<16xf32>
          %swap3A_785 = arith.constant 1 : i32
          %swap3A_786 = arith.index_cast %swap3A_785 : i32 to index
          %swap3A_787 = arith.index_cast %scan3A_575 : i32 to index
          %swap3A_788 = arith.constant 48 : index
          %swap3A_789 = tpu.vector_load %arg18[%swap3A_786, %swap3A_787, %swap3A_788] {strides = array<i32>} : memref<2x16x256xf32, #tpu.memory_space<vmem>>, vector<1x1x16xf32>,
          %swap3A_790 = vector.shape_cast %swap3A_789 : vector<1x1x16xf32> to vector<16xf32>
          %swap3A_791 = vector.shape_cast %add3A_784 : vector<16xf32> to vector<1x1x16xf32>
          tpu.vector_store %arg18[%swap3A_786, %swap3A_787, %swap3A_788], %swap3A_791 {strides = array<i32>} : memref<2x16x256xf32, #tpu.memory_space<vmem>>, vector<1x1x16xf32>,
          %get3A_792 = arith.constant 1 : i32
          %get3A_793 = arith.index_cast %get3A_792 : i32 to index
          %get3A_794 = arith.index_cast %scan3A_575 : i32 to index
          %get3A_795 = arith.constant 64 : index
          %get3A_796 = tpu.vector_load %arg17[%get3A_793, %get3A_794, %get3A_795] {strides = array<i32>} : memref<2x64x256xf32, #tpu.memory_space<vmem>>, vector<1x1x16xf32>,
          %get3A_797 = vector.shape_cast %get3A_796 : vector<1x1x16xf32> to vector<16xf32>
          %mul3A_798 = arith.mulf %gather3A_585, %get3A_797 : vector<16xf32>
          %add3A_799 = arith.constant 16 : i32
          %add3A_800 = arith.addi %add3A_799, %scan3A_575 : i32
          %get3A_801 = arith.constant 1 : i32
          %get3A_802 = arith.index_cast %get3A_801 : i32 to index
          %get3A_803 = arith.index_cast %add3A_800 : i32 to index
          %get3A_804 = arith.constant 64 : index
          %get3A_805 = tpu.vector_load %arg17[%get3A_802, %get3A_803, %get3A_804] {strides = array<i32>} : memref<2x64x256xf32, #tpu.memory_space<vmem>>, vector<1x1x16xf32>,
          %get3A_806 = vector.shape_cast %get3A_805 : vector<1x1x16xf32> to vector<16xf32>
          %mul3A_807 = arith.mulf %gather3A_595, %get3A_806 : vector<16xf32>
          %add3A_808 = arith.addf %mul3A_798, %mul3A_807 : vector<16xf32>
          %add3A_809 = arith.constant 32 : i32
          %add3A_810 = arith.addi %add3A_809, %scan3A_575 : i32
          %get3A_811 = arith.constant 1 : i32
          %get3A_812 = arith.index_cast %get3A_811 : i32 to index
          %get3A_813 = arith.index_cast %add3A_810 : i32 to index
          %get3A_814 = arith.constant 64 : index
          %get3A_815 = tpu.vector_load %arg17[%get3A_812, %get3A_813, %get3A_814] {strides = array<i32>} : memref<2x64x256xf32, #tpu.memory_space<vmem>>, vector<1x1x16xf32>,
          %get3A_816 = vector.shape_cast %get3A_815 : vector<1x1x16xf32> to vector<16xf32>
          %mul3A_817 = arith.mulf %gather3A_605, %get3A_816 : vector<16xf32>
          %add3A_818 = arith.addf %add3A_808, %mul3A_817 : vector<16xf32>
          %add3A_819 = arith.constant 48 : i32
          %add3A_820 = arith.addi %add3A_819, %scan3A_575 : i32
          %get3A_821 = arith.constant 1 : i32
          %get3A_822 = arith.index_cast %get3A_821 : i32 to index
          %get3A_823 = arith.index_cast %add3A_820 : i32 to index
          %get3A_824 = arith.constant 64 : index
          %get3A_825 = tpu.vector_load %arg17[%get3A_822, %get3A_823, %get3A_824] {strides = array<i32>} : memref<2x64x256xf32, #tpu.memory_space<vmem>>, vector<1x1x16xf32>,
          %get3A_826 = vector.shape_cast %get3A_825 : vector<1x1x16xf32> to vector<16xf32>
          %mul3A_827 = arith.mulf %gather3A_615, %get3A_826 : vector<16xf32>
          %add3A_828 = arith.addf %add3A_818, %mul3A_827 : vector<16xf32>
          %swap3A_829 = arith.constant 1 : i32
          %swap3A_830 = arith.index_cast %swap3A_829 : i32 to index
          %swap3A_831 = arith.index_cast %scan3A_575 : i32 to index
          %swap3A_832 = arith.constant 64 : index
          %swap3A_833 = tpu.vector_load %arg18[%swap3A_830, %swap3A_831, %swap3A_832] {strides = array<i32>} : memref<2x16x256xf32, #tpu.memory_space<vmem>>, vector<1x1x16xf32>,
          %swap3A_834 = vector.shape_cast %swap3A_833 : vector<1x1x16xf32> to vector<16xf32>
          %swap3A_835 = vector.shape_cast %add3A_828 : vector<16xf32> to vector<1x1x16xf32>
          tpu.vector_store %arg18[%swap3A_830, %swap3A_831, %swap3A_832], %swap3A_835 {strides = array<i32>} : memref<2x16x256xf32, #tpu.memory_space<vmem>>, vector<1x1x16xf32>,
          %get3A_836 = arith.constant 1 : i32
          %get3A_837 = arith.index_cast %get3A_836 : i32 to index
          %get3A_838 = arith.index_cast %scan3A_575 : i32 to index
          %get3A_839 = arith.constant 80 : index
          %get3A_840 = tpu.vector_load %arg17[%get3A_837, %get3A_838, %get3A_839] {strides = array<i32>} : memref<2x64x256xf32, #tpu.memory_space<vmem>>, vector<1x1x16xf32>,
          %get3A_841 = vector.shape_cast %get3A_840 : vector<1x1x16xf32> to vector<16xf32>
          %mul3A_842 = arith.mulf %gather3A_585, %get3A_841 : vector<16xf32>
          %add3A_843 = arith.constant 16 : i32
          %add3A_844 = arith.addi %add3A_843, %scan3A_575 : i32
          %get3A_845 = arith.constant 1 : i32
          %get3A_846 = arith.index_cast %get3A_845 : i32 to index
          %get3A_847 = arith.index_cast %add3A_844 : i32 to index
          %get3A_848 = arith.constant 80 : index
          %get3A_849 = tpu.vector_load %arg17[%get3A_846, %get3A_847, %get3A_848] {strides = array<i32>} : memref<2x64x256xf32, #tpu.memory_space<vmem>>, vector<1x1x16xf32>,
          %get3A_850 = vector.shape_cast %get3A_849 : vector<1x1x16xf32> to vector<16xf32>
          %mul3A_851 = arith.mulf %gather3A_595, %get3A_850 : vector<16xf32>
          %add3A_852 = arith.addf %mul3A_842, %mul3A_851 : vector<16xf32>
          %add3A_853 = arith.constant 32 : i32
          %add3A_854 = arith.addi %add3A_853, %scan3A_575 : i32
          %get3A_855 = arith.constant 1 : i32
          %get3A_856 = arith.index_cast %get3A_855 : i32 to index
          %get3A_857 = arith.index_cast %add3A_854 : i32 to index
          %get3A_858 = arith.constant 80 : index
          %get3A_859 = tpu.vector_load %arg17[%get3A_856, %get3A_857, %get3A_858] {strides = array<i32>} : memref<2x64x256xf32, #tpu.memory_space<vmem>>, vector<1x1x16xf32>,
          %get3A_860 = vector.shape_cast %get3A_859 : vector<1x1x16xf32> to vector<16xf32>
          %mul3A_861 = arith.mulf %gather3A_605, %get3A_860 : vector<16xf32>
          %add3A_862 = arith.addf %add3A_852, %mul3A_861 : vector<16xf32>
          %add3A_863 = arith.constant 48 : i32
          %add3A_864 = arith.addi %add3A_863, %scan3A_575 : i32
          %get3A_865 = arith.constant 1 : i32
          %get3A_866 = arith.index_cast %get3A_865 : i32 to index
          %get3A_867 = arith.index_cast %add3A_864 : i32 to index
          %get3A_868 = arith.constant 80 : index
          %get3A_869 = tpu.vector_load %arg17[%get3A_866, %get3A_867, %get3A_868] {strides = array<i32>} : memref<2x64x256xf32, #tpu.memory_space<vmem>>, vector<1x1x16xf32>,
          %get3A_870 = vector.shape_cast %get3A_869 : vector<1x1x16xf32> to vector<16xf32>
          %mul3A_871 = arith.mulf %gather3A_615, %get3A_870 : vector<16xf32>
          %add3A_872 = arith.addf %add3A_862, %mul3A_871 : vector<16xf32>
          %swap3A_873 = arith.constant 1 : i32
          %swap3A_874 = arith.index_cast %swap3A_873 : i32 to index
          %swap3A_875 = arith.index_cast %scan3A_575 : i32 to index
          %swap3A_876 = arith.constant 80 : index
          %swap3A_877 = tpu.vector_load %arg18[%swap3A_874, %swap3A_875, %swap3A_876] {strides = array<i32>} : memref<2x16x256xf32, #tpu.memory_space<vmem>>, vector<1x1x16xf32>,
          %swap3A_878 = vector.shape_cast %swap3A_877 : vector<1x1x16xf32> to vector<16xf32>
          %swap3A_879 = vector.shape_cast %add3A_872 : vector<16xf32> to vector<1x1x16xf32>
          tpu.vector_store %arg18[%swap3A_874, %swap3A_875, %swap3A_876], %swap3A_879 {strides = array<i32>} : memref<2x16x256xf32, #tpu.memory_space<vmem>>, vector<1x1x16xf32>,
          %get3A_880 = arith.constant 1 : i32
          %get3A_881 = arith.index_cast %get3A_880 : i32 to index
          %get3A_882 = arith.index_cast %scan3A_575 : i32 to index
          %get3A_883 = arith.constant 96 : index
          %get3A_884 = tpu.vector_load %arg17[%get3A_881, %get3A_882, %get3A_883] {strides = array<i32>} : memref<2x64x256xf32, #tpu.memory_space<vmem>>, vector<1x1x16xf32>,
          %get3A_885 = vector.shape_cast %get3A_884 : vector<1x1x16xf32> to vector<16xf32>
          %mul3A_886 = arith.mulf %gather3A_585, %get3A_885 : vector<16xf32>
          %add3A_887 = arith.constant 16 : i32
          %add3A_888 = arith.addi %add3A_887, %scan3A_575 : i32
          %get3A_889 = arith.constant 1 : i32
          %get3A_890 = arith.index_cast %get3A_889 : i32 to index
          %get3A_891 = arith.index_cast %add3A_888 : i32 to index
          %get3A_892 = arith.constant 96 : index
          %get3A_893 = tpu.vector_load %arg17[%get3A_890, %get3A_891, %get3A_892] {strides = array<i32>} : memref<2x64x256xf32, #tpu.memory_space<vmem>>, vector<1x1x16xf32>,
          %get3A_894 = vector.shape_cast %get3A_893 : vector<1x1x16xf32> to vector<16xf32>
          %mul3A_895 = arith.mulf %gather3A_595, %get3A_894 : vector<16xf32>
          %add3A_896 = arith.addf %mul3A_886, %mul3A_895 : vector<16xf32>
          %add3A_897 = arith.constant 32 : i32
          %add3A_898 = arith.addi %add3A_897, %scan3A_575 : i32
          %get3A_899 = arith.constant 1 : i32
          %get3A_900 = arith.index_cast %get3A_899 : i32 to index
          %get3A_901 = arith.index_cast %add3A_898 : i32 to index
          %get3A_902 = arith.constant 96 : index
          %get3A_903 = tpu.vector_load %arg17[%get3A_900, %get3A_901, %get3A_902] {strides = array<i32>} : memref<2x64x256xf32, #tpu.memory_space<vmem>>, vector<1x1x16xf32>,
          %get3A_904 = vector.shape_cast %get3A_903 : vector<1x1x16xf32> to vector<16xf32>
          %mul3A_905 = arith.mulf %gather3A_605, %get3A_904 : vector<16xf32>
          %add3A_906 = arith.addf %add3A_896, %mul3A_905 : vector<16xf32>
          %add3A_907 = arith.constant 48 : i32
          %add3A_908 = arith.addi %add3A_907, %scan3A_575 : i32
          %get3A_909 = arith.constant 1 : i32
          %get3A_910 = arith.index_cast %get3A_909 : i32 to index
          %get3A_911 = arith.index_cast %add3A_908 : i32 to index
          %get3A_912 = arith.constant 96 : index
          %get3A_913 = tpu.vector_load %arg17[%get3A_910, %get3A_911, %get3A_912] {strides = array<i32>} : memref<2x64x256xf32, #tpu.memory_space<vmem>>, vector<1x1x16xf32>,
          %get3A_914 = vector.shape_cast %get3A_913 : vector<1x1x16xf32> to vector<16xf32>
          %mul3A_915 = arith.mulf %gather3A_615, %get3A_914 : vector<16xf32>
          %add3A_916 = arith.addf %add3A_906, %mul3A_915 : vector<16xf32>
          %swap3A_917 = arith.constant 1 : i32
          %swap3A_918 = arith.index_cast %swap3A_917 : i32 to index
          %swap3A_919 = arith.index_cast %scan3A_575 : i32 to index
          %swap3A_920 = arith.constant 96 : index
          %swap3A_921 = tpu.vector_load %arg18[%swap3A_918, %swap3A_919, %swap3A_920] {strides = array<i32>} : memref<2x16x256xf32, #tpu.memory_space<vmem>>, vector<1x1x16xf32>,
          %swap3A_922 = vector.shape_cast %swap3A_921 : vector<1x1x16xf32> to vector<16xf32>
          %swap3A_923 = vector.shape_cast %add3A_916 : vector<16xf32> to vector<1x1x16xf32>
          tpu.vector_store %arg18[%swap3A_918, %swap3A_919, %swap3A_920], %swap3A_923 {strides = array<i32>} : memref<2x16x256xf32, #tpu.memory_space<vmem>>, vector<1x1x16xf32>,
          %get3A_924 = arith.constant 1 : i32
          %get3A_925 = arith.index_cast %get3A_924 : i32 to index
          %get3A_926 = arith.index_cast %scan3A_575 : i32 to index
          %get3A_927 = arith.constant 112 : index
          %get3A_928 = tpu.vector_load %arg17[%get3A_925, %get3A_926, %get3A_927] {strides = array<i32>} : memref<2x64x256xf32, #tpu.memory_space<vmem>>, vector<1x1x16xf32>,
          %get3A_929 = vector.shape_cast %get3A_928 : vector<1x1x16xf32> to vector<16xf32>
          %mul3A_930 = arith.mulf %gather3A_585, %get3A_929 : vector<16xf32>
          %add3A_931 = arith.constant 16 : i32
          %add3A_932 = arith.addi %add3A_931, %scan3A_575 : i32
          %get3A_933 = arith.constant 1 : i32
          %get3A_934 = arith.index_cast %get3A_933 : i32 to index
          %get3A_935 = arith.index_cast %add3A_932 : i32 to index
          %get3A_936 = arith.constant 112 : index
          %get3A_937 = tpu.vector_load %arg17[%get3A_934, %get3A_935, %get3A_936] {strides = array<i32>} : memref<2x64x256xf32, #tpu.memory_space<vmem>>, vector<1x1x16xf32>,
          %get3A_938 = vector.shape_cast %get3A_937 : vector<1x1x16xf32> to vector<16xf32>
          %mul3A_939 = arith.mulf %gather3A_595, %get3A_938 : vector<16xf32>
          %add3A_940 = arith.addf %mul3A_930, %mul3A_939 : vector<16xf32>
          %add3A_941 = arith.constant 32 : i32
          %add3A_942 = arith.addi %add3A_941, %scan3A_575 : i32
          %get3A_943 = arith.constant 1 : i32
          %get3A_944 = arith.index_cast %get3A_943 : i32 to index
          %get3A_945 = arith.index_cast %add3A_942 : i32 to index
          %get3A_946 = arith.constant 112 : index
          %get3A_947 = tpu.vector_load %arg17[%get3A_944, %get3A_945, %get3A_946] {strides = array<i32>} : memref<2x64x256xf32, #tpu.memory_space<vmem>>, vector<1x1x16xf32>,
          %get3A_948 = vector.shape_cast %get3A_947 : vector<1x1x16xf32> to vector<16xf32>
          %mul3A_949 = arith.mulf %gather3A_605, %get3A_948 : vector<16xf32>
          %add3A_950 = arith.addf %add3A_940, %mul3A_949 : vector<16xf32>
          %add3A_951 = arith.constant 48 : i32
          %add3A_952 = arith.addi %add3A_951, %scan3A_575 : i32
          %get3A_953 = arith.constant 1 : i32
          %get3A_954 = arith.index_cast %get3A_953 : i32 to index
          %get3A_955 = arith.index_cast %add3A_952 : i32 to index
          %get3A_956 = arith.constant 112 : index
          %get3A_957 = tpu.vector_load %arg17[%get3A_954, %get3A_955, %get3A_956] {strides = array<i32>} : memref<2x64x256xf32, #tpu.memory_space<vmem>>, vector<1x1x16xf32>,
          %get3A_958 = vector.shape_cast %get3A_957 : vector<1x1x16xf32> to vector<16xf32>
          %mul3A_959 = arith.mulf %gather3A_615, %get3A_958 : vector<16xf32>
          %add3A_960 = arith.addf %add3A_950, %mul3A_959 : vector<16xf32>
          %swap3A_961 = arith.constant 1 : i32
          %swap3A_962 = arith.index_cast %swap3A_961 : i32 to index
          %swap3A_963 = arith.index_cast %scan3A_575 : i32 to index
          %swap3A_964 = arith.constant 112 : index
          %swap3A_965 = tpu.vector_load %arg18[%swap3A_962, %swap3A_963, %swap3A_964] {strides = array<i32>} : memref<2x16x256xf32, #tpu.memory_space<vmem>>, vector<1x1x16xf32>,
          %swap3A_966 = vector.shape_cast %swap3A_965 : vector<1x1x16xf32> to vector<16xf32>
          %swap3A_967 = vector.shape_cast %add3A_960 : vector<16xf32> to vector<1x1x16xf32>
          tpu.vector_store %arg18[%swap3A_962, %swap3A_963, %swap3A_964], %swap3A_967 {strides = array<i32>} : memref<2x16x256xf32, #tpu.memory_space<vmem>>, vector<1x1x16xf32>,
          %get3A_968 = arith.constant 1 : i32
          %get3A_969 = arith.index_cast %get3A_968 : i32 to index
          %get3A_970 = arith.index_cast %scan3A_575 : i32 to index
          %get3A_971 = arith.constant 128 : index
          %get3A_972 = tpu.vector_load %arg17[%get3A_969, %get3A_970, %get3A_971] {strides = array<i32>} : memref<2x64x256xf32, #tpu.memory_space<vmem>>, vector<1x1x16xf32>,
          %get3A_973 = vector.shape_cast %get3A_972 : vector<1x1x16xf32> to vector<16xf32>
          %mul3A_974 = arith.mulf %gather3A_585, %get3A_973 : vector<16xf32>
          %add3A_975 = arith.constant 16 : i32
          %add3A_976 = arith.addi %add3A_975, %scan3A_575 : i32
          %get3A_977 = arith.constant 1 : i32
          %get3A_978 = arith.index_cast %get3A_977 : i32 to index
          %get3A_979 = arith.index_cast %add3A_976 : i32 to index
          %get3A_980 = arith.constant 128 : index
          %get3A_981 = tpu.vector_load %arg17[%get3A_978, %get3A_979, %get3A_980] {strides = array<i32>} : memref<2x64x256xf32, #tpu.memory_space<vmem>>, vector<1x1x16xf32>,
          %get3A_982 = vector.shape_cast %get3A_981 : vector<1x1x16xf32> to vector<16xf32>
          %mul3A_983 = arith.mulf %gather3A_595, %get3A_982 : vector<16xf32>
          %add3A_984 = arith.addf %mul3A_974, %mul3A_983 : vector<16xf32>
          %add3A_985 = arith.constant 32 : i32
          %add3A_986 = arith.addi %add3A_985, %scan3A_575 : i32
          %get3A_987 = arith.constant 1 : i32
          %get3A_988 = arith.index_cast %get3A_987 : i32 to index
          %get3A_989 = arith.index_cast %add3A_986 : i32 to index
          %get3A_990 = arith.constant 128 : index
          %get3A_991 = tpu.vector_load %arg17[%get3A_988, %get3A_989, %get3A_990] {strides = array<i32>} : memref<2x64x256xf32, #tpu.memory_space<vmem>>, vector<1x1x16xf32>,
          %get3A_992 = vector.shape_cast %get3A_991 : vector<1x1x16xf32> to vector<16xf32>
          %mul3A_993 = arith.mulf %gather3A_605, %get3A_992 : vector<16xf32>
          %add3A_994 = arith.addf %add3A_984, %mul3A_993 : vector<16xf32>
          %add3A_995 = arith.constant 48 : i32
          %add3A_996 = arith.addi %add3A_995, %scan3A_575 : i32
          %get3A_997 = arith.constant 1 : i32
          %get3A_998 = arith.index_cast %get3A_997 : i32 to index
          %get3A_999 = arith.index_cast %add3A_996 : i32 to index
          %get3A_1000 = arith.constant 128 : index
          %get3A_1001 = tpu.vector_load %arg17[%get3A_998, %get3A_999, %get3A_1000] {strides = array<i32>} : memref<2x64x256xf32, #tpu.memory_space<vmem>>, vector<1x1x16xf32>,
          %get3A_1002 = vector.shape_cast %get3A_1001 : vector<1x1x16xf32> to vector<16xf32>
          %mul3A_1003 = arith.mulf %gather3A_615, %get3A_1002 : vector<16xf32>
          %add3A_1004 = arith.addf %add3A_994, %mul3A_1003 : vector<16xf32>
          %swap3A_1005 = arith.constant 1 : i32
          %swap3A_1006 = arith.index_cast %swap3A_1005 : i32 to index
          %swap3A_1007 = arith.index_cast %scan3A_575 : i32 to index
          %swap3A_1008 = arith.constant 128 : index
          %swap3A_1009 = tpu.vector_load %arg18[%swap3A_1006, %swap3A_1007, %swap3A_1008] {strides = array<i32>} : memref<2x16x256xf32, #tpu.memory_space<vmem>>, vector<1x1x16xf32>,
          %swap3A_1010 = vector.shape_cast %swap3A_1009 : vector<1x1x16xf32> to vector<16xf32>
          %swap3A_1011 = vector.shape_cast %add3A_1004 : vector<16xf32> to vector<1x1x16xf32>
          tpu.vector_store %arg18[%swap3A_1006, %swap3A_1007, %swap3A_1008], %swap3A_1011 {strides = array<i32>} : memref<2x16x256xf32, #tpu.memory_space<vmem>>, vector<1x1x16xf32>,
          %get3A_1012 = arith.constant 1 : i32
          %get3A_1013 = arith.index_cast %get3A_1012 : i32 to index
          %get3A_1014 = arith.index_cast %scan3A_575 : i32 to index
          %get3A_1015 = arith.constant 144 : index
          %get3A_1016 = tpu.vector_load %arg17[%get3A_1013, %get3A_1014, %get3A_1015] {strides = array<i32>} : memref<2x64x256xf32, #tpu.memory_space<vmem>>, vector<1x1x16xf32>,
          %get3A_1017 = vector.shape_cast %get3A_1016 : vector<1x1x16xf32> to vector<16xf32>
          %mul3A_1018 = arith.mulf %gather3A_585, %get3A_1017 : vector<16xf32>
          %add3A_1019 = arith.constant 16 : i32
          %add3A_1020 = arith.addi %add3A_1019, %scan3A_575 : i32
          %get3A_1021 = arith.constant 1 : i32
          %get3A_1022 = arith.index_cast %get3A_1021 : i32 to index
          %get3A_1023 = arith.index_cast %add3A_1020 : i32 to index
          %get3A_1024 = arith.constant 144 : index
          %get3A_1025 = tpu.vector_load %arg17[%get3A_1022, %get3A_1023, %get3A_1024] {strides = array<i32>} : memref<2x64x256xf32, #tpu.memory_space<vmem>>, vector<1x1x16xf32>,
          %get3A_1026 = vector.shape_cast %get3A_1025 : vector<1x1x16xf32> to vector<16xf32>
          %mul3A_1027 = arith.mulf %gather3A_595, %get3A_1026 : vector<16xf32>
          %add3A_1028 = arith.addf %mul3A_1018, %mul3A_1027 : vector<16xf32>
          %add3A_1029 = arith.constant 32 : i32
          %add3A_1030 = arith.addi %add3A_1029, %scan3A_575 : i32
          %get3A_1031 = arith.constant 1 : i32
          %get3A_1032 = arith.index_cast %get3A_1031 : i32 to index
          %get3A_1033 = arith.index_cast %add3A_1030 : i32 to index
          %get3A_1034 = arith.constant 144 : index
          %get3A_1035 = tpu.vector_load %arg17[%get3A_1032, %get3A_1033, %get3A_1034] {strides = array<i32>} : memref<2x64x256xf32, #tpu.memory_space<vmem>>, vector<1x1x16xf32>,
          %get3A_1036 = vector.shape_cast %get3A_1035 : vector<1x1x16xf32> to vector<16xf32>
          %mul3A_1037 = arith.mulf %gather3A_605, %get3A_1036 : vector<16xf32>
          %add3A_1038 = arith.addf %add3A_1028, %mul3A_1037 : vector<16xf32>
          %add3A_1039 = arith.constant 48 : i32
          %add3A_1040 = arith.addi %add3A_1039, %scan3A_575 : i32
          %get3A_1041 = arith.constant 1 : i32
          %get3A_1042 = arith.index_cast %get3A_1041 : i32 to index
          %get3A_1043 = arith.index_cast %add3A_1040 : i32 to index
          %get3A_1044 = arith.constant 144 : index
          %get3A_1045 = tpu.vector_load %arg17[%get3A_1042, %get3A_1043, %get3A_1044] {strides = array<i32>} : memref<2x64x256xf32, #tpu.memory_space<vmem>>, vector<1x1x16xf32>,
          %get3A_1046 = vector.shape_cast %get3A_1045 : vector<1x1x16xf32> to vector<16xf32>
          %mul3A_1047 = arith.mulf %gather3A_615, %get3A_1046 : vector<16xf32>
          %add3A_1048 = arith.addf %add3A_1038, %mul3A_1047 : vector<16xf32>
          %swap3A_1049 = arith.constant 1 : i32
          %swap3A_1050 = arith.index_cast %swap3A_1049 : i32 to index
          %swap3A_1051 = arith.index_cast %scan3A_575 : i32 to index
          %swap3A_1052 = arith.constant 144 : index
          %swap3A_1053 = tpu.vector_load %arg18[%swap3A_1050, %swap3A_1051, %swap3A_1052] {strides = array<i32>} : memref<2x16x256xf32, #tpu.memory_space<vmem>>, vector<1x1x16xf32>,
          %swap3A_1054 = vector.shape_cast %swap3A_1053 : vector<1x1x16xf32> to vector<16xf32>
          %swap3A_1055 = vector.shape_cast %add3A_1048 : vector<16xf32> to vector<1x1x16xf32>
          tpu.vector_store %arg18[%swap3A_1050, %swap3A_1051, %swap3A_1052], %swap3A_1055 {strides = array<i32>} : memref<2x16x256xf32, #tpu.memory_space<vmem>>, vector<1x1x16xf32>,
          %get3A_1056 = arith.constant 1 : i32
          %get3A_1057 = arith.index_cast %get3A_1056 : i32 to index
          %get3A_1058 = arith.index_cast %scan3A_575 : i32 to index
          %get3A_1059 = arith.constant 160 : index
          %get3A_1060 = tpu.vector_load %arg17[%get3A_1057, %get3A_1058, %get3A_1059] {strides = array<i32>} : memref<2x64x256xf32, #tpu.memory_space<vmem>>, vector<1x1x16xf32>,
          %get3A_1061 = vector.shape_cast %get3A_1060 : vector<1x1x16xf32> to vector<16xf32>
          %mul3A_1062 = arith.mulf %gather3A_585, %get3A_1061 : vector<16xf32>
          %add3A_1063 = arith.constant 16 : i32
          %add3A_1064 = arith.addi %add3A_1063, %scan3A_575 : i32
          %get3A_1065 = arith.constant 1 : i32
          %get3A_1066 = arith.index_cast %get3A_1065 : i32 to index
          %get3A_1067 = arith.index_cast %add3A_1064 : i32 to index
          %get3A_1068 = arith.constant 160 : index
          %get3A_1069 = tpu.vector_load %arg17[%get3A_1066, %get3A_1067, %get3A_1068] {strides = array<i32>} : memref<2x64x256xf32, #tpu.memory_space<vmem>>, vector<1x1x16xf32>,
          %get3A_1070 = vector.shape_cast %get3A_1069 : vector<1x1x16xf32> to vector<16xf32>
          %mul3A_1071 = arith.mulf %gather3A_595, %get3A_1070 : vector<16xf32>
          %add3A_1072 = arith.addf %mul3A_1062, %mul3A_1071 : vector<16xf32>
          %add3A_1073 = arith.constant 32 : i32
          %add3A_1074 = arith.addi %add3A_1073, %scan3A_575 : i32
          %get3A_1075 = arith.constant 1 : i32
          %get3A_1076 = arith.index_cast %get3A_1075 : i32 to index
          %get3A_1077 = arith.index_cast %add3A_1074 : i32 to index
          %get3A_1078 = arith.constant 160 : index
          %get3A_1079 = tpu.vector_load %arg17[%get3A_1076, %get3A_1077, %get3A_1078] {strides = array<i32>} : memref<2x64x256xf32, #tpu.memory_space<vmem>>, vector<1x1x16xf32>,
          %get3A_1080 = vector.shape_cast %get3A_1079 : vector<1x1x16xf32> to vector<16xf32>
          %mul3A_1081 = arith.mulf %gather3A_605, %get3A_1080 : vector<16xf32>
          %add3A_1082 = arith.addf %add3A_1072, %mul3A_1081 : vector<16xf32>
          %add3A_1083 = arith.constant 48 : i32
          %add3A_1084 = arith.addi %add3A_1083, %scan3A_575 : i32
          %get3A_1085 = arith.constant 1 : i32
          %get3A_1086 = arith.index_cast %get3A_1085 : i32 to index
          %get3A_1087 = arith.index_cast %add3A_1084 : i32 to index
          %get3A_1088 = arith.constant 160 : index
          %get3A_1089 = tpu.vector_load %arg17[%get3A_1086, %get3A_1087, %get3A_1088] {strides = array<i32>} : memref<2x64x256xf32, #tpu.memory_space<vmem>>, vector<1x1x16xf32>,
          %get3A_1090 = vector.shape_cast %get3A_1089 : vector<1x1x16xf32> to vector<16xf32>
          %mul3A_1091 = arith.mulf %gather3A_615, %get3A_1090 : vector<16xf32>
          %add3A_1092 = arith.addf %add3A_1082, %mul3A_1091 : vector<16xf32>
          %swap3A_1093 = arith.constant 1 : i32
          %swap3A_1094 = arith.index_cast %swap3A_1093 : i32 to index
          %swap3A_1095 = arith.index_cast %scan3A_575 : i32 to index
          %swap3A_1096 = arith.constant 160 : index
          %swap3A_1097 = tpu.vector_load %arg18[%swap3A_1094, %swap3A_1095, %swap3A_1096] {strides = array<i32>} : memref<2x16x256xf32, #tpu.memory_space<vmem>>, vector<1x1x16xf32>,
          %swap3A_1098 = vector.shape_cast %swap3A_1097 : vector<1x1x16xf32> to vector<16xf32>
          %swap3A_1099 = vector.shape_cast %add3A_1092 : vector<16xf32> to vector<1x1x16xf32>
          tpu.vector_store %arg18[%swap3A_1094, %swap3A_1095, %swap3A_1096], %swap3A_1099 {strides = array<i32>} : memref<2x16x256xf32, #tpu.memory_space<vmem>>, vector<1x1x16xf32>,
          %get3A_1100 = arith.constant 1 : i32
          %get3A_1101 = arith.index_cast %get3A_1100 : i32 to index
          %get3A_1102 = arith.index_cast %scan3A_575 : i32 to index
          %get3A_1103 = arith.constant 176 : index
          %get3A_1104 = tpu.vector_load %arg17[%get3A_1101, %get3A_1102, %get3A_1103] {strides = array<i32>} : memref<2x64x256xf32, #tpu.memory_space<vmem>>, vector<1x1x16xf32>,
          %get3A_1105 = vector.shape_cast %get3A_1104 : vector<1x1x16xf32> to vector<16xf32>
          %mul3A_1106 = arith.mulf %gather3A_585, %get3A_1105 : vector<16xf32>
          %add3A_1107 = arith.constant 16 : i32
          %add3A_1108 = arith.addi %add3A_1107, %scan3A_575 : i32
          %get3A_1109 = arith.constant 1 : i32
          %get3A_1110 = arith.index_cast %get3A_1109 : i32 to index
          %get3A_1111 = arith.index_cast %add3A_1108 : i32 to index
          %get3A_1112 = arith.constant 176 : index
          %get3A_1113 = tpu.vector_load %arg17[%get3A_1110, %get3A_1111, %get3A_1112] {strides = array<i32>} : memref<2x64x256xf32, #tpu.memory_space<vmem>>, vector<1x1x16xf32>,
          %get3A_1114 = vector.shape_cast %get3A_1113 : vector<1x1x16xf32> to vector<16xf32>
          %mul3A_1115 = arith.mulf %gather3A_595, %get3A_1114 : vector<16xf32>
          %add3A_1116 = arith.addf %mul3A_1106, %mul3A_1115 : vector<16xf32>
          %add3A_1117 = arith.constant 32 : i32
          %add3A_1118 = arith.addi %add3A_1117, %scan3A_575 : i32
          %get3A_1119 = arith.constant 1 : i32
          %get3A_1120 = arith.index_cast %get3A_1119 : i32 to index
          %get3A_1121 = arith.index_cast %add3A_1118 : i32 to index
          %get3A_1122 = arith.constant 176 : index
          %get3A_1123 = tpu.vector_load %arg17[%get3A_1120, %get3A_1121, %get3A_1122] {strides = array<i32>} : memref<2x64x256xf32, #tpu.memory_space<vmem>>, vector<1x1x16xf32>,
          %get3A_1124 = vector.shape_cast %get3A_1123 : vector<1x1x16xf32> to vector<16xf32>
          %mul3A_1125 = arith.mulf %gather3A_605, %get3A_1124 : vector<16xf32>
          %add3A_1126 = arith.addf %add3A_1116, %mul3A_1125 : vector<16xf32>
          %add3A_1127 = arith.constant 48 : i32
          %add3A_1128 = arith.addi %add3A_1127, %scan3A_575 : i32
          %get3A_1129 = arith.constant 1 : i32
          %get3A_1130 = arith.index_cast %get3A_1129 : i32 to index
          %get3A_1131 = arith.index_cast %add3A_1128 : i32 to index
          %get3A_1132 = arith.constant 176 : index
          %get3A_1133 = tpu.vector_load %arg17[%get3A_1130, %get3A_1131, %get3A_1132] {strides = array<i32>} : memref<2x64x256xf32, #tpu.memory_space<vmem>>, vector<1x1x16xf32>,
          %get3A_1134 = vector.shape_cast %get3A_1133 : vector<1x1x16xf32> to vector<16xf32>
          %mul3A_1135 = arith.mulf %gather3A_615, %get3A_1134 : vector<16xf32>
          %add3A_1136 = arith.addf %add3A_1126, %mul3A_1135 : vector<16xf32>
          %swap3A_1137 = arith.constant 1 : i32
          %swap3A_1138 = arith.index_cast %swap3A_1137 : i32 to index
          %swap3A_1139 = arith.index_cast %scan3A_575 : i32 to index
          %swap3A_1140 = arith.constant 176 : index
          %swap3A_1141 = tpu.vector_load %arg18[%swap3A_1138, %swap3A_1139, %swap3A_1140] {strides = array<i32>} : memref<2x16x256xf32, #tpu.memory_space<vmem>>, vector<1x1x16xf32>,
          %swap3A_1142 = vector.shape_cast %swap3A_1141 : vector<1x1x16xf32> to vector<16xf32>
          %swap3A_1143 = vector.shape_cast %add3A_1136 : vector<16xf32> to vector<1x1x16xf32>
          tpu.vector_store %arg18[%swap3A_1138, %swap3A_1139, %swap3A_1140], %swap3A_1143 {strides = array<i32>} : memref<2x16x256xf32, #tpu.memory_space<vmem>>, vector<1x1x16xf32>,
          %get3A_1144 = arith.constant 1 : i32
          %get3A_1145 = arith.index_cast %get3A_1144 : i32 to index
          %get3A_1146 = arith.index_cast %scan3A_575 : i32 to index
          %get3A_1147 = arith.constant 192 : index
          %get3A_1148 = tpu.vector_load %arg17[%get3A_1145, %get3A_1146, %get3A_1147] {strides = array<i32>} : memref<2x64x256xf32, #tpu.memory_space<vmem>>, vector<1x1x16xf32>,
          %get3A_1149 = vector.shape_cast %get3A_1148 : vector<1x1x16xf32> to vector<16xf32>
          %mul3A_1150 = arith.mulf %gather3A_585, %get3A_1149 : vector<16xf32>
          %add3A_1151 = arith.constant 16 : i32
          %add3A_1152 = arith.addi %add3A_1151, %scan3A_575 : i32
          %get3A_1153 = arith.constant 1 : i32
          %get3A_1154 = arith.index_cast %get3A_1153 : i32 to index
          %get3A_1155 = arith.index_cast %add3A_1152 : i32 to index
          %get3A_1156 = arith.constant 192 : index
          %get3A_1157 = tpu.vector_load %arg17[%get3A_1154, %get3A_1155, %get3A_1156] {strides = array<i32>} : memref<2x64x256xf32, #tpu.memory_space<vmem>>, vector<1x1x16xf32>,
          %get3A_1158 = vector.shape_cast %get3A_1157 : vector<1x1x16xf32> to vector<16xf32>
          %mul3A_1159 = arith.mulf %gather3A_595, %get3A_1158 : vector<16xf32>
          %add3A_1160 = arith.addf %mul3A_1150, %mul3A_1159 : vector<16xf32>
          %add3A_1161 = arith.constant 32 : i32
          %add3A_1162 = arith.addi %add3A_1161, %scan3A_575 : i32
          %get3A_1163 = arith.constant 1 : i32
          %get3A_1164 = arith.index_cast %get3A_1163 : i32 to index
          %get3A_1165 = arith.index_cast %add3A_1162 : i32 to index
          %get3A_1166 = arith.constant 192 : index
          %get3A_1167 = tpu.vector_load %arg17[%get3A_1164, %get3A_1165, %get3A_1166] {strides = array<i32>} : memref<2x64x256xf32, #tpu.memory_space<vmem>>, vector<1x1x16xf32>,
          %get3A_1168 = vector.shape_cast %get3A_1167 : vector<1x1x16xf32> to vector<16xf32>
          %mul3A_1169 = arith.mulf %gather3A_605, %get3A_1168 : vector<16xf32>
          %add3A_1170 = arith.addf %add3A_1160, %mul3A_1169 : vector<16xf32>
          %add3A_1171 = arith.constant 48 : i32
          %add3A_1172 = arith.addi %add3A_1171, %scan3A_575 : i32
          %get3A_1173 = arith.constant 1 : i32
          %get3A_1174 = arith.index_cast %get3A_1173 : i32 to index
          %get3A_1175 = arith.index_cast %add3A_1172 : i32 to index
          %get3A_1176 = arith.constant 192 : index
          %get3A_1177 = tpu.vector_load %arg17[%get3A_1174, %get3A_1175, %get3A_1176] {strides = array<i32>} : memref<2x64x256xf32, #tpu.memory_space<vmem>>, vector<1x1x16xf32>,
          %get3A_1178 = vector.shape_cast %get3A_1177 : vector<1x1x16xf32> to vector<16xf32>
          %mul3A_1179 = arith.mulf %gather3A_615, %get3A_1178 : vector<16xf32>
          %add3A_1180 = arith.addf %add3A_1170, %mul3A_1179 : vector<16xf32>
          %swap3A_1181 = arith.constant 1 : i32
          %swap3A_1182 = arith.index_cast %swap3A_1181 : i32 to index
          %swap3A_1183 = arith.index_cast %scan3A_575 : i32 to index
          %swap3A_1184 = arith.constant 192 : index
          %swap3A_1185 = tpu.vector_load %arg18[%swap3A_1182, %swap3A_1183, %swap3A_1184] {strides = array<i32>} : memref<2x16x256xf32, #tpu.memory_space<vmem>>, vector<1x1x16xf32>,
          %swap3A_1186 = vector.shape_cast %swap3A_1185 : vector<1x1x16xf32> to vector<16xf32>
          %swap3A_1187 = vector.shape_cast %add3A_1180 : vector<16xf32> to vector<1x1x16xf32>
          tpu.vector_store %arg18[%swap3A_1182, %swap3A_1183, %swap3A_1184], %swap3A_1187 {strides = array<i32>} : memref<2x16x256xf32, #tpu.memory_space<vmem>>, vector<1x1x16xf32>,
          %get3A_1188 = arith.constant 1 : i32
          %get3A_1189 = arith.index_cast %get3A_1188 : i32 to index
          %get3A_1190 = arith.index_cast %scan3A_575 : i32 to index
          %get3A_1191 = arith.constant 208 : index
          %get3A_1192 = tpu.vector_load %arg17[%get3A_1189, %get3A_1190, %get3A_1191] {strides = array<i32>} : memref<2x64x256xf32, #tpu.memory_space<vmem>>, vector<1x1x16xf32>,
          %get3A_1193 = vector.shape_cast %get3A_1192 : vector<1x1x16xf32> to vector<16xf32>
          %mul3A_1194 = arith.mulf %gather3A_585, %get3A_1193 : vector<16xf32>
          %add3A_1195 = arith.constant 16 : i32
          %add3A_1196 = arith.addi %add3A_1195, %scan3A_575 : i32
          %get3A_1197 = arith.constant 1 : i32
          %get3A_1198 = arith.index_cast %get3A_1197 : i32 to index
          %get3A_1199 = arith.index_cast %add3A_1196 : i32 to index
          %get3A_1200 = arith.constant 208 : index
          %get3A_1201 = tpu.vector_load %arg17[%get3A_1198, %get3A_1199, %get3A_1200] {strides = array<i32>} : memref<2x64x256xf32, #tpu.memory_space<vmem>>, vector<1x1x16xf32>,
          %get3A_1202 = vector.shape_cast %get3A_1201 : vector<1x1x16xf32> to vector<16xf32>
          %mul3A_1203 = arith.mulf %gather3A_595, %get3A_1202 : vector<16xf32>
          %add3A_1204 = arith.addf %mul3A_1194, %mul3A_1203 : vector<16xf32>
          %add3A_1205 = arith.constant 32 : i32
          %add3A_1206 = arith.addi %add3A_1205, %scan3A_575 : i32
          %get3A_1207 = arith.constant 1 : i32
          %get3A_1208 = arith.index_cast %get3A_1207 : i32 to index
          %get3A_1209 = arith.index_cast %add3A_1206 : i32 to index
          %get3A_1210 = arith.constant 208 : index
          %get3A_1211 = tpu.vector_load %arg17[%get3A_1208, %get3A_1209, %get3A_1210] {strides = array<i32>} : memref<2x64x256xf32, #tpu.memory_space<vmem>>, vector<1x1x16xf32>,
          %get3A_1212 = vector.shape_cast %get3A_1211 : vector<1x1x16xf32> to vector<16xf32>
          %mul3A_1213 = arith.mulf %gather3A_605, %get3A_1212 : vector<16xf32>
          %add3A_1214 = arith.addf %add3A_1204, %mul3A_1213 : vector<16xf32>
          %add3A_1215 = arith.constant 48 : i32
          %add3A_1216 = arith.addi %add3A_1215, %scan3A_575 : i32
          %get3A_1217 = arith.constant 1 : i32
          %get3A_1218 = arith.index_cast %get3A_1217 : i32 to index
          %get3A_1219 = arith.index_cast %add3A_1216 : i32 to index
          %get3A_1220 = arith.constant 208 : index
          %get3A_1221 = tpu.vector_load %arg17[%get3A_1218, %get3A_1219, %get3A_1220] {strides = array<i32>} : memref<2x64x256xf32, #tpu.memory_space<vmem>>, vector<1x1x16xf32>,
          %get3A_1222 = vector.shape_cast %get3A_1221 : vector<1x1x16xf32> to vector<16xf32>
          %mul3A_1223 = arith.mulf %gather3A_615, %get3A_1222 : vector<16xf32>
          %add3A_1224 = arith.addf %add3A_1214, %mul3A_1223 : vector<16xf32>
          %swap3A_1225 = arith.constant 1 : i32
          %swap3A_1226 = arith.index_cast %swap3A_1225 : i32 to index
          %swap3A_1227 = arith.index_cast %scan3A_575 : i32 to index
          %swap3A_1228 = arith.constant 208 : index
          %swap3A_1229 = tpu.vector_load %arg18[%swap3A_1226, %swap3A_1227, %swap3A_1228] {strides = array<i32>} : memref<2x16x256xf32, #tpu.memory_space<vmem>>, vector<1x1x16xf32>,
          %swap3A_1230 = vector.shape_cast %swap3A_1229 : vector<1x1x16xf32> to vector<16xf32>
          %swap3A_1231 = vector.shape_cast %add3A_1224 : vector<16xf32> to vector<1x1x16xf32>
          tpu.vector_store %arg18[%swap3A_1226, %swap3A_1227, %swap3A_1228], %swap3A_1231 {strides = array<i32>} : memref<2x16x256xf32, #tpu.memory_space<vmem>>, vector<1x1x16xf32>,
          %get3A_1232 = arith.constant 1 : i32
          %get3A_1233 = arith.index_cast %get3A_1232 : i32 to index
          %get3A_1234 = arith.index_cast %scan3A_575 : i32 to index
          %get3A_1235 = arith.constant 224 : index
          %get3A_1236 = tpu.vector_load %arg17[%get3A_1233, %get3A_1234, %get3A_1235] {strides = array<i32>} : memref<2x64x256xf32, #tpu.memory_space<vmem>>, vector<1x1x16xf32>,
          %get3A_1237 = vector.shape_cast %get3A_1236 : vector<1x1x16xf32> to vector<16xf32>
          %mul3A_1238 = arith.mulf %gather3A_585, %get3A_1237 : vector<16xf32>
          %add3A_1239 = arith.constant 16 : i32
          %add3A_1240 = arith.addi %add3A_1239, %scan3A_575 : i32
          %get3A_1241 = arith.constant 1 : i32
          %get3A_1242 = arith.index_cast %get3A_1241 : i32 to index
          %get3A_1243 = arith.index_cast %add3A_1240 : i32 to index
          %get3A_1244 = arith.constant 224 : index
          %get3A_1245 = tpu.vector_load %arg17[%get3A_1242, %get3A_1243, %get3A_1244] {strides = array<i32>} : memref<2x64x256xf32, #tpu.memory_space<vmem>>, vector<1x1x16xf32>,
          %get3A_1246 = vector.shape_cast %get3A_1245 : vector<1x1x16xf32> to vector<16xf32>
          %mul3A_1247 = arith.mulf %gather3A_595, %get3A_1246 : vector<16xf32>
          %add3A_1248 = arith.addf %mul3A_1238, %mul3A_1247 : vector<16xf32>
          %add3A_1249 = arith.constant 32 : i32
          %add3A_1250 = arith.addi %add3A_1249, %scan3A_575 : i32
          %get3A_1251 = arith.constant 1 : i32
          %get3A_1252 = arith.index_cast %get3A_1251 : i32 to index
          %get3A_1253 = arith.index_cast %add3A_1250 : i32 to index
          %get3A_1254 = arith.constant 224 : index
          %get3A_1255 = tpu.vector_load %arg17[%get3A_1252, %get3A_1253, %get3A_1254] {strides = array<i32>} : memref<2x64x256xf32, #tpu.memory_space<vmem>>, vector<1x1x16xf32>,
          %get3A_1256 = vector.shape_cast %get3A_1255 : vector<1x1x16xf32> to vector<16xf32>
          %mul3A_1257 = arith.mulf %gather3A_605, %get3A_1256 : vector<16xf32>
          %add3A_1258 = arith.addf %add3A_1248, %mul3A_1257 : vector<16xf32>
          %add3A_1259 = arith.constant 48 : i32
          %add3A_1260 = arith.addi %add3A_1259, %scan3A_575 : i32
          %get3A_1261 = arith.constant 1 : i32
          %get3A_1262 = arith.index_cast %get3A_1261 : i32 to index
          %get3A_1263 = arith.index_cast %add3A_1260 : i32 to index
          %get3A_1264 = arith.constant 224 : index
          %get3A_1265 = tpu.vector_load %arg17[%get3A_1262, %get3A_1263, %get3A_1264] {strides = array<i32>} : memref<2x64x256xf32, #tpu.memory_space<vmem>>, vector<1x1x16xf32>,
          %get3A_1266 = vector.shape_cast %get3A_1265 : vector<1x1x16xf32> to vector<16xf32>
          %mul3A_1267 = arith.mulf %gather3A_615, %get3A_1266 : vector<16xf32>
          %add3A_1268 = arith.addf %add3A_1258, %mul3A_1267 : vector<16xf32>
          %swap3A_1269 = arith.constant 1 : i32
          %swap3A_1270 = arith.index_cast %swap3A_1269 : i32 to index
          %swap3A_1271 = arith.index_cast %scan3A_575 : i32 to index
          %swap3A_1272 = arith.constant 224 : index
          %swap3A_1273 = tpu.vector_load %arg18[%swap3A_1270, %swap3A_1271, %swap3A_1272] {strides = array<i32>} : memref<2x16x256xf32, #tpu.memory_space<vmem>>, vector<1x1x16xf32>,
          %swap3A_1274 = vector.shape_cast %swap3A_1273 : vector<1x1x16xf32> to vector<16xf32>
          %swap3A_1275 = vector.shape_cast %add3A_1268 : vector<16xf32> to vector<1x1x16xf32>
          tpu.vector_store %arg18[%swap3A_1270, %swap3A_1271, %swap3A_1272], %swap3A_1275 {strides = array<i32>} : memref<2x16x256xf32, #tpu.memory_space<vmem>>, vector<1x1x16xf32>,
          %get3A_1276 = arith.constant 1 : i32
          %get3A_1277 = arith.index_cast %get3A_1276 : i32 to index
          %get3A_1278 = arith.index_cast %scan3A_575 : i32 to index
          %get3A_1279 = arith.constant 240 : index
          %get3A_1280 = tpu.vector_load %arg17[%get3A_1277, %get3A_1278, %get3A_1279] {strides = array<i32>} : memref<2x64x256xf32, #tpu.memory_space<vmem>>, vector<1x1x16xf32>,
          %get3A_1281 = vector.shape_cast %get3A_1280 : vector<1x1x16xf32> to vector<16xf32>
          %mul3A_1282 = arith.mulf %gather3A_585, %get3A_1281 : vector<16xf32>
          %add3A_1283 = arith.constant 16 : i32
          %add3A_1284 = arith.addi %add3A_1283, %scan3A_575 : i32
          %get3A_1285 = arith.constant 1 : i32
          %get3A_1286 = arith.index_cast %get3A_1285 : i32 to index
          %get3A_1287 = arith.index_cast %add3A_1284 : i32 to index
          %get3A_1288 = arith.constant 240 : index
          %get3A_1289 = tpu.vector_load %arg17[%get3A_1286, %get3A_1287, %get3A_1288] {strides = array<i32>} : memref<2x64x256xf32, #tpu.memory_space<vmem>>, vector<1x1x16xf32>,
          %get3A_1290 = vector.shape_cast %get3A_1289 : vector<1x1x16xf32> to vector<16xf32>
          %mul3A_1291 = arith.mulf %gather3A_595, %get3A_1290 : vector<16xf32>
          %add3A_1292 = arith.addf %mul3A_1282, %mul3A_1291 : vector<16xf32>
          %add3A_1293 = arith.constant 32 : i32
          %add3A_1294 = arith.addi %add3A_1293, %scan3A_575 : i32
          %get3A_1295 = arith.constant 1 : i32
          %get3A_1296 = arith.index_cast %get3A_1295 : i32 to index
          %get3A_1297 = arith.index_cast %add3A_1294 : i32 to index
          %get3A_1298 = arith.constant 240 : index
          %get3A_1299 = tpu.vector_load %arg17[%get3A_1296, %get3A_1297, %get3A_1298] {strides = array<i32>} : memref<2x64x256xf32, #tpu.memory_space<vmem>>, vector<1x1x16xf32>,
          %get3A_1300 = vector.shape_cast %get3A_1299 : vector<1x1x16xf32> to vector<16xf32>
          %mul3A_1301 = arith.mulf %gather3A_605, %get3A_1300 : vector<16xf32>
          %add3A_1302 = arith.addf %add3A_1292, %mul3A_1301 : vector<16xf32>
          %add3A_1303 = arith.constant 48 : i32
          %add3A_1304 = arith.addi %add3A_1303, %scan3A_575 : i32
          %get3A_1305 = arith.constant 1 : i32
          %get3A_1306 = arith.index_cast %get3A_1305 : i32 to index
          %get3A_1307 = arith.index_cast %add3A_1304 : i32 to index
          %get3A_1308 = arith.constant 240 : index
          %get3A_1309 = tpu.vector_load %arg17[%get3A_1306, %get3A_1307, %get3A_1308] {strides = array<i32>} : memref<2x64x256xf32, #tpu.memory_space<vmem>>, vector<1x1x16xf32>,
          %get3A_1310 = vector.shape_cast %get3A_1309 : vector<1x1x16xf32> to vector<16xf32>
          %mul3A_1311 = arith.mulf %gather3A_615, %get3A_1310 : vector<16xf32>
          %add3A_1312 = arith.addf %add3A_1302, %mul3A_1311 : vector<16xf32>
          %swap3A_1313 = arith.constant 1 : i32
          %swap3A_1314 = arith.index_cast %swap3A_1313 : i32 to index
          %swap3A_1315 = arith.index_cast %scan3A_575 : i32 to index
          %swap3A_1316 = arith.constant 240 : index
          %swap3A_1317 = tpu.vector_load %arg18[%swap3A_1314, %swap3A_1315, %swap3A_1316] {strides = array<i32>} : memref<2x16x256xf32, #tpu.memory_space<vmem>>, vector<1x1x16xf32>,
          %swap3A_1318 = vector.shape_cast %swap3A_1317 : vector<1x1x16xf32> to vector<16xf32>
          %swap3A_1319 = vector.shape_cast %add3A_1312 : vector<16xf32> to vector<1x1x16xf32>
          tpu.vector_store %arg18[%swap3A_1314, %swap3A_1315, %swap3A_1316], %swap3A_1319 {strides = array<i32>} : memref<2x16x256xf32, #tpu.memory_space<vmem>>, vector<1x1x16xf32>,
        }
        %scan3A_558 = arith.constant 16 : i32
        %dma_start3A_559 = arith.constant 1 : i32
        %dma_start3A_560 = arith.constant 1 : i32
        %dma_start3A_561 = arith.constant 0 : i32
        %dma_start3A_562 = arith.constant 0 : i32
        %dma_start3A_563 = tpu.memref_slice %arg18[%dma_start3A_559, %dma_start3A_561, %dma_start3A_562] : memref<2x16x256xf32, #tpu.memory_space<vmem>> -> memref<1x16x256xf32, #tpu.memory_space<vmem>>
        %dma_start3A_564 = tpu.memref_squeeze %dma_start3A_563 : memref<1x16x256xf32, #tpu.memory_space<vmem>> -> memref<16x256xf32, #tpu.memory_space<vmem>>
        %dma_start3A_565 = arith.constant 0 : i32
        %dma_start3A_566 = tpu.memref_slice %arg8[%dma_start3A_560, %multiple_of3A_454, %dma_start3A_565] : memref<3x20000x256xf32, #tpu.memory_space<hbm>> -> memref<1x16x256xf32, #tpu.memory_space<hbm>>
        %dma_start3A_567 = tpu.memref_squeeze %dma_start3A_566 : memref<1x16x256xf32, #tpu.memory_space<hbm>> -> memref<16x256xf32, #tpu.memory_space<hbm>>
        %dma_start3A_568 = arith.constant 0 : i32
        %dma_start3A_569 = tpu.memref_slice %arg8[%dma_start3A_560, %multiple_of3A_454, %dma_start3A_568] : memref<3x20000x256xf32, #tpu.memory_space<hbm>> -> memref<1x16x256xf32, #tpu.memory_space<hbm>>
        %dma_start3A_570 = tpu.memref_squeeze %dma_start3A_569 : memref<1x16x256xf32, #tpu.memory_space<hbm>> -> memref<16x256xf32, #tpu.memory_space<hbm>>
        %dma_start3A_571 = arith.constant 0 : i32
        %dma_start3A_572 = arith.constant 0 : i32
        %dma_start3A_573 = tpu.memref_slice %arg18[%dma_start3A_559, %dma_start3A_571, %dma_start3A_572] : memref<2x16x256xf32, #tpu.memory_space<vmem>> -> memref<1x16x256xf32, #tpu.memory_space<vmem>>
        %dma_start3A_574 = tpu.memref_squeeze %dma_start3A_573 : memref<1x16x256xf32, #tpu.memory_space<vmem>> -> memref<16x256xf32, #tpu.memory_space<vmem>>
        tpu.enqueue_dma source(%dma_start3A_574 : memref<16x256xf32, #tpu.memory_space<vmem>>) target(%dma_start3A_570 : memref<16x256xf32, #tpu.memory_space<hbm>>) target_semaphore(%arg25 : memref<!tpu.dma_semaphore, #tpu.memory_space<semaphore_mem>>)
      } else {
      }
    }
    %scan3A_370 = arith.constant 20 : i32
    %dma_wait3A_371 = arith.constant 0 : i32
    %dma_wait3A_372 = arith.constant 0 : i32
    %dma_wait3A_373 = arith.constant 0 : i32
    %dma_wait3A_374 = arith.constant 0 : i32
    %dma_wait3A_375 = tpu.memref_slice %arg15[%dma_wait3A_371, %dma_wait3A_373, %dma_wait3A_374] : memref<2x16x256xf32, #tpu.memory_space<vmem>> -> memref<1x16x256xf32, #tpu.memory_space<vmem>>
    %dma_wait3A_376 = tpu.memref_squeeze %dma_wait3A_375 : memref<1x16x256xf32, #tpu.memory_space<vmem>> -> memref<16x256xf32, #tpu.memory_space<vmem>>
    %dma_wait3A_377 = arith.constant 0 : i32
    %dma_wait3A_378 = arith.constant 0 : i32
    %dma_wait3A_379 = tpu.memref_slice %arg8[%dma_wait3A_372, %dma_wait3A_377, %dma_wait3A_378] : memref<3x20000x256xf32, #tpu.memory_space<hbm>> -> memref<1x16x256xf32, #tpu.memory_space<hbm>>
    %dma_wait3A_380 = tpu.memref_squeeze %dma_wait3A_379 : memref<1x16x256xf32, #tpu.memory_space<hbm>> -> memref<16x256xf32, #tpu.memory_space<hbm>>
    %dma_wait3A_381 = arith.constant 0 : i32
    %dma_wait3A_382 = arith.constant 0 : i32
    %dma_wait3A_383 = tpu.memref_slice %arg8[%dma_wait3A_372, %dma_wait3A_381, %dma_wait3A_382] : memref<3x20000x256xf32, #tpu.memory_space<hbm>> -> memref<1x16x256xf32, #tpu.memory_space<hbm>>
    %dma_wait3A_384 = tpu.memref_squeeze %dma_wait3A_383 : memref<1x16x256xf32, #tpu.memory_space<hbm>> -> memref<16x256xf32, #tpu.memory_space<hbm>>
    %dma_wait3A_385 = arith.constant 0 : i32
    %dma_wait3A_386 = arith.constant 0 : i32
    %dma_wait3A_387 = tpu.memref_slice %arg15[%dma_wait3A_371, %dma_wait3A_385, %dma_wait3A_386] : memref<2x16x256xf32, #tpu.memory_space<vmem>> -> memref<1x16x256xf32, #tpu.memory_space<vmem>>
    %dma_wait3A_388 = tpu.memref_squeeze %dma_wait3A_387 : memref<1x16x256xf32, #tpu.memory_space<vmem>> -> memref<16x256xf32, #tpu.memory_space<vmem>>
    tpu.wait_dma2 semaphore(%arg25 : memref<!tpu.dma_semaphore, #tpu.memory_space<semaphore_mem>>) src(%dma_wait3A_388 : memref<16x256xf32, #tpu.memory_space<vmem>>) dst(%dma_wait3A_384 : memref<16x256xf32, #tpu.memory_space<hbm>>)
    %dma_wait3A_389 = arith.constant 0 : i32
    %dma_wait3A_390 = arith.constant 1 : i32
    %dma_wait3A_391 = arith.constant 0 : i32
    %dma_wait3A_392 = arith.constant 0 : i32
    %dma_wait3A_393 = tpu.memref_slice %arg18[%dma_wait3A_389, %dma_wait3A_391, %dma_wait3A_392] : memref<2x16x256xf32, #tpu.memory_space<vmem>> -> memref<1x16x256xf32, #tpu.memory_space<vmem>>
    %dma_wait3A_394 = tpu.memref_squeeze %dma_wait3A_393 : memref<1x16x256xf32, #tpu.memory_space<vmem>> -> memref<16x256xf32, #tpu.memory_space<vmem>>
    %dma_wait3A_395 = arith.constant 0 : i32
    %dma_wait3A_396 = arith.constant 0 : i32
    %dma_wait3A_397 = tpu.memref_slice %arg8[%dma_wait3A_390, %dma_wait3A_395, %dma_wait3A_396] : memref<3x20000x256xf32, #tpu.memory_space<hbm>> -> memref<1x16x256xf32, #tpu.memory_space<hbm>>
    %dma_wait3A_398 = tpu.memref_squeeze %dma_wait3A_397 : memref<1x16x256xf32, #tpu.memory_space<hbm>> -> memref<16x256xf32, #tpu.memory_space<hbm>>
    %dma_wait3A_399 = arith.constant 0 : i32
    %dma_wait3A_400 = arith.constant 0 : i32
    %dma_wait3A_401 = tpu.memref_slice %arg8[%dma_wait3A_390, %dma_wait3A_399, %dma_wait3A_400] : memref<3x20000x256xf32, #tpu.memory_space<hbm>> -> memref<1x16x256xf32, #tpu.memory_space<hbm>>
    %dma_wait3A_402 = tpu.memref_squeeze %dma_wait3A_401 : memref<1x16x256xf32, #tpu.memory_space<hbm>> -> memref<16x256xf32, #tpu.memory_space<hbm>>
    %dma_wait3A_403 = arith.constant 0 : i32
    %dma_wait3A_404 = arith.constant 0 : i32
    %dma_wait3A_405 = tpu.memref_slice %arg18[%dma_wait3A_389, %dma_wait3A_403, %dma_wait3A_404] : memref<2x16x256xf32, #tpu.memory_space<vmem>> -> memref<1x16x256xf32, #tpu.memory_space<vmem>>
    %dma_wait3A_406 = tpu.memref_squeeze %dma_wait3A_405 : memref<1x16x256xf32, #tpu.memory_space<vmem>> -> memref<16x256xf32, #tpu.memory_space<vmem>>
    tpu.wait_dma2 semaphore(%arg25 : memref<!tpu.dma_semaphore, #tpu.memory_space<semaphore_mem>>) src(%dma_wait3A_406 : memref<16x256xf32, #tpu.memory_space<vmem>>) dst(%dma_wait3A_402 : memref<16x256xf32, #tpu.memory_space<hbm>>)
    %dma_wait3A_407 = arith.constant 0 : i32
    %dma_wait3A_408 = arith.constant 2 : i32
    %dma_wait3A_409 = arith.constant 0 : i32
    %dma_wait3A_410 = arith.constant 0 : i32
    %dma_wait3A_411 = tpu.memref_slice %arg16[%dma_wait3A_407, %dma_wait3A_409, %dma_wait3A_410] : memref<2x16x256xf32, #tpu.memory_space<vmem>> -> memref<1x16x256xf32, #tpu.memory_space<vmem>>
    %dma_wait3A_412 = tpu.memref_squeeze %dma_wait3A_411 : memref<1x16x256xf32, #tpu.memory_space<vmem>> -> memref<16x256xf32, #tpu.memory_space<vmem>>
    %dma_wait3A_413 = arith.constant 0 : i32
    %dma_wait3A_414 = arith.constant 0 : i32
    %dma_wait3A_415 = tpu.memref_slice %arg8[%dma_wait3A_408, %dma_wait3A_413, %dma_wait3A_414] : memref<3x20000x256xf32, #tpu.memory_space<hbm>> -> memref<1x16x256xf32, #tpu.memory_space<hbm>>
    %dma_wait3A_416 = tpu.memref_squeeze %dma_wait3A_415 : memref<1x16x256xf32, #tpu.memory_space<hbm>> -> memref<16x256xf32, #tpu.memory_space<hbm>>
    %dma_wait3A_417 = arith.constant 0 : i32
    %dma_wait3A_418 = arith.constant 0 : i32
    %dma_wait3A_419 = tpu.memref_slice %arg8[%dma_wait3A_408, %dma_wait3A_417, %dma_wait3A_418] : memref<3x20000x256xf32, #tpu.memory_space<hbm>> -> memref<1x16x256xf32, #tpu.memory_space<hbm>>
    %dma_wait3A_420 = tpu.memref_squeeze %dma_wait3A_419 : memref<1x16x256xf32, #tpu.memory_space<hbm>> -> memref<16x256xf32, #tpu.memory_space<hbm>>
    %dma_wait3A_421 = arith.constant 0 : i32
    %dma_wait3A_422 = arith.constant 0 : i32
    %dma_wait3A_423 = tpu.memref_slice %arg16[%dma_wait3A_407, %dma_wait3A_421, %dma_wait3A_422] : memref<2x16x256xf32, #tpu.memory_space<vmem>> -> memref<1x16x256xf32, #tpu.memory_space<vmem>>
    %dma_wait3A_424 = tpu.memref_squeeze %dma_wait3A_423 : memref<1x16x256xf32, #tpu.memory_space<vmem>> -> memref<16x256xf32, #tpu.memory_space<vmem>>
    tpu.wait_dma2 semaphore(%arg25 : memref<!tpu.dma_semaphore, #tpu.memory_space<semaphore_mem>>) src(%dma_wait3A_424 : memref<16x256xf32, #tpu.memory_space<vmem>>) dst(%dma_wait3A_420 : memref<16x256xf32, #tpu.memory_space<hbm>>)
    return
  }
}

module attributes {stable_mosaic.version = 14 : i64} {
  func.func @_tc_maxpool_body(%arg0: i32, %arg1: memref<4096x256xf32, #tpu.memory_space<vmem>>, %arg2: memref<4096x256xf32, #tpu.memory_space<vmem>>) attributes {dimension_semantics = [#tpu.dimension_semantics<arbitrary>], iteration_bounds = array<i64: 32>, scalar_prefetch = 0 : i64, scratch_operands = 0 : i64, tpu.core_type = #tpu.core_type<tc>, window_params = [{transform_indices = @transform_0, window_bounds = array<i64: 4096, 256>}, {transform_indices = @transform_1, window_bounds = array<i64: 4096, 256>}]} {
    %get3A = arith.constant 0 : index
    %get3A_0 = arith.constant 0 : index
    %get3A_1 = vector.load %arg1[%get3A, %get3A_0] : memref<4096x256xf32, #tpu.memory_space<vmem>>, vector<4096x256xf32>
    %iota3A = tpu.iota {dimensions = array<i32: 0>} : vector<4096x256xi32>
    %slice3A = vector.extract_strided_slice %get3A_1 {offsets = [0, 0], sizes = [1, 256], strides = [1, 1]} : vector<4096x256xf32> to vector<1x256xf32>
    %slice3A_2 = vector.extract_strided_slice %get3A_1 {offsets = [0, 0], sizes = [4095, 256], strides = [1, 1]} : vector<4096x256xf32> to vector<4095x256xf32>
    %concatenate3A = tpu.concatenate %slice3A, %slice3A_2 in 0 : vector<1x256xf32>, vector<4095x256xf32> -> vector<4096x256xf32>
    %and3A = arith.constant 63 : i32
    %and3A_3 = vector.broadcast %and3A : i32 to vector<4096x256xi32>
    %and3A_4 = arith.andi %iota3A, %and3A_3 : vector<4096x256xi32>
    %eq3A = arith.constant 0 : i32
    %eq3A_5 = vector.broadcast %eq3A : i32 to vector<4096x256xi32>
    %eq3A_6 = arith.cmpi eq, %and3A_4, %eq3A_5 : vector<4096x256xi32>
    %select_n3A = arith.select %eq3A_6, %get3A_1, %concatenate3A : vector<4096x256xi1>, vector<4096x256xf32>
    %slice3A_7 = vector.extract_strided_slice %get3A_1 {offsets = [1, 0], sizes = [4095, 256], strides = [1, 1]} : vector<4096x256xf32> to vector<4095x256xf32>
    %slice3A_8 = vector.extract_strided_slice %get3A_1 {offsets = [4095, 0], sizes = [1, 256], strides = [1, 1]} : vector<4096x256xf32> to vector<1x256xf32>
    %concatenate3A_9 = tpu.concatenate %slice3A_7, %slice3A_8 in 0 : vector<4095x256xf32>, vector<1x256xf32> -> vector<4096x256xf32>
    %and3A_10 = arith.constant 63 : i32
    %and3A_11 = vector.broadcast %and3A_10 : i32 to vector<4096x256xi32>
    %and3A_12 = arith.andi %iota3A, %and3A_11 : vector<4096x256xi32>
    %eq3A_13 = arith.constant 63 : i32
    %eq3A_14 = vector.broadcast %eq3A_13 : i32 to vector<4096x256xi32>
    %eq3A_15 = arith.cmpi eq, %and3A_12, %eq3A_14 : vector<4096x256xi32>
    %select_n3A_16 = arith.select %eq3A_15, %get3A_1, %concatenate3A_9 : vector<4096x256xi1>, vector<4096x256xf32>
    %max3A = arith.maximumf %select_n3A, %get3A_1 : vector<4096x256xf32>
    %max3A_17 = arith.maximumf %max3A, %select_n3A_16 : vector<4096x256xf32>
    %slice3A_18 = vector.extract_strided_slice %max3A_17 {offsets = [0, 0], sizes = [64, 256], strides = [1, 1]} : vector<4096x256xf32> to vector<64x256xf32>
    %slice3A_19 = vector.extract_strided_slice %max3A_17 {offsets = [0, 0], sizes = [4032, 256], strides = [1, 1]} : vector<4096x256xf32> to vector<4032x256xf32>
    %concatenate3A_20 = tpu.concatenate %slice3A_18, %slice3A_19 in 0 : vector<64x256xf32>, vector<4032x256xf32> -> vector<4096x256xf32>
    %lt3A = arith.constant 64 : i32
    %lt3A_21 = vector.broadcast %lt3A : i32 to vector<4096x256xi32>
    %lt3A_22 = arith.cmpi slt, %iota3A, %lt3A_21 : vector<4096x256xi32>
    %select_n3A_23 = arith.select %lt3A_22, %max3A_17, %concatenate3A_20 : vector<4096x256xi1>, vector<4096x256xf32>
    %slice3A_24 = vector.extract_strided_slice %max3A_17 {offsets = [64, 0], sizes = [4032, 256], strides = [1, 1]} : vector<4096x256xf32> to vector<4032x256xf32>
    %slice3A_25 = vector.extract_strided_slice %max3A_17 {offsets = [4032, 0], sizes = [64, 256], strides = [1, 1]} : vector<4096x256xf32> to vector<64x256xf32>
    %concatenate3A_26 = tpu.concatenate %slice3A_24, %slice3A_25 in 0 : vector<4032x256xf32>, vector<64x256xf32> -> vector<4096x256xf32>
    %ge3A = arith.constant 4032 : i32
    %ge3A_27 = vector.broadcast %ge3A : i32 to vector<4096x256xi32>
    %ge3A_28 = arith.cmpi sge, %iota3A, %ge3A_27 : vector<4096x256xi32>
    %select_n3A_29 = arith.select %ge3A_28, %max3A_17, %concatenate3A_26 : vector<4096x256xi1>, vector<4096x256xf32>
    %max3A_30 = arith.maximumf %select_n3A_23, %max3A_17 : vector<4096x256xf32>
    %max3A_31 = arith.maximumf %max3A_30, %select_n3A_29 : vector<4096x256xf32>
    %swap3A = arith.constant 0 : index
    %swap3A_32 = arith.constant 0 : index
    %swap3A_33 = vector.load %arg2[%swap3A, %swap3A_32] : memref<4096x256xf32, #tpu.memory_space<vmem>>, vector<4096x256xf32>
    tpu.vector_store %arg2[%swap3A, %swap3A_32], %max3A_31 {strides = array<i32>} : memref<4096x256xf32, #tpu.memory_space<vmem>>, vector<4096x256xf32>,
    return
  }
  func.func @transform_0(%arg0: i32) -> (i32, i32) {
    %c0_i32 = arith.constant 0 : i32
    %c0_i32_0 = arith.constant 0 : i32
    return %arg0, %c0_i32 : i32, i32
  }
  func.func @transform_1(%arg0: i32) -> (i32, i32) {
    %c0_i32 = arith.constant 0 : i32
    %c0_i32_0 = arith.constant 0 : i32
    return %arg0, %c0_i32 : i32, i32
  }
}

</mosaic_0001>

<sc_bundles>
// kernel: kernel.4.cloned.1.call-start
scs
__scs_entry_jumppad:
0x0: {  	(pc) =	sbr.rel $0x88, $3  }
0x1: {  	(tag) =	ssettag $0x0;
	lr =	simm.s32 $0x1  }
0x2: {  	[smem:$0x3F9D] =	sst lr;
	_ =	strace $0xD0000000  }
0x3: {  	_ = 	snop  }
0x4: {  	_ = 	snop  }
0x5: {  	_ = 	snop  }
0x6: {  	_ = 	snop  }
0x7: {  	_ = 	snop  }
__scs_overlays_trampoline_lowered:
0x8: {  	[smem:$0x3FAC] =	sst s0  }
0x9: {  	[smem:$0x3FAD] =	sst s1  }
0xa: {  	[smem:$0x3FAE] =	sst s2  }
0xb: {  	[smem:$0x3FAF] =	sst s3  }
0xc: {  	[smem:$0x3FB0] =	sst s4  }
0xd: {  	[smem:$0x3FB1] =	sst s5  }
0xe: {  	[smem:$0x3FB2] =	sst s6  }
0xf: {  	[smem:$0x3FB3] =	sst s7  }
0x10: {  	[smem:$0x3FB4] =	sst s8  }
0x11: {  	[smem:$0x3FB5] =	sst s9;
	s0 =	simm.s32 @!p0 $0x0  }
0x12: {  	s1 =	sld [smem:$0x3F9B];
	s0 =	simm.s32 @p0 $0x1  }
0x13: {  	[smem:$0x3FB6] =	sst s0;
	s0 =	simm.s32 @!p1 $0x0  }
0x14: {  	s2 =	sld [smem:$0x3F9A];
	s0 =	simm.s32 @p1 $0x1  }
0x15: {  	[smem:$0x3FB7] =	sst s0;
	s0 =	simm.s32 @!p2 $0x0  }
0x16: {  	s3 =	sld [smem:$0x3FDB];
	s0 =	simm.s32 @p2 $0x1  }
0x17: {  	s4 =	simm.s32 $0x1BF5;
	[smem:$0x3FB9] =	sst s0  }
0x18: {  	s0 =	sld [smem:$0x3F9C];
	_ =	swait.ge [sflag:s4], $0x0  }
0x19: {  	s7 =	sld [smem:$0x3F9D]  }
0x1a: {  	s8 =	sadd.s32 $0xFFFFE003, lr  }
0x1b: {  	s9 =	sadd.s32 $0xFFFFFEF7, lr;
	s5 =	simm.s32 $0xFFFFFFFF;
	p2 =	slt.u32 s8, $0xFFFFF086  }
0x1c: {  	p1 =	slt.u32 s9, $0xF7A;
	s5 =	simm.s32 @!p2 $0x0  }
0x1d: {  	s5 =	simm.s32 @p1 $0x1;
	p0 =	seq.s32 s7, s2  }
0x1e: {  	s7 =	smul.u32 @!p0 $0xF7A, s2;
	p2 =	seq.s32 @!p0 s5, $0x0  }
0x1f: {  	s9 =	smul.u32 $0xF7A, s1;
	s8 =	simm.s32 @!p0 $0x1BF5;
	p2 =	por !p2, p0  }
0x20: {  	[sflag:s8] =	ssyncset.s32 @!p0 $0xFFFFF086;
	s6 =	sadd.s32 @!p0 s3, s7;
	s7 =	simm.s32 @!p0 $0x108  }
0x21: {  	s3 =	sadd.s32 s3, s9;
	s6 =	sadd.s32 @!p0 $0x88, s6;
	s7 =	simm.s32 @p2 $0x1082  }
0x22: {  	[simem:s7], [sflag:s8] =	dma.local @!p0 [hbm:s6], $0xF7A  }
0x23: {  	s9 =	sor.u32 $0xD0000000, s2;
	s6 =	simm.s32 $0x108;
	_ =	swait.ge @!p0 [sflag:s8], $0x0  }
0x24: {  	s3 =	sadd.s32 $0x88, s3;
	s6 =	simm.s32 @!p1 $0x1082;
	[sflag:s4] =	ssyncset.s32 $0xFFFFF086  }
0x25: {  	[simem:s6], [sflag:s4] =	dma.local [hbm:s3], $0xF7A  }
0x26: {  	[smem:$0x3F9D] =	sst s1;
	(tag) =	ssettag s2;
	_ =	strace s9  }
0x27: {  	s1 =	sld [smem:$0x3FAD]  }
0x28: {  	s2 =	sld [smem:$0x3FAE]  }
0x29: {  	s4 =	sld [smem:$0x3FB0]  }
0x2a: {  	p0 =	seq.s32 s5, $0x0;
	s5 =	sld [smem:$0x3FB1]  }
0x2b: {  	s6 =	sld [smem:$0x3FB2]  }
0x2c: {  	s7 =	sld [smem:$0x3FB3]  }
0x2d: {  	s3 =	simm.s32 $0x108;
	s8 =	sld [smem:$0x3FB4]  }
0x2e: {  	s3 =	simm.s32 @!p0 $0x1082;
	s9 =	sld [smem:$0x3FB5]  }
0x2f: {  	lr =	sadd.s32 s0, s3;
	s0 =	sld [smem:$0x3FAC]  }
0x30: {  	s3 =	sld [smem:$0x3FAF]  }
0x31: {  	[smem:$0x3FB8] =	sst s10  }
0x32: {  	s10 =	sld [smem:$0x3FB6];
	_ =	sdelay $0x3  }
0x33: {  	p0 =	seq.s32 s10, $0x1;
	s10 =	sld [smem:$0x3FB8];
	_ =	sdelay $0x3  }
0x34: {  	[smem:$0x3FB8] =	sst s10  }
0x35: {  	s10 =	sld [smem:$0x3FB7];
	_ =	sdelay $0x3  }
0x36: {  	p1 =	seq.s32 s10, $0x1;
	s10 =	sld [smem:$0x3FB8];
	_ =	sdelay $0x3  }
0x37: {  	[smem:$0x3FB8] =	sst s10  }
0x38: {  	s10 =	sld [smem:$0x3FB9]  }
0x39: {  	_ = 	snop;
	(pc) =	sbr.ind lr, $3  }
0x3a: {  	_ = 	snop  }
0x3b: {  	_ = 	snop  }
0x3c: {  	p2 =	seq.s32 s10, $0x1;
	s10 =	sld [smem:$0x3FB8]  }
0x3d: {  	_ =	shalt  }
0x3e: {  	_ =	shalt  }
0x3f: {  	_ =	shalt  }
0x40: {  	_ =	shalt  }
0x41: {  	_ =	shalt  }
0x42: {  	_ =	shalt  }
0x43: {  	_ =	shalt  }
0x44: {  	_ =	shalt  }
0x45: {  	_ =	shalt  }
0x46: {  	_ =	shalt  }
0x47: {  	_ =	shalt  }
0x48: {  	_ =	shalt  }
0x49: {  	_ =	shalt  }
0x4a: {  	_ =	shalt  }
0x4b: {  	_ =	shalt  }
0x4c: {  	_ =	shalt  }
0x4d: {  	_ =	shalt  }
0x4e: {  	_ =	shalt  }
0x4f: {  	_ =	shalt  }
0x50: {  	_ =	shalt  }
0x51: {  	_ =	shalt  }
0x52: {  	_ =	shalt  }
0x53: {  	_ =	shalt  }
0x54: {  	_ =	shalt  }
0x55: {  	_ =	shalt  }
0x56: {  	_ =	shalt  }
0x57: {  	_ =	shalt  }
0x58: {  	_ =	shalt  }
0x59: {  	_ =	shalt  }
0x5a: {  	_ =	shalt  }
0x5b: {  	_ =	shalt  }
0x5c: {  	_ =	shalt  }
0x5d: {  	_ =	shalt  }
0x5e: {  	_ =	shalt  }
0x5f: {  	_ =	shalt  }
0x60: {  	_ =	shalt  }
0x61: {  	_ =	shalt  }
0x62: {  	_ =	shalt  }
0x63: {  	_ =	shalt  }
0x64: {  	_ =	shalt  }
0x65: {  	_ =	shalt  }
0x66: {  	_ =	shalt  }
0x67: {  	_ =	shalt  }
0x68: {  	_ =	shalt  }
0x69: {  	_ =	shalt  }
0x6a: {  	_ =	shalt  }
0x6b: {  	_ =	shalt  }
0x6c: {  	_ =	shalt  }
0x6d: {  	_ =	shalt  }
0x6e: {  	_ =	shalt  }
0x6f: {  	_ =	shalt  }
0x70: {  	_ =	shalt  }
0x71: {  	_ =	shalt  }
0x72: {  	_ =	shalt  }
0x73: {  	_ =	shalt  }
0x74: {  	_ =	shalt  }
0x75: {  	_ =	shalt  }
0x76: {  	_ =	shalt  }
0x77: {  	_ =	shalt  }
0x78: {  	_ =	shalt  }
0x79: {  	_ =	shalt  }
0x7a: {  	_ =	shalt  }
0x7b: {  	_ =	shalt  }
0x7c: {  	_ =	shalt  }
0x7d: {  	_ =	shalt  }
0x7e: {  	_ =	shalt  }
0x7f: {  	_ =	shalt  }
0x80: {  	_ =	shalt  }
0x81: {  	_ =	shalt  }
0x82: {  	_ =	shalt  }
0x83: {  	_ =	shalt  }
0x84: {  	_ =	shalt  }
0x85: {  	_ =	shalt  }
0x86: {  	_ =	shalt  }
0x87: {  	_ =	shalt  }
.Lfunc_end0:
.L_simem_size_0:
called_computation_lowered:
.L_overlay_start_0:
0x88: {  	s2 =	sld [smem:$0x3FD9]  }
0x89: {  	s3 =	sld [smem:$0x3FFE];
	_ =	sdelay $0x1  }
0x8a: {  	s1 =	srdreg.scid  }
0x8b: {  	s0 =	sand.u32 $0x1, s1  }
0x8c: {  	s17 =	sshll.u32 s0, $0xA;
	s2 =	sadd.s32 s3, s2  }
0x8d: {  	s2 =	sadd.s32 s2, s17  }
0x8e: {  	[smem:$0x3FC4] =	sst s2  }
0x8f: {  	_ = 	snop  }
0x90: {  	s2 =	sld [smem:$0x3FC9]  }
0x91: {  	s18 =	sld [smem:$0x3FC7]  }
0x92: {  	s4 =	sld [smem:$0x3FC6]  }
0x93: {  	s5 =	sld [smem:$0x3FD0];
	(tm) =	ssettm $0x1  }
0x94: {  	s6 =	sld [smem:$0x3FFB];
	_ =	sdelay $0x3  }
0x95: {  	_ =	strace s6  }
0x96: {  	s6 =	sld [smem:$0x3FFC];
	_ =	sdelay $0x3  }
0x97: {  	_ =	strace s6  }
0x98: {  	s6 =	sld [smem:$0x3FFD];
	_ =	sdelay $0x3  }
0x99: {  	_ =	strace s6  }
0x9a: {  	_ =	strace $0x8FFFFFFF  }
0x9b: {  	s19 =	sld [smem:$0x3FDB];
	_ =	sdelay $0x1  }
0x9c: {  	s7 =	simm.s32 $_scs_section_size  }
0x9d: {  	s8 =	simm.s32 $_size__tile_overlayer_lowered;
	s9 =	simm.s32 $_tile_overlayer_lowered  }
0x9e: {  	s22 =	simm.s32 $0x1BFF;
	s21 =	sshll.u32 s9, $0x1;
	s6 =	sadd.s32 s7, s19  }
0x9f: {  	s10 =	simm.s32 $0x0;
	s20 =	sshll.u32 s8, $0x1;
	s8 =	sadd.s32 s21, s6  }
0xa0: {  	[timem:s10], [sflag:s22] =	dma.local [hbm:s8], s20  }
0xa1: {  	_ =	swait.ge [sflag:s22], s20  }
0xa2: {  	s7 =	ssub.s32 $0x0, s20;
	[sflag:s22] =	ssyncset.done $0x0  }
0xa3: {  	[sflag:s22] =	ssyncadd.s32 s7;
	_ =	sdelay $0x1  }
0xa4: {  	s23 =	simm.s32 $0x1B8B  }
0xa5: {  	_ =	swait.ge [sflag:s23], $0x1  }
0xa6: {  	[sflag:s23] =	ssyncset.done $0x0  }
0xa7: {  	s25 =	simm.s32 $0x1B8E;
	s24 =	sld [smem:$0x3FFE];
	[sflag:s23] =	ssyncadd.s32 $0xFFFFFFFF  }
0xa8: {  	s26 =	simm.s32 $execute0_lowered;
	[smem:$0x3FD2] =	sst s25  }
0xa9: {  	s8 =	sshll.u32 s26, $0x1;
	_ =	strace $0x80000046;
	[dreg:$0x1] =	wrdreg $0xFFFFFFFF  }
0xaa: {  	s28 =	simm.s32 $_size_execute0_lowered;
	s6 =	sadd.s32 s6, s8;
	[dreg:$0x0] =	wrdreg $0x0  }
0xab: {  	s8 =	sshll.u32 s28, $0x1;
	[dreg:$0x2] =	wrdreg s6  }
0xac: {  	[dreg:$0x3] =	wrdreg s8  }
0xad: {  	[dreg:$0x4] =	wrdreg $0xC0  }
0xae: {  	_ =	task [dreg:s10], $0x5FFFF  }
0xaf: {  	[dreg:$0x1] =	wrdreg $0xFFFFFFFF  }
0xb0: {  	[dreg:$0x0] =	wrdreg $0x60  }
0xb1: {  	[dreg:$0x2] =	wrdreg s2  }
0xb2: {  	[dreg:$0x3] =	wrdreg s24  }
0xb3: {  	[dreg:$0x4] =	wrdreg s18  }
0xb4: {  	[dreg:$0x5] =	wrdreg s4  }
0xb5: {  	[dreg:$0x6] =	wrdreg s5  }
0xb6: {  	[dreg:$0x7] =	wrdreg $0x9  }
0xb7: {  	_ =	task.clear_ibuf [dreg:s10], $0x8FFFF;
	_ =	strace $0x90000046  }
0xb8: {  	s29 =	simm.s32 $0x9;
	_ =	strace $0x80000048  }
0xb9: {  	_ =	swait.ge [sflag:s29], $0x1  }
0xba: {  	[sflag:s29] =	ssyncadd.s32 $0xFFFFFFFF  }
0xbb: {  	_ =	strace $0x90000048  }
0xbc: {  	_ =	sfence  }
0xbd: {  	s30 =	sld [smem:$0x0];
	_ =	sdelay $0x2  }
0xbe: {  	s31 =	sshll.u32 s1, $0xD;
	s1 =	sshrl.u32 s1, $0x2  }
0xbf: {  	s3 =	sand.u32 $0x4000, s31;
	s1 =	sadd.s32 s1, s30  }
0xc0: {  	s0 =	sor.u32 s3, s0;
	s1 =	sshll.u32 s1, $0x11  }
0xc1: {  	s0 =	sor.u32 s1, s0  }
0xc2: {  	s0 =	sadd.s32 $0x8F2B, s0  }
0xc3: {  	[sflag:s0] =	ssyncadd.remote.s32 $0x1  }
0xc4: {  	_ =	sfence.sel $0xFFFF  }
0xc5: {  	[dreg:$0x0] =	wrdreg $0xFFFFFFFF;
	(pc) =	sbr.abs _section_cstart, $3  }
0xc6: {  	[dreg:$0x1] =	wrdreg $0xFFFFFFFF  }
0xc7: {  	_ =	task.clear_ibuf [dreg:s10], $0x2FFFF;
	_ =	strace $0x9FFFFFFF  }
0xc8: {  	(tm) =	ssettm $0x7FFFFFFF  }
0xc9: {  	_ =	shalt  }
tec
execute0_lowered:
.L_overlay_start_1:
0x0: {  	(tag) =	ssettag $0x1  }
0x1: {  	s1 =	rddreg [dreg:$0x0]  }
0x2: {  	s0 =	rddreg [dreg:$0x1]  }
0x3: {  	s2 =	rddreg [dreg:$0x2]  }
0x4: {  	s3 =	rddreg [dreg:$0x3]  }
0x5: {  	s4 =	rddreg [dreg:$0x4];
	s6 =	simm.s32 $0x0  }
0x6: {  	s5 =	srdreg.scid;
	s7 =	stileid.u32;
	s20 =	simm.s32 $0x900  }
0x7: {  	s22 =	simm.s32 $0x2900;
	s19 =	simm.s32 $0x3;
	s15 =	simm.s32 $0x5  }
0x8: {  	s16 =	simm.s32 $0xC900;
	s28 =	simm.s32 $0x7;
	s29 =	simm.s32 $0x4  }
0x9: {  	[smem:$0x7FF] =	sst s6;
	s5 =	sand.u32 $0x1, s5;
	s8 =	sshll.u32 s7, $0x1  }
0xa: {  	s7 =	sadd.s32 $0x8600, s0;
	s9 =	sadd.s32 $0x4600, s0;
	s8 =	sor.u32 s5, s8  }
0xb: {  	s10 =	sadd.s32 $0x600, s0;
	_ =	strace $0x80000047;
	s12 =	sshll.u32 s8, $0x1  }
0xc: {  	s11 =	ssub.s32 $0x2, s5;
	s25 =	sor.u32 $0x40, s12;
	s26 =	sadd.s32 s2, s12  }
.Ltmp0:
0xd: {  	s30 =	sadd.s32 s3, s12;
	[dreg:$0x6] =	wrdreg s26;
	(pc) =	sbr.rel .LBB2_1-.Ltmp0, $4  }
0xe: {  	s23 =	sshrl.u32 s11, $0x1;
	[dreg:$0x7] =	wrdreg s30;
	s31 =	sadd.s32 s2, s25  }
0xf: {  	v2 =	vlaneseq.u32;
	s24 =	ssub.s32 s11, s23;
	s5 =	sadd.s32 s3, s25;
	[dreg:$0x8] =	wrdreg s31  }
0x10: {  	vm0 =	vmmov $0xffff;
	v3 =	vimm.s32 $0x0;
	v1 =	vshrl.u32 v2, $0x3;
	s11 =	simm.s32 $0x0;
	s0 =	smax.u32 s24, $0x1;
	[dreg:$0x9] =	wrdreg s5  }
0x11: {  	v0 =	vand.u32 $0x7, v2;
	v2 =	vor.u32 $0x8, v2;
	v1 =	vmul.u32 $0x8, v1;
	s26 =	simm.s32 $0x2;
	[dreg:$0xa] =	wrdreg s0;
	s0 =	simm.s32 $0x6  }
.LBB2_13:
0x12: {  	_ =	swait.ge [sflag:s28], $0x1000  }
0x13: {  	[sflag:s28] =	ssyncset.done $0x0  }
0x14: {  	[sflag:s28] =	ssyncadd.s32 $0xFFFFF000  }
0x15: {  	_ =	swait.ge [sflag:s28], $0x1000  }
0x16: {  	[sflag:s28] =	ssyncset.done $0x0  }
0x17: {  	[sflag:s28] =	ssyncadd.s32 $0xFFFFF000  }
0x18: {  	_ =	swait.ge [sflag:s28], $0x1000  }
0x19: {  	s11 =	rddreg [dreg:$0xb]  }
0x1a: {  	s5 =	rddreg [dreg:$0xa];
	s11 =	sadd.s32 $0x1, s11  }
0x1b: {  	p0 =	sne.s32 s11, s5  }
.Ltmp1:
0x1c: {  	_ = 	snop;
	(pc) =	sbr.rel @!p0 .LBB2_14-.Ltmp1, $3  }
0x1d: {  	_ =	sdelay $0x1  }
0x1e: {  	[sflag:s28] =	ssyncset.done $0x0  }
0x1f: {  	[sflag:s28] =	ssyncadd.s32 $0xFFFFF000  }
.LBB2_1:
0x20: {  	[dreg:$0xb] =	wrdreg s11  }
0x21: {  	s5 =	rddreg [dreg:$0x6];
	s21 =	simm.s32 $0x1  }
0x22: {  	[tilespmem:s6], [sflag:$0x1] =	stream.linear.gather [hbm4b:s5+s6], $0x10, $0x38;
	[tilespmem:$0xE900] =	vst v63  }
0x23: {  	_ =	swait.ge [sflag:s21], $0x10  }
0x24: {  	[sflag:s21] =	ssyncset.done $0x0  }
0x25: {  	s12 =	simm.s32 $0x100;
	s23 =	rddreg [dreg:$0x7];
	[sflag:s21] =	ssyncadd.s32 $0xFFFFFFF0  }
0x26: {  	[tilespmem:s12], [sflag:$0x1] =	stream.linear.gather [hbm4b:s23+s6], $0x10, $0x38;
	[tilespmem:$0xE900] =	vst v63  }
0x27: {  	_ =	swait.ge [sflag:s21], $0x10  }
0x28: {  	[sflag:s21] =	ssyncset.done $0x0  }
0x29: {  	[sflag:s21] =	ssyncadd.s32 $0xFFFFFFF0  }
0x2a: {  	v4 =	vld [tilespmem:$0x0]  }
0x2b: {  	v5 =	vld [tilespmem:$0x100];
	_ =	sdelay $0x3  }
0x2c: {  	v4 =	vshll.u32 v4, $0xC  }
0x2d: {  	v4 =	vadd.s32 v5, v4  }
0x2e: {  	v6 =	vshll.u32 v4, $0x1  }
0x2f: {  	v5 =	vand.u32 $0x7, v5;
	v6 =	vand.u32 $0xFFFFFFF0, v6  }
0x30: {  	v5 =	vor.u32 v5, v6  }
0x31: {  	v6 =	vperm.xlane v5, v0;
	_ =	sdelay $0x1  }
0x32: {  	s24 =	simm.s32 $0x200;
	v5 =	vperm.xlane v5, v2;
	v6 =	vadd.s32 v1, v6  }
0x33: {  	[tilespmem:s24], [sflag:$0x2] =	stream.indirect_vreg.gather [hbm4b:s9+s6], $0x1, v4, vm0, $0xb8;
	[tilespmem:$0xE900] =	vst v63  }
0x34: {  	s25 =	simm.s32 $0x300;
	v5 =	vadd.s32 v1, v5  }
0x35: {  	[tilespmem:s25], [sflag:$0x2] =	stream.indirect_vreg.gather [hbm4b:s10+s6], $0x1, v4, vm0, $0xb8;
	[tilespmem:$0xE900] =	vst v63  }
0x36: {  	_ = 	snop  }
0x37: {  	[tilespmem:s20], [sflag:$0x3] =	stream.indirect_vreg.gather [hbm4b:s1+s6], $0x80, v6, vm0, $0xb8;
	[tilespmem:$0xE900] =	vst v63  }
0x38: {  	s30 =	simm.s32 $0x1100  }
0x39: {  	[tilespmem:s30], [sflag:$0x3] =	stream.indirect_vreg.gather [hbm4b:s1+s6], $0x80, v5, vm0, $0xb8;
	[tilespmem:$0xE900] =	vst v63  }
0x3a: {  	_ = 	snop  }
0x3b: {  	[tilespmem:s22], [sflag:$0x3] =	stream.indirect_vreg.gather [hbm4b:s7+s6], $0x80, v6, vm0, $0xb8;
	[tilespmem:$0xE900] =	vst v63  }
0x3c: {  	s31 =	simm.s32 $0x3100  }
0x3d: {  	[tilespmem:s31], [sflag:$0x3] =	stream.indirect_vreg.gather [hbm4b:s7+s6], $0x80, v5, vm0, $0xb8;
	[tilespmem:$0xE900] =	vst v63  }
0x3e: {  	s12 =	simm.s32 $0x80;
	s11 =	rddreg [dreg:$0x8]  }
0x3f: {  	[tilespmem:s12], [sflag:$0x1] =	stream.linear.gather [hbm4b:s11+s6], $0x10, $0x38;
	[tilespmem:$0xE900] =	vst v63  }
0x40: {  	s14 =	simm.s32 $0x180;
	s13 =	rddreg [dreg:$0x9]  }
0x41: {  	[tilespmem:s14], [sflag:$0x1] =	stream.linear.gather [hbm4b:s13+s6], $0x10, $0x38;
	[tilespmem:$0xE900] =	vst v63  }
0x42: {  	_ =	swait.ge [sflag:s26], $0x10  }
0x43: {  	[sflag:s26] =	ssyncset.done $0x0  }
0x44: {  	[sflag:s26] =	ssyncadd.s32 $0xFFFFFFF0  }
0x45: {  	_ =	swait.ge [sflag:s26], $0x10  }
0x46: {  	[sflag:s26] =	ssyncset.done $0x0  }
0x47: {  	[sflag:s26] =	ssyncadd.s32 $0xFFFFFFF0  }
0x48: {  	v4 =	vld [tilespmem:$0x100];
	_ =	sdelay $0x2  }
0x49: {  	v5 =	vld [tilespmem:$0x200];
	_ =	sdelay $0x1  }
0x4a: {  	v7 =	vld [tilespmem:$0x300];
	v46 =	vshrl.u32 v4, $0x6  }
0x4b: {  	v6 =	vcvt.s32.f32 v46  }
0x4c: {  	v4 =	vand.u32 $0x3F, v4  }
0x4d: {  	v4 =	vcvt.s32.f32 v4;
	v5 =	vadd.f32 v6, v5;
	_ =	sdelay $0x1  }
0x4e: {  	v47 =	vld [tilespmem:$0x0];
	v4 =	vadd.f32 v4, v7;
	v6 =	vtrunc.f32 v5  }
0x4f: {  	v8 =	vcvt.f32.s32 v6;
	vm1 =	vlt.f32 v5, v6  }
0x50: {  	v48 =	vtrunc.f32 v4;
	v9 =	vsel vm1, $0xFFFFFFFF, v3  }
0x51: {  	v10 =	vcvt.f32.s32 v48;
	vm1 =	vlt.f32 v4, v48;
	v49 =	vadd.s32 v8, v9  }
0x52: {  	v50 =	vsel vm1, $0xFFFFFFFF, v3;
	vm1 =	vgt.s32 v49, $0x0  }
0x53: {  	v7 =	vshll.u32 v47, $0xC;
	v8 =	vadd.s32 v10, v50;
	v9 =	vnsel vm1, $0x0, v49  }
0x54: {  	v12 =	vcvt.s32.f32 v49;
	vm1 =	vgt.s32 v8, $0x0;
	v9 =	vmin.u32 v9, $0x3F  }
0x55: {  	v10 =	vcvt.s32.f32 v8;
	v11 =	vnsel vm1, $0x0, v8;
	v9 =	vshll.u32 v9, $0x6  }
0x56: {  	v11 =	vmin.u32 v11, $0x3F;
	v9 =	vor.u32 v7, v9  }
0x57: {  	v5 =	vsub.f32 v5, v12;
	v4 =	vsub.f32 v4, v10;
	v13 =	vor.u32 v11, v9  }
0x58: {  	v14 =	vadd.s32 $0x1, v8;
	[tilespmem:$0x800] =	vst v13  }
0x59: {  	v16 =	vor.u32 v49, v8;
	v53 =	vsub.f32 $1.000000000e+00, v5;
	v52 =	vsub.f32 $1.000000000e+00, v4;
	v51 =	vld [tilespmem:$0x800]  }
0x5a: {  	v17 =	vadd.s32 $0x1, v49;
	vm1 =	vlt.u32 v16, $0x40;
	v6 =	vor.u32 v49, v14  }
0x5b: {  	v8 =	vor.u32 v17, v8;
	v62 =	vor.u32 v17, v14;
	v15 =	vmul.f32 v52, v53  }
0x5c: {  	vm2 =	vlt.u32 v6, $0x40;
	v13 =	vmul.f32 v4, v53;
	v4 =	vmul.f32 v4, v5  }
0x5d: {  	v12 =	vmul.f32 v52, v5;
	v15 =	vnsel vm1, $0x0, v15;
	vm1 =	vgt.s32 v14, $0x0  }
0x5e: {  	v60 =	vnsel vm2, $0x0, v13;
	v55 =	vnsel vm1, $0x0, v14;
	v54 =	vshll.u32 v51, $0x1  }
0x5f: {  	vm1 =	vgt.s32 v17, $0x0;
	v10 =	vand.u32 $0x7, v51;
	v16 =	vand.u32 $0xFFFFFFF0, v54  }
0x60: {  	v56 =	vmin.u32 v55, $0x3F;
	v57 =	vnsel vm1, $0x0, v17;
	v10 =	vor.u32 v10, v16  }
0x61: {  	[tilespmem:$0x480] =	vst v60;
	vm1 =	vlt.u32 v8, $0x40;
	v9 =	vor.u32 v56, v9;
	v59 =	vperm.xlane v10, v0  }
0x62: {  	[tilespmem:$0x400] =	vst v15;
	v5 =	vnsel vm1, $0x0, v12;
	vm1 =	vlt.u32 v62, $0x40;
	v16 =	vmin.u32 v57, $0x3F  }
0x63: {  	[tilespmem:$0x810] =	vst v9;
	v58 =	vshll.u32 v16, $0x6;
	v10 =	vperm.xlane v10, v2;
	v61 =	vadd.s32 v1, v59  }
0x64: {  	[tilespmem:$0x500] =	vst v5;
	v4 =	vnsel vm1, $0x0, v4;
	v7 =	vor.u32 v7, v58  }
0x65: {  	[tilespmem:$0x580] =	vst v4;
	v8 =	vor.u32 v11, v7;
	v63 =	vadd.s32 v1, v10  }
0x66: {  	v5 =	vor.u32 v56, v7;
	[tilespmem:$0x820] =	vst v8  }
0x67: {  	s17 =	simm.s32 $0x4900;
	[tilespmem:$0x830] =	vst v5  }
0x68: {  	[tilespmem:s17], [sflag:$0x5] =	stream.indirect_vreg.gather [hbm4b:s1+s6], $0x80, v61, vm0, $0xb8;
	[tilespmem:$0xE900] =	vst v63  }
0x69: {  	s18 =	simm.s32 $0x5100  }
0x6a: {  	[tilespmem:s18], [sflag:$0x5] =	stream.indirect_vreg.gather [hbm4b:s1+s6], $0x80, v63, vm0, $0xb8;
	[tilespmem:$0xE900] =	vst v63  }
0x6b: {  	v4 =	vld [tilespmem:$0x810];
	_ =	sdelay $0x4  }
0x6c: {  	v5 =	vshll.u32 v4, $0x1  }
0x6d: {  	v4 =	vand.u32 $0x7, v4;
	v5 =	vand.u32 $0xFFFFFFF0, v5  }
0x6e: {  	v4 =	vor.u32 v4, v5  }
0x6f: {  	v5 =	vperm.xlane v4, v0;
	_ =	sdelay $0x1  }
0x70: {  	v4 =	vperm.xlane v4, v2;
	v5 =	vadd.s32 v1, v5;
	_ =	sdelay $0x1  }
0x71: {  	v4 =	vadd.s32 v1, v4;
	_ =	sdelay $0x1  }
0x72: {  	s21 =	simm.s32 $0x5900  }
0x73: {  	[tilespmem:s21], [sflag:$0x5] =	stream.indirect_vreg.gather [hbm4b:s1+s6], $0x80, v5, vm0, $0xb8;
	[tilespmem:$0xE900] =	vst v63  }
0x74: {  	s23 =	simm.s32 $0x6100  }
0x75: {  	[tilespmem:s23], [sflag:$0x5] =	stream.indirect_vreg.gather [hbm4b:s1+s6], $0x80, v4, vm0, $0xb8;
	[tilespmem:$0xE900] =	vst v63  }
0x76: {  	v4 =	vld [tilespmem:$0x820];
	_ =	sdelay $0x4  }
0x77: {  	v5 =	vshll.u32 v4, $0x1  }
0x78: {  	v4 =	vand.u32 $0x7, v4;
	v5 =	vand.u32 $0xFFFFFFF0, v5  }
0x79: {  	v4 =	vor.u32 v4, v5  }
0x7a: {  	v5 =	vperm.xlane v4, v0;
	_ =	sdelay $0x1  }
0x7b: {  	v4 =	vperm.xlane v4, v2;
	v5 =	vadd.s32 v1, v5;
	_ =	sdelay $0x1  }
0x7c: {  	v4 =	vadd.s32 v1, v4;
	_ =	sdelay $0x1  }
0x7d: {  	s24 =	simm.s32 $0x6900  }
0x7e: {  	[tilespmem:s24], [sflag:$0x5] =	stream.indirect_vreg.gather [hbm4b:s1+s6], $0x80, v5, vm0, $0xb8;
	[tilespmem:$0xE900] =	vst v63  }
0x7f: {  	s25 =	simm.s32 $0x7100  }
0x80: {  	[tilespmem:s25], [sflag:$0x5] =	stream.indirect_vreg.gather [hbm4b:s1+s6], $0x80, v4, vm0, $0xb8;
	[tilespmem:$0xE900] =	vst v63  }
0x81: {  	v4 =	vld [tilespmem:$0x830];
	_ =	sdelay $0x4  }
0x82: {  	v5 =	vshll.u32 v4, $0x1  }
0x83: {  	v4 =	vand.u32 $0x7, v4;
	v5 =	vand.u32 $0xFFFFFFF0, v5  }
0x84: {  	v4 =	vor.u32 v4, v5  }
0x85: {  	v5 =	vperm.xlane v4, v0;
	_ =	sdelay $0x1  }
0x86: {  	v4 =	vperm.xlane v4, v2;
	v5 =	vadd.s32 v1, v5;
	_ =	sdelay $0x1  }
0x87: {  	v4 =	vadd.s32 v1, v4  }
.Ltmp2:
0x88: {  	_ = 	snop;
	(pc) =	sbr.rel .LBB2_2-.Ltmp2, $4  }
0x89: {  	s30 =	simm.s32 $0x7900  }
0x8a: {  	[tilespmem:s30], [sflag:$0x5] =	stream.indirect_vreg.gather [hbm4b:s1+s6], $0x80, v5, vm0, $0xb8;
	[tilespmem:$0xE900] =	vst v63  }
0x8b: {  	s31 =	simm.s32 $0x8100;
	s18 =	simm.s32 $0x0  }
0x8c: {  	[tilespmem:s31], [sflag:$0x5] =	stream.indirect_vreg.gather [hbm4b:s1+s6], $0x80, v4, vm0, $0xb8;
	[tilespmem:$0xE900] =	vst v63  }
.LBB2_12:
0x8d: {  	s18 =	sadd.s32 $0x1, s18  }
0x8e: {  	p0 =	sne.s32 s18, $0x14  }
.Ltmp3:
0x8f: {  	_ = 	snop;
	(pc) =	sbr.rel @!p0 .LBB2_13-.Ltmp3, $1  }
0x90: {  	_ =	sdelay $0x3  }
.LBB2_2:
0x91: {  	p1 =	seq.s32 s18, $0x0  }
0x92: {  	s11 =	simm.s32 @!p1 $0x7  }
0x93: {  	_ =	swait.ge @!p1 [sflag:s11], $0x1000  }
0x94: {  	[sflag:s11] =	ssyncset.done @!p1 $0x0  }
0x95: {  	[sflag:s11] =	ssyncadd.s32 @!p1 $0xFFFFF000  }
0x96: {  	_ =	swait.ge @!p1 [sflag:s11], $0x1000  }
0x97: {  	[sflag:s11] =	ssyncset.done @!p1 $0x0  }
0x98: {  	s12 =	sshll.u32 s18, $0x6;
	[sflag:s11] =	ssyncadd.s32 @!p1 $0xFFFFF000  }
0x99: {  	s17 =	sor.u32 s8, s12;
	_ =	swait.ge @!p1 [sflag:s11], $0x1000  }
0x9a: {  	p0 =	sgt.u32 s17, $0x4C1;
	[sflag:s11] =	ssyncset.done @!p1 $0x0  }
0x9b: {  	[sflag:s11] =	ssyncadd.s32 @!p1 $0xFFFFF000;
	s11 =	simm.s32 @!p0 $0x1  }
0x9c: {  	_ =	swait.ge @!p0 [sflag:s11], $0x10  }
0x9d: {  	[sflag:s11] =	ssyncset.done @!p0 $0x0  }
0x9e: {  	[sflag:s11] =	ssyncadd.s32 @!p0 $0xFFFFFFF0  }
0x9f: {  	_ =	swait.ge @!p0 [sflag:s11], $0x10  }
0xa0: {  	[sflag:s11] =	ssyncset.done @!p0 $0x0  }
0xa1: {  	[sflag:s11] =	ssyncadd.s32 @!p0 $0xFFFFFFF0  }
0xa2: {  	v4 =	vld @!p0 [tilespmem:$0x80]  }
0xa3: {  	v5 =	vld @!p0 [tilespmem:$0x180];
	_ =	sdelay $0x3  }
0xa4: {  	v4 =	vshll.u32 @!p0 v4, $0xC  }
0xa5: {  	v4 =	vadd.s32 @!p0 v5, v4  }
0xa6: {  	v6 =	vshll.u32 @!p0 v4, $0x1  }
0xa7: {  	v7 =	vlaneseq.u32 @!p0;
	v5 =	vand.u32 @!p0 $0x7, v5;
	v6 =	vand.u32 @!p0 $0xFFFFFFF0, v6  }
0xa8: {  	v8 =	vshrl.u32 @!p0 v7, $0x3;
	v5 =	vor.u32 @!p0 v5, v6;
	v6 =	vand.u32 @!p0 $0x7, v7  }
0xa9: {  	v8 =	vmul.u32 @!p0 $0x8, v8;
	v6 =	vperm.xlane @!p0 v5, v6  }
0xaa: {  	v7 =	vor.u32 @!p0 $0x8, v7  }
0xab: {  	vm1 =	vmmov @!p0 $0xffff;
	s12 =	simm.s32 @!p0 $0x280;
	s11 =	simm.s32 @!p0 $0x0;
	v5 =	vperm.xlane @!p0 v5, v7;
	v6 =	vadd.s32 @!p0 v8, v6  }
0xac: {  	[tilespmem:s12], [sflag:$0x2] =	stream.indirect_vreg.gather @!p0 [hbm4b:s9+s11], $0x1, v4, vm1, $0xb8;
	[tilespmem:$0xE900] =	vst v63  }
0xad: {  	s12 =	simm.s32 @!p0 $0x380;
	v5 =	vadd.s32 @!p0 v8, v5  }
0xae: {  	[tilespmem:s12], [sflag:$0x2] =	stream.indirect_vreg.gather @!p0 [hbm4b:s10+s11], $0x1, v4, vm1, $0xb8;
	[tilespmem:$0xE900] =	vst v63  }
0xaf: {  	s12 =	simm.s32 @!p0 $0x1900  }
0xb0: {  	[tilespmem:s12], [sflag:$0x4] =	stream.indirect_vreg.gather @!p0 [hbm4b:s1+s11], $0x80, v6, vm1, $0xb8;
	[tilespmem:$0xE900] =	vst v63  }
0xb1: {  	s12 =	simm.s32 @!p0 $0x2100  }
0xb2: {  	[tilespmem:s12], [sflag:$0x4] =	stream.indirect_vreg.gather @!p0 [hbm4b:s1+s11], $0x80, v5, vm1, $0xb8;
	[tilespmem:$0xE900] =	vst v63  }
0xb3: {  	p1 =	sgt.u32 @!p0 s17, $0x4A1;
	s12 =	simm.s32 @!p0 $0x3900  }
0xb4: {  	[tilespmem:s12], [sflag:$0x4] =	stream.indirect_vreg.gather @!p0 [hbm4b:s7+s11], $0x80, v6, vm1, $0xb8;
	[tilespmem:$0xE900] =	vst v63  }
0xb5: {  	p1 =	por p1, p0;
	s12 =	simm.s32 @!p0 $0x4100  }
0xb6: {  	[tilespmem:s12], [sflag:$0x4] =	stream.indirect_vreg.gather @!p0 [hbm4b:s7+s11], $0x80, v5, vm1, $0xb8;
	[tilespmem:$0xE900] =	vst v63  }
0xb7: {  	s11 =	sshll.u32 @!p1 s17, $0x1  }
0xb8: {  	s11 =	sadd.s32 @!p1 $0x80, s11  }
0xb9: {  	s13 =	simm.s32 @!p1 $0x0;
	s12 =	sadd.s32 @!p1 s2, s11  }
0xba: {  	[tilespmem:s13], [sflag:$0x1] =	stream.linear.gather @!p1 [hbm4b:s12+s13], $0x10, $0x38;
	[tilespmem:$0xE900] =	vst v63  }
0xbb: {  	s11 =	sadd.s32 @!p1 s3, s11;
	s12 =	simm.s32 @!p1 $0x100  }
0xbc: {  	[tilespmem:s12], [sflag:$0x1] =	stream.linear.gather @!p1 [hbm4b:s11+s13], $0x10, $0x38;
	[tilespmem:$0xE900] =	vst v63  }
0xbd: {  	_ =	swait.ge [sflag:s19], $0x1000  }
0xbe: {  	[sflag:s19] =	ssyncset.done $0x0  }
0xbf: {  	[sflag:s19] =	ssyncadd.s32 $0xFFFFF000  }
0xc0: {  	s25 =	sshll.u32 s17, $0x9;
	s30 =	sshll.u32 s17, $0xC;
	_ =	swait.ge [sflag:s19], $0x1000  }
.Ltmp4:
0xc1: {  	s31 =	sshrl.u32 s30, $0x3;
	[sflag:s19] =	ssyncset.done $0x0;
	(pc) =	sbr.rel @p0 .LBB2_4-.Ltmp4, $4  }
0xc2: {  	s21 =	sadd.s32 s4, s31;
	s11 =	sadd.s32 s4, s25;
	[sflag:s19] =	ssyncadd.s32 $0xFFFFF000  }
0xc3: {  	[hbm4b:s11+s6] =	stream.linear.scatter [tilespmem:s20], [sflag:$0x7], $0x1000, $0x38;
	[tilespmem:$0xE900] =	vst v63  }
0xc4: {  	s11 =	sadd.s32 $0x138800, s21  }
0xc5: {  	[hbm4b:s11+s6] =	stream.linear.scatter [tilespmem:s22], [sflag:$0x7], $0x1000, $0x38;
	[tilespmem:$0xE900] =	vst v63  }
0xc6: {  	_ =	swait.ge [sflag:s26], $0x10  }
0xc7: {  	[sflag:s26] =	ssyncset.done $0x0  }
0xc8: {  	[sflag:s26] =	ssyncadd.s32 $0xFFFFFFF0  }
0xc9: {  	_ =	swait.ge [sflag:s26], $0x10  }
0xca: {  	[sflag:s26] =	ssyncset.done $0x0  }
0xcb: {  	[sflag:s26] =	ssyncadd.s32 $0xFFFFFFF0  }
0xcc: {  	v4 =	vld [tilespmem:$0x180];
	_ =	sdelay $0x2  }
0xcd: {  	v5 =	vld [tilespmem:$0x280];
	_ =	sdelay $0x1  }
0xce: {  	v7 =	vld [tilespmem:$0x380];
	v6 =	vshrl.u32 v4, $0x6  }
0xcf: {  	v6 =	vcvt.s32.f32 v6  }
0xd0: {  	v4 =	vand.u32 $0x3F, v4  }
0xd1: {  	v4 =	vcvt.s32.f32 v4;
	v5 =	vadd.f32 v6, v5;
	_ =	sdelay $0x1  }
0xd2: {  	v47 =	vld [tilespmem:$0x80];
	v4 =	vadd.f32 v4, v7;
	v6 =	vtrunc.f32 v5  }
0xd3: {  	v8 =	vcvt.f32.s32 v6;
	vm1 =	vlt.f32 v5, v6  }
0xd4: {  	v48 =	vtrunc.f32 v4;
	v9 =	vsel vm1, $0xFFFFFFFF, v3  }
0xd5: {  	v10 =	vcvt.f32.s32 v48;
	vm1 =	vlt.f32 v4, v48;
	v49 =	vadd.s32 v8, v9  }
0xd6: {  	v50 =	vsel vm1, $0xFFFFFFFF, v3;
	vm1 =	vgt.s32 v49, $0x0  }
0xd7: {  	v7 =	vshll.u32 v47, $0xC;
	v8 =	vadd.s32 v10, v50;
	v9 =	vnsel vm1, $0x0, v49  }
0xd8: {  	v12 =	vcvt.s32.f32 v49;
	vm1 =	vgt.s32 v8, $0x0;
	v9 =	vmin.u32 v9, $0x3F  }
0xd9: {  	v10 =	vcvt.s32.f32 v8;
	v11 =	vnsel vm1, $0x0, v8;
	v9 =	vshll.u32 v9, $0x6  }
0xda: {  	v11 =	vmin.u32 v11, $0x3F;
	v9 =	vor.u32 v7, v9  }
0xdb: {  	v5 =	vsub.f32 v5, v12;
	v4 =	vsub.f32 v4, v10;
	v13 =	vor.u32 v11, v9  }
0xdc: {  	v14 =	vadd.s32 $0x1, v8;
	[tilespmem:$0x880] =	vst v13  }
0xdd: {  	v16 =	vor.u32 v49, v8;
	v53 =	vsub.f32 $1.000000000e+00, v5;
	v52 =	vsub.f32 $1.000000000e+00, v4;
	v51 =	vld [tilespmem:$0x880]  }
0xde: {  	v17 =	vadd.s32 $0x1, v49;
	vm1 =	vlt.u32 v16, $0x40;
	v6 =	vor.u32 v49, v14  }
0xdf: {  	v8 =	vor.u32 v17, v8;
	v62 =	vor.u32 v17, v14;
	v15 =	vmul.f32 v52, v53  }
0xe0: {  	vm2 =	vlt.u32 v6, $0x40;
	v13 =	vmul.f32 v4, v53;
	v4 =	vmul.f32 v4, v5  }
0xe1: {  	v12 =	vmul.f32 v52, v5;
	v15 =	vnsel vm1, $0x0, v15;
	vm1 =	vgt.s32 v14, $0x0  }
0xe2: {  	v60 =	vnsel vm2, $0x0, v13;
	v55 =	vnsel vm1, $0x0, v14;
	v54 =	vshll.u32 v51, $0x1  }
0xe3: {  	vm1 =	vgt.s32 v17, $0x0;
	v10 =	vand.u32 $0x7, v51;
	v16 =	vand.u32 $0xFFFFFFF0, v54  }
0xe4: {  	v56 =	vmin.u32 v55, $0x3F;
	v57 =	vnsel vm1, $0x0, v17;
	v10 =	vor.u32 v10, v16  }
0xe5: {  	[tilespmem:$0x680] =	vst v60;
	vm1 =	vlt.u32 v8, $0x40;
	v9 =	vor.u32 v56, v9;
	v59 =	vperm.xlane v10, v0  }
0xe6: {  	[tilespmem:$0x600] =	vst v15;
	v5 =	vnsel vm1, $0x0, v12;
	vm1 =	vlt.u32 v62, $0x40;
	v16 =	vmin.u32 v57, $0x3F  }
0xe7: {  	[tilespmem:$0x890] =	vst v9;
	v58 =	vshll.u32 v16, $0x6;
	v10 =	vperm.xlane v10, v2;
	v61 =	vadd.s32 v1, v59  }
0xe8: {  	[tilespmem:$0x700] =	vst v5;
	v4 =	vnsel vm1, $0x0, v4;
	v7 =	vor.u32 v7, v58  }
0xe9: {  	[tilespmem:$0x780] =	vst v4;
	v8 =	vor.u32 v11, v7;
	v63 =	vadd.s32 v1, v10  }
0xea: {  	v5 =	vor.u32 v56, v7;
	[tilespmem:$0x8A0] =	vst v8  }
0xeb: {  	s5 =	simm.s32 $0x8900;
	[tilespmem:$0x8B0] =	vst v5  }
0xec: {  	[tilespmem:s5], [sflag:$0x6] =	stream.indirect_vreg.gather [hbm4b:s1+s6], $0x80, v61, vm0, $0xb8;
	[tilespmem:$0xE900] =	vst v63  }
0xed: {  	s13 =	simm.s32 $0x9100  }
0xee: {  	[tilespmem:s13], [sflag:$0x6] =	stream.indirect_vreg.gather [hbm4b:s1+s6], $0x80, v63, vm0, $0xb8;
	[tilespmem:$0xE900] =	vst v63  }
0xef: {  	v4 =	vld [tilespmem:$0x890];
	_ =	sdelay $0x4  }
0xf0: {  	v5 =	vshll.u32 v4, $0x1  }
0xf1: {  	v4 =	vand.u32 $0x7, v4;
	v5 =	vand.u32 $0xFFFFFFF0, v5  }
0xf2: {  	v4 =	vor.u32 v4, v5  }
0xf3: {  	v5 =	vperm.xlane v4, v0;
	_ =	sdelay $0x1  }
0xf4: {  	v4 =	vperm.xlane v4, v2;
	v5 =	vadd.s32 v1, v5;
	_ =	sdelay $0x1  }
0xf5: {  	v4 =	vadd.s32 v1, v4;
	_ =	sdelay $0x1  }
0xf6: {  	s14 =	simm.s32 $0x9900  }
0xf7: {  	[tilespmem:s14], [sflag:$0x6] =	stream.indirect_vreg.gather [hbm4b:s1+s6], $0x80, v5, vm0, $0xb8;
	[tilespmem:$0xE900] =	vst v63  }
0xf8: {  	s23 =	simm.s32 $0xA100  }
0xf9: {  	[tilespmem:s23], [sflag:$0x6] =	stream.indirect_vreg.gather [hbm4b:s1+s6], $0x80, v4, vm0, $0xb8;
	[tilespmem:$0xE900] =	vst v63  }
0xfa: {  	v4 =	vld [tilespmem:$0x8A0];
	_ =	sdelay $0x4  }
0xfb: {  	v5 =	vshll.u32 v4, $0x1  }
0xfc: {  	v4 =	vand.u32 $0x7, v4;
	v5 =	vand.u32 $0xFFFFFFF0, v5  }
0xfd: {  	v4 =	vor.u32 v4, v5  }
0xfe: {  	v5 =	vperm.xlane v4, v0;
	_ =	sdelay $0x1  }
0xff: {  	v4 =	vperm.xlane v4, v2;
	v5 =	vadd.s32 v1, v5;
	_ =	sdelay $0x1  }
0x100: {  	v4 =	vadd.s32 v1, v4;
	_ =	sdelay $0x1  }
0x101: {  	s24 =	simm.s32 $0xA900  }
0x102: {  	[tilespmem:s24], [sflag:$0x6] =	stream.indirect_vreg.gather [hbm4b:s1+s6], $0x80, v5, vm0, $0xb8;
	[tilespmem:$0xE900] =	vst v63  }
0x103: {  	s25 =	simm.s32 $0xB100  }
0x104: {  	[tilespmem:s25], [sflag:$0x6] =	stream.indirect_vreg.gather [hbm4b:s1+s6], $0x80, v4, vm0, $0xb8;
	[tilespmem:$0xE900] =	vst v63  }
0x105: {  	v4 =	vld [tilespmem:$0x8B0];
	_ =	sdelay $0x4  }
0x106: {  	v5 =	vshll.u32 v4, $0x1  }
0x107: {  	v4 =	vand.u32 $0x7, v4;
	v5 =	vand.u32 $0xFFFFFFF0, v5  }
0x108: {  	v4 =	vor.u32 v4, v5  }
0x109: {  	v5 =	vperm.xlane v4, v0;
	_ =	sdelay $0x1  }
0x10a: {  	v4 =	vperm.xlane v4, v2;
	v5 =	vadd.s32 v1, v5;
	_ =	sdelay $0x1  }
0x10b: {  	v4 =	vadd.s32 v1, v4;
	_ =	sdelay $0x1  }
0x10c: {  	s30 =	simm.s32 $0xB900  }
0x10d: {  	[tilespmem:s30], [sflag:$0x6] =	stream.indirect_vreg.gather [hbm4b:s1+s6], $0x80, v5, vm0, $0xb8;
	[tilespmem:$0xE900] =	vst v63  }
0x10e: {  	s31 =	simm.s32 $0xC100  }
0x10f: {  	[tilespmem:s31], [sflag:$0x6] =	stream.indirect_vreg.gather [hbm4b:s1+s6], $0x80, v4, vm0, $0xb8;
	[tilespmem:$0xE900] =	vst v63  }
.LBB2_4:
0x110: {  	_ =	swait.ge [sflag:s15], $0x4000;
	s24 =	simm.s32 $0x0  }
0x111: {  	[sflag:s15] =	ssyncset.done $0x0;
	s11 =	sand.u32 $0x800, s24;
	s12 =	sand.u32 $0x380, s24  }
0x112: {  	[sflag:s15] =	ssyncadd.s32 $0xFFFFC000;
	s23 =	sor.u32 s12, s11  }
0x113: {  	v8 =	vld [tilespmem:s23+$0x5930]  }
0x114: {  	v9 =	vld [tilespmem:s23+$0x6910]  }
0x115: {  	v6 =	vld [tilespmem:s23+$0x5910]  }
0x116: {  	v10 =	vld [tilespmem:s23+$0x6930]  }
0x117: {  	v7 =	vld [tilespmem:s23+$0x4910]  }
0x118: {  	v11 =	vld [tilespmem:s23+$0x6950]  }
0x119: {  	v12 =	vld [tilespmem:s23+$0x6960]  }
0x11a: {  	v13 =	vld [tilespmem:s23+$0x5970]  }
0x11b: {  	v14 =	vld [tilespmem:s23+$0x4930]  }
0x11c: {  	v15 =	vld [tilespmem:s23+$0x4920]  }
0x11d: {  	v5 =	vld [tilespmem:$0x480]  }
0x11e: {  	v16 =	vld [tilespmem:$0x500]  }
0x11f: {  	v4 =	vld [tilespmem:$0x400]  }
0x120: {  	v18 =	vmov s24;
	v17 =	vld [tilespmem:s23+$0x5960]  }
0x121: {  	v18 =	vand.u32 $0xF, v18;
	v19 =	vld [tilespmem:s23+$0x5950]  }
0x122: {  	v18 =	vbroadcast v18, $0x0;
	v21 =	vld [tilespmem:s23+$0x5900]  }
0x123: {  	v20 =	vld [tilespmem:s23+$0x4960]  }
0x124: {  	v22 =	vld [tilespmem:s23+$0x4970];
	v4 =	vperm.xlane v4, v18  }
0x125: {  	v24 =	vld [tilespmem:s23+$0x5920];
	v5 =	vperm.xlane v5, v18  }
0x126: {  	v23 =	vld [tilespmem:$0x580];
	v15 =	vmul.f32 v15, v4  }
0x127: {  	v25 =	vld [tilespmem:s23+$0x5940];
	v14 =	vmul.f32 v14, v4;
	v21 =	vmul.f32 v21, v5  }
0x128: {  	v28 =	vld [tilespmem:s23+$0x4940];
	v13 =	vmul.f32 v13, v5;
	v27 =	vmul.f32 v7, v4  }
0x129: {  	v29 =	vld [tilespmem:s23+$0x4900];
	v19 =	vmul.f32 v19, v5;
	v30 =	vmul.f32 v6, v5  }
0x12a: {  	v31 =	vld [tilespmem:s23+$0x4950];
	v17 =	vmul.f32 v17, v5;
	v24 =	vmul.f32 v24, v5  }
0x12b: {  	v26 =	vld [tilespmem:s23+$0x6970];
	v22 =	vmul.f32 v22, v4;
	v6 =	vperm.xlane v23, v18  }
0x12c: {  	v43 =	vld [tilespmem:s23+$0x6900];
	v25 =	vmul.f32 v25, v5;
	v7 =	vperm.xlane v16, v18  }
0x12d: {  	v44 =	vld [tilespmem:s23+$0x7900];
	v8 =	vmul.f32 v8, v5;
	v45 =	vmul.f32 v28, v4  }
0x12e: {  	v48 =	vld [tilespmem:s23+$0x7950];
	v20 =	vmul.f32 v20, v4;
	v47 =	vmul.f32 v29, v4  }
0x12f: {  	v50 =	vld [tilespmem:s23+$0x7930];
	v49 =	vmul.f32 v31, v4;
	v15 =	vadd.f32 v24, v15;
	v13 =	vadd.f32 v13, v22  }
0x130: {  	v52 =	vld [tilespmem:s23+$0x6940];
	v8 =	vadd.f32 v8, v14;
	v26 =	vmul.f32 v26, v7;
	v18 =	vadd.f32 v25, v45  }
0x131: {  	v46 =	vld [tilespmem:s23+$0x6920];
	v12 =	vmul.f32 v12, v7;
	v21 =	vadd.f32 v21, v47;
	v51 =	vmul.f32 v43, v7  }
0x132: {  	v54 =	vld [tilespmem:s23+$0x7970];
	v19 =	vadd.f32 v19, v49;
	v11 =	vmul.f32 v11, v7;
	v16 =	vmul.f32 v44, v6  }
0x133: {  	v53 =	vld [tilespmem:s23+$0x7910];
	v10 =	vmul.f32 v10, v7;
	v17 =	vadd.f32 v17, v20;
	v14 =	vmul.f32 v48, v6  }
0x134: {  	v55 =	vld [tilespmem:s23+$0x7940];
	v9 =	vmul.f32 v9, v7;
	v58 =	vmul.f32 v50, v6;
	v11 =	vadd.f32 v11, v19  }
0x135: {  	v56 =	vld [tilespmem:s23+$0x7920];
	v60 =	vmul.f32 v52, v7;
	v21 =	vadd.f32 v51, v21;
	v8 =	vadd.f32 v10, v8  }
0x136: {  	v57 =	vld [tilespmem:s23+$0x7960];
	v61 =	vmul.f32 v46, v7;
	v10 =	vadd.f32 v30, v27;
	v11 =	vadd.f32 v14, v11  }
0x137: {  	v20 =	vmul.f32 v54, v6;
	v13 =	vadd.f32 v26, v13;
	v59 =	vadd.f32 v16, v21  }
0x138: {  	v9 =	vadd.f32 v9, v10;
	v10 =	vmul.f32 v53, v6;
	v8 =	vadd.f32 v58, v8;
	[tilespmem:s23+$0xC950] =	vst v11  }
0x139: {  	v62 =	vadd.f32 v60, v18;
	v13 =	vadd.f32 v20, v13;
	v11 =	vmul.f32 v55, v6;
	[tilespmem:s23+$0xC900] =	vst v59  }
0x13a: {  	v15 =	vadd.f32 v61, v15;
	v9 =	vadd.f32 v10, v9;
	v10 =	vmul.f32 v56, v6;
	[tilespmem:s23+$0xC930] =	vst v8  }
0x13b: {  	v63 =	vmul.f32 v57, v6;
	v8 =	vadd.f32 v12, v17;
	[tilespmem:s23+$0xC970] =	vst v13;
	v11 =	vadd.f32 v11, v62  }
0x13c: {  	[tilespmem:s23+$0xC910] =	vst v9;
	v9 =	vadd.f32 v10, v15  }
0x13d: {  	s31 =	sand.u32 $0xFFFFF800, s24;
	v8 =	vadd.f32 v63, v8;
	[tilespmem:s23+$0xC940] =	vst v11  }
0x13e: {  	s11 =	sadd.s32 $0x0, s31;
	[tilespmem:s23+$0xC920] =	vst v9  }
0x13f: {  	s12 =	sor.u32 $0x1400, s11;
	[tilespmem:s23+$0xC960] =	vst v8;
	v8 =	vld [tilespmem:s23+$0x4D00]  }
0x140: {  	v9 =	vld [tilespmem:s12+$0x4900]  }
0x141: {  	s13 =	sor.u32 $0x2400, s11  }
0x142: {  	v10 =	vld [tilespmem:s13+$0x4900]  }
0x143: {  	s14 =	sor.u32 $0x3400, s11  }
0x144: {  	v11 =	vld [tilespmem:s14+$0x4900]  }
0x145: {  	v8 =	vmul.f32 v8, v4;
	v9 =	vmul.f32 v9, v5;
	_ =	sdelay $0x1  }
0x146: {  	v8 =	vadd.f32 v9, v8;
	v9 =	vmul.f32 v10, v7;
	_ =	sdelay $0x1  }
0x147: {  	v8 =	vadd.f32 v9, v8;
	v9 =	vmul.f32 v11, v6;
	_ =	sdelay $0x1  }
0x148: {  	v8 =	vadd.f32 v9, v8;
	_ =	sdelay $0x1  }
0x149: {  	[tilespmem:s23+$0xCD00] =	vst v8;
	v8 =	vld [tilespmem:s23+$0x4D10]  }
0x14a: {  	v9 =	vld [tilespmem:s12+$0x4910];
	_ =	sdelay $0x1  }
0x14b: {  	v10 =	vld [tilespmem:s13+$0x4910];
	_ =	sdelay $0x1  }
0x14c: {  	v11 =	vld [tilespmem:s14+$0x4910]  }
0x14d: {  	v8 =	vmul.f32 v8, v4;
	v9 =	vmul.f32 v9, v5;
	_ =	sdelay $0x1  }
0x14e: {  	v8 =	vadd.f32 v9, v8;
	v9 =	vmul.f32 v10, v7;
	_ =	sdelay $0x1  }
0x14f: {  	v8 =	vadd.f32 v9, v8;
	v9 =	vmul.f32 v11, v6;
	_ =	sdelay $0x1  }
0x150: {  	v8 =	vadd.f32 v9, v8;
	_ =	sdelay $0x1  }
0x151: {  	[tilespmem:s23+$0xCD10] =	vst v8;
	v8 =	vld [tilespmem:s23+$0x4D20]  }
0x152: {  	v9 =	vld [tilespmem:s12+$0x4920];
	_ =	sdelay $0x1  }
0x153: {  	v10 =	vld [tilespmem:s13+$0x4920];
	_ =	sdelay $0x1  }
0x154: {  	v11 =	vld [tilespmem:s14+$0x4920]  }
0x155: {  	v8 =	vmul.f32 v8, v4;
	v9 =	vmul.f32 v9, v5;
	_ =	sdelay $0x1  }
0x156: {  	v10 =	vmul.f32 v10, v7;
	v8 =	vadd.f32 v9, v8;
	_ =	sdelay $0x1  }
0x157: {  	v9 =	vmul.f32 v11, v6;
	v8 =	vadd.f32 v10, v8;
	_ =	sdelay $0x1  }
0x158: {  	v8 =	vadd.f32 v9, v8;
	_ =	sdelay $0x1  }
0x159: {  	[tilespmem:s23+$0xCD20] =	vst v8;
	v8 =	vld [tilespmem:s23+$0x4D30]  }
0x15a: {  	v9 =	vld [tilespmem:s12+$0x4930];
	_ =	sdelay $0x1  }
0x15b: {  	v10 =	vld [tilespmem:s13+$0x4930];
	_ =	sdelay $0x1  }
0x15c: {  	v11 =	vld [tilespmem:s14+$0x4930]  }
0x15d: {  	v8 =	vmul.f32 v8, v4;
	v9 =	vmul.f32 v9, v5;
	_ =	sdelay $0x1  }
0x15e: {  	v10 =	vmul.f32 v10, v7;
	v8 =	vadd.f32 v9, v8;
	_ =	sdelay $0x1  }
0x15f: {  	v9 =	vmul.f32 v11, v6;
	v8 =	vadd.f32 v10, v8;
	_ =	sdelay $0x1  }
0x160: {  	v8 =	vadd.f32 v9, v8;
	_ =	sdelay $0x1  }
0x161: {  	[tilespmem:s23+$0xCD30] =	vst v8;
	v8 =	vld [tilespmem:s23+$0x4D40]  }
0x162: {  	v9 =	vld [tilespmem:s12+$0x4940];
	_ =	sdelay $0x1  }
0x163: {  	v10 =	vld [tilespmem:s13+$0x4940];
	_ =	sdelay $0x1  }
0x164: {  	v11 =	vld [tilespmem:s14+$0x4940]  }
0x165: {  	v8 =	vmul.f32 v8, v4;
	v9 =	vmul.f32 v9, v5;
	_ =	sdelay $0x1  }
0x166: {  	v10 =	vmul.f32 v10, v7;
	v8 =	vadd.f32 v9, v8;
	_ =	sdelay $0x1  }
0x167: {  	v9 =	vmul.f32 v11, v6;
	v8 =	vadd.f32 v10, v8;
	_ =	sdelay $0x1  }
0x168: {  	v8 =	vadd.f32 v9, v8;
	_ =	sdelay $0x1  }
0x169: {  	v10 =	vld [tilespmem:s23+$0x4D50];
	[tilespmem:s23+$0xCD40] =	vst v8  }
0x16a: {  	v11 =	vld [tilespmem:s12+$0x4950]  }
0x16b: {  	v9 =	vld [tilespmem:s13+$0x4950]  }
0x16c: {  	s25 =	simm.s32 $0x1;
	s11 =	simm.s32 $0x0;
	v8 =	vld [tilespmem:s14+$0x4950]  }
.LBB2_5:
0x16d: {  	_ = 	snop  }
0x16e: {  	p0 =	sne.s32 s25, $0xF;
	s24 =	sadd.s32 $0x80, s24;
	s11 =	sadd.s32 $0x100, s11  }
0x16f: {  	s30 =	smov.u32 s25;
	s25 =	sadd.s32 $0x1, s25;
	v10 =	vmul.f32 v10, v4;
	v11 =	vmul.f32 v11, v5  }
0x170: {  	v9 =	vmul.f32 v9, v7  }
0x171: {  	v10 =	vadd.f32 v11, v10;
	v8 =	vmul.f32 v8, v6;
	_ =	sdelay $0x1  }
0x172: {  	v9 =	vadd.f32 v9, v10;
	_ =	sdelay $0x1  }
0x173: {  	v8 =	vadd.f32 v8, v9;
	_ =	sdelay $0x1  }
0x174: {  	[tilespmem:s23+$0xCD50] =	vst v8;
	v8 =	vld [tilespmem:s23+$0x4D60]  }
0x175: {  	v9 =	vld [tilespmem:s12+$0x4960]  }
0x176: {  	v10 =	vld [tilespmem:s13+$0x4960]  }
0x177: {  	v11 =	vld [tilespmem:s14+$0x4960];
	_ =	sdelay $0x2  }
0x178: {  	v8 =	vmul.f32 v8, v4;
	v9 =	vmul.f32 v9, v5  }
0x179: {  	v10 =	vmul.f32 v10, v7  }
0x17a: {  	v8 =	vadd.f32 v9, v8;
	v9 =	vmul.f32 v11, v6;
	_ =	sdelay $0x1  }
0x17b: {  	v8 =	vadd.f32 v10, v8;
	_ =	sdelay $0x1  }
0x17c: {  	v8 =	vadd.f32 v9, v8;
	_ =	sdelay $0x1  }
0x17d: {  	s31 =	sand.u32 $0x800, s11;
	s5 =	sand.u32 $0x380, s24;
	[tilespmem:s23+$0xCD60] =	vst v8;
	v8 =	vld [tilespmem:s23+$0x4D70]  }
0x17e: {  	s5 =	sor.u32 s5, s31;
	v9 =	vld [tilespmem:s12+$0x4970]  }
0x17f: {  	v10 =	vld [tilespmem:s13+$0x4970]  }
0x180: {  	v11 =	vld [tilespmem:s14+$0x4970]  }
0x181: {  	v12 =	vld [tilespmem:s5+$0x5930]  }
0x182: {  	v13 =	vld [tilespmem:s5+$0x6910]  }
0x183: {  	v4 =	vmul.f32 v8, v4;
	v14 =	vld [tilespmem:s5+$0x7920];
	v5 =	vmul.f32 v9, v5  }
0x184: {  	v8 =	vld [tilespmem:s5+$0x5910];
	v7 =	vmul.f32 v10, v7  }
0x185: {  	v9 =	vld [tilespmem:s5+$0x6930];
	v4 =	vadd.f32 v5, v4;
	v5 =	vmul.f32 v11, v6  }
0x186: {  	v6 =	vld [tilespmem:s5+$0x4910]  }
0x187: {  	v10 =	vld [tilespmem:s5+$0x6950];
	v4 =	vadd.f32 v7, v4  }
0x188: {  	v11 =	vld [tilespmem:s5+$0x6960]  }
0x189: {  	v7 =	vld [tilespmem:s5+$0x5970];
	v4 =	vadd.f32 v5, v4  }
0x18a: {  	v15 =	vld [tilespmem:s5+$0x4930]  }
0x18b: {  	v16 =	vld [tilespmem:s5+$0x4920];
	[tilespmem:s23+$0xCD70] =	vst v4;
	s23 =	smov.u32 s5  }
0x18c: {  	v5 =	vld [tilespmem:$0x480]  }
0x18d: {  	v17 =	vld [tilespmem:$0x500]  }
0x18e: {  	v4 =	vld [tilespmem:$0x400]  }
0x18f: {  	v18 =	vmov s30;
	v19 =	vld [tilespmem:s23+$0x5960]  }
0x190: {  	v18 =	vand.u32 $0xF, v18;
	v20 =	vld [tilespmem:s23+$0x5950]  }
0x191: {  	v18 =	vbroadcast v18, $0x0;
	v21 =	vld [tilespmem:s23+$0x4960]  }
0x192: {  	v22 =	vld [tilespmem:s23+$0x5900]  }
0x193: {  	v4 =	vperm.xlane v4, v18;
	v23 =	vld [tilespmem:s23+$0x4970]  }
0x194: {  	v24 =	vld [tilespmem:$0x580]  }
0x195: {  	v5 =	vperm.xlane v5, v18;
	v16 =	vmul.f32 v16, v4;
	v25 =	vld [tilespmem:s23+$0x5920]  }
0x196: {  	v15 =	vmul.f32 v15, v4;
	v26 =	vld [tilespmem:s23+$0x5940]  }
0x197: {  	v27 =	vmul.f32 v7, v5;
	v22 =	vmul.f32 v22, v5;
	v28 =	vld [tilespmem:s23+$0x6970]  }
0x198: {  	v29 =	vmul.f32 v6, v4;
	v20 =	vmul.f32 v20, v5;
	v30 =	vld [tilespmem:s23+$0x4940]  }
0x199: {  	v8 =	vmul.f32 v8, v5;
	v19 =	vmul.f32 v19, v5;
	v31 =	vld [tilespmem:s23+$0x4900]  }
0x19a: {  	v23 =	vmul.f32 v23, v4;
	v25 =	vmul.f32 v25, v5;
	v32 =	vld [tilespmem:s23+$0x4950]  }
0x19b: {  	v6 =	vperm.xlane v24, v18;
	v24 =	vld [tilespmem:s23+$0x6900];
	v26 =	vmul.f32 v26, v5  }
0x19c: {  	v7 =	vperm.xlane v17, v18;
	v12 =	vmul.f32 v12, v5;
	v16 =	vadd.f32 v25, v16;
	v17 =	vld [tilespmem:s23+$0x7940]  }
0x19d: {  	v21 =	vmul.f32 v21, v4;
	v23 =	vadd.f32 v27, v23;
	v18 =	vld [tilespmem:s23+$0x7900];
	v25 =	vmul.f32 v30, v4  }
0x19e: {  	v12 =	vadd.f32 v12, v15;
	v15 =	vmul.f32 v28, v7;
	v27 =	vmul.f32 v31, v4;
	v30 =	vld [tilespmem:s23+$0x6920]  }
0x19f: {  	v11 =	vmul.f32 v11, v7;
	v25 =	vadd.f32 v26, v25;
	v26 =	vmul.f32 v32, v4;
	v28 =	vld [tilespmem:s23+$0x7950]  }
0x1a0: {  	v15 =	vadd.f32 v15, v23;
	v22 =	vadd.f32 v22, v27;
	v24 =	vmul.f32 v24, v7;
	v27 =	vld [tilespmem:s23+$0x7960]  }
0x1a1: {  	v10 =	vmul.f32 v10, v7;
	v23 =	vld [tilespmem:s23+$0x7930];
	v17 =	vmul.f32 v17, v6;
	v20 =	vadd.f32 v20, v26  }
0x1a2: {  	v9 =	vmul.f32 v9, v7;
	v19 =	vadd.f32 v19, v21;
	v18 =	vmul.f32 v18, v6;
	v21 =	vld [tilespmem:s23+$0x7970]  }
0x1a3: {  	v14 =	vmul.f32 v14, v6;
	v22 =	vadd.f32 v24, v22;
	v24 =	vmul.f32 v30, v7;
	v26 =	vld [tilespmem:s23+$0x6940]  }
0x1a4: {  	v13 =	vmul.f32 v13, v7;
	v10 =	vadd.f32 v10, v20;
	v30 =	vld [tilespmem:s23+$0x7910];
	v20 =	vmul.f32 v28, v6  }
0x1a5: {  	v9 =	vadd.f32 v9, v12;
	v11 =	vadd.f32 v11, v19;
	v12 =	vmul.f32 v27, v6  }
0x1a6: {  	v8 =	vadd.f32 v8, v29;
	v19 =	vmul.f32 v23, v6;
	v10 =	vadd.f32 v20, v10  }
0x1a7: {  	v16 =	vadd.f32 v24, v16;
	v11 =	vadd.f32 v12, v11;
	v12 =	vmul.f32 v21, v6  }
0x1a8: {  	v18 =	vadd.f32 v18, v22;
	v9 =	vadd.f32 v19, v9;
	v19 =	vmul.f32 v26, v7  }
0x1a9: {  	v8 =	vadd.f32 v13, v8;
	v13 =	vmul.f32 v30, v6;
	[tilespmem:s23+$0xC950] =	vst v10;
	v10 =	vadd.f32 v12, v15  }
0x1aa: {  	v12 =	vadd.f32 v14, v16;
	[tilespmem:s23+$0xC900] =	vst v18;
	v14 =	vadd.f32 v19, v25  }
0x1ab: {  	v8 =	vadd.f32 v13, v8  }
0x1ac: {  	[tilespmem:s23+$0xC930] =	vst v9;
	v9 =	vadd.f32 v17, v14  }
0x1ad: {  	[tilespmem:s23+$0xC910] =	vst v8  }
0x1ae: {  	[tilespmem:s23+$0xC970] =	vst v10  }
0x1af: {  	s5 =	sand.u32 $0xFFFFF800, s11;
	[tilespmem:s23+$0xC940] =	vst v9  }
0x1b0: {  	s5 =	sadd.s32 s5, s24;
	[tilespmem:s23+$0xC920] =	vst v12  }
0x1b1: {  	s12 =	sor.u32 $0x1400, s5;
	[tilespmem:s23+$0xC960] =	vst v11;
	v8 =	vld [tilespmem:s23+$0x4D00]  }
0x1b2: {  	v9 =	vld [tilespmem:s12+$0x4900]  }
0x1b3: {  	s13 =	sor.u32 $0x2400, s5  }
0x1b4: {  	v10 =	vld [tilespmem:s13+$0x4900]  }
0x1b5: {  	s14 =	sor.u32 $0x3400, s5  }
0x1b6: {  	v11 =	vld [tilespmem:s14+$0x4900]  }
0x1b7: {  	v8 =	vmul.f32 v8, v4;
	v9 =	vmul.f32 v9, v5;
	_ =	sdelay $0x1  }
0x1b8: {  	v8 =	vadd.f32 v9, v8;
	v9 =	vmul.f32 v10, v7;
	_ =	sdelay $0x1  }
0x1b9: {  	v8 =	vadd.f32 v9, v8;
	v9 =	vmul.f32 v11, v6;
	_ =	sdelay $0x1  }
0x1ba: {  	v8 =	vadd.f32 v9, v8;
	_ =	sdelay $0x1  }
0x1bb: {  	[tilespmem:s23+$0xCD00] =	vst v8;
	v8 =	vld [tilespmem:s23+$0x4D10]  }
0x1bc: {  	v9 =	vld [tilespmem:s12+$0x4910];
	_ =	sdelay $0x1  }
0x1bd: {  	v10 =	vld [tilespmem:s13+$0x4910];
	_ =	sdelay $0x1  }
0x1be: {  	v11 =	vld [tilespmem:s14+$0x4910]  }
0x1bf: {  	v8 =	vmul.f32 v8, v4;
	v9 =	vmul.f32 v9, v5;
	_ =	sdelay $0x1  }
0x1c0: {  	v8 =	vadd.f32 v9, v8;
	v9 =	vmul.f32 v10, v7;
	_ =	sdelay $0x1  }
0x1c1: {  	v8 =	vadd.f32 v9, v8;
	v9 =	vmul.f32 v11, v6;
	_ =	sdelay $0x1  }
0x1c2: {  	v8 =	vadd.f32 v9, v8;
	_ =	sdelay $0x1  }
0x1c3: {  	[tilespmem:s23+$0xCD10] =	vst v8;
	v8 =	vld [tilespmem:s23+$0x4D20]  }
0x1c4: {  	v9 =	vld [tilespmem:s12+$0x4920]  }
0x1c5: {  	v10 =	vld [tilespmem:s13+$0x4920]  }
0x1c6: {  	v11 =	vld [tilespmem:s14+$0x4920];
	_ =	sdelay $0x2  }
0x1c7: {  	v8 =	vmul.f32 v8, v4;
	v9 =	vmul.f32 v9, v5  }
0x1c8: {  	v10 =	vmul.f32 v10, v7  }
0x1c9: {  	v8 =	vadd.f32 v9, v8;
	v9 =	vmul.f32 v11, v6;
	_ =	sdelay $0x1  }
0x1ca: {  	v8 =	vadd.f32 v10, v8;
	_ =	sdelay $0x1  }
0x1cb: {  	v8 =	vadd.f32 v9, v8;
	_ =	sdelay $0x1  }
0x1cc: {  	[tilespmem:s23+$0xCD20] =	vst v8;
	v8 =	vld [tilespmem:s23+$0x4D30]  }
0x1cd: {  	v9 =	vld [tilespmem:s12+$0x4930]  }
0x1ce: {  	v10 =	vld [tilespmem:s13+$0x4930]  }
0x1cf: {  	v11 =	vld [tilespmem:s14+$0x4930];
	_ =	sdelay $0x2  }
0x1d0: {  	v8 =	vmul.f32 v8, v4;
	v9 =	vmul.f32 v9, v5  }
0x1d1: {  	v10 =	vmul.f32 v10, v7  }
0x1d2: {  	v8 =	vadd.f32 v9, v8;
	v9 =	vmul.f32 v11, v6;
	_ =	sdelay $0x1  }
0x1d3: {  	v8 =	vadd.f32 v10, v8;
	_ =	sdelay $0x1  }
0x1d4: {  	v8 =	vadd.f32 v9, v8;
	_ =	sdelay $0x1  }
0x1d5: {  	[tilespmem:s23+$0xCD30] =	vst v8;
	v8 =	vld [tilespmem:s23+$0x4D40]  }
0x1d6: {  	v9 =	vld [tilespmem:s12+$0x4940]  }
0x1d7: {  	v10 =	vld [tilespmem:s13+$0x4940]  }
0x1d8: {  	v11 =	vld [tilespmem:s14+$0x4940];
	_ =	sdelay $0x2  }
0x1d9: {  	v8 =	vmul.f32 v8, v4;
	v9 =	vmul.f32 v9, v5  }
0x1da: {  	v10 =	vmul.f32 v10, v7  }
0x1db: {  	v8 =	vadd.f32 v9, v8;
	v9 =	vmul.f32 v11, v6;
	_ =	sdelay $0x1  }
0x1dc: {  	v8 =	vadd.f32 v10, v8;
	_ =	sdelay $0x1  }
0x1dd: {  	v8 =	vadd.f32 v9, v8  }
.Ltmp5:
0x1de: {  	(pc) =	sbr.rel @p0 .LBB2_5-.Ltmp5, $4  }
0x1df: {  	[tilespmem:s23+$0xCD40] =	vst v8;
	v10 =	vld [tilespmem:s23+$0x4D50]  }
0x1e0: {  	v11 =	vld [tilespmem:s12+$0x4950]  }
0x1e1: {  	v9 =	vld [tilespmem:s13+$0x4950]  }
0x1e2: {  	v8 =	vld [tilespmem:s14+$0x4950]  }
0x1e3: {  	_ =	sdelay $0x1  }
0x1e4: {  	v10 =	vmul.f32 v10, v4;
	v11 =	vmul.f32 v11, v5;
	_ =	sdelay $0x1  }
0x1e5: {  	v9 =	vmul.f32 v9, v7;
	v10 =	vadd.f32 v11, v10;
	_ =	sdelay $0x1  }
0x1e6: {  	v8 =	vmul.f32 v8, v6;
	v9 =	vadd.f32 v9, v10;
	_ =	sdelay $0x1  }
0x1e7: {  	v8 =	vadd.f32 v8, v9;
	_ =	sdelay $0x1  }
0x1e8: {  	v54 =	vld [tilespmem:s23+$0x4D60];
	[tilespmem:s23+$0xCD50] =	vst v8  }
0x1e9: {  	v55 =	vld [tilespmem:s12+$0x4960];
	_ =	sdelay $0x1  }
0x1ea: {  	v56 =	vld [tilespmem:s13+$0x4960];
	_ =	sdelay $0x1  }
0x1eb: {  	v57 =	vld [tilespmem:s14+$0x4960]  }
0x1ec: {  	v8 =	vmul.f32 v54, v4;
	v9 =	vmul.f32 v55, v5;
	_ =	sdelay $0x1  }
0x1ed: {  	v10 =	vmul.f32 v56, v7;
	v8 =	vadd.f32 v9, v8;
	_ =	sdelay $0x1  }
0x1ee: {  	v58 =	vmul.f32 v57, v6;
	v8 =	vadd.f32 v10, v8;
	_ =	sdelay $0x1  }
0x1ef: {  	v8 =	vadd.f32 v58, v8;
	_ =	sdelay $0x1  }
0x1f0: {  	v59 =	vld [tilespmem:s23+$0x4D70];
	[tilespmem:s23+$0xCD60] =	vst v8  }
0x1f1: {  	v60 =	vld [tilespmem:s12+$0x4970];
	_ =	sdelay $0x1  }
0x1f2: {  	v61 =	vld [tilespmem:s13+$0x4970];
	_ =	sdelay $0x1  }
0x1f3: {  	v62 =	vld [tilespmem:s14+$0x4970]  }
0x1f4: {  	v4 =	vmul.f32 v59, v4;
	v5 =	vmul.f32 v60, v5;
	_ =	sdelay $0x1  }
0x1f5: {  	v63 =	vmul.f32 v61, v7;
	v4 =	vadd.f32 v5, v4  }
0x1f6: {  	s11 =	sor.u32 $0x20, s17  }
0x1f7: {  	p0 =	sgt.u32 s11, $0x4E1;
	v5 =	vmul.f32 v62, v6;
	v4 =	vadd.f32 v63, v4  }
.Ltmp6:
0x1f8: {  	_ = 	snop;
	(pc) =	sbr.rel @p0 .LBB2_12-.Ltmp6, $3  }
0x1f9: {  	v4 =	vadd.f32 v5, v4;
	_ =	sdelay $0x1  }
0x1fa: {  	s5 =	sadd.s32 $0x9C400, s21;
	[tilespmem:s23+$0xCD70] =	vst v4  }
0x1fb: {  	[hbm4b:s5+s6] =	stream.linear.scatter [tilespmem:s16], [sflag:$0x7], $0x1000, $0x38;
	[tilespmem:$0xE900] =	vst v63  }
0x1fc: {  	_ =	swait.ge [sflag:s28], $0x1000  }
0x1fd: {  	[sflag:s28] =	ssyncset.done $0x0  }
0x1fe: {  	[sflag:s28] =	ssyncadd.s32 $0xFFFFF000  }
0x1ff: {  	_ =	swait.ge [sflag:s28], $0x1000  }
0x200: {  	[sflag:s28] =	ssyncset.done $0x0  }
0x201: {  	[sflag:s28] =	ssyncadd.s32 $0xFFFFF000  }
0x202: {  	_ =	swait.ge [sflag:s28], $0x1000  }
0x203: {  	p0 =	sgt.u32 s11, $0x4C1;
	[sflag:s28] =	ssyncset.done $0x0  }
0x204: {  	s5 =	simm.s32 @!p0 $0x1;
	[sflag:s28] =	ssyncadd.s32 $0xFFFFF000  }
0x205: {  	_ =	swait.ge @!p0 [sflag:s5], $0x10  }
0x206: {  	[sflag:s5] =	ssyncset.done @!p0 $0x0  }
0x207: {  	[sflag:s5] =	ssyncadd.s32 @!p0 $0xFFFFFFF0  }
0x208: {  	_ =	swait.ge @!p0 [sflag:s5], $0x10  }
0x209: {  	[sflag:s5] =	ssyncset.done @!p0 $0x0  }
0x20a: {  	[sflag:s5] =	ssyncadd.s32 @!p0 $0xFFFFFFF0  }
0x20b: {  	v4 =	vld @!p0 [tilespmem:$0x0]  }
0x20c: {  	v5 =	vld @!p0 [tilespmem:$0x100];
	_ =	sdelay $0x3  }
0x20d: {  	v4 =	vshll.u32 @!p0 v4, $0xC  }
0x20e: {  	v4 =	vadd.s32 @!p0 v5, v4  }
0x20f: {  	v6 =	vshll.u32 @!p0 v4, $0x1  }
0x210: {  	v7 =	vlaneseq.u32 @!p0;
	v5 =	vand.u32 @!p0 $0x7, v5;
	v6 =	vand.u32 @!p0 $0xFFFFFFF0, v6  }
0x211: {  	v8 =	vshrl.u32 @!p0 v7, $0x3;
	v5 =	vor.u32 @!p0 v5, v6;
	v6 =	vand.u32 @!p0 $0x7, v7  }
0x212: {  	v8 =	vmul.u32 @!p0 $0x8, v8;
	v6 =	vperm.xlane @!p0 v5, v6  }
0x213: {  	v7 =	vor.u32 @!p0 $0x8, v7  }
0x214: {  	vm1 =	vmmov @!p0 $0xffff;
	s12 =	simm.s32 @!p0 $0x200;
	s5 =	simm.s32 @!p0 $0x0;
	v5 =	vperm.xlane @!p0 v5, v7;
	v6 =	vadd.s32 @!p0 v8, v6  }
0x215: {  	[tilespmem:s12], [sflag:$0x2] =	stream.indirect_vreg.gather @!p0 [hbm4b:s9+s5], $0x1, v4, vm1, $0xb8;
	[tilespmem:$0xE900] =	vst v63  }
0x216: {  	s12 =	simm.s32 @!p0 $0x300;
	v5 =	vadd.s32 @!p0 v8, v5  }
0x217: {  	[tilespmem:s12], [sflag:$0x2] =	stream.indirect_vreg.gather @!p0 [hbm4b:s10+s5], $0x1, v4, vm1, $0xb8;
	[tilespmem:$0xE900] =	vst v63  }
0x218: {  	s12 =	simm.s32 @!p0 $0x900  }
0x219: {  	[tilespmem:s12], [sflag:$0x3] =	stream.indirect_vreg.gather @!p0 [hbm4b:s1+s5], $0x80, v6, vm1, $0xb8;
	[tilespmem:$0xE900] =	vst v63  }
0x21a: {  	s12 =	simm.s32 @!p0 $0x1100  }
0x21b: {  	[tilespmem:s12], [sflag:$0x3] =	stream.indirect_vreg.gather @!p0 [hbm4b:s1+s5], $0x80, v5, vm1, $0xb8;
	[tilespmem:$0xE900] =	vst v63  }
0x21c: {  	p1 =	sgt.u32 @!p0 s11, $0x4A1;
	s12 =	simm.s32 @!p0 $0x2900  }
0x21d: {  	[tilespmem:s12], [sflag:$0x3] =	stream.indirect_vreg.gather @!p0 [hbm4b:s7+s5], $0x80, v6, vm1, $0xb8;
	[tilespmem:$0xE900] =	vst v63  }
0x21e: {  	p1 =	por p1, p0;
	s12 =	simm.s32 @!p0 $0x3100  }
0x21f: {  	[tilespmem:s12], [sflag:$0x3] =	stream.indirect_vreg.gather @!p0 [hbm4b:s7+s5], $0x80, v5, vm1, $0xb8;
	[tilespmem:$0xE900] =	vst v63  }
0x220: {  	s5 =	sshll.u32 @!p1 s11, $0x1  }
0x221: {  	s5 =	sadd.s32 @!p1 $0x80, s5  }
0x222: {  	s13 =	simm.s32 @!p1 $0x0;
	s14 =	simm.s32 @!p1 $0x80;
	s12 =	sadd.s32 @!p1 s2, s5  }
0x223: {  	[tilespmem:s14], [sflag:$0x1] =	stream.linear.gather @!p1 [hbm4b:s12+s13], $0x10, $0x38;
	[tilespmem:$0xE900] =	vst v63  }
0x224: {  	s5 =	sadd.s32 @!p1 s3, s5;
	s12 =	simm.s32 @!p1 $0x180  }
0x225: {  	[tilespmem:s12], [sflag:$0x1] =	stream.linear.gather @!p1 [hbm4b:s5+s13], $0x10, $0x38;
	[tilespmem:$0xE900] =	vst v63  }
0x226: {  	_ =	swait.ge [sflag:s29], $0x1000  }
0x227: {  	[sflag:s29] =	ssyncset.done $0x0  }
0x228: {  	s23 =	sshll.u32 s11, $0x9;
	[sflag:s29] =	ssyncadd.s32 $0xFFFFF000  }
0x229: {  	s24 =	sshll.u32 s11, $0xC;
	s25 =	simm.s32 $0x1900;
	_ =	swait.ge [sflag:s29], $0x1000  }
.Ltmp7:
0x22a: {  	s30 =	sshrl.u32 s24, $0x3;
	[sflag:s29] =	ssyncset.done $0x0;
	(pc) =	sbr.rel @p0 .LBB2_9-.Ltmp7, $4  }
0x22b: {  	s11 =	sadd.s32 s4, s30;
	s5 =	sadd.s32 s4, s23;
	[sflag:s29] =	ssyncadd.s32 $0xFFFFF000  }
0x22c: {  	[hbm4b:s5+s6] =	stream.linear.scatter [tilespmem:s25], [sflag:$0x7], $0x1000, $0x38;
	[tilespmem:$0xE900] =	vst v63  }
0x22d: {  	s31 =	simm.s32 $0x3900;
	s5 =	sadd.s32 $0x138800, s11  }
0x22e: {  	[hbm4b:s5+s6] =	stream.linear.scatter [tilespmem:s31], [sflag:$0x7], $0x1000, $0x38;
	[tilespmem:$0xE900] =	vst v63  }
0x22f: {  	_ =	swait.ge [sflag:s26], $0x10  }
0x230: {  	[sflag:s26] =	ssyncset.done $0x0  }
0x231: {  	[sflag:s26] =	ssyncadd.s32 $0xFFFFFFF0  }
0x232: {  	_ =	swait.ge [sflag:s26], $0x10  }
0x233: {  	[sflag:s26] =	ssyncset.done $0x0  }
0x234: {  	[sflag:s26] =	ssyncadd.s32 $0xFFFFFFF0  }
0x235: {  	v4 =	vld [tilespmem:$0x100];
	_ =	sdelay $0x2  }
0x236: {  	v5 =	vld [tilespmem:$0x200];
	_ =	sdelay $0x1  }
0x237: {  	v7 =	vld [tilespmem:$0x300];
	v6 =	vshrl.u32 v4, $0x6  }
0x238: {  	v6 =	vcvt.s32.f32 v6  }
0x239: {  	v4 =	vand.u32 $0x3F, v4  }
0x23a: {  	v4 =	vcvt.s32.f32 v4;
	v5 =	vadd.f32 v6, v5;
	_ =	sdelay $0x1  }
0x23b: {  	v47 =	vld [tilespmem:$0x0];
	v4 =	vadd.f32 v4, v7;
	v6 =	vtrunc.f32 v5  }
0x23c: {  	v8 =	vcvt.f32.s32 v6;
	vm1 =	vlt.f32 v5, v6  }
0x23d: {  	v48 =	vtrunc.f32 v4;
	v9 =	vsel vm1, $0xFFFFFFFF, v3  }
0x23e: {  	v10 =	vcvt.f32.s32 v48;
	vm1 =	vlt.f32 v4, v48;
	v49 =	vadd.s32 v8, v9  }
0x23f: {  	v50 =	vsel vm1, $0xFFFFFFFF, v3;
	vm1 =	vgt.s32 v49, $0x0  }
0x240: {  	v7 =	vshll.u32 v47, $0xC;
	v8 =	vadd.s32 v10, v50;
	v9 =	vnsel vm1, $0x0, v49  }
0x241: {  	v12 =	vcvt.s32.f32 v49;
	vm1 =	vgt.s32 v8, $0x0;
	v9 =	vmin.u32 v9, $0x3F  }
0x242: {  	v10 =	vcvt.s32.f32 v8;
	v11 =	vnsel vm1, $0x0, v8;
	v9 =	vshll.u32 v9, $0x6  }
0x243: {  	v11 =	vmin.u32 v11, $0x3F;
	v9 =	vor.u32 v7, v9  }
0x244: {  	v5 =	vsub.f32 v5, v12;
	v4 =	vsub.f32 v4, v10;
	v13 =	vor.u32 v11, v9  }
0x245: {  	v14 =	vadd.s32 $0x1, v8;
	[tilespmem:$0x800] =	vst v13  }
0x246: {  	v16 =	vor.u32 v49, v8;
	v53 =	vsub.f32 $1.000000000e+00, v5;
	v52 =	vsub.f32 $1.000000000e+00, v4;
	v51 =	vld [tilespmem:$0x800]  }
0x247: {  	v17 =	vadd.s32 $0x1, v49;
	vm1 =	vlt.u32 v16, $0x40;
	v6 =	vor.u32 v49, v14  }
0x248: {  	v8 =	vor.u32 v17, v8;
	v62 =	vor.u32 v17, v14;
	v15 =	vmul.f32 v52, v53  }
0x249: {  	vm2 =	vlt.u32 v6, $0x40;
	v13 =	vmul.f32 v4, v53;
	v4 =	vmul.f32 v4, v5  }
0x24a: {  	v12 =	vmul.f32 v52, v5;
	v15 =	vnsel vm1, $0x0, v15;
	vm1 =	vgt.s32 v14, $0x0  }
0x24b: {  	v60 =	vnsel vm2, $0x0, v13;
	v55 =	vnsel vm1, $0x0, v14;
	v54 =	vshll.u32 v51, $0x1  }
0x24c: {  	vm1 =	vgt.s32 v17, $0x0;
	v10 =	vand.u32 $0x7, v51;
	v16 =	vand.u32 $0xFFFFFFF0, v54  }
0x24d: {  	v56 =	vmin.u32 v55, $0x3F;
	v57 =	vnsel vm1, $0x0, v17;
	v10 =	vor.u32 v10, v16  }
0x24e: {  	[tilespmem:$0x480] =	vst v60;
	vm1 =	vlt.u32 v8, $0x40;
	v9 =	vor.u32 v56, v9;
	v59 =	vperm.xlane v10, v0  }
0x24f: {  	[tilespmem:$0x400] =	vst v15;
	v5 =	vnsel vm1, $0x0, v12;
	vm1 =	vlt.u32 v62, $0x40;
	v16 =	vmin.u32 v57, $0x3F  }
0x250: {  	[tilespmem:$0x810] =	vst v9;
	v58 =	vshll.u32 v16, $0x6;
	v10 =	vperm.xlane v10, v2;
	v61 =	vadd.s32 v1, v59  }
0x251: {  	[tilespmem:$0x500] =	vst v5;
	v4 =	vnsel vm1, $0x0, v4;
	v7 =	vor.u32 v7, v58  }
0x252: {  	[tilespmem:$0x580] =	vst v4;
	v8 =	vor.u32 v11, v7;
	v63 =	vadd.s32 v1, v10  }
0x253: {  	v5 =	vor.u32 v56, v7;
	[tilespmem:$0x820] =	vst v8  }
0x254: {  	s5 =	simm.s32 $0x4900;
	[tilespmem:$0x830] =	vst v5  }
0x255: {  	[tilespmem:s5], [sflag:$0x5] =	stream.indirect_vreg.gather [hbm4b:s1+s6], $0x80, v61, vm0, $0xb8;
	[tilespmem:$0xE900] =	vst v63  }
0x256: {  	s17 =	simm.s32 $0x5100  }
0x257: {  	[tilespmem:s17], [sflag:$0x5] =	stream.indirect_vreg.gather [hbm4b:s1+s6], $0x80, v63, vm0, $0xb8;
	[tilespmem:$0xE900] =	vst v63  }
0x258: {  	v4 =	vld [tilespmem:$0x810];
	_ =	sdelay $0x4  }
0x259: {  	v5 =	vshll.u32 v4, $0x1  }
0x25a: {  	v4 =	vand.u32 $0x7, v4;
	v5 =	vand.u32 $0xFFFFFFF0, v5  }
0x25b: {  	v4 =	vor.u32 v4, v5  }
0x25c: {  	v5 =	vperm.xlane v4, v0;
	_ =	sdelay $0x1  }
0x25d: {  	v4 =	vperm.xlane v4, v2;
	v5 =	vadd.s32 v1, v5;
	_ =	sdelay $0x1  }
0x25e: {  	v4 =	vadd.s32 v1, v4;
	_ =	sdelay $0x1  }
0x25f: {  	s21 =	simm.s32 $0x5900  }
0x260: {  	[tilespmem:s21], [sflag:$0x5] =	stream.indirect_vreg.gather [hbm4b:s1+s6], $0x80, v5, vm0, $0xb8;
	[tilespmem:$0xE900] =	vst v63  }
0x261: {  	s23 =	simm.s32 $0x6100  }
0x262: {  	[tilespmem:s23], [sflag:$0x5] =	stream.indirect_vreg.gather [hbm4b:s1+s6], $0x80, v4, vm0, $0xb8;
	[tilespmem:$0xE900] =	vst v63  }
0x263: {  	v4 =	vld [tilespmem:$0x820];
	_ =	sdelay $0x4  }
0x264: {  	v5 =	vshll.u32 v4, $0x1  }
0x265: {  	v4 =	vand.u32 $0x7, v4;
	v5 =	vand.u32 $0xFFFFFFF0, v5  }
0x266: {  	v4 =	vor.u32 v4, v5  }
0x267: {  	v5 =	vperm.xlane v4, v0;
	_ =	sdelay $0x1  }
0x268: {  	v4 =	vperm.xlane v4, v2;
	v5 =	vadd.s32 v1, v5;
	_ =	sdelay $0x1  }
0x269: {  	v4 =	vadd.s32 v1, v4;
	_ =	sdelay $0x1  }
0x26a: {  	s24 =	simm.s32 $0x6900  }
0x26b: {  	[tilespmem:s24], [sflag:$0x5] =	stream.indirect_vreg.gather [hbm4b:s1+s6], $0x80, v5, vm0, $0xb8;
	[tilespmem:$0xE900] =	vst v63  }
0x26c: {  	s25 =	simm.s32 $0x7100  }
0x26d: {  	[tilespmem:s25], [sflag:$0x5] =	stream.indirect_vreg.gather [hbm4b:s1+s6], $0x80, v4, vm0, $0xb8;
	[tilespmem:$0xE900] =	vst v63  }
0x26e: {  	v4 =	vld [tilespmem:$0x830];
	_ =	sdelay $0x4  }
0x26f: {  	v5 =	vshll.u32 v4, $0x1  }
0x270: {  	v4 =	vand.u32 $0x7, v4;
	v5 =	vand.u32 $0xFFFFFFF0, v5  }
0x271: {  	v4 =	vor.u32 v4, v5  }
0x272: {  	v5 =	vperm.xlane v4, v0;
	_ =	sdelay $0x1  }
0x273: {  	v4 =	vperm.xlane v4, v2;
	v5 =	vadd.s32 v1, v5;
	_ =	sdelay $0x1  }
0x274: {  	v4 =	vadd.s32 v1, v4;
	_ =	sdelay $0x1  }
0x275: {  	s30 =	simm.s32 $0x7900  }
0x276: {  	[tilespmem:s30], [sflag:$0x5] =	stream.indirect_vreg.gather [hbm4b:s1+s6], $0x80, v5, vm0, $0xb8;
	[tilespmem:$0xE900] =	vst v63  }
0x277: {  	s31 =	simm.s32 $0x8100  }
0x278: {  	[tilespmem:s31], [sflag:$0x5] =	stream.indirect_vreg.gather [hbm4b:s1+s6], $0x80, v4, vm0, $0xb8;
	[tilespmem:$0xE900] =	vst v63  }
.LBB2_9:
0x279: {  	_ =	swait.ge [sflag:s0], $0x4000  }
0x27a: {  	s12 =	simm.s32 $0x0;
	[sflag:s0] =	ssyncset.done $0x0  }
0x27b: {  	s13 =	simm.s32 $0x0;
	s14 =	simm.s32 $0x0;
	[sflag:s0] =	ssyncadd.s32 $0xFFFFC000  }
.LBB2_10:
0x27c: {  	v4 =	vld [tilespmem:$0x600]  }
0x27d: {  	v5 =	vld [tilespmem:$0x680]  }
0x27e: {  	v6 =	vld [tilespmem:$0x700];
	s5 =	sand.u32 $0x800, s12;
	s17 =	sand.u32 $0x380, s13  }
0x27f: {  	v7 =	vld [tilespmem:$0x780];
	s17 =	sor.u32 s17, s5  }
0x280: {  	v8 =	vld [tilespmem:s17+$0x8900]  }
0x281: {  	v9 =	vld [tilespmem:s17+$0x9900]  }
0x282: {  	v10 =	vld [tilespmem:s17+$0xA900]  }
0x283: {  	v11 =	vld [tilespmem:s17+$0xB900]  }
0x284: {  	v12 =	vld [tilespmem:s17+$0x8910]  }
0x285: {  	v13 =	vld [tilespmem:s17+$0x9910]  }
0x286: {  	v14 =	vld [tilespmem:s17+$0xA910]  }
0x287: {  	v15 =	vld [tilespmem:s17+$0xB910]  }
0x288: {  	v16 =	vld [tilespmem:s17+$0x8920]  }
0x289: {  	v19 =	vmov s14;
	v17 =	vld [tilespmem:s17+$0x9920]  }
0x28a: {  	v19 =	vand.u32 $0xF, v19;
	v18 =	vld [tilespmem:s17+$0xA920]  }
0x28b: {  	v20 =	vld [tilespmem:s17+$0xB920];
	v19 =	vbroadcast v19, $0x0  }
0x28c: {  	v21 =	vld [tilespmem:s17+$0x8930]  }
0x28d: {  	v22 =	vld [tilespmem:s17+$0x9930];
	v4 =	vperm.xlane v4, v19  }
0x28e: {  	v23 =	vld [tilespmem:s17+$0xA930];
	v5 =	vperm.xlane v5, v19;
	v6 =	vperm.xlane v6, v19  }
0x28f: {  	v24 =	vld [tilespmem:s17+$0xB930];
	v7 =	vperm.xlane v7, v19;
	v8 =	vmul.f32 v8, v4  }
0x290: {  	v25 =	vld [tilespmem:s17+$0x8940];
	v9 =	vmul.f32 v9, v5;
	v12 =	vmul.f32 v12, v4  }
0x291: {  	v26 =	vld [tilespmem:s17+$0x9940];
	v13 =	vmul.f32 v13, v5;
	v30 =	vmul.f32 v10, v6  }
0x292: {  	v33 =	vld [tilespmem:s17+$0x8950];
	v32 =	vmul.f32 v14, v6;
	v34 =	vmul.f32 v11, v7  }
0x293: {  	v35 =	vld [tilespmem:s17+$0x9950];
	v36 =	vmul.f32 v15, v7;
	v38 =	vmul.f32 v16, v4  }
0x294: {  	v43 =	vld [tilespmem:s17+$0x8960];
	v39 =	vmul.f32 v17, v5;
	v41 =	vmul.f32 v21, v4  }
0x295: {  	v46 =	vld [tilespmem:s17+$0x9960];
	v42 =	vmul.f32 v22, v5;
	v44 =	vmul.f32 v18, v6  }
0x296: {  	v49 =	vld [tilespmem:s17+$0x8970];
	v45 =	vmul.f32 v20, v7;
	v47 =	vmul.f32 v23, v6  }
0x297: {  	v52 =	vld [tilespmem:s17+$0x9970];
	v48 =	vmul.f32 v24, v7;
	v50 =	vmul.f32 v25, v4  }
0x298: {  	v27 =	vld [tilespmem:s17+$0xA940];
	v51 =	vmul.f32 v26, v5;
	v14 =	vmul.f32 v33, v4  }
0x299: {  	v37 =	vld [tilespmem:s17+$0xA950];
	v11 =	vmul.f32 v35, v5;
	v58 =	vmul.f32 v43, v4  }
0x29a: {  	v31 =	vld [tilespmem:s17+$0xB940];
	v20 =	vmul.f32 v46, v5;
	v8 =	vadd.f32 v9, v8;
	v12 =	vadd.f32 v13, v12  }
0x29b: {  	v53 =	vld [tilespmem:s17+$0xA960];
	v60 =	vmul.f32 v49, v4;
	v9 =	vadd.f32 v39, v38;
	v13 =	vadd.f32 v42, v41  }
0x29c: {  	v40 =	vld [tilespmem:s17+$0xB950];
	v61 =	vmul.f32 v52, v5;
	v16 =	vadd.f32 v51, v50;
	v11 =	vadd.f32 v11, v14  }
0x29d: {  	v55 =	vld [tilespmem:s17+$0xA970];
	v54 =	vmul.f32 v27, v6;
	v62 =	vadd.f32 v20, v58;
	v8 =	vadd.f32 v30, v8  }
0x29e: {  	v57 =	vld [tilespmem:s17+$0xB960];
	v56 =	vmul.f32 v37, v6;
	v20 =	vadd.f32 v61, v60;
	v12 =	vadd.f32 v32, v12  }
0x29f: {  	v59 =	vld [tilespmem:s17+$0xB970];
	v10 =	vmul.f32 v31, v7;
	v9 =	vadd.f32 v44, v9;
	v8 =	vadd.f32 v34, v8  }
0x2a0: {  	v63 =	vmul.f32 v53, v6;
	v13 =	vadd.f32 v47, v13;
	v12 =	vadd.f32 v36, v12  }
0x2a1: {  	v22 =	vmul.f32 v40, v7;
	v16 =	vadd.f32 v54, v16;
	v9 =	vadd.f32 v45, v9;
	[tilespmem:s17+$0xD900] =	vst v8  }
0x2a2: {  	v23 =	vmul.f32 v55, v6;
	v11 =	vadd.f32 v56, v11;
	v13 =	vadd.f32 v48, v13;
	[tilespmem:s17+$0xD910] =	vst v12  }
0x2a3: {  	v25 =	vmul.f32 v57, v7;
	v24 =	vadd.f32 v10, v16;
	[tilespmem:s17+$0xD920] =	vst v9;
	v8 =	vadd.f32 v63, v62  }
0x2a4: {  	v26 =	vmul.f32 v59, v7;
	v11 =	vadd.f32 v22, v11;
	[tilespmem:s17+$0xD930] =	vst v13;
	v12 =	vadd.f32 v23, v20  }
0x2a5: {  	[tilespmem:s17+$0xD940] =	vst v24;
	v8 =	vadd.f32 v25, v8  }
0x2a6: {  	s30 =	sand.u32 $0xFFFFF800, s12;
	[tilespmem:s17+$0xD950] =	vst v11;
	v27 =	vadd.f32 v26, v12  }
0x2a7: {  	s5 =	sadd.s32 s30, s13;
	[tilespmem:s17+$0xD960] =	vst v8  }
0x2a8: {  	s31 =	sor.u32 $0x4400, s5;
	[tilespmem:s17+$0xD970] =	vst v27  }
0x2a9: {  	s21 =	sor.u32 $0x5400, s5;
	v8 =	vld [tilespmem:s31+$0x4900]  }
0x2aa: {  	v9 =	vld [tilespmem:s21+$0x4900]  }
0x2ab: {  	s23 =	sor.u32 $0x6400, s5  }
0x2ac: {  	v28 =	vld [tilespmem:s23+$0x4900]  }
0x2ad: {  	s24 =	sor.u32 $0x7400, s5  }
0x2ae: {  	v11 =	vld [tilespmem:s24+$0x4900]  }
0x2af: {  	v8 =	vmul.f32 v8, v4;
	v9 =	vmul.f32 v9, v5;
	_ =	sdelay $0x1  }
0x2b0: {  	v29 =	vmul.f32 v28, v6;
	v8 =	vadd.f32 v9, v8;
	_ =	sdelay $0x1  }
0x2b1: {  	v30 =	vmul.f32 v11, v7;
	v8 =	vadd.f32 v29, v8;
	_ =	sdelay $0x1  }
0x2b2: {  	v8 =	vadd.f32 v30, v8  }
0x2b3: {  	s25 =	sor.u32 $0x1400, s5  }
0x2b4: {  	[tilespmem:s25+$0xC900] =	vst v8  }
0x2b5: {  	v8 =	vld [tilespmem:s31+$0x4910]  }
0x2b6: {  	v31 =	vld [tilespmem:s21+$0x4910];
	_ =	sdelay $0x1  }
0x2b7: {  	v32 =	vld [tilespmem:s23+$0x4910];
	_ =	sdelay $0x1  }
0x2b8: {  	v33 =	vld [tilespmem:s24+$0x4910]  }
0x2b9: {  	v8 =	vmul.f32 v8, v4;
	v9 =	vmul.f32 v31, v5;
	_ =	sdelay $0x1  }
0x2ba: {  	v34 =	vmul.f32 v32, v6;
	v8 =	vadd.f32 v9, v8;
	_ =	sdelay $0x1  }
0x2bb: {  	v35 =	vmul.f32 v33, v7;
	v8 =	vadd.f32 v34, v8;
	_ =	sdelay $0x1  }
0x2bc: {  	v8 =	vadd.f32 v35, v8;
	_ =	sdelay $0x1  }
0x2bd: {  	[tilespmem:s25+$0xC910] =	vst v8  }
0x2be: {  	v8 =	vld [tilespmem:s31+$0x4920]  }
0x2bf: {  	v36 =	vld [tilespmem:s21+$0x4920];
	_ =	sdelay $0x1  }
0x2c0: {  	v37 =	vld [tilespmem:s23+$0x4920];
	_ =	sdelay $0x1  }
0x2c1: {  	v38 =	vld [tilespmem:s24+$0x4920]  }
0x2c2: {  	v8 =	vmul.f32 v8, v4;
	v9 =	vmul.f32 v36, v5;
	_ =	sdelay $0x1  }
0x2c3: {  	v39 =	vmul.f32 v37, v6;
	v8 =	vadd.f32 v9, v8;
	_ =	sdelay $0x1  }
0x2c4: {  	v40 =	vmul.f32 v38, v7;
	v8 =	vadd.f32 v39, v8;
	_ =	sdelay $0x1  }
0x2c5: {  	v8 =	vadd.f32 v40, v8;
	_ =	sdelay $0x1  }
0x2c6: {  	[tilespmem:s25+$0xC920] =	vst v8  }
0x2c7: {  	v8 =	vld [tilespmem:s31+$0x4930]  }
0x2c8: {  	v41 =	vld [tilespmem:s21+$0x4930];
	_ =	sdelay $0x1  }
0x2c9: {  	v42 =	vld [tilespmem:s23+$0x4930];
	_ =	sdelay $0x1  }
0x2ca: {  	v43 =	vld [tilespmem:s24+$0x4930]  }
0x2cb: {  	v8 =	vmul.f32 v8, v4;
	v9 =	vmul.f32 v41, v5;
	_ =	sdelay $0x1  }
0x2cc: {  	v44 =	vmul.f32 v42, v6;
	v8 =	vadd.f32 v9, v8;
	_ =	sdelay $0x1  }
0x2cd: {  	v45 =	vmul.f32 v43, v7;
	v8 =	vadd.f32 v44, v8;
	_ =	sdelay $0x1  }
0x2ce: {  	v8 =	vadd.f32 v45, v8;
	_ =	sdelay $0x1  }
0x2cf: {  	[tilespmem:s25+$0xC930] =	vst v8  }
0x2d0: {  	v8 =	vld [tilespmem:s31+$0x4940]  }
0x2d1: {  	v46 =	vld [tilespmem:s21+$0x4940];
	_ =	sdelay $0x1  }
0x2d2: {  	v47 =	vld [tilespmem:s23+$0x4940];
	_ =	sdelay $0x1  }
0x2d3: {  	v48 =	vld [tilespmem:s24+$0x4940]  }
0x2d4: {  	v8 =	vmul.f32 v8, v4;
	v9 =	vmul.f32 v46, v5;
	_ =	sdelay $0x1  }
0x2d5: {  	v49 =	vmul.f32 v47, v6;
	v8 =	vadd.f32 v9, v8;
	_ =	sdelay $0x1  }
0x2d6: {  	v50 =	vmul.f32 v48, v7;
	v8 =	vadd.f32 v49, v8;
	_ =	sdelay $0x1  }
0x2d7: {  	v8 =	vadd.f32 v50, v8;
	_ =	sdelay $0x1  }
0x2d8: {  	[tilespmem:s25+$0xC940] =	vst v8  }
0x2d9: {  	v8 =	vld [tilespmem:s31+$0x4950]  }
0x2da: {  	v51 =	vld [tilespmem:s21+$0x4950];
	_ =	sdelay $0x1  }
0x2db: {  	v52 =	vld [tilespmem:s23+$0x4950];
	_ =	sdelay $0x1  }
0x2dc: {  	v53 =	vld [tilespmem:s24+$0x4950]  }
0x2dd: {  	v8 =	vmul.f32 v8, v4;
	v9 =	vmul.f32 v51, v5;
	_ =	sdelay $0x1  }
0x2de: {  	v54 =	vmul.f32 v52, v6;
	v8 =	vadd.f32 v9, v8;
	_ =	sdelay $0x1  }
0x2df: {  	v55 =	vmul.f32 v53, v7;
	v8 =	vadd.f32 v54, v8;
	_ =	sdelay $0x1  }
0x2e0: {  	v8 =	vadd.f32 v55, v8;
	_ =	sdelay $0x1  }
0x2e1: {  	[tilespmem:s25+$0xC950] =	vst v8  }
0x2e2: {  	v8 =	vld [tilespmem:s31+$0x4960]  }
0x2e3: {  	v56 =	vld [tilespmem:s21+$0x4960];
	_ =	sdelay $0x1  }
0x2e4: {  	v57 =	vld [tilespmem:s23+$0x4960];
	_ =	sdelay $0x1  }
0x2e5: {  	v58 =	vld [tilespmem:s24+$0x4960]  }
0x2e6: {  	v8 =	vmul.f32 v8, v4;
	v9 =	vmul.f32 v56, v5;
	_ =	sdelay $0x1  }
0x2e7: {  	v59 =	vmul.f32 v57, v6;
	v8 =	vadd.f32 v9, v8;
	_ =	sdelay $0x1  }
0x2e8: {  	v60 =	vmul.f32 v58, v7;
	v8 =	vadd.f32 v59, v8;
	_ =	sdelay $0x1  }
0x2e9: {  	v8 =	vadd.f32 v60, v8;
	_ =	sdelay $0x1  }
0x2ea: {  	[tilespmem:s25+$0xC960] =	vst v8  }
0x2eb: {  	v8 =	vld [tilespmem:s31+$0x4970]  }
0x2ec: {  	v61 =	vld [tilespmem:s21+$0x4970];
	_ =	sdelay $0x1  }
0x2ed: {  	v62 =	vld [tilespmem:s23+$0x4970];
	_ =	sdelay $0x1  }
0x2ee: {  	v63 =	vld [tilespmem:s24+$0x4970]  }
0x2ef: {  	v4 =	vmul.f32 v8, v4;
	v5 =	vmul.f32 v61, v5;
	_ =	sdelay $0x1  }
0x2f0: {  	v4 =	vadd.f32 v5, v4;
	v5 =	vmul.f32 v62, v6  }
0x2f1: {  	p0 =	sne.s32 s14, $0xF  }
.Ltmp8:
0x2f2: {  	v4 =	vadd.f32 v5, v4;
	v5 =	vmul.f32 v63, v7;
	(pc) =	sbr.rel @p0 .LBB2_10-.Ltmp8, $3  }
0x2f3: {  	_ = 	snop  }
0x2f4: {  	v4 =	vadd.f32 v5, v4;
	_ =	sdelay $0x1  }
0x2f5: {  	s12 =	sadd.s32 $0x100, s12;
	s14 =	sadd.s32 $0x1, s14;
	s13 =	sadd.s32 $0x80, s13;
	[tilespmem:s25+$0xC970] =	vst v4  }
.Ltmp9:
0x2f6: {  	(pc) =	sbr.rel .LBB2_12-.Ltmp9, $3  }
0x2f7: {  	_ =	sdelay $0x1  }
0x2f8: {  	s5 =	sadd.s32 $0x9C400, s11;
	s31 =	simm.s32 $0xD900  }
0x2f9: {  	[hbm4b:s5+s6] =	stream.linear.scatter [tilespmem:s31], [sflag:$0x7], $0x1000, $0x38;
	[tilespmem:$0xE900] =	vst v63  }
.LBB2_14:
0x2fa: {  	_ =	sfence.sel $0x180000  }
0x2fb: {  	[bflag:$0x0] =	sbarrier.arrive $0xFFFF  }
0x2fc: {  	_ =	strace $0x90000047  }
0x2fd: {  	s0 =	stileid.u32;
	[bflag:$0x2] =	sbarrier.arrive $0xFFFF  }
0x2fe: {  	p0 =	sne.s32 s0, $0x0;
	s0 =	rddreg [dreg:$0x5]  }
0x2ff: {  	s0 =	sadd.s32 @!p0 $0x100000, s0  }
0x300: {  	[sflag:s0] =	ssyncadd.tile.s32 @!p0 $0x1;
	_ =	shalt  }
.Lfunc_end2:
_tile_overlayer_lowered:
.L_overlay_start_2:
0x301: {  	(tag) =	ssettag $0x2  }
0x302: {  	s0 =	rddreg [dreg:$0x0];
	s2 =	stileid.u32  }
0x303: {  	s1 =	rddreg [dreg:$0x1];
	p0 =	sne.s32 s2, $0x0  }
0x304: {  	s3 =	rddreg [dreg:$0x2];
	[bflag:$0x3] =	sbarrier.arrive $0xFFFF;
	s2 =	simm.s32 @!p0 $0x1C08  }
0x305: {  	[timem:s3], [sflag:s2] =	dma.local @!p0 [hbm:s0], s1  }
0x306: {  	s0 =	simm.s32 @!p0 $0x8  }
0x307: {  	_ =	swait.ge @!p0 [sflag:s0], s1  }
0x308: {  	s1 =	ssub.s32 @!p0 $0x0, s1;
	[sflag:s0] =	ssyncset.done @!p0 $0x0  }
0x309: {  	[sflag:s0] =	ssyncadd.s32 @!p0 s1  }
0x30a: {  	[bflag:$0x3] =	sbarrier.arrive $0xFFFF  }
0x30b: {  	_ =	shalt  }

</sc_bundles>
